<compile_context>
chip_gen: v7x
topology: tpu7x:2x2x1
jax: 0.10.2.dev20260603
libtpu: 0.0.44.dev20260713+nightly
codegen_flags: <defaults>
</compile_context>

<pallas_src>
import functools
import math

import jax
import jax.numpy as jnp
from jax import lax
from jax.experimental import pallas as pl
from jax.experimental.pallas import tpu as pltpu
from jax.experimental.pallas import tpu_sc as plsc

_B, _N, _K, _TOPK, _FH = 16, 100, 128, 15, 32
_F32 = jnp.float32
_HALF_LOG_2PI = 0.5 * math.log(2.0 * math.pi)


def _dot(a, b):
    return jax.lax.dot_general(
        a, b, (((a.ndim - 1,), (0,)), ((), ())),
        precision=jax.lax.Precision.DEFAULT,
        preferred_element_type=_F32,
    )


def _prep_kernel(emb_ref, embT_ref, aie_ref, aje_ref,
                 cos_ref, eai_ref, eaj_ref):
    emb = emb_ref[...]
    embT = embT_ref[...]
    nrm_c = jnp.sqrt(jnp.sum(emb * emb, axis=1, keepdims=True))
    nrm_r = jnp.sqrt(jnp.sum(embT * embT, axis=0, keepdims=True))
    cos_ref[...] = _dot(emb, embT) / (nrm_c * nrm_r)
    eai_ref[...] = jnp.sum(emb * aie_ref[...], axis=1, keepdims=True)
    eaj_ref[...] = _dot(aje_ref[...], embT)


_SC_G = _K // 16


def _topk_sc_body(cos_hbm, mask_hbm, cs_v, mask_v):
    wid = lax.axis_index("s") * 2 + lax.axis_index("c")

    @pl.when(wid < _SC_G)
    def _():
        base = wid * 16
        pltpu.sync_copy(cos_hbm.at[:, pl.ds(base, 16)], cs_v)
        ii = lax.iota(jnp.int32, 16)
        zeros = jnp.zeros((16,), _F32)
        for r in range(16):
            for b in range(_K // 16):
                mask_v[r, pl.ds(16 * b, 16)] = zeros

        def step(t, _):
            nc = 4
            m_val = [jnp.full((16,), -3.0, _F32) for _ in range(nc)]
            m_idx = [jnp.zeros((16,), jnp.int32) for _ in range(nc)]
            for t0 in range(_K // nc):
                for p in range(nc):
                    j = nc * t0 + p
                    c = cs_v[j, :]
                    upd = c > m_val[p]
                    m_val[p] = jnp.where(upd, c, m_val[p])
                    m_idx[p] = jnp.where(upd, j, m_idx[p])
            v, ix = m_val[0], m_idx[0]
            for p in range(1, nc):
                take = (m_val[p] > v) | ((m_val[p] == v) & (m_idx[p] < ix))
                v = jnp.where(take, m_val[p], v)
                ix = jnp.where(take, m_idx[p], ix)
            plsc.store_scatter(cs_v, [ix, ii], jnp.full((16,), -3.0, _F32))
            plsc.store_scatter(mask_v, [ii, ix], jnp.ones((16,), _F32))
            return 0

        lax.fori_loop(0, _TOPK, step, 0)
        pltpu.sync_copy(mask_v, mask_hbm.at[pl.ds(base, 16)])


_topk_sc = functools.partial(
    pl.kernel,
    out_type=jax.ShapeDtypeStruct((_K, _K), _F32),
    mesh=plsc.VectorSubcoreMesh(core_axis_name="c", subcore_axis_name="s"),
    scratch_types=[
        pltpu.VMEM((_K, 16), _F32),
        pltpu.VMEM((16, _K), _F32),
    ],
    compiler_params=pltpu.CompilerParams(
        needs_layout_passes=False, use_tc_tiling_on_sc=False),
)(_topk_sc_body)


def _dotT(a, b):
    return jax.lax.dot_general(
        a, b, (((0,), (0,)), ((), ())),
        precision=jax.lax.Precision.DEFAULT,
        preferred_element_type=_F32,
    )


def _fused_kernel(xt_ref, x_ref, gw_ref, gwT_ref, aix_ref, ajx_ref,
                  mask_ref, eai_ref, eaj_ref, bias_ref, gam_ref, bet_ref,
                  w1_ref, w2_ref, tb_ref, ta_ref, tac_ref,
                  viwf_ref, viwt_ref, vib_ref,
                  vew1_ref, veb1_ref, vewmu_ref, vebmu_ref,
                  vdw1_ref, vdb1_ref, vdwo_ref, vdbo_ref, scal_ref,
                  flow_ref, vae_ref):
    xt = xt_ref[0]
    xb = x_ref[0]

    xw = _dot(xt, gw_ref[...])
    xwT = _dot(gwT_ref[...], xb)
    ai = jnp.sum(xw * aix_ref[...], axis=1, keepdims=True) + eai_ref[...]
    aj = _dot(ajx_ref[...], xwT) + eaj_ref[...]
    s = ai + aj
    s = jnp.where(s >= 0, s, 0.2 * s)
    m = mask_ref[...] > 0.5
    smax = jnp.max(jnp.where(m, s, -1e30), axis=1, keepdims=True)
    p = jnp.where(m, jnp.exp(s - smax), 0.0)
    denom = jnp.sum(p, axis=1, keepdims=True)
    attw = p / (denom + 1e-16)
    aggr = _dot(attw, xw) + bias_ref[...]
    hf = jnp.maximum(gam_ref[...] * aggr + bet_ref[...], 0.0)

    u = _dot(xb, w1_ref[...]) + tb_ref[...]
    v = _dot(xb, w2_ref[...])
    ta = ta_ref[...]
    sg = jnp.where(ta >= 0, 1.0, -1.0)[None]
    scl = 0.4 * jnp.abs(ta)
    uh = u * scl
    vh = v * scl
    bcol = _dot(v, 0.6 * tac_ref[...])
    blocks = []
    for j0 in list(range(0, 96, 8)) + [92]:
        z = vh[j0:j0 + 8][:, None, :] + uh[None, :, :]
        blocks.append(jnp.sum(jnp.abs(z) * sg, axis=2))
    eT = jnp.concatenate(blocks[:12] + [blocks[12][4:]], axis=0) + bcol
    emax = jnp.max(eT, axis=0, keepdims=True)
    pe = jnp.exp(eT - emax)
    attnT = pe / jnp.sum(pe, axis=0, keepdims=True)
    ht = jax.nn.sigmoid(_dotT(attnT, xb))

    vin = _dotT(hf, viwf_ref[...]) + _dot(ht, viwt_ref[...]) + vib_ref[...]
    he = jnp.tanh(_dot(vin, vew1_ref[...]) + veb1_ref[...])
    mu = _dot(he, vewmu_ref[...]) + vebmu_ref[...]
    hd = jnp.tanh(_dot(mu, vdw1_ref[...]) + vdb1_ref[...])
    recon = _dot(hd, vdwo_ref[...]) + vdbo_ref[...]
    vae_ref[0] = -0.5 * (xb - recon) ** 2 - _HALF_LOG_2PI

    ic = jax.lax.broadcasted_iota(jnp.int32, (_K, _K), 0)
    im = jax.lax.broadcasted_iota(jnp.int32, (_K, _K), 1)
    lo = im < 64
    s0f = jnp.where(lo & (ic == 2 * im), 1.0, 0.0)
    s0t = jnp.where(~lo & (ic == 2 * im - 128), 1.0, 0.0)
    s1f = jnp.where(lo & (ic == 2 * im + 1), 1.0, 0.0)
    s1t = jnp.where(~lo & (ic == 2 * im - 127), 1.0, 0.0)
    E = _dotT(hf, s0f) + _dot(ht, s0t)
    O = _dotT(hf, s1f) + _dot(ht, s1t)

    accm = jnp.zeros((_N, _K), _F32)
    accl = jnp.zeros((_N, _K), _F32)
    for h in range(_FH):
        t = jnp.tanh(scal_ref[0, h] * E + scal_ref[1, h] * O
                     + scal_ref[2, h])
        accm = accm + scal_ref[3, h] * t
        accl = accl + scal_ref[4, h] * t
    m_ = accm + scal_ref[5, 0]
    loga = accl + scal_ref[5, 1]
    exp_lg = scal_ref[5, 4]
    btf = scal_ref[5, 3]
    cterm = scal_ref[5, 5]
    uu = (xb - m_) * jnp.exp(-loga)
    u2 = exp_lg * uu + btf
    lp = -0.5 * u2 * u2 - loga + cterm
    flow_ref[0] = jnp.mean(lp, axis=0, keepdims=True)


def kernel(x, params, train):
    p = params
    emb = p["embedding"]
    embT = jnp.transpose(emb)
    xt = jnp.transpose(x, (0, 2, 1))

    ai = p["gat_att_i"]
    aj = p["gat_att_j"]
    aix = ai[:_N].reshape(1, _N)
    aie = ai[_N:].reshape(1, _N)
    ajx = aj[:_N].reshape(1, _N)
    aje = aj[_N:].reshape(1, _N)

    cos, eai, eaj = pl.pallas_call(
        _prep_kernel,
        out_shape=(
            jax.ShapeDtypeStruct((_K, _K), _F32),
            jax.ShapeDtypeStruct((_K, 1), _F32),
            jax.ShapeDtypeStruct((1, _K), _F32),
        ),
    )(emb, embT, aie, aje)
    mask = _topk_sc(cos)

    gw = p["gat_W"]
    gwT = jnp.transpose(gw)
    row = lambda v: v.reshape(1, -1)
    b_spec = lambda r, c: pl.BlockSpec((1, r, c), lambda b: (b, 0, 0))
    w_spec = lambda r, c: pl.BlockSpec((r, c), lambda b: (0, 0))

    lg = p["bnf_log_gamma"][0]
    pad = jnp.zeros((26,), _F32)
    scal = jnp.stack([
        p["made_Wc"][0], p["made_Wc"][1], p["made_b1"],
        p["made_Wo"][:, 0], p["made_Wo"][:, 1],
        jnp.concatenate([
            p["made_bo"][:1], p["made_bo"][1:],
            lg[None], p["bnf_beta"], jnp.exp(lg)[None],
            (lg - 0.5 * math.log(1.0 + 1e-5) - _HALF_LOG_2PI)[None], pad]),
    ])

    tw = p["t_W"]
    vi = p["vi_W"]
    flow3, vae_lp = pl.pallas_call(
        _fused_kernel,
        grid=(_B,),
        in_specs=[
            b_spec(_K, _N), b_spec(_N, _K),
            w_spec(_N, _N), w_spec(_N, _N),
            w_spec(1, _N), w_spec(1, _N),
            w_spec(_K, _K), w_spec(_K, 1), w_spec(1, _K),
            w_spec(1, _N), w_spec(1, _N), w_spec(1, _N),
            w_spec(_K, 2 * _K), w_spec(_K, 2 * _K),
            w_spec(1, 2 * _K), w_spec(1, 2 * _K), w_spec(2 * _K, 1),
            w_spec(_K, _K), w_spec(_K, _K), w_spec(1, _K),
            w_spec(_K, 2 * _K), w_spec(1, 2 * _K),
            w_spec(2 * _K, _K), w_spec(1, _K),
            w_spec(_K, 2 * _K), w_spec(1, 2 * _K),
            w_spec(2 * _K, _K), w_spec(1, _K),
            pl.BlockSpec((6, _FH), lambda b: (0, 0),
                         memory_space=pltpu.SMEM),
        ],
        out_specs=(
            pl.BlockSpec((1, 1, _K), lambda b: (b, 0, 0)),
            b_spec(_N, _K),
        ),
        out_shape=(
            jax.ShapeDtypeStruct((_B, 1, _K), _F32),
            jax.ShapeDtypeStruct((_B, _N, _K), _F32),
        ),
    )(xt, x, gw, gwT, aix, ajx, mask, eai, eaj,
      row(p["gat_bias"]), row(p["gat_bn_gamma"]), row(p["gat_bn_beta"]),
      tw[:_K], tw[_K:], row(p["t_b"]), row(p["t_a"]),
      p["t_a"].reshape(2 * _K, 1),
      vi[:_K], vi[_K:], row(p["vi_b"]),
      p["ve_W1"], row(p["ve_b1"]), p["ve_Wmu"], row(p["ve_bmu"]),
      p["vd_W1"], row(p["vd_b1"]), p["vd_Wo"], row(p["vd_bo"]), scal)

    return flow3.reshape(_B, _K), vae_lp

# --- scband reference (transcript-rebuilt; emitter-appended) ---
"""Pipeline reference for scband-gat-game-2929167696201 (READ-ONLY COPY).

The authoritative reference and input builder live on the scoring server;
editing this copy changes nothing except your own understanding.
"""

import jax, jax.numpy as jnp
import numpy as np

B = 16
WIN = 100      # window_size (n)
NF = 128       # n_features (k)
TOPK = 15
FH = 32        # flow hidden size


def setup_inputs(seed: int = 0) -> dict:
    key = jax.random.key(seed)
    ks = jax.random.split(key, 24)

    def rn(k, shape, scale=0.05):
        return jax.random.normal(k, shape, dtype=jnp.float32) * scale

    params = {
        # nn.Embedding(n_features, window_size)
        "embedding": jax.random.normal(ks[1], (NF, WIN), dtype=jnp.float32),
        # GDN-style GraphLayer (feature_gat), in=out=window_size, heads=1
        "gat_W": rn(ks[2], (WIN, WIN)),
        "gat_att_i": rn(ks[3], (2 * WIN,)),   # cat(att_i, att_em_i)
        "gat_att_j": rn(ks[4], (2 * WIN,)),   # cat(att_j, att_em_j)
        "gat_bias": jnp.zeros((WIN,), jnp.float32),
        "gat_bn_gamma": jnp.ones((WIN,), jnp.float32),
        "gat_bn_beta": jnp.zeros((WIN,), jnp.float32),
        # TemporalAttentionLayer (GATv2 style): lin(2k -> embed_dim=2k), a[embed_dim]
        "t_W": rn(ks[5], (2 * NF, 2 * NF)),
        "t_b": jnp.zeros((2 * NF,), jnp.float32),
        "t_a": rn(ks[6], (2 * NF,)),
        # vae_input Linear(2k -> k)
        "vi_W": rn(ks[7], (2 * NF, NF)),
        "vi_b": jnp.zeros((NF,), jnp.float32),
        # MAF: single MADE block, input_size=1 -> mu/loga depend only on cond (size 2)
        "made_Wc": rn(ks[8], (2, FH)),
        "made_b1": jnp.zeros((FH,), jnp.float32),
        "made_Wo": rn(ks[9], (FH, 2)),
        "made_bo": jnp.zeros((2,), jnp.float32),
        # BatchNorm flow (running stats mean=0, var=1)
        "bnf_log_gamma": jnp.zeros((1,), jnp.float32),
        "bnf_beta": jnp.zeros((1,), jnp.float32),
        # VAE encoder/decoder (hidden=2k)
        "ve_W1": rn(ks[10], (NF, 2 * NF)),
        "ve_b1": jnp.zeros((2 * NF,), jnp.float32),
        "ve_Wmu": rn(ks[11], (2 * NF, NF)),
        "ve_bmu": jnp.zeros((NF,), jnp.float32),
        "ve_Wlv": rn(ks[12], (2 * NF, NF)),
        "ve_blv": jnp.zeros((NF,), jnp.float32),
        "vd_W1": rn(ks[13], (NF, 2 * NF)),
        "vd_b1": jnp.zeros((2 * NF,), jnp.float32),
        "vd_Wo": rn(ks[14], (2 * NF, NF)),
        "vd_bo": jnp.zeros((NF,), jnp.float32),
    }
    return {
        "x": jax.random.normal(ks[0], (B, WIN, NF), dtype=jnp.float32),
        "params": params,
        "train": 0,
    }


def _forward(x, params, train):
    b, n, k = x.shape
    emb = params["embedding"]                      # [k, win]
    # learned graph from detached embeddings (cosine topk)
    w = jax.lax.stop_gradient(emb)
    nrm = jnp.linalg.norm(w, axis=-1)
    cos = (w @ w.T) / (nrm[:, None] * nrm[None, :])
    _, topk_idx = jax.lax.top_k(cos, TOPK)         # [k, topk]
    gated_i = jnp.repeat(jnp.arange(k), TOPK)      # dst
    gated_j = topk_idx.reshape(-1)                 # src
    offs = (jnp.arange(b) * k)[:, None]
    src = (gated_j[None, :] + offs).reshape(-1)
    dst = (gated_i[None, :] + offs).reshape(-1)
    all_emb = jnp.tile(emb, (b, 1))                # [b*k, win]

    # feature GAT (GDN GraphLayer): gather -> attention -> segment softmax -> scatter-add
    xf = jnp.transpose(x, (0, 2, 1)).reshape(b * k, n)   # [b*k, win]
    xw = xf @ params["gat_W"]
    key_i = jnp.concatenate([xw[dst], all_emb[dst]], axis=-1)
    key_j = jnp.concatenate([xw[src], all_emb[src]], axis=-1)
    alpha = key_i @ params["gat_att_i"] + key_j @ params["gat_att_j"]
    alpha = jax.nn.leaky_relu(alpha, 0.2)
    nnode = b * k
    amax = jax.ops.segment_max(alpha, dst, num_segments=nnode)
    ae = jnp.exp(alpha - amax[dst])
    denom = jax.ops.segment_sum(ae, dst, num_segments=nnode)
    attw = ae / (denom[dst] + 1e-16)
    aggr = jax.ops.segment_sum(attw[:, None] * xw[src], dst, num_segments=nnode)
    aggr = aggr + params["gat_bias"]
    h = jax.nn.relu(params["gat_bn_gamma"] * aggr + params["gat_bn_beta"])  # BN eval
    h_feat = jnp.transpose(h.reshape(b, k, n), (0, 2, 1))                   # [b,n,k]

    # temporal GATv2 over window positions
    xi = jnp.broadcast_to(x[:, :, None, :], (b, n, n, k))
    xj = jnp.broadcast_to(x[:, None, :, :], (b, n, n, k))
    a_in = jnp.concatenate([xi, xj], axis=-1)                 # [b,n,n,2k]
    a_h = jax.nn.leaky_relu(a_in @ params["t_W"] + params["t_b"], 0.2)
    e = a_h @ params["t_a"]                                   # [b,n,n]
    attn = jax.nn.softmax(e, axis=2)
    h_time = jax.nn.sigmoid(jnp.einsum("bij,bjk->bik", attn, x))  # [b,n,k]

    hidden = jnp.concatenate([h_feat, h_time], axis=-1)       # [b,n,2k]

    # MAF log_prob: x.reshape(-1,1) conditioned on hidden.reshape(-1,2)
    xr = x.reshape(-1, 1)
    cond = hidden.reshape(-1, 2)
    h1 = jnp.tanh(cond @ params["made_Wc"] + params["made_b1"])
    mo = h1 @ params["made_Wo"] + params["made_bo"]
    m, loga = mo[:, :1], mo[:, 1:]
    u = (xr - m) * jnp.exp(-loga)
    ldj = -loga
    eps = 1e-5
    u2 = jnp.exp(params["bnf_log_gamma"]) * u + params["bnf_beta"]
    ldj_bn = params["bnf_log_gamma"] - 0.5 * jnp.log(jnp.asarray(1.0 + eps))
    base_lp = -0.5 * (u2 ** 2) - 0.5 * jnp.log(2.0 * jnp.pi)
    flow_lp = (base_lp + ldj + ldj_bn).sum(axis=1).reshape(-1, n, k)
    flow_log_prob = jnp.mean(flow_lp, axis=1)                 # [b,k]

    # VAE branch (deterministic z = mu for reproducibility)
    vin = hidden @ params["vi_W"] + params["vi_b"]            # [b,n,k]
    he = jnp.tanh(vin @ params["ve_W1"] + params["ve_b1"])
    mu = he @ params["ve_Wmu"] + params["ve_bmu"]
    logvar = he @ params["ve_Wlv"] + params["ve_blv"]
    z = mu + 0.0 * logvar
    hd = jnp.tanh(z @ params["vd_W1"] + params["vd_b1"])
    recon = hd @ params["vd_Wo"] + params["vd_bo"]
    vae_log_prob = -0.5 * ((x - recon) ** 2) - 0.5 * jnp.log(2.0 * jnp.pi)  # [b,n,k]

    return flow_log_prob, vae_log_prob


def reference(x, params, train):
    return _forward(x, params, train)

if __name__ == "__main__":
    import jax
    _d = setup_inputs()
    print(jax.jit(kernel)(*tuple(_d.values())))

</pallas_src>

<mosaic_0001>
#map = affine_map<(d0, d1) -> (0, 0)>
module attributes {stable_mosaic.version = 14 : i64} {
  func.func @_topk_sc_body(%arg0: i32, %arg1: i32, %arg2: memref<128x128xf32, #tpu.memory_space<hbm>>, %arg3: memref<128x128xf32, #tpu.memory_space<hbm>>, %arg4: memref<128x16xf32, #tpu.memory_space<vmem>>, %arg5: memref<16x128xf32, #tpu.memory_space<vmem>>) attributes {dimension_semantics = [#tpu.dimension_semantics<core_parallel>, #tpu.dimension_semantics<subcore_parallel>], iteration_bounds = array<i64: 2, 16>, scalar_prefetch = 0 : i64, scratch_operands = 2 : i64, tpu.core_type = #tpu.core_type<sc_vector_subcore>, window_params = [{transform_indices = #map}, {transform_indices = #map}]} {
    %mul3A = arith.constant 2 : i32
    %mul3A_0 = arith.muli %arg1, %mul3A : i32
    %add3A = arith.addi %mul3A_0, %arg0 : i32
    %lt3A = arith.constant 8 : i32
    %lt3A_1 = arith.cmpi slt, %add3A, %lt3A : i32
    %convert_element_type3A = arith.extui %lt3A_1 : i1 to i32
    %cond3A = arith.constant 0 : i32
    %cond3A_2 = arith.cmpi ne, %convert_element_type3A, %cond3A : i32
    scf.if %cond3A_2 {
      %mul3A_3 = arith.constant 16 : i32
      %mul3A_4 = arith.muli %add3A, %mul3A_3 : i32
      "tpu.region"() ({
        %run_scoped3A = tpu.sem_alloc : memref<!tpu.dma_semaphore, #tpu.memory_space<semaphore_mem>>
        %dma_start3A = arith.constant 0 : i32
        %dma_start3A_523 = tpu.memref_slice %arg2[%dma_start3A, %mul3A_4] : memref<128x128xf32, #tpu.memory_space<hbm>> -> memref<128x16xf32, #tpu.memory_space<hbm>>
        %dma_start3A_524 = arith.constant 0 : i32
        %dma_start3A_525 = tpu.memref_slice %arg2[%dma_start3A_524, %mul3A_4] : memref<128x128xf32, #tpu.memory_space<hbm>> -> memref<128x16xf32, #tpu.memory_space<hbm>>
        tpu.enqueue_dma source(%dma_start3A_525 : memref<128x16xf32, #tpu.memory_space<hbm>>) target(%arg4 : memref<128x16xf32, #tpu.memory_space<vmem>>) target_semaphore(%run_scoped3A : memref<!tpu.dma_semaphore, #tpu.memory_space<semaphore_mem>>)
        %dma_wait3A = arith.constant 0 : i32
        %dma_wait3A_526 = tpu.memref_slice %arg2[%dma_wait3A, %mul3A_4] : memref<128x128xf32, #tpu.memory_space<hbm>> -> memref<128x16xf32, #tpu.memory_space<hbm>>
        %dma_wait3A_527 = arith.constant 0 : i32
        %dma_wait3A_528 = tpu.memref_slice %arg2[%dma_wait3A_527, %mul3A_4] : memref<128x128xf32, #tpu.memory_space<hbm>> -> memref<128x16xf32, #tpu.memory_space<hbm>>
        tpu.wait_dma2 semaphore(%run_scoped3A : memref<!tpu.dma_semaphore, #tpu.memory_space<semaphore_mem>>) src(%dma_wait3A_528 : memref<128x16xf32, #tpu.memory_space<hbm>>) dst(%arg4 : memref<128x16xf32, #tpu.memory_space<vmem>>)
        tpu.yield
      }) : () -> ()
      %iota3A = tpu.iota {dimensions = array<i32: 0>} : vector<16xi32>
      %broadcast_in_dim3A = arith.constant 0.000000e+00 : f32
      %broadcast_in_dim3A_5 = vector.broadcast %broadcast_in_dim3A : f32 to vector<16xf32>
      %swap3A = arith.constant 0 : i32
      %swap3A_6 = arith.index_cast %swap3A : i32 to index
      %swap3A_7 = arith.constant 0 : index
      %swap3A_8 = tpu.vector_load %arg5[%swap3A_6, %swap3A_7] {strides = array<i32>} : memref<16x128xf32, #tpu.memory_space<vmem>>, vector<16xf32>,
      tpu.vector_store %arg5[%swap3A_6, %swap3A_7], %broadcast_in_dim3A_5 {strides = array<i32>} : memref<16x128xf32, #tpu.memory_space<vmem>>, vector<16xf32>,
      %swap3A_9 = arith.constant 0 : i32
      %swap3A_10 = arith.index_cast %swap3A_9 : i32 to index
      %swap3A_11 = arith.constant 16 : index
      %swap3A_12 = tpu.vector_load %arg5[%swap3A_10, %swap3A_11] {strides = array<i32>} : memref<16x128xf32, #tpu.memory_space<vmem>>, vector<16xf32>,
      tpu.vector_store %arg5[%swap3A_10, %swap3A_11], %broadcast_in_dim3A_5 {strides = array<i32>} : memref<16x128xf32, #tpu.memory_space<vmem>>, vector<16xf32>,
      %swap3A_13 = arith.constant 0 : i32
      %swap3A_14 = arith.index_cast %swap3A_13 : i32 to index
      %swap3A_15 = arith.constant 32 : index
      %swap3A_16 = tpu.vector_load %arg5[%swap3A_14, %swap3A_15] {strides = array<i32>} : memref<16x128xf32, #tpu.memory_space<vmem>>, vector<16xf32>,
      tpu.vector_store %arg5[%swap3A_14, %swap3A_15], %broadcast_in_dim3A_5 {strides = array<i32>} : memref<16x128xf32, #tpu.memory_space<vmem>>, vector<16xf32>,
      %swap3A_17 = arith.constant 0 : i32
      %swap3A_18 = arith.index_cast %swap3A_17 : i32 to index
      %swap3A_19 = arith.constant 48 : index
      %swap3A_20 = tpu.vector_load %arg5[%swap3A_18, %swap3A_19] {strides = array<i32>} : memref<16x128xf32, #tpu.memory_space<vmem>>, vector<16xf32>,
      tpu.vector_store %arg5[%swap3A_18, %swap3A_19], %broadcast_in_dim3A_5 {strides = array<i32>} : memref<16x128xf32, #tpu.memory_space<vmem>>, vector<16xf32>,
      %swap3A_21 = arith.constant 0 : i32
      %swap3A_22 = arith.index_cast %swap3A_21 : i32 to index
      %swap3A_23 = arith.constant 64 : index
      %swap3A_24 = tpu.vector_load %arg5[%swap3A_22, %swap3A_23] {strides = array<i32>} : memref<16x128xf32, #tpu.memory_space<vmem>>, vector<16xf32>,
      tpu.vector_store %arg5[%swap3A_22, %swap3A_23], %broadcast_in_dim3A_5 {strides = array<i32>} : memref<16x128xf32, #tpu.memory_space<vmem>>, vector<16xf32>,
      %swap3A_25 = arith.constant 0 : i32
      %swap3A_26 = arith.index_cast %swap3A_25 : i32 to index
      %swap3A_27 = arith.constant 80 : index
      %swap3A_28 = tpu.vector_load %arg5[%swap3A_26, %swap3A_27] {strides = array<i32>} : memref<16x128xf32, #tpu.memory_space<vmem>>, vector<16xf32>,
      tpu.vector_store %arg5[%swap3A_26, %swap3A_27], %broadcast_in_dim3A_5 {strides = array<i32>} : memref<16x128xf32, #tpu.memory_space<vmem>>, vector<16xf32>,
      %swap3A_29 = arith.constant 0 : i32
      %swap3A_30 = arith.index_cast %swap3A_29 : i32 to index
      %swap3A_31 = arith.constant 96 : index
      %swap3A_32 = tpu.vector_load %arg5[%swap3A_30, %swap3A_31] {strides = array<i32>} : memref<16x128xf32, #tpu.memory_space<vmem>>, vector<16xf32>,
      tpu.vector_store %arg5[%swap3A_30, %swap3A_31], %broadcast_in_dim3A_5 {strides = array<i32>} : memref<16x128xf32, #tpu.memory_space<vmem>>, vector<16xf32>,
      %swap3A_33 = arith.constant 0 : i32
      %swap3A_34 = arith.index_cast %swap3A_33 : i32 to index
      %swap3A_35 = arith.constant 112 : index
      %swap3A_36 = tpu.vector_load %arg5[%swap3A_34, %swap3A_35] {strides = array<i32>} : memref<16x128xf32, #tpu.memory_space<vmem>>, vector<16xf32>,
      tpu.vector_store %arg5[%swap3A_34, %swap3A_35], %broadcast_in_dim3A_5 {strides = array<i32>} : memref<16x128xf32, #tpu.memory_space<vmem>>, vector<16xf32>,
      %swap3A_37 = arith.constant 1 : i32
      %swap3A_38 = arith.index_cast %swap3A_37 : i32 to index
      %swap3A_39 = arith.constant 0 : index
      %swap3A_40 = tpu.vector_load %arg5[%swap3A_38, %swap3A_39] {strides = array<i32>} : memref<16x128xf32, #tpu.memory_space<vmem>>, vector<16xf32>,
      tpu.vector_store %arg5[%swap3A_38, %swap3A_39], %broadcast_in_dim3A_5 {strides = array<i32>} : memref<16x128xf32, #tpu.memory_space<vmem>>, vector<16xf32>,
      %swap3A_41 = arith.constant 1 : i32
      %swap3A_42 = arith.index_cast %swap3A_41 : i32 to index
      %swap3A_43 = arith.constant 16 : index
      %swap3A_44 = tpu.vector_load %arg5[%swap3A_42, %swap3A_43] {strides = array<i32>} : memref<16x128xf32, #tpu.memory_space<vmem>>, vector<16xf32>,
      tpu.vector_store %arg5[%swap3A_42, %swap3A_43], %broadcast_in_dim3A_5 {strides = array<i32>} : memref<16x128xf32, #tpu.memory_space<vmem>>, vector<16xf32>,
      %swap3A_45 = arith.constant 1 : i32
      %swap3A_46 = arith.index_cast %swap3A_45 : i32 to index
      %swap3A_47 = arith.constant 32 : index
      %swap3A_48 = tpu.vector_load %arg5[%swap3A_46, %swap3A_47] {strides = array<i32>} : memref<16x128xf32, #tpu.memory_space<vmem>>, vector<16xf32>,
      tpu.vector_store %arg5[%swap3A_46, %swap3A_47], %broadcast_in_dim3A_5 {strides = array<i32>} : memref<16x128xf32, #tpu.memory_space<vmem>>, vector<16xf32>,
      %swap3A_49 = arith.constant 1 : i32
      %swap3A_50 = arith.index_cast %swap3A_49 : i32 to index
      %swap3A_51 = arith.constant 48 : index
      %swap3A_52 = tpu.vector_load %arg5[%swap3A_50, %swap3A_51] {strides = array<i32>} : memref<16x128xf32, #tpu.memory_space<vmem>>, vector<16xf32>,
      tpu.vector_store %arg5[%swap3A_50, %swap3A_51], %broadcast_in_dim3A_5 {strides = array<i32>} : memref<16x128xf32, #tpu.memory_space<vmem>>, vector<16xf32>,
      %swap3A_53 = arith.constant 1 : i32
      %swap3A_54 = arith.index_cast %swap3A_53 : i32 to index
      %swap3A_55 = arith.constant 64 : index
      %swap3A_56 = tpu.vector_load %arg5[%swap3A_54, %swap3A_55] {strides = array<i32>} : memref<16x128xf32, #tpu.memory_space<vmem>>, vector<16xf32>,
      tpu.vector_store %arg5[%swap3A_54, %swap3A_55], %broadcast_in_dim3A_5 {strides = array<i32>} : memref<16x128xf32, #tpu.memory_space<vmem>>, vector<16xf32>,
      %swap3A_57 = arith.constant 1 : i32
      %swap3A_58 = arith.index_cast %swap3A_57 : i32 to index
      %swap3A_59 = arith.constant 80 : index
      %swap3A_60 = tpu.vector_load %arg5[%swap3A_58, %swap3A_59] {strides = array<i32>} : memref<16x128xf32, #tpu.memory_space<vmem>>, vector<16xf32>,
      tpu.vector_store %arg5[%swap3A_58, %swap3A_59], %broadcast_in_dim3A_5 {strides = array<i32>} : memref<16x128xf32, #tpu.memory_space<vmem>>, vector<16xf32>,
      %swap3A_61 = arith.constant 1 : i32
      %swap3A_62 = arith.index_cast %swap3A_61 : i32 to index
      %swap3A_63 = arith.constant 96 : index
      %swap3A_64 = tpu.vector_load %arg5[%swap3A_62, %swap3A_63] {strides = array<i32>} : memref<16x128xf32, #tpu.memory_space<vmem>>, vector<16xf32>,
      tpu.vector_store %arg5[%swap3A_62, %swap3A_63], %broadcast_in_dim3A_5 {strides = array<i32>} : memref<16x128xf32, #tpu.memory_space<vmem>>, vector<16xf32>,
      %swap3A_65 = arith.constant 1 : i32
      %swap3A_66 = arith.index_cast %swap3A_65 : i32 to index
      %swap3A_67 = arith.constant 112 : index
      %swap3A_68 = tpu.vector_load %arg5[%swap3A_66, %swap3A_67] {strides = array<i32>} : memref<16x128xf32, #tpu.memory_space<vmem>>, vector<16xf32>,
      tpu.vector_store %arg5[%swap3A_66, %swap3A_67], %broadcast_in_dim3A_5 {strides = array<i32>} : memref<16x128xf32, #tpu.memory_space<vmem>>, vector<16xf32>,
      %swap3A_69 = arith.constant 2 : i32
      %swap3A_70 = arith.index_cast %swap3A_69 : i32 to index
      %swap3A_71 = arith.constant 0 : index
      %swap3A_72 = tpu.vector_load %arg5[%swap3A_70, %swap3A_71] {strides = array<i32>} : memref<16x128xf32, #tpu.memory_space<vmem>>, vector<16xf32>,
      tpu.vector_store %arg5[%swap3A_70, %swap3A_71], %broadcast_in_dim3A_5 {strides = array<i32>} : memref<16x128xf32, #tpu.memory_space<vmem>>, vector<16xf32>,
      %swap3A_73 = arith.constant 2 : i32
      %swap3A_74 = arith.index_cast %swap3A_73 : i32 to index
      %swap3A_75 = arith.constant 16 : index
      %swap3A_76 = tpu.vector_load %arg5[%swap3A_74, %swap3A_75] {strides = array<i32>} : memref<16x128xf32, #tpu.memory_space<vmem>>, vector<16xf32>,
      tpu.vector_store %arg5[%swap3A_74, %swap3A_75], %broadcast_in_dim3A_5 {strides = array<i32>} : memref<16x128xf32, #tpu.memory_space<vmem>>, vector<16xf32>,
      %swap3A_77 = arith.constant 2 : i32
      %swap3A_78 = arith.index_cast %swap3A_77 : i32 to index
      %swap3A_79 = arith.constant 32 : index
      %swap3A_80 = tpu.vector_load %arg5[%swap3A_78, %swap3A_79] {strides = array<i32>} : memref<16x128xf32, #tpu.memory_space<vmem>>, vector<16xf32>,
      tpu.vector_store %arg5[%swap3A_78, %swap3A_79], %broadcast_in_dim3A_5 {strides = array<i32>} : memref<16x128xf32, #tpu.memory_space<vmem>>, vector<16xf32>,
      %swap3A_81 = arith.constant 2 : i32
      %swap3A_82 = arith.index_cast %swap3A_81 : i32 to index
      %swap3A_83 = arith.constant 48 : index
      %swap3A_84 = tpu.vector_load %arg5[%swap3A_82, %swap3A_83] {strides = array<i32>} : memref<16x128xf32, #tpu.memory_space<vmem>>, vector<16xf32>,
      tpu.vector_store %arg5[%swap3A_82, %swap3A_83], %broadcast_in_dim3A_5 {strides = array<i32>} : memref<16x128xf32, #tpu.memory_space<vmem>>, vector<16xf32>,
      %swap3A_85 = arith.constant 2 : i32
      %swap3A_86 = arith.index_cast %swap3A_85 : i32 to index
      %swap3A_87 = arith.constant 64 : index
      %swap3A_88 = tpu.vector_load %arg5[%swap3A_86, %swap3A_87] {strides = array<i32>} : memref<16x128xf32, #tpu.memory_space<vmem>>, vector<16xf32>,
      tpu.vector_store %arg5[%swap3A_86, %swap3A_87], %broadcast_in_dim3A_5 {strides = array<i32>} : memref<16x128xf32, #tpu.memory_space<vmem>>, vector<16xf32>,
      %swap3A_89 = arith.constant 2 : i32
      %swap3A_90 = arith.index_cast %swap3A_89 : i32 to index
      %swap3A_91 = arith.constant 80 : index
      %swap3A_92 = tpu.vector_load %arg5[%swap3A_90, %swap3A_91] {strides = array<i32>} : memref<16x128xf32, #tpu.memory_space<vmem>>, vector<16xf32>,
      tpu.vector_store %arg5[%swap3A_90, %swap3A_91], %broadcast_in_dim3A_5 {strides = array<i32>} : memref<16x128xf32, #tpu.memory_space<vmem>>, vector<16xf32>,
      %swap3A_93 = arith.constant 2 : i32
      %swap3A_94 = arith.index_cast %swap3A_93 : i32 to index
      %swap3A_95 = arith.constant 96 : index
      %swap3A_96 = tpu.vector_load %arg5[%swap3A_94, %swap3A_95] {strides = array<i32>} : memref<16x128xf32, #tpu.memory_space<vmem>>, vector<16xf32>,
      tpu.vector_store %arg5[%swap3A_94, %swap3A_95], %broadcast_in_dim3A_5 {strides = array<i32>} : memref<16x128xf32, #tpu.memory_space<vmem>>, vector<16xf32>,
      %swap3A_97 = arith.constant 2 : i32
      %swap3A_98 = arith.index_cast %swap3A_97 : i32 to index
      %swap3A_99 = arith.constant 112 : index
      %swap3A_100 = tpu.vector_load %arg5[%swap3A_98, %swap3A_99] {strides = array<i32>} : memref<16x128xf32, #tpu.memory_space<vmem>>, vector<16xf32>,
      tpu.vector_store %arg5[%swap3A_98, %swap3A_99], %broadcast_in_dim3A_5 {strides = array<i32>} : memref<16x128xf32, #tpu.memory_space<vmem>>, vector<16xf32>,
      %swap3A_101 = arith.constant 3 : i32
      %swap3A_102 = arith.index_cast %swap3A_101 : i32 to index
      %swap3A_103 = arith.constant 0 : index
      %swap3A_104 = tpu.vector_load %arg5[%swap3A_102, %swap3A_103] {strides = array<i32>} : memref<16x128xf32, #tpu.memory_space<vmem>>, vector<16xf32>,
      tpu.vector_store %arg5[%swap3A_102, %swap3A_103], %broadcast_in_dim3A_5 {strides = array<i32>} : memref<16x128xf32, #tpu.memory_space<vmem>>, vector<16xf32>,
      %swap3A_105 = arith.constant 3 : i32
      %swap3A_106 = arith.index_cast %swap3A_105 : i32 to index
      %swap3A_107 = arith.constant 16 : index
      %swap3A_108 = tpu.vector_load %arg5[%swap3A_106, %swap3A_107] {strides = array<i32>} : memref<16x128xf32, #tpu.memory_space<vmem>>, vector<16xf32>,
      tpu.vector_store %arg5[%swap3A_106, %swap3A_107], %broadcast_in_dim3A_5 {strides = array<i32>} : memref<16x128xf32, #tpu.memory_space<vmem>>, vector<16xf32>,
      %swap3A_109 = arith.constant 3 : i32
      %swap3A_110 = arith.index_cast %swap3A_109 : i32 to index
      %swap3A_111 = arith.constant 32 : index
      %swap3A_112 = tpu.vector_load %arg5[%swap3A_110, %swap3A_111] {strides = array<i32>} : memref<16x128xf32, #tpu.memory_space<vmem>>, vector<16xf32>,
      tpu.vector_store %arg5[%swap3A_110, %swap3A_111], %broadcast_in_dim3A_5 {strides = array<i32>} : memref<16x128xf32, #tpu.memory_space<vmem>>, vector<16xf32>,
      %swap3A_113 = arith.constant 3 : i32
      %swap3A_114 = arith.index_cast %swap3A_113 : i32 to index
      %swap3A_115 = arith.constant 48 : index
      %swap3A_116 = tpu.vector_load %arg5[%swap3A_114, %swap3A_115] {strides = array<i32>} : memref<16x128xf32, #tpu.memory_space<vmem>>, vector<16xf32>,
      tpu.vector_store %arg5[%swap3A_114, %swap3A_115], %broadcast_in_dim3A_5 {strides = array<i32>} : memref<16x128xf32, #tpu.memory_space<vmem>>, vector<16xf32>,
      %swap3A_117 = arith.constant 3 : i32
      %swap3A_118 = arith.index_cast %swap3A_117 : i32 to index
      %swap3A_119 = arith.constant 64 : index
      %swap3A_120 = tpu.vector_load %arg5[%swap3A_118, %swap3A_119] {strides = array<i32>} : memref<16x128xf32, #tpu.memory_space<vmem>>, vector<16xf32>,
      tpu.vector_store %arg5[%swap3A_118, %swap3A_119], %broadcast_in_dim3A_5 {strides = array<i32>} : memref<16x128xf32, #tpu.memory_space<vmem>>, vector<16xf32>,
      %swap3A_121 = arith.constant 3 : i32
      %swap3A_122 = arith.index_cast %swap3A_121 : i32 to index
      %swap3A_123 = arith.constant 80 : index
      %swap3A_124 = tpu.vector_load %arg5[%swap3A_122, %swap3A_123] {strides = array<i32>} : memref<16x128xf32, #tpu.memory_space<vmem>>, vector<16xf32>,
      tpu.vector_store %arg5[%swap3A_122, %swap3A_123], %broadcast_in_dim3A_5 {strides = array<i32>} : memref<16x128xf32, #tpu.memory_space<vmem>>, vector<16xf32>,
      %swap3A_125 = arith.constant 3 : i32
      %swap3A_126 = arith.index_cast %swap3A_125 : i32 to index
      %swap3A_127 = arith.constant 96 : index
      %swap3A_128 = tpu.vector_load %arg5[%swap3A_126, %swap3A_127] {strides = array<i32>} : memref<16x128xf32, #tpu.memory_space<vmem>>, vector<16xf32>,
      tpu.vector_store %arg5[%swap3A_126, %swap3A_127], %broadcast_in_dim3A_5 {strides = array<i32>} : memref<16x128xf32, #tpu.memory_space<vmem>>, vector<16xf32>,
      %swap3A_129 = arith.constant 3 : i32
      %swap3A_130 = arith.index_cast %swap3A_129 : i32 to index
      %swap3A_131 = arith.constant 112 : index
      %swap3A_132 = tpu.vector_load %arg5[%swap3A_130, %swap3A_131] {strides = array<i32>} : memref<16x128xf32, #tpu.memory_space<vmem>>, vector<16xf32>,
      tpu.vector_store %arg5[%swap3A_130, %swap3A_131], %broadcast_in_dim3A_5 {strides = array<i32>} : memref<16x128xf32, #tpu.memory_space<vmem>>, vector<16xf32>,
      %swap3A_133 = arith.constant 4 : i32
      %swap3A_134 = arith.index_cast %swap3A_133 : i32 to index
      %swap3A_135 = arith.constant 0 : index
      %swap3A_136 = tpu.vector_load %arg5[%swap3A_134, %swap3A_135] {strides = array<i32>} : memref<16x128xf32, #tpu.memory_space<vmem>>, vector<16xf32>,
      tpu.vector_store %arg5[%swap3A_134, %swap3A_135], %broadcast_in_dim3A_5 {strides = array<i32>} : memref<16x128xf32, #tpu.memory_space<vmem>>, vector<16xf32>,
      %swap3A_137 = arith.constant 4 : i32
      %swap3A_138 = arith.index_cast %swap3A_137 : i32 to index
      %swap3A_139 = arith.constant 16 : index
      %swap3A_140 = tpu.vector_load %arg5[%swap3A_138, %swap3A_139] {strides = array<i32>} : memref<16x128xf32, #tpu.memory_space<vmem>>, vector<16xf32>,
      tpu.vector_store %arg5[%swap3A_138, %swap3A_139], %broadcast_in_dim3A_5 {strides = array<i32>} : memref<16x128xf32, #tpu.memory_space<vmem>>, vector<16xf32>,
      %swap3A_141 = arith.constant 4 : i32
      %swap3A_142 = arith.index_cast %swap3A_141 : i32 to index
      %swap3A_143 = arith.constant 32 : index
      %swap3A_144 = tpu.vector_load %arg5[%swap3A_142, %swap3A_143] {strides = array<i32>} : memref<16x128xf32, #tpu.memory_space<vmem>>, vector<16xf32>,
      tpu.vector_store %arg5[%swap3A_142, %swap3A_143], %broadcast_in_dim3A_5 {strides = array<i32>} : memref<16x128xf32, #tpu.memory_space<vmem>>, vector<16xf32>,
      %swap3A_145 = arith.constant 4 : i32
      %swap3A_146 = arith.index_cast %swap3A_145 : i32 to index
      %swap3A_147 = arith.constant 48 : index
      %swap3A_148 = tpu.vector_load %arg5[%swap3A_146, %swap3A_147] {strides = array<i32>} : memref<16x128xf32, #tpu.memory_space<vmem>>, vector<16xf32>,
      tpu.vector_store %arg5[%swap3A_146, %swap3A_147], %broadcast_in_dim3A_5 {strides = array<i32>} : memref<16x128xf32, #tpu.memory_space<vmem>>, vector<16xf32>,
      %swap3A_149 = arith.constant 4 : i32
      %swap3A_150 = arith.index_cast %swap3A_149 : i32 to index
      %swap3A_151 = arith.constant 64 : index
      %swap3A_152 = tpu.vector_load %arg5[%swap3A_150, %swap3A_151] {strides = array<i32>} : memref<16x128xf32, #tpu.memory_space<vmem>>, vector<16xf32>,
      tpu.vector_store %arg5[%swap3A_150, %swap3A_151], %broadcast_in_dim3A_5 {strides = array<i32>} : memref<16x128xf32, #tpu.memory_space<vmem>>, vector<16xf32>,
      %swap3A_153 = arith.constant 4 : i32
      %swap3A_154 = arith.index_cast %swap3A_153 : i32 to index
      %swap3A_155 = arith.constant 80 : index
      %swap3A_156 = tpu.vector_load %arg5[%swap3A_154, %swap3A_155] {strides = array<i32>} : memref<16x128xf32, #tpu.memory_space<vmem>>, vector<16xf32>,
      tpu.vector_store %arg5[%swap3A_154, %swap3A_155], %broadcast_in_dim3A_5 {strides = array<i32>} : memref<16x128xf32, #tpu.memory_space<vmem>>, vector<16xf32>,
      %swap3A_157 = arith.constant 4 : i32
      %swap3A_158 = arith.index_cast %swap3A_157 : i32 to index
      %swap3A_159 = arith.constant 96 : index
      %swap3A_160 = tpu.vector_load %arg5[%swap3A_158, %swap3A_159] {strides = array<i32>} : memref<16x128xf32, #tpu.memory_space<vmem>>, vector<16xf32>,
      tpu.vector_store %arg5[%swap3A_158, %swap3A_159], %broadcast_in_dim3A_5 {strides = array<i32>} : memref<16x128xf32, #tpu.memory_space<vmem>>, vector<16xf32>,
      %swap3A_161 = arith.constant 4 : i32
      %swap3A_162 = arith.index_cast %swap3A_161 : i32 to index
      %swap3A_163 = arith.constant 112 : index
      %swap3A_164 = tpu.vector_load %arg5[%swap3A_162, %swap3A_163] {strides = array<i32>} : memref<16x128xf32, #tpu.memory_space<vmem>>, vector<16xf32>,
      tpu.vector_store %arg5[%swap3A_162, %swap3A_163], %broadcast_in_dim3A_5 {strides = array<i32>} : memref<16x128xf32, #tpu.memory_space<vmem>>, vector<16xf32>,
      %swap3A_165 = arith.constant 5 : i32
      %swap3A_166 = arith.index_cast %swap3A_165 : i32 to index
      %swap3A_167 = arith.constant 0 : index
      %swap3A_168 = tpu.vector_load %arg5[%swap3A_166, %swap3A_167] {strides = array<i32>} : memref<16x128xf32, #tpu.memory_space<vmem>>, vector<16xf32>,
      tpu.vector_store %arg5[%swap3A_166, %swap3A_167], %broadcast_in_dim3A_5 {strides = array<i32>} : memref<16x128xf32, #tpu.memory_space<vmem>>, vector<16xf32>,
      %swap3A_169 = arith.constant 5 : i32
      %swap3A_170 = arith.index_cast %swap3A_169 : i32 to index
      %swap3A_171 = arith.constant 16 : index
      %swap3A_172 = tpu.vector_load %arg5[%swap3A_170, %swap3A_171] {strides = array<i32>} : memref<16x128xf32, #tpu.memory_space<vmem>>, vector<16xf32>,
      tpu.vector_store %arg5[%swap3A_170, %swap3A_171], %broadcast_in_dim3A_5 {strides = array<i32>} : memref<16x128xf32, #tpu.memory_space<vmem>>, vector<16xf32>,
      %swap3A_173 = arith.constant 5 : i32
      %swap3A_174 = arith.index_cast %swap3A_173 : i32 to index
      %swap3A_175 = arith.constant 32 : index
      %swap3A_176 = tpu.vector_load %arg5[%swap3A_174, %swap3A_175] {strides = array<i32>} : memref<16x128xf32, #tpu.memory_space<vmem>>, vector<16xf32>,
      tpu.vector_store %arg5[%swap3A_174, %swap3A_175], %broadcast_in_dim3A_5 {strides = array<i32>} : memref<16x128xf32, #tpu.memory_space<vmem>>, vector<16xf32>,
      %swap3A_177 = arith.constant 5 : i32
      %swap3A_178 = arith.index_cast %swap3A_177 : i32 to index
      %swap3A_179 = arith.constant 48 : index
      %swap3A_180 = tpu.vector_load %arg5[%swap3A_178, %swap3A_179] {strides = array<i32>} : memref<16x128xf32, #tpu.memory_space<vmem>>, vector<16xf32>,
      tpu.vector_store %arg5[%swap3A_178, %swap3A_179], %broadcast_in_dim3A_5 {strides = array<i32>} : memref<16x128xf32, #tpu.memory_space<vmem>>, vector<16xf32>,
      %swap3A_181 = arith.constant 5 : i32
      %swap3A_182 = arith.index_cast %swap3A_181 : i32 to index
      %swap3A_183 = arith.constant 64 : index
      %swap3A_184 = tpu.vector_load %arg5[%swap3A_182, %swap3A_183] {strides = array<i32>} : memref<16x128xf32, #tpu.memory_space<vmem>>, vector<16xf32>,
      tpu.vector_store %arg5[%swap3A_182, %swap3A_183], %broadcast_in_dim3A_5 {strides = array<i32>} : memref<16x128xf32, #tpu.memory_space<vmem>>, vector<16xf32>,
      %swap3A_185 = arith.constant 5 : i32
      %swap3A_186 = arith.index_cast %swap3A_185 : i32 to index
      %swap3A_187 = arith.constant 80 : index
      %swap3A_188 = tpu.vector_load %arg5[%swap3A_186, %swap3A_187] {strides = array<i32>} : memref<16x128xf32, #tpu.memory_space<vmem>>, vector<16xf32>,
      tpu.vector_store %arg5[%swap3A_186, %swap3A_187], %broadcast_in_dim3A_5 {strides = array<i32>} : memref<16x128xf32, #tpu.memory_space<vmem>>, vector<16xf32>,
      %swap3A_189 = arith.constant 5 : i32
      %swap3A_190 = arith.index_cast %swap3A_189 : i32 to index
      %swap3A_191 = arith.constant 96 : index
      %swap3A_192 = tpu.vector_load %arg5[%swap3A_190, %swap3A_191] {strides = array<i32>} : memref<16x128xf32, #tpu.memory_space<vmem>>, vector<16xf32>,
      tpu.vector_store %arg5[%swap3A_190, %swap3A_191], %broadcast_in_dim3A_5 {strides = array<i32>} : memref<16x128xf32, #tpu.memory_space<vmem>>, vector<16xf32>,
      %swap3A_193 = arith.constant 5 : i32
      %swap3A_194 = arith.index_cast %swap3A_193 : i32 to index
      %swap3A_195 = arith.constant 112 : index
      %swap3A_196 = tpu.vector_load %arg5[%swap3A_194, %swap3A_195] {strides = array<i32>} : memref<16x128xf32, #tpu.memory_space<vmem>>, vector<16xf32>,
      tpu.vector_store %arg5[%swap3A_194, %swap3A_195], %broadcast_in_dim3A_5 {strides = array<i32>} : memref<16x128xf32, #tpu.memory_space<vmem>>, vector<16xf32>,
      %swap3A_197 = arith.constant 6 : i32
      %swap3A_198 = arith.index_cast %swap3A_197 : i32 to index
      %swap3A_199 = arith.constant 0 : index
      %swap3A_200 = tpu.vector_load %arg5[%swap3A_198, %swap3A_199] {strides = array<i32>} : memref<16x128xf32, #tpu.memory_space<vmem>>, vector<16xf32>,
      tpu.vector_store %arg5[%swap3A_198, %swap3A_199], %broadcast_in_dim3A_5 {strides = array<i32>} : memref<16x128xf32, #tpu.memory_space<vmem>>, vector<16xf32>,
      %swap3A_201 = arith.constant 6 : i32
      %swap3A_202 = arith.index_cast %swap3A_201 : i32 to index
      %swap3A_203 = arith.constant 16 : index
      %swap3A_204 = tpu.vector_load %arg5[%swap3A_202, %swap3A_203] {strides = array<i32>} : memref<16x128xf32, #tpu.memory_space<vmem>>, vector<16xf32>,
      tpu.vector_store %arg5[%swap3A_202, %swap3A_203], %broadcast_in_dim3A_5 {strides = array<i32>} : memref<16x128xf32, #tpu.memory_space<vmem>>, vector<16xf32>,
      %swap3A_205 = arith.constant 6 : i32
      %swap3A_206 = arith.index_cast %swap3A_205 : i32 to index
      %swap3A_207 = arith.constant 32 : index
      %swap3A_208 = tpu.vector_load %arg5[%swap3A_206, %swap3A_207] {strides = array<i32>} : memref<16x128xf32, #tpu.memory_space<vmem>>, vector<16xf32>,
      tpu.vector_store %arg5[%swap3A_206, %swap3A_207], %broadcast_in_dim3A_5 {strides = array<i32>} : memref<16x128xf32, #tpu.memory_space<vmem>>, vector<16xf32>,
      %swap3A_209 = arith.constant 6 : i32
      %swap3A_210 = arith.index_cast %swap3A_209 : i32 to index
      %swap3A_211 = arith.constant 48 : index
      %swap3A_212 = tpu.vector_load %arg5[%swap3A_210, %swap3A_211] {strides = array<i32>} : memref<16x128xf32, #tpu.memory_space<vmem>>, vector<16xf32>,
      tpu.vector_store %arg5[%swap3A_210, %swap3A_211], %broadcast_in_dim3A_5 {strides = array<i32>} : memref<16x128xf32, #tpu.memory_space<vmem>>, vector<16xf32>,
      %swap3A_213 = arith.constant 6 : i32
      %swap3A_214 = arith.index_cast %swap3A_213 : i32 to index
      %swap3A_215 = arith.constant 64 : index
      %swap3A_216 = tpu.vector_load %arg5[%swap3A_214, %swap3A_215] {strides = array<i32>} : memref<16x128xf32, #tpu.memory_space<vmem>>, vector<16xf32>,
      tpu.vector_store %arg5[%swap3A_214, %swap3A_215], %broadcast_in_dim3A_5 {strides = array<i32>} : memref<16x128xf32, #tpu.memory_space<vmem>>, vector<16xf32>,
      %swap3A_217 = arith.constant 6 : i32
      %swap3A_218 = arith.index_cast %swap3A_217 : i32 to index
      %swap3A_219 = arith.constant 80 : index
      %swap3A_220 = tpu.vector_load %arg5[%swap3A_218, %swap3A_219] {strides = array<i32>} : memref<16x128xf32, #tpu.memory_space<vmem>>, vector<16xf32>,
      tpu.vector_store %arg5[%swap3A_218, %swap3A_219], %broadcast_in_dim3A_5 {strides = array<i32>} : memref<16x128xf32, #tpu.memory_space<vmem>>, vector<16xf32>,
      %swap3A_221 = arith.constant 6 : i32
      %swap3A_222 = arith.index_cast %swap3A_221 : i32 to index
      %swap3A_223 = arith.constant 96 : index
      %swap3A_224 = tpu.vector_load %arg5[%swap3A_222, %swap3A_223] {strides = array<i32>} : memref<16x128xf32, #tpu.memory_space<vmem>>, vector<16xf32>,
      tpu.vector_store %arg5[%swap3A_222, %swap3A_223], %broadcast_in_dim3A_5 {strides = array<i32>} : memref<16x128xf32, #tpu.memory_space<vmem>>, vector<16xf32>,
      %swap3A_225 = arith.constant 6 : i32
      %swap3A_226 = arith.index_cast %swap3A_225 : i32 to index
      %swap3A_227 = arith.constant 112 : index
      %swap3A_228 = tpu.vector_load %arg5[%swap3A_226, %swap3A_227] {strides = array<i32>} : memref<16x128xf32, #tpu.memory_space<vmem>>, vector<16xf32>,
      tpu.vector_store %arg5[%swap3A_226, %swap3A_227], %broadcast_in_dim3A_5 {strides = array<i32>} : memref<16x128xf32, #tpu.memory_space<vmem>>, vector<16xf32>,
      %swap3A_229 = arith.constant 7 : i32
      %swap3A_230 = arith.index_cast %swap3A_229 : i32 to index
      %swap3A_231 = arith.constant 0 : index
      %swap3A_232 = tpu.vector_load %arg5[%swap3A_230, %swap3A_231] {strides = array<i32>} : memref<16x128xf32, #tpu.memory_space<vmem>>, vector<16xf32>,
      tpu.vector_store %arg5[%swap3A_230, %swap3A_231], %broadcast_in_dim3A_5 {strides = array<i32>} : memref<16x128xf32, #tpu.memory_space<vmem>>, vector<16xf32>,
      %swap3A_233 = arith.constant 7 : i32
      %swap3A_234 = arith.index_cast %swap3A_233 : i32 to index
      %swap3A_235 = arith.constant 16 : index
      %swap3A_236 = tpu.vector_load %arg5[%swap3A_234, %swap3A_235] {strides = array<i32>} : memref<16x128xf32, #tpu.memory_space<vmem>>, vector<16xf32>,
      tpu.vector_store %arg5[%swap3A_234, %swap3A_235], %broadcast_in_dim3A_5 {strides = array<i32>} : memref<16x128xf32, #tpu.memory_space<vmem>>, vector<16xf32>,
      %swap3A_237 = arith.constant 7 : i32
      %swap3A_238 = arith.index_cast %swap3A_237 : i32 to index
      %swap3A_239 = arith.constant 32 : index
      %swap3A_240 = tpu.vector_load %arg5[%swap3A_238, %swap3A_239] {strides = array<i32>} : memref<16x128xf32, #tpu.memory_space<vmem>>, vector<16xf32>,
      tpu.vector_store %arg5[%swap3A_238, %swap3A_239], %broadcast_in_dim3A_5 {strides = array<i32>} : memref<16x128xf32, #tpu.memory_space<vmem>>, vector<16xf32>,
      %swap3A_241 = arith.constant 7 : i32
      %swap3A_242 = arith.index_cast %swap3A_241 : i32 to index
      %swap3A_243 = arith.constant 48 : index
      %swap3A_244 = tpu.vector_load %arg5[%swap3A_242, %swap3A_243] {strides = array<i32>} : memref<16x128xf32, #tpu.memory_space<vmem>>, vector<16xf32>,
      tpu.vector_store %arg5[%swap3A_242, %swap3A_243], %broadcast_in_dim3A_5 {strides = array<i32>} : memref<16x128xf32, #tpu.memory_space<vmem>>, vector<16xf32>,
      %swap3A_245 = arith.constant 7 : i32
      %swap3A_246 = arith.index_cast %swap3A_245 : i32 to index
      %swap3A_247 = arith.constant 64 : index
      %swap3A_248 = tpu.vector_load %arg5[%swap3A_246, %swap3A_247] {strides = array<i32>} : memref<16x128xf32, #tpu.memory_space<vmem>>, vector<16xf32>,
      tpu.vector_store %arg5[%swap3A_246, %swap3A_247], %broadcast_in_dim3A_5 {strides = array<i32>} : memref<16x128xf32, #tpu.memory_space<vmem>>, vector<16xf32>,
      %swap3A_249 = arith.constant 7 : i32
      %swap3A_250 = arith.index_cast %swap3A_249 : i32 to index
      %swap3A_251 = arith.constant 80 : index
      %swap3A_252 = tpu.vector_load %arg5[%swap3A_250, %swap3A_251] {strides = array<i32>} : memref<16x128xf32, #tpu.memory_space<vmem>>, vector<16xf32>,
      tpu.vector_store %arg5[%swap3A_250, %swap3A_251], %broadcast_in_dim3A_5 {strides = array<i32>} : memref<16x128xf32, #tpu.memory_space<vmem>>, vector<16xf32>,
      %swap3A_253 = arith.constant 7 : i32
      %swap3A_254 = arith.index_cast %swap3A_253 : i32 to index
      %swap3A_255 = arith.constant 96 : index
      %swap3A_256 = tpu.vector_load %arg5[%swap3A_254, %swap3A_255] {strides = array<i32>} : memref<16x128xf32, #tpu.memory_space<vmem>>, vector<16xf32>,
      tpu.vector_store %arg5[%swap3A_254, %swap3A_255], %broadcast_in_dim3A_5 {strides = array<i32>} : memref<16x128xf32, #tpu.memory_space<vmem>>, vector<16xf32>,
      %swap3A_257 = arith.constant 7 : i32
      %swap3A_258 = arith.index_cast %swap3A_257 : i32 to index
      %swap3A_259 = arith.constant 112 : index
      %swap3A_260 = tpu.vector_load %arg5[%swap3A_258, %swap3A_259] {strides = array<i32>} : memref<16x128xf32, #tpu.memory_space<vmem>>, vector<16xf32>,
      tpu.vector_store %arg5[%swap3A_258, %swap3A_259], %broadcast_in_dim3A_5 {strides = array<i32>} : memref<16x128xf32, #tpu.memory_space<vmem>>, vector<16xf32>,
      %swap3A_261 = arith.constant 8 : i32
      %swap3A_262 = arith.index_cast %swap3A_261 : i32 to index
      %swap3A_263 = arith.constant 0 : index
      %swap3A_264 = tpu.vector_load %arg5[%swap3A_262, %swap3A_263] {strides = array<i32>} : memref<16x128xf32, #tpu.memory_space<vmem>>, vector<16xf32>,
      tpu.vector_store %arg5[%swap3A_262, %swap3A_263], %broadcast_in_dim3A_5 {strides = array<i32>} : memref<16x128xf32, #tpu.memory_space<vmem>>, vector<16xf32>,
      %swap3A_265 = arith.constant 8 : i32
      %swap3A_266 = arith.index_cast %swap3A_265 : i32 to index
      %swap3A_267 = arith.constant 16 : index
      %swap3A_268 = tpu.vector_load %arg5[%swap3A_266, %swap3A_267] {strides = array<i32>} : memref<16x128xf32, #tpu.memory_space<vmem>>, vector<16xf32>,
      tpu.vector_store %arg5[%swap3A_266, %swap3A_267], %broadcast_in_dim3A_5 {strides = array<i32>} : memref<16x128xf32, #tpu.memory_space<vmem>>, vector<16xf32>,
      %swap3A_269 = arith.constant 8 : i32
      %swap3A_270 = arith.index_cast %swap3A_269 : i32 to index
      %swap3A_271 = arith.constant 32 : index
      %swap3A_272 = tpu.vector_load %arg5[%swap3A_270, %swap3A_271] {strides = array<i32>} : memref<16x128xf32, #tpu.memory_space<vmem>>, vector<16xf32>,
      tpu.vector_store %arg5[%swap3A_270, %swap3A_271], %broadcast_in_dim3A_5 {strides = array<i32>} : memref<16x128xf32, #tpu.memory_space<vmem>>, vector<16xf32>,
      %swap3A_273 = arith.constant 8 : i32
      %swap3A_274 = arith.index_cast %swap3A_273 : i32 to index
      %swap3A_275 = arith.constant 48 : index
      %swap3A_276 = tpu.vector_load %arg5[%swap3A_274, %swap3A_275] {strides = array<i32>} : memref<16x128xf32, #tpu.memory_space<vmem>>, vector<16xf32>,
      tpu.vector_store %arg5[%swap3A_274, %swap3A_275], %broadcast_in_dim3A_5 {strides = array<i32>} : memref<16x128xf32, #tpu.memory_space<vmem>>, vector<16xf32>,
      %swap3A_277 = arith.constant 8 : i32
      %swap3A_278 = arith.index_cast %swap3A_277 : i32 to index
      %swap3A_279 = arith.constant 64 : index
      %swap3A_280 = tpu.vector_load %arg5[%swap3A_278, %swap3A_279] {strides = array<i32>} : memref<16x128xf32, #tpu.memory_space<vmem>>, vector<16xf32>,
      tpu.vector_store %arg5[%swap3A_278, %swap3A_279], %broadcast_in_dim3A_5 {strides = array<i32>} : memref<16x128xf32, #tpu.memory_space<vmem>>, vector<16xf32>,
      %swap3A_281 = arith.constant 8 : i32
      %swap3A_282 = arith.index_cast %swap3A_281 : i32 to index
      %swap3A_283 = arith.constant 80 : index
      %swap3A_284 = tpu.vector_load %arg5[%swap3A_282, %swap3A_283] {strides = array<i32>} : memref<16x128xf32, #tpu.memory_space<vmem>>, vector<16xf32>,
      tpu.vector_store %arg5[%swap3A_282, %swap3A_283], %broadcast_in_dim3A_5 {strides = array<i32>} : memref<16x128xf32, #tpu.memory_space<vmem>>, vector<16xf32>,
      %swap3A_285 = arith.constant 8 : i32
      %swap3A_286 = arith.index_cast %swap3A_285 : i32 to index
      %swap3A_287 = arith.constant 96 : index
      %swap3A_288 = tpu.vector_load %arg5[%swap3A_286, %swap3A_287] {strides = array<i32>} : memref<16x128xf32, #tpu.memory_space<vmem>>, vector<16xf32>,
      tpu.vector_store %arg5[%swap3A_286, %swap3A_287], %broadcast_in_dim3A_5 {strides = array<i32>} : memref<16x128xf32, #tpu.memory_space<vmem>>, vector<16xf32>,
      %swap3A_289 = arith.constant 8 : i32
      %swap3A_290 = arith.index_cast %swap3A_289 : i32 to index
      %swap3A_291 = arith.constant 112 : index
      %swap3A_292 = tpu.vector_load %arg5[%swap3A_290, %swap3A_291] {strides = array<i32>} : memref<16x128xf32, #tpu.memory_space<vmem>>, vector<16xf32>,
      tpu.vector_store %arg5[%swap3A_290, %swap3A_291], %broadcast_in_dim3A_5 {strides = array<i32>} : memref<16x128xf32, #tpu.memory_space<vmem>>, vector<16xf32>,
      %swap3A_293 = arith.constant 9 : i32
      %swap3A_294 = arith.index_cast %swap3A_293 : i32 to index
      %swap3A_295 = arith.constant 0 : index
      %swap3A_296 = tpu.vector_load %arg5[%swap3A_294, %swap3A_295] {strides = array<i32>} : memref<16x128xf32, #tpu.memory_space<vmem>>, vector<16xf32>,
      tpu.vector_store %arg5[%swap3A_294, %swap3A_295], %broadcast_in_dim3A_5 {strides = array<i32>} : memref<16x128xf32, #tpu.memory_space<vmem>>, vector<16xf32>,
      %swap3A_297 = arith.constant 9 : i32
      %swap3A_298 = arith.index_cast %swap3A_297 : i32 to index
      %swap3A_299 = arith.constant 16 : index
      %swap3A_300 = tpu.vector_load %arg5[%swap3A_298, %swap3A_299] {strides = array<i32>} : memref<16x128xf32, #tpu.memory_space<vmem>>, vector<16xf32>,
      tpu.vector_store %arg5[%swap3A_298, %swap3A_299], %broadcast_in_dim3A_5 {strides = array<i32>} : memref<16x128xf32, #tpu.memory_space<vmem>>, vector<16xf32>,
      %swap3A_301 = arith.constant 9 : i32
      %swap3A_302 = arith.index_cast %swap3A_301 : i32 to index
      %swap3A_303 = arith.constant 32 : index
      %swap3A_304 = tpu.vector_load %arg5[%swap3A_302, %swap3A_303] {strides = array<i32>} : memref<16x128xf32, #tpu.memory_space<vmem>>, vector<16xf32>,
      tpu.vector_store %arg5[%swap3A_302, %swap3A_303], %broadcast_in_dim3A_5 {strides = array<i32>} : memref<16x128xf32, #tpu.memory_space<vmem>>, vector<16xf32>,
      %swap3A_305 = arith.constant 9 : i32
      %swap3A_306 = arith.index_cast %swap3A_305 : i32 to index
      %swap3A_307 = arith.constant 48 : index
      %swap3A_308 = tpu.vector_load %arg5[%swap3A_306, %swap3A_307] {strides = array<i32>} : memref<16x128xf32, #tpu.memory_space<vmem>>, vector<16xf32>,
      tpu.vector_store %arg5[%swap3A_306, %swap3A_307], %broadcast_in_dim3A_5 {strides = array<i32>} : memref<16x128xf32, #tpu.memory_space<vmem>>, vector<16xf32>,
      %swap3A_309 = arith.constant 9 : i32
      %swap3A_310 = arith.index_cast %swap3A_309 : i32 to index
      %swap3A_311 = arith.constant 64 : index
      %swap3A_312 = tpu.vector_load %arg5[%swap3A_310, %swap3A_311] {strides = array<i32>} : memref<16x128xf32, #tpu.memory_space<vmem>>, vector<16xf32>,
      tpu.vector_store %arg5[%swap3A_310, %swap3A_311], %broadcast_in_dim3A_5 {strides = array<i32>} : memref<16x128xf32, #tpu.memory_space<vmem>>, vector<16xf32>,
      %swap3A_313 = arith.constant 9 : i32
      %swap3A_314 = arith.index_cast %swap3A_313 : i32 to index
      %swap3A_315 = arith.constant 80 : index
      %swap3A_316 = tpu.vector_load %arg5[%swap3A_314, %swap3A_315] {strides = array<i32>} : memref<16x128xf32, #tpu.memory_space<vmem>>, vector<16xf32>,
      tpu.vector_store %arg5[%swap3A_314, %swap3A_315], %broadcast_in_dim3A_5 {strides = array<i32>} : memref<16x128xf32, #tpu.memory_space<vmem>>, vector<16xf32>,
      %swap3A_317 = arith.constant 9 : i32
      %swap3A_318 = arith.index_cast %swap3A_317 : i32 to index
      %swap3A_319 = arith.constant 96 : index
      %swap3A_320 = tpu.vector_load %arg5[%swap3A_318, %swap3A_319] {strides = array<i32>} : memref<16x128xf32, #tpu.memory_space<vmem>>, vector<16xf32>,
      tpu.vector_store %arg5[%swap3A_318, %swap3A_319], %broadcast_in_dim3A_5 {strides = array<i32>} : memref<16x128xf32, #tpu.memory_space<vmem>>, vector<16xf32>,
      %swap3A_321 = arith.constant 9 : i32
      %swap3A_322 = arith.index_cast %swap3A_321 : i32 to index
      %swap3A_323 = arith.constant 112 : index
      %swap3A_324 = tpu.vector_load %arg5[%swap3A_322, %swap3A_323] {strides = array<i32>} : memref<16x128xf32, #tpu.memory_space<vmem>>, vector<16xf32>,
      tpu.vector_store %arg5[%swap3A_322, %swap3A_323], %broadcast_in_dim3A_5 {strides = array<i32>} : memref<16x128xf32, #tpu.memory_space<vmem>>, vector<16xf32>,
      %swap3A_325 = arith.constant 10 : i32
      %swap3A_326 = arith.index_cast %swap3A_325 : i32 to index
      %swap3A_327 = arith.constant 0 : index
      %swap3A_328 = tpu.vector_load %arg5[%swap3A_326, %swap3A_327] {strides = array<i32>} : memref<16x128xf32, #tpu.memory_space<vmem>>, vector<16xf32>,
      tpu.vector_store %arg5[%swap3A_326, %swap3A_327], %broadcast_in_dim3A_5 {strides = array<i32>} : memref<16x128xf32, #tpu.memory_space<vmem>>, vector<16xf32>,
      %swap3A_329 = arith.constant 10 : i32
      %swap3A_330 = arith.index_cast %swap3A_329 : i32 to index
      %swap3A_331 = arith.constant 16 : index
      %swap3A_332 = tpu.vector_load %arg5[%swap3A_330, %swap3A_331] {strides = array<i32>} : memref<16x128xf32, #tpu.memory_space<vmem>>, vector<16xf32>,
      tpu.vector_store %arg5[%swap3A_330, %swap3A_331], %broadcast_in_dim3A_5 {strides = array<i32>} : memref<16x128xf32, #tpu.memory_space<vmem>>, vector<16xf32>,
      %swap3A_333 = arith.constant 10 : i32
      %swap3A_334 = arith.index_cast %swap3A_333 : i32 to index
      %swap3A_335 = arith.constant 32 : index
      %swap3A_336 = tpu.vector_load %arg5[%swap3A_334, %swap3A_335] {strides = array<i32>} : memref<16x128xf32, #tpu.memory_space<vmem>>, vector<16xf32>,
      tpu.vector_store %arg5[%swap3A_334, %swap3A_335], %broadcast_in_dim3A_5 {strides = array<i32>} : memref<16x128xf32, #tpu.memory_space<vmem>>, vector<16xf32>,
      %swap3A_337 = arith.constant 10 : i32
      %swap3A_338 = arith.index_cast %swap3A_337 : i32 to index
      %swap3A_339 = arith.constant 48 : index
      %swap3A_340 = tpu.vector_load %arg5[%swap3A_338, %swap3A_339] {strides = array<i32>} : memref<16x128xf32, #tpu.memory_space<vmem>>, vector<16xf32>,
      tpu.vector_store %arg5[%swap3A_338, %swap3A_339], %broadcast_in_dim3A_5 {strides = array<i32>} : memref<16x128xf32, #tpu.memory_space<vmem>>, vector<16xf32>,
      %swap3A_341 = arith.constant 10 : i32
      %swap3A_342 = arith.index_cast %swap3A_341 : i32 to index
      %swap3A_343 = arith.constant 64 : index
      %swap3A_344 = tpu.vector_load %arg5[%swap3A_342, %swap3A_343] {strides = array<i32>} : memref<16x128xf32, #tpu.memory_space<vmem>>, vector<16xf32>,
      tpu.vector_store %arg5[%swap3A_342, %swap3A_343], %broadcast_in_dim3A_5 {strides = array<i32>} : memref<16x128xf32, #tpu.memory_space<vmem>>, vector<16xf32>,
      %swap3A_345 = arith.constant 10 : i32
      %swap3A_346 = arith.index_cast %swap3A_345 : i32 to index
      %swap3A_347 = arith.constant 80 : index
      %swap3A_348 = tpu.vector_load %arg5[%swap3A_346, %swap3A_347] {strides = array<i32>} : memref<16x128xf32, #tpu.memory_space<vmem>>, vector<16xf32>,
      tpu.vector_store %arg5[%swap3A_346, %swap3A_347], %broadcast_in_dim3A_5 {strides = array<i32>} : memref<16x128xf32, #tpu.memory_space<vmem>>, vector<16xf32>,
      %swap3A_349 = arith.constant 10 : i32
      %swap3A_350 = arith.index_cast %swap3A_349 : i32 to index
      %swap3A_351 = arith.constant 96 : index
      %swap3A_352 = tpu.vector_load %arg5[%swap3A_350, %swap3A_351] {strides = array<i32>} : memref<16x128xf32, #tpu.memory_space<vmem>>, vector<16xf32>,
      tpu.vector_store %arg5[%swap3A_350, %swap3A_351], %broadcast_in_dim3A_5 {strides = array<i32>} : memref<16x128xf32, #tpu.memory_space<vmem>>, vector<16xf32>,
      %swap3A_353 = arith.constant 10 : i32
      %swap3A_354 = arith.index_cast %swap3A_353 : i32 to index
      %swap3A_355 = arith.constant 112 : index
      %swap3A_356 = tpu.vector_load %arg5[%swap3A_354, %swap3A_355] {strides = array<i32>} : memref<16x128xf32, #tpu.memory_space<vmem>>, vector<16xf32>,
      tpu.vector_store %arg5[%swap3A_354, %swap3A_355], %broadcast_in_dim3A_5 {strides = array<i32>} : memref<16x128xf32, #tpu.memory_space<vmem>>, vector<16xf32>,
      %swap3A_357 = arith.constant 11 : i32
      %swap3A_358 = arith.index_cast %swap3A_357 : i32 to index
      %swap3A_359 = arith.constant 0 : index
      %swap3A_360 = tpu.vector_load %arg5[%swap3A_358, %swap3A_359] {strides = array<i32>} : memref<16x128xf32, #tpu.memory_space<vmem>>, vector<16xf32>,
      tpu.vector_store %arg5[%swap3A_358, %swap3A_359], %broadcast_in_dim3A_5 {strides = array<i32>} : memref<16x128xf32, #tpu.memory_space<vmem>>, vector<16xf32>,
      %swap3A_361 = arith.constant 11 : i32
      %swap3A_362 = arith.index_cast %swap3A_361 : i32 to index
      %swap3A_363 = arith.constant 16 : index
      %swap3A_364 = tpu.vector_load %arg5[%swap3A_362, %swap3A_363] {strides = array<i32>} : memref<16x128xf32, #tpu.memory_space<vmem>>, vector<16xf32>,
      tpu.vector_store %arg5[%swap3A_362, %swap3A_363], %broadcast_in_dim3A_5 {strides = array<i32>} : memref<16x128xf32, #tpu.memory_space<vmem>>, vector<16xf32>,
      %swap3A_365 = arith.constant 11 : i32
      %swap3A_366 = arith.index_cast %swap3A_365 : i32 to index
      %swap3A_367 = arith.constant 32 : index
      %swap3A_368 = tpu.vector_load %arg5[%swap3A_366, %swap3A_367] {strides = array<i32>} : memref<16x128xf32, #tpu.memory_space<vmem>>, vector<16xf32>,
      tpu.vector_store %arg5[%swap3A_366, %swap3A_367], %broadcast_in_dim3A_5 {strides = array<i32>} : memref<16x128xf32, #tpu.memory_space<vmem>>, vector<16xf32>,
      %swap3A_369 = arith.constant 11 : i32
      %swap3A_370 = arith.index_cast %swap3A_369 : i32 to index
      %swap3A_371 = arith.constant 48 : index
      %swap3A_372 = tpu.vector_load %arg5[%swap3A_370, %swap3A_371] {strides = array<i32>} : memref<16x128xf32, #tpu.memory_space<vmem>>, vector<16xf32>,
      tpu.vector_store %arg5[%swap3A_370, %swap3A_371], %broadcast_in_dim3A_5 {strides = array<i32>} : memref<16x128xf32, #tpu.memory_space<vmem>>, vector<16xf32>,
      %swap3A_373 = arith.constant 11 : i32
      %swap3A_374 = arith.index_cast %swap3A_373 : i32 to index
      %swap3A_375 = arith.constant 64 : index
      %swap3A_376 = tpu.vector_load %arg5[%swap3A_374, %swap3A_375] {strides = array<i32>} : memref<16x128xf32, #tpu.memory_space<vmem>>, vector<16xf32>,
      tpu.vector_store %arg5[%swap3A_374, %swap3A_375], %broadcast_in_dim3A_5 {strides = array<i32>} : memref<16x128xf32, #tpu.memory_space<vmem>>, vector<16xf32>,
      %swap3A_377 = arith.constant 11 : i32
      %swap3A_378 = arith.index_cast %swap3A_377 : i32 to index
      %swap3A_379 = arith.constant 80 : index
      %swap3A_380 = tpu.vector_load %arg5[%swap3A_378, %swap3A_379] {strides = array<i32>} : memref<16x128xf32, #tpu.memory_space<vmem>>, vector<16xf32>,
      tpu.vector_store %arg5[%swap3A_378, %swap3A_379], %broadcast_in_dim3A_5 {strides = array<i32>} : memref<16x128xf32, #tpu.memory_space<vmem>>, vector<16xf32>,
      %swap3A_381 = arith.constant 11 : i32
      %swap3A_382 = arith.index_cast %swap3A_381 : i32 to index
      %swap3A_383 = arith.constant 96 : index
      %swap3A_384 = tpu.vector_load %arg5[%swap3A_382, %swap3A_383] {strides = array<i32>} : memref<16x128xf32, #tpu.memory_space<vmem>>, vector<16xf32>,
      tpu.vector_store %arg5[%swap3A_382, %swap3A_383], %broadcast_in_dim3A_5 {strides = array<i32>} : memref<16x128xf32, #tpu.memory_space<vmem>>, vector<16xf32>,
      %swap3A_385 = arith.constant 11 : i32
      %swap3A_386 = arith.index_cast %swap3A_385 : i32 to index
      %swap3A_387 = arith.constant 112 : index
      %swap3A_388 = tpu.vector_load %arg5[%swap3A_386, %swap3A_387] {strides = array<i32>} : memref<16x128xf32, #tpu.memory_space<vmem>>, vector<16xf32>,
      tpu.vector_store %arg5[%swap3A_386, %swap3A_387], %broadcast_in_dim3A_5 {strides = array<i32>} : memref<16x128xf32, #tpu.memory_space<vmem>>, vector<16xf32>,
      %swap3A_389 = arith.constant 12 : i32
      %swap3A_390 = arith.index_cast %swap3A_389 : i32 to index
      %swap3A_391 = arith.constant 0 : index
      %swap3A_392 = tpu.vector_load %arg5[%swap3A_390, %swap3A_391] {strides = array<i32>} : memref<16x128xf32, #tpu.memory_space<vmem>>, vector<16xf32>,
      tpu.vector_store %arg5[%swap3A_390, %swap3A_391], %broadcast_in_dim3A_5 {strides = array<i32>} : memref<16x128xf32, #tpu.memory_space<vmem>>, vector<16xf32>,
      %swap3A_393 = arith.constant 12 : i32
      %swap3A_394 = arith.index_cast %swap3A_393 : i32 to index
      %swap3A_395 = arith.constant 16 : index
      %swap3A_396 = tpu.vector_load %arg5[%swap3A_394, %swap3A_395] {strides = array<i32>} : memref<16x128xf32, #tpu.memory_space<vmem>>, vector<16xf32>,
      tpu.vector_store %arg5[%swap3A_394, %swap3A_395], %broadcast_in_dim3A_5 {strides = array<i32>} : memref<16x128xf32, #tpu.memory_space<vmem>>, vector<16xf32>,
      %swap3A_397 = arith.constant 12 : i32
      %swap3A_398 = arith.index_cast %swap3A_397 : i32 to index
      %swap3A_399 = arith.constant 32 : index
      %swap3A_400 = tpu.vector_load %arg5[%swap3A_398, %swap3A_399] {strides = array<i32>} : memref<16x128xf32, #tpu.memory_space<vmem>>, vector<16xf32>,
      tpu.vector_store %arg5[%swap3A_398, %swap3A_399], %broadcast_in_dim3A_5 {strides = array<i32>} : memref<16x128xf32, #tpu.memory_space<vmem>>, vector<16xf32>,
      %swap3A_401 = arith.constant 12 : i32
      %swap3A_402 = arith.index_cast %swap3A_401 : i32 to index
      %swap3A_403 = arith.constant 48 : index
      %swap3A_404 = tpu.vector_load %arg5[%swap3A_402, %swap3A_403] {strides = array<i32>} : memref<16x128xf32, #tpu.memory_space<vmem>>, vector<16xf32>,
      tpu.vector_store %arg5[%swap3A_402, %swap3A_403], %broadcast_in_dim3A_5 {strides = array<i32>} : memref<16x128xf32, #tpu.memory_space<vmem>>, vector<16xf32>,
      %swap3A_405 = arith.constant 12 : i32
      %swap3A_406 = arith.index_cast %swap3A_405 : i32 to index
      %swap3A_407 = arith.constant 64 : index
      %swap3A_408 = tpu.vector_load %arg5[%swap3A_406, %swap3A_407] {strides = array<i32>} : memref<16x128xf32, #tpu.memory_space<vmem>>, vector<16xf32>,
      tpu.vector_store %arg5[%swap3A_406, %swap3A_407], %broadcast_in_dim3A_5 {strides = array<i32>} : memref<16x128xf32, #tpu.memory_space<vmem>>, vector<16xf32>,
      %swap3A_409 = arith.constant 12 : i32
      %swap3A_410 = arith.index_cast %swap3A_409 : i32 to index
      %swap3A_411 = arith.constant 80 : index
      %swap3A_412 = tpu.vector_load %arg5[%swap3A_410, %swap3A_411] {strides = array<i32>} : memref<16x128xf32, #tpu.memory_space<vmem>>, vector<16xf32>,
      tpu.vector_store %arg5[%swap3A_410, %swap3A_411], %broadcast_in_dim3A_5 {strides = array<i32>} : memref<16x128xf32, #tpu.memory_space<vmem>>, vector<16xf32>,
      %swap3A_413 = arith.constant 12 : i32
      %swap3A_414 = arith.index_cast %swap3A_413 : i32 to index
      %swap3A_415 = arith.constant 96 : index
      %swap3A_416 = tpu.vector_load %arg5[%swap3A_414, %swap3A_415] {strides = array<i32>} : memref<16x128xf32, #tpu.memory_space<vmem>>, vector<16xf32>,
      tpu.vector_store %arg5[%swap3A_414, %swap3A_415], %broadcast_in_dim3A_5 {strides = array<i32>} : memref<16x128xf32, #tpu.memory_space<vmem>>, vector<16xf32>,
      %swap3A_417 = arith.constant 12 : i32
      %swap3A_418 = arith.index_cast %swap3A_417 : i32 to index
      %swap3A_419 = arith.constant 112 : index
      %swap3A_420 = tpu.vector_load %arg5[%swap3A_418, %swap3A_419] {strides = array<i32>} : memref<16x128xf32, #tpu.memory_space<vmem>>, vector<16xf32>,
      tpu.vector_store %arg5[%swap3A_418, %swap3A_419], %broadcast_in_dim3A_5 {strides = array<i32>} : memref<16x128xf32, #tpu.memory_space<vmem>>, vector<16xf32>,
      %swap3A_421 = arith.constant 13 : i32
      %swap3A_422 = arith.index_cast %swap3A_421 : i32 to index
      %swap3A_423 = arith.constant 0 : index
      %swap3A_424 = tpu.vector_load %arg5[%swap3A_422, %swap3A_423] {strides = array<i32>} : memref<16x128xf32, #tpu.memory_space<vmem>>, vector<16xf32>,
      tpu.vector_store %arg5[%swap3A_422, %swap3A_423], %broadcast_in_dim3A_5 {strides = array<i32>} : memref<16x128xf32, #tpu.memory_space<vmem>>, vector<16xf32>,
      %swap3A_425 = arith.constant 13 : i32
      %swap3A_426 = arith.index_cast %swap3A_425 : i32 to index
      %swap3A_427 = arith.constant 16 : index
      %swap3A_428 = tpu.vector_load %arg5[%swap3A_426, %swap3A_427] {strides = array<i32>} : memref<16x128xf32, #tpu.memory_space<vmem>>, vector<16xf32>,
      tpu.vector_store %arg5[%swap3A_426, %swap3A_427], %broadcast_in_dim3A_5 {strides = array<i32>} : memref<16x128xf32, #tpu.memory_space<vmem>>, vector<16xf32>,
      %swap3A_429 = arith.constant 13 : i32
      %swap3A_430 = arith.index_cast %swap3A_429 : i32 to index
      %swap3A_431 = arith.constant 32 : index
      %swap3A_432 = tpu.vector_load %arg5[%swap3A_430, %swap3A_431] {strides = array<i32>} : memref<16x128xf32, #tpu.memory_space<vmem>>, vector<16xf32>,
      tpu.vector_store %arg5[%swap3A_430, %swap3A_431], %broadcast_in_dim3A_5 {strides = array<i32>} : memref<16x128xf32, #tpu.memory_space<vmem>>, vector<16xf32>,
      %swap3A_433 = arith.constant 13 : i32
      %swap3A_434 = arith.index_cast %swap3A_433 : i32 to index
      %swap3A_435 = arith.constant 48 : index
      %swap3A_436 = tpu.vector_load %arg5[%swap3A_434, %swap3A_435] {strides = array<i32>} : memref<16x128xf32, #tpu.memory_space<vmem>>, vector<16xf32>,
      tpu.vector_store %arg5[%swap3A_434, %swap3A_435], %broadcast_in_dim3A_5 {strides = array<i32>} : memref<16x128xf32, #tpu.memory_space<vmem>>, vector<16xf32>,
      %swap3A_437 = arith.constant 13 : i32
      %swap3A_438 = arith.index_cast %swap3A_437 : i32 to index
      %swap3A_439 = arith.constant 64 : index
      %swap3A_440 = tpu.vector_load %arg5[%swap3A_438, %swap3A_439] {strides = array<i32>} : memref<16x128xf32, #tpu.memory_space<vmem>>, vector<16xf32>,
      tpu.vector_store %arg5[%swap3A_438, %swap3A_439], %broadcast_in_dim3A_5 {strides = array<i32>} : memref<16x128xf32, #tpu.memory_space<vmem>>, vector<16xf32>,
      %swap3A_441 = arith.constant 13 : i32
      %swap3A_442 = arith.index_cast %swap3A_441 : i32 to index
      %swap3A_443 = arith.constant 80 : index
      %swap3A_444 = tpu.vector_load %arg5[%swap3A_442, %swap3A_443] {strides = array<i32>} : memref<16x128xf32, #tpu.memory_space<vmem>>, vector<16xf32>,
      tpu.vector_store %arg5[%swap3A_442, %swap3A_443], %broadcast_in_dim3A_5 {strides = array<i32>} : memref<16x128xf32, #tpu.memory_space<vmem>>, vector<16xf32>,
      %swap3A_445 = arith.constant 13 : i32
      %swap3A_446 = arith.index_cast %swap3A_445 : i32 to index
      %swap3A_447 = arith.constant 96 : index
      %swap3A_448 = tpu.vector_load %arg5[%swap3A_446, %swap3A_447] {strides = array<i32>} : memref<16x128xf32, #tpu.memory_space<vmem>>, vector<16xf32>,
      tpu.vector_store %arg5[%swap3A_446, %swap3A_447], %broadcast_in_dim3A_5 {strides = array<i32>} : memref<16x128xf32, #tpu.memory_space<vmem>>, vector<16xf32>,
      %swap3A_449 = arith.constant 13 : i32
      %swap3A_450 = arith.index_cast %swap3A_449 : i32 to index
      %swap3A_451 = arith.constant 112 : index
      %swap3A_452 = tpu.vector_load %arg5[%swap3A_450, %swap3A_451] {strides = array<i32>} : memref<16x128xf32, #tpu.memory_space<vmem>>, vector<16xf32>,
      tpu.vector_store %arg5[%swap3A_450, %swap3A_451], %broadcast_in_dim3A_5 {strides = array<i32>} : memref<16x128xf32, #tpu.memory_space<vmem>>, vector<16xf32>,
      %swap3A_453 = arith.constant 14 : i32
      %swap3A_454 = arith.index_cast %swap3A_453 : i32 to index
      %swap3A_455 = arith.constant 0 : index
      %swap3A_456 = tpu.vector_load %arg5[%swap3A_454, %swap3A_455] {strides = array<i32>} : memref<16x128xf32, #tpu.memory_space<vmem>>, vector<16xf32>,
      tpu.vector_store %arg5[%swap3A_454, %swap3A_455], %broadcast_in_dim3A_5 {strides = array<i32>} : memref<16x128xf32, #tpu.memory_space<vmem>>, vector<16xf32>,
      %swap3A_457 = arith.constant 14 : i32
      %swap3A_458 = arith.index_cast %swap3A_457 : i32 to index
      %swap3A_459 = arith.constant 16 : index
      %swap3A_460 = tpu.vector_load %arg5[%swap3A_458, %swap3A_459] {strides = array<i32>} : memref<16x128xf32, #tpu.memory_space<vmem>>, vector<16xf32>,
      tpu.vector_store %arg5[%swap3A_458, %swap3A_459], %broadcast_in_dim3A_5 {strides = array<i32>} : memref<16x128xf32, #tpu.memory_space<vmem>>, vector<16xf32>,
      %swap3A_461 = arith.constant 14 : i32
      %swap3A_462 = arith.index_cast %swap3A_461 : i32 to index
      %swap3A_463 = arith.constant 32 : index
      %swap3A_464 = tpu.vector_load %arg5[%swap3A_462, %swap3A_463] {strides = array<i32>} : memref<16x128xf32, #tpu.memory_space<vmem>>, vector<16xf32>,
      tpu.vector_store %arg5[%swap3A_462, %swap3A_463], %broadcast_in_dim3A_5 {strides = array<i32>} : memref<16x128xf32, #tpu.memory_space<vmem>>, vector<16xf32>,
      %swap3A_465 = arith.constant 14 : i32
      %swap3A_466 = arith.index_cast %swap3A_465 : i32 to index
      %swap3A_467 = arith.constant 48 : index
      %swap3A_468 = tpu.vector_load %arg5[%swap3A_466, %swap3A_467] {strides = array<i32>} : memref<16x128xf32, #tpu.memory_space<vmem>>, vector<16xf32>,
      tpu.vector_store %arg5[%swap3A_466, %swap3A_467], %broadcast_in_dim3A_5 {strides = array<i32>} : memref<16x128xf32, #tpu.memory_space<vmem>>, vector<16xf32>,
      %swap3A_469 = arith.constant 14 : i32
      %swap3A_470 = arith.index_cast %swap3A_469 : i32 to index
      %swap3A_471 = arith.constant 64 : index
      %swap3A_472 = tpu.vector_load %arg5[%swap3A_470, %swap3A_471] {strides = array<i32>} : memref<16x128xf32, #tpu.memory_space<vmem>>, vector<16xf32>,
      tpu.vector_store %arg5[%swap3A_470, %swap3A_471], %broadcast_in_dim3A_5 {strides = array<i32>} : memref<16x128xf32, #tpu.memory_space<vmem>>, vector<16xf32>,
      %swap3A_473 = arith.constant 14 : i32
      %swap3A_474 = arith.index_cast %swap3A_473 : i32 to index
      %swap3A_475 = arith.constant 80 : index
      %swap3A_476 = tpu.vector_load %arg5[%swap3A_474, %swap3A_475] {strides = array<i32>} : memref<16x128xf32, #tpu.memory_space<vmem>>, vector<16xf32>,
      tpu.vector_store %arg5[%swap3A_474, %swap3A_475], %broadcast_in_dim3A_5 {strides = array<i32>} : memref<16x128xf32, #tpu.memory_space<vmem>>, vector<16xf32>,
      %swap3A_477 = arith.constant 14 : i32
      %swap3A_478 = arith.index_cast %swap3A_477 : i32 to index
      %swap3A_479 = arith.constant 96 : index
      %swap3A_480 = tpu.vector_load %arg5[%swap3A_478, %swap3A_479] {strides = array<i32>} : memref<16x128xf32, #tpu.memory_space<vmem>>, vector<16xf32>,
      tpu.vector_store %arg5[%swap3A_478, %swap3A_479], %broadcast_in_dim3A_5 {strides = array<i32>} : memref<16x128xf32, #tpu.memory_space<vmem>>, vector<16xf32>,
      %swap3A_481 = arith.constant 14 : i32
      %swap3A_482 = arith.index_cast %swap3A_481 : i32 to index
      %swap3A_483 = arith.constant 112 : index
      %swap3A_484 = tpu.vector_load %arg5[%swap3A_482, %swap3A_483] {strides = array<i32>} : memref<16x128xf32, #tpu.memory_space<vmem>>, vector<16xf32>,
      tpu.vector_store %arg5[%swap3A_482, %swap3A_483], %broadcast_in_dim3A_5 {strides = array<i32>} : memref<16x128xf32, #tpu.memory_space<vmem>>, vector<16xf32>,
      %swap3A_485 = arith.constant 15 : i32
      %swap3A_486 = arith.index_cast %swap3A_485 : i32 to index
      %swap3A_487 = arith.constant 0 : index
      %swap3A_488 = tpu.vector_load %arg5[%swap3A_486, %swap3A_487] {strides = array<i32>} : memref<16x128xf32, #tpu.memory_space<vmem>>, vector<16xf32>,
      tpu.vector_store %arg5[%swap3A_486, %swap3A_487], %broadcast_in_dim3A_5 {strides = array<i32>} : memref<16x128xf32, #tpu.memory_space<vmem>>, vector<16xf32>,
      %swap3A_489 = arith.constant 15 : i32
      %swap3A_490 = arith.index_cast %swap3A_489 : i32 to index
      %swap3A_491 = arith.constant 16 : index
      %swap3A_492 = tpu.vector_load %arg5[%swap3A_490, %swap3A_491] {strides = array<i32>} : memref<16x128xf32, #tpu.memory_space<vmem>>, vector<16xf32>,
      tpu.vector_store %arg5[%swap3A_490, %swap3A_491], %broadcast_in_dim3A_5 {strides = array<i32>} : memref<16x128xf32, #tpu.memory_space<vmem>>, vector<16xf32>,
      %swap3A_493 = arith.constant 15 : i32
      %swap3A_494 = arith.index_cast %swap3A_493 : i32 to index
      %swap3A_495 = arith.constant 32 : index
      %swap3A_496 = tpu.vector_load %arg5[%swap3A_494, %swap3A_495] {strides = array<i32>} : memref<16x128xf32, #tpu.memory_space<vmem>>, vector<16xf32>,
      tpu.vector_store %arg5[%swap3A_494, %swap3A_495], %broadcast_in_dim3A_5 {strides = array<i32>} : memref<16x128xf32, #tpu.memory_space<vmem>>, vector<16xf32>,
      %swap3A_497 = arith.constant 15 : i32
      %swap3A_498 = arith.index_cast %swap3A_497 : i32 to index
      %swap3A_499 = arith.constant 48 : index
      %swap3A_500 = tpu.vector_load %arg5[%swap3A_498, %swap3A_499] {strides = array<i32>} : memref<16x128xf32, #tpu.memory_space<vmem>>, vector<16xf32>,
      tpu.vector_store %arg5[%swap3A_498, %swap3A_499], %broadcast_in_dim3A_5 {strides = array<i32>} : memref<16x128xf32, #tpu.memory_space<vmem>>, vector<16xf32>,
      %swap3A_501 = arith.constant 15 : i32
      %swap3A_502 = arith.index_cast %swap3A_501 : i32 to index
      %swap3A_503 = arith.constant 64 : index
      %swap3A_504 = tpu.vector_load %arg5[%swap3A_502, %swap3A_503] {strides = array<i32>} : memref<16x128xf32, #tpu.memory_space<vmem>>, vector<16xf32>,
      tpu.vector_store %arg5[%swap3A_502, %swap3A_503], %broadcast_in_dim3A_5 {strides = array<i32>} : memref<16x128xf32, #tpu.memory_space<vmem>>, vector<16xf32>,
      %swap3A_505 = arith.constant 15 : i32
      %swap3A_506 = arith.index_cast %swap3A_505 : i32 to index
      %swap3A_507 = arith.constant 80 : index
      %swap3A_508 = tpu.vector_load %arg5[%swap3A_506, %swap3A_507] {strides = array<i32>} : memref<16x128xf32, #tpu.memory_space<vmem>>, vector<16xf32>,
      tpu.vector_store %arg5[%swap3A_506, %swap3A_507], %broadcast_in_dim3A_5 {strides = array<i32>} : memref<16x128xf32, #tpu.memory_space<vmem>>, vector<16xf32>,
      %swap3A_509 = arith.constant 15 : i32
      %swap3A_510 = arith.index_cast %swap3A_509 : i32 to index
      %swap3A_511 = arith.constant 96 : index
      %swap3A_512 = tpu.vector_load %arg5[%swap3A_510, %swap3A_511] {strides = array<i32>} : memref<16x128xf32, #tpu.memory_space<vmem>>, vector<16xf32>,
      tpu.vector_store %arg5[%swap3A_510, %swap3A_511], %broadcast_in_dim3A_5 {strides = array<i32>} : memref<16x128xf32, #tpu.memory_space<vmem>>, vector<16xf32>,
      %swap3A_513 = arith.constant 15 : i32
      %swap3A_514 = arith.index_cast %swap3A_513 : i32 to index
      %swap3A_515 = arith.constant 112 : index
      %swap3A_516 = tpu.vector_load %arg5[%swap3A_514, %swap3A_515] {strides = array<i32>} : memref<16x128xf32, #tpu.memory_space<vmem>>, vector<16xf32>,
      tpu.vector_store %arg5[%swap3A_514, %swap3A_515], %broadcast_in_dim3A_5 {strides = array<i32>} : memref<16x128xf32, #tpu.memory_space<vmem>>, vector<16xf32>,
      %scan3A = arith.constant 0 : i32
      %scan3A_517 = arith.constant 0 : i32
      %scan3A_518 = arith.constant 15 : i32
      %scan3A_519 = arith.addi %scan3A_517, %scan3A_518 : i32
      %scan3A_520 = arith.constant 1 : i32
      %scan3A_521 = scf.for %scan3A_523 = %scan3A_517 to %scan3A_519 step %scan3A_520 iter_args(%scan3A_524 = %scan3A) -> (i32)  : i32 {
        %broadcast_in_dim3A_525 = arith.constant -3.000000e+00 : f32
        %broadcast_in_dim3A_526 = vector.broadcast %broadcast_in_dim3A_525 : f32 to vector<16xf32>
        %broadcast_in_dim3A_527 = arith.constant -3.000000e+00 : f32
        %broadcast_in_dim3A_528 = vector.broadcast %broadcast_in_dim3A_527 : f32 to vector<16xf32>
        %broadcast_in_dim3A_529 = arith.constant -3.000000e+00 : f32
        %broadcast_in_dim3A_530 = vector.broadcast %broadcast_in_dim3A_529 : f32 to vector<16xf32>
        %broadcast_in_dim3A_531 = arith.constant -3.000000e+00 : f32
        %broadcast_in_dim3A_532 = vector.broadcast %broadcast_in_dim3A_531 : f32 to vector<16xf32>
        %broadcast_in_dim3A_533 = arith.constant 0 : i32
        %broadcast_in_dim3A_534 = vector.broadcast %broadcast_in_dim3A_533 : i32 to vector<16xi32>
        %broadcast_in_dim3A_535 = arith.constant 0 : i32
        %broadcast_in_dim3A_536 = vector.broadcast %broadcast_in_dim3A_535 : i32 to vector<16xi32>
        %broadcast_in_dim3A_537 = arith.constant 0 : i32
        %broadcast_in_dim3A_538 = vector.broadcast %broadcast_in_dim3A_537 : i32 to vector<16xi32>
        %broadcast_in_dim3A_539 = arith.constant 0 : i32
        %broadcast_in_dim3A_540 = vector.broadcast %broadcast_in_dim3A_539 : i32 to vector<16xi32>
        %get3A = arith.constant 0 : i32
        %get3A_541 = arith.index_cast %get3A : i32 to index
        %get3A_542 = arith.constant 0 : index
        %get3A_543 = tpu.vector_load %arg4[%get3A_541, %get3A_542] {strides = array<i32>} : memref<128x16xf32, #tpu.memory_space<vmem>>, vector<16xf32>,
        %gt3A = arith.cmpf ogt, %get3A_543, %broadcast_in_dim3A_526 : vector<16xf32>
        %select_n3A = arith.select %gt3A, %get3A_543, %broadcast_in_dim3A_526 : vector<16xi1>, vector<16xf32>
        %jit3A = arith.constant 0 : i32
        %broadcast_in_dim3A_544 = vector.broadcast %jit3A : i32 to vector<16xi32>
        %select_n3A_545 = arith.select %gt3A, %broadcast_in_dim3A_544, %broadcast_in_dim3A_534 : vector<16xi1>, vector<16xi32>
        %get3A_546 = arith.constant 1 : i32
        %get3A_547 = arith.index_cast %get3A_546 : i32 to index
        %get3A_548 = arith.constant 0 : index
        %get3A_549 = tpu.vector_load %arg4[%get3A_547, %get3A_548] {strides = array<i32>} : memref<128x16xf32, #tpu.memory_space<vmem>>, vector<16xf32>,
        %gt3A_550 = arith.cmpf ogt, %get3A_549, %broadcast_in_dim3A_528 : vector<16xf32>
        %select_n3A_551 = arith.select %gt3A_550, %get3A_549, %broadcast_in_dim3A_528 : vector<16xi1>, vector<16xf32>
        %jit3A_552 = arith.constant 1 : i32
        %broadcast_in_dim3A_553 = vector.broadcast %jit3A_552 : i32 to vector<16xi32>
        %select_n3A_554 = arith.select %gt3A_550, %broadcast_in_dim3A_553, %broadcast_in_dim3A_536 : vector<16xi1>, vector<16xi32>
        %get3A_555 = arith.constant 2 : i32
        %get3A_556 = arith.index_cast %get3A_555 : i32 to index
        %get3A_557 = arith.constant 0 : index
        %get3A_558 = tpu.vector_load %arg4[%get3A_556, %get3A_557] {strides = array<i32>} : memref<128x16xf32, #tpu.memory_space<vmem>>, vector<16xf32>,
        %gt3A_559 = arith.cmpf ogt, %get3A_558, %broadcast_in_dim3A_530 : vector<16xf32>
        %select_n3A_560 = arith.select %gt3A_559, %get3A_558, %broadcast_in_dim3A_530 : vector<16xi1>, vector<16xf32>
        %jit3A_561 = arith.constant 2 : i32
        %broadcast_in_dim3A_562 = vector.broadcast %jit3A_561 : i32 to vector<16xi32>
        %select_n3A_563 = arith.select %gt3A_559, %broadcast_in_dim3A_562, %broadcast_in_dim3A_538 : vector<16xi1>, vector<16xi32>
        %get3A_564 = arith.constant 3 : i32
        %get3A_565 = arith.index_cast %get3A_564 : i32 to index
        %get3A_566 = arith.constant 0 : index
        %get3A_567 = tpu.vector_load %arg4[%get3A_565, %get3A_566] {strides = array<i32>} : memref<128x16xf32, #tpu.memory_space<vmem>>, vector<16xf32>,
        %gt3A_568 = arith.cmpf ogt, %get3A_567, %broadcast_in_dim3A_532 : vector<16xf32>
        %select_n3A_569 = arith.select %gt3A_568, %get3A_567, %broadcast_in_dim3A_532 : vector<16xi1>, vector<16xf32>
        %jit3A_570 = arith.constant 3 : i32
        %broadcast_in_dim3A_571 = vector.broadcast %jit3A_570 : i32 to vector<16xi32>
        %select_n3A_572 = arith.select %gt3A_568, %broadcast_in_dim3A_571, %broadcast_in_dim3A_540 : vector<16xi1>, vector<16xi32>
        %get3A_573 = arith.constant 4 : i32
        %get3A_574 = arith.index_cast %get3A_573 : i32 to index
        %get3A_575 = arith.constant 0 : index
        %get3A_576 = tpu.vector_load %arg4[%get3A_574, %get3A_575] {strides = array<i32>} : memref<128x16xf32, #tpu.memory_space<vmem>>, vector<16xf32>,
        %gt3A_577 = arith.cmpf ogt, %get3A_576, %select_n3A : vector<16xf32>
        %select_n3A_578 = arith.select %gt3A_577, %get3A_576, %select_n3A : vector<16xi1>, vector<16xf32>
        %jit3A_579 = arith.constant 4 : i32
        %broadcast_in_dim3A_580 = vector.broadcast %jit3A_579 : i32 to vector<16xi32>
        %select_n3A_581 = arith.select %gt3A_577, %broadcast_in_dim3A_580, %select_n3A_545 : vector<16xi1>, vector<16xi32>
        %get3A_582 = arith.constant 5 : i32
        %get3A_583 = arith.index_cast %get3A_582 : i32 to index
        %get3A_584 = arith.constant 0 : index
        %get3A_585 = tpu.vector_load %arg4[%get3A_583, %get3A_584] {strides = array<i32>} : memref<128x16xf32, #tpu.memory_space<vmem>>, vector<16xf32>,
        %gt3A_586 = arith.cmpf ogt, %get3A_585, %select_n3A_551 : vector<16xf32>
        %select_n3A_587 = arith.select %gt3A_586, %get3A_585, %select_n3A_551 : vector<16xi1>, vector<16xf32>
        %jit3A_588 = arith.constant 5 : i32
        %broadcast_in_dim3A_589 = vector.broadcast %jit3A_588 : i32 to vector<16xi32>
        %select_n3A_590 = arith.select %gt3A_586, %broadcast_in_dim3A_589, %select_n3A_554 : vector<16xi1>, vector<16xi32>
        %get3A_591 = arith.constant 6 : i32
        %get3A_592 = arith.index_cast %get3A_591 : i32 to index
        %get3A_593 = arith.constant 0 : index
        %get3A_594 = tpu.vector_load %arg4[%get3A_592, %get3A_593] {strides = array<i32>} : memref<128x16xf32, #tpu.memory_space<vmem>>, vector<16xf32>,
        %gt3A_595 = arith.cmpf ogt, %get3A_594, %select_n3A_560 : vector<16xf32>
        %select_n3A_596 = arith.select %gt3A_595, %get3A_594, %select_n3A_560 : vector<16xi1>, vector<16xf32>
        %jit3A_597 = arith.constant 6 : i32
        %broadcast_in_dim3A_598 = vector.broadcast %jit3A_597 : i32 to vector<16xi32>
        %select_n3A_599 = arith.select %gt3A_595, %broadcast_in_dim3A_598, %select_n3A_563 : vector<16xi1>, vector<16xi32>
        %get3A_600 = arith.constant 7 : i32
        %get3A_601 = arith.index_cast %get3A_600 : i32 to index
        %get3A_602 = arith.constant 0 : index
        %get3A_603 = tpu.vector_load %arg4[%get3A_601, %get3A_602] {strides = array<i32>} : memref<128x16xf32, #tpu.memory_space<vmem>>, vector<16xf32>,
        %gt3A_604 = arith.cmpf ogt, %get3A_603, %select_n3A_569 : vector<16xf32>
        %select_n3A_605 = arith.select %gt3A_604, %get3A_603, %select_n3A_569 : vector<16xi1>, vector<16xf32>
        %jit3A_606 = arith.constant 7 : i32
        %broadcast_in_dim3A_607 = vector.broadcast %jit3A_606 : i32 to vector<16xi32>
        %select_n3A_608 = arith.select %gt3A_604, %broadcast_in_dim3A_607, %select_n3A_572 : vector<16xi1>, vector<16xi32>
        %get3A_609 = arith.constant 8 : i32
        %get3A_610 = arith.index_cast %get3A_609 : i32 to index
        %get3A_611 = arith.constant 0 : index
        %get3A_612 = tpu.vector_load %arg4[%get3A_610, %get3A_611] {strides = array<i32>} : memref<128x16xf32, #tpu.memory_space<vmem>>, vector<16xf32>,
        %gt3A_613 = arith.cmpf ogt, %get3A_612, %select_n3A_578 : vector<16xf32>
        %select_n3A_614 = arith.select %gt3A_613, %get3A_612, %select_n3A_578 : vector<16xi1>, vector<16xf32>
        %jit3A_615 = arith.constant 8 : i32
        %broadcast_in_dim3A_616 = vector.broadcast %jit3A_615 : i32 to vector<16xi32>
        %select_n3A_617 = arith.select %gt3A_613, %broadcast_in_dim3A_616, %select_n3A_581 : vector<16xi1>, vector<16xi32>
        %get3A_618 = arith.constant 9 : i32
        %get3A_619 = arith.index_cast %get3A_618 : i32 to index
        %get3A_620 = arith.constant 0 : index
        %get3A_621 = tpu.vector_load %arg4[%get3A_619, %get3A_620] {strides = array<i32>} : memref<128x16xf32, #tpu.memory_space<vmem>>, vector<16xf32>,
        %gt3A_622 = arith.cmpf ogt, %get3A_621, %select_n3A_587 : vector<16xf32>
        %select_n3A_623 = arith.select %gt3A_622, %get3A_621, %select_n3A_587 : vector<16xi1>, vector<16xf32>
        %jit3A_624 = arith.constant 9 : i32
        %broadcast_in_dim3A_625 = vector.broadcast %jit3A_624 : i32 to vector<16xi32>
        %select_n3A_626 = arith.select %gt3A_622, %broadcast_in_dim3A_625, %select_n3A_590 : vector<16xi1>, vector<16xi32>
        %get3A_627 = arith.constant 10 : i32
        %get3A_628 = arith.index_cast %get3A_627 : i32 to index
        %get3A_629 = arith.constant 0 : index
        %get3A_630 = tpu.vector_load %arg4[%get3A_628, %get3A_629] {strides = array<i32>} : memref<128x16xf32, #tpu.memory_space<vmem>>, vector<16xf32>,
        %gt3A_631 = arith.cmpf ogt, %get3A_630, %select_n3A_596 : vector<16xf32>
        %select_n3A_632 = arith.select %gt3A_631, %get3A_630, %select_n3A_596 : vector<16xi1>, vector<16xf32>
        %jit3A_633 = arith.constant 10 : i32
        %broadcast_in_dim3A_634 = vector.broadcast %jit3A_633 : i32 to vector<16xi32>
        %select_n3A_635 = arith.select %gt3A_631, %broadcast_in_dim3A_634, %select_n3A_599 : vector<16xi1>, vector<16xi32>
        %get3A_636 = arith.constant 11 : i32
        %get3A_637 = arith.index_cast %get3A_636 : i32 to index
        %get3A_638 = arith.constant 0 : index
        %get3A_639 = tpu.vector_load %arg4[%get3A_637, %get3A_638] {strides = array<i32>} : memref<128x16xf32, #tpu.memory_space<vmem>>, vector<16xf32>,
        %gt3A_640 = arith.cmpf ogt, %get3A_639, %select_n3A_605 : vector<16xf32>
        %select_n3A_641 = arith.select %gt3A_640, %get3A_639, %select_n3A_605 : vector<16xi1>, vector<16xf32>
        %jit3A_642 = arith.constant 11 : i32
        %broadcast_in_dim3A_643 = vector.broadcast %jit3A_642 : i32 to vector<16xi32>
        %select_n3A_644 = arith.select %gt3A_640, %broadcast_in_dim3A_643, %select_n3A_608 : vector<16xi1>, vector<16xi32>
        %get3A_645 = arith.constant 12 : i32
        %get3A_646 = arith.index_cast %get3A_645 : i32 to index
        %get3A_647 = arith.constant 0 : index
        %get3A_648 = tpu.vector_load %arg4[%get3A_646, %get3A_647] {strides = array<i32>} : memref<128x16xf32, #tpu.memory_space<vmem>>, vector<16xf32>,
        %gt3A_649 = arith.cmpf ogt, %get3A_648, %select_n3A_614 : vector<16xf32>
        %select_n3A_650 = arith.select %gt3A_649, %get3A_648, %select_n3A_614 : vector<16xi1>, vector<16xf32>
        %jit3A_651 = arith.constant 12 : i32
        %broadcast_in_dim3A_652 = vector.broadcast %jit3A_651 : i32 to vector<16xi32>
        %select_n3A_653 = arith.select %gt3A_649, %broadcast_in_dim3A_652, %select_n3A_617 : vector<16xi1>, vector<16xi32>
        %get3A_654 = arith.constant 13 : i32
        %get3A_655 = arith.index_cast %get3A_654 : i32 to index
        %get3A_656 = arith.constant 0 : index
        %get3A_657 = tpu.vector_load %arg4[%get3A_655, %get3A_656] {strides = array<i32>} : memref<128x16xf32, #tpu.memory_space<vmem>>, vector<16xf32>,
        %gt3A_658 = arith.cmpf ogt, %get3A_657, %select_n3A_623 : vector<16xf32>
        %select_n3A_659 = arith.select %gt3A_658, %get3A_657, %select_n3A_623 : vector<16xi1>, vector<16xf32>
        %jit3A_660 = arith.constant 13 : i32
        %broadcast_in_dim3A_661 = vector.broadcast %jit3A_660 : i32 to vector<16xi32>
        %select_n3A_662 = arith.select %gt3A_658, %broadcast_in_dim3A_661, %select_n3A_626 : vector<16xi1>, vector<16xi32>
        %get3A_663 = arith.constant 14 : i32
        %get3A_664 = arith.index_cast %get3A_663 : i32 to index
        %get3A_665 = arith.constant 0 : index
        %get3A_666 = tpu.vector_load %arg4[%get3A_664, %get3A_665] {strides = array<i32>} : memref<128x16xf32, #tpu.memory_space<vmem>>, vector<16xf32>,
        %gt3A_667 = arith.cmpf ogt, %get3A_666, %select_n3A_632 : vector<16xf32>
        %select_n3A_668 = arith.select %gt3A_667, %get3A_666, %select_n3A_632 : vector<16xi1>, vector<16xf32>
        %jit3A_669 = arith.constant 14 : i32
        %broadcast_in_dim3A_670 = vector.broadcast %jit3A_669 : i32 to vector<16xi32>
        %select_n3A_671 = arith.select %gt3A_667, %broadcast_in_dim3A_670, %select_n3A_635 : vector<16xi1>, vector<16xi32>
        %get3A_672 = arith.constant 15 : i32
        %get3A_673 = arith.index_cast %get3A_672 : i32 to index
        %get3A_674 = arith.constant 0 : index
        %get3A_675 = tpu.vector_load %arg4[%get3A_673, %get3A_674] {strides = array<i32>} : memref<128x16xf32, #tpu.memory_space<vmem>>, vector<16xf32>,
        %gt3A_676 = arith.cmpf ogt, %get3A_675, %select_n3A_641 : vector<16xf32>
        %select_n3A_677 = arith.select %gt3A_676, %get3A_675, %select_n3A_641 : vector<16xi1>, vector<16xf32>
        %jit3A_678 = arith.constant 15 : i32
        %broadcast_in_dim3A_679 = vector.broadcast %jit3A_678 : i32 to vector<16xi32>
        %select_n3A_680 = arith.select %gt3A_676, %broadcast_in_dim3A_679, %select_n3A_644 : vector<16xi1>, vector<16xi32>
        %get3A_681 = arith.constant 16 : i32
        %get3A_682 = arith.index_cast %get3A_681 : i32 to index
        %get3A_683 = arith.constant 0 : index
        %get3A_684 = tpu.vector_load %arg4[%get3A_682, %get3A_683] {strides = array<i32>} : memref<128x16xf32, #tpu.memory_space<vmem>>, vector<16xf32>,
        %gt3A_685 = arith.cmpf ogt, %get3A_684, %select_n3A_650 : vector<16xf32>
        %select_n3A_686 = arith.select %gt3A_685, %get3A_684, %select_n3A_650 : vector<16xi1>, vector<16xf32>
        %jit3A_687 = arith.constant 16 : i32
        %broadcast_in_dim3A_688 = vector.broadcast %jit3A_687 : i32 to vector<16xi32>
        %select_n3A_689 = arith.select %gt3A_685, %broadcast_in_dim3A_688, %select_n3A_653 : vector<16xi1>, vector<16xi32>
        %get3A_690 = arith.constant 17 : i32
        %get3A_691 = arith.index_cast %get3A_690 : i32 to index
        %get3A_692 = arith.constant 0 : index
        %get3A_693 = tpu.vector_load %arg4[%get3A_691, %get3A_692] {strides = array<i32>} : memref<128x16xf32, #tpu.memory_space<vmem>>, vector<16xf32>,
        %gt3A_694 = arith.cmpf ogt, %get3A_693, %select_n3A_659 : vector<16xf32>
        %select_n3A_695 = arith.select %gt3A_694, %get3A_693, %select_n3A_659 : vector<16xi1>, vector<16xf32>
        %jit3A_696 = arith.constant 17 : i32
        %broadcast_in_dim3A_697 = vector.broadcast %jit3A_696 : i32 to vector<16xi32>
        %select_n3A_698 = arith.select %gt3A_694, %broadcast_in_dim3A_697, %select_n3A_662 : vector<16xi1>, vector<16xi32>
        %get3A_699 = arith.constant 18 : i32
        %get3A_700 = arith.index_cast %get3A_699 : i32 to index
        %get3A_701 = arith.constant 0 : index
        %get3A_702 = tpu.vector_load %arg4[%get3A_700, %get3A_701] {strides = array<i32>} : memref<128x16xf32, #tpu.memory_space<vmem>>, vector<16xf32>,
        %gt3A_703 = arith.cmpf ogt, %get3A_702, %select_n3A_668 : vector<16xf32>
        %select_n3A_704 = arith.select %gt3A_703, %get3A_702, %select_n3A_668 : vector<16xi1>, vector<16xf32>
        %jit3A_705 = arith.constant 18 : i32
        %broadcast_in_dim3A_706 = vector.broadcast %jit3A_705 : i32 to vector<16xi32>
        %select_n3A_707 = arith.select %gt3A_703, %broadcast_in_dim3A_706, %select_n3A_671 : vector<16xi1>, vector<16xi32>
        %get3A_708 = arith.constant 19 : i32
        %get3A_709 = arith.index_cast %get3A_708 : i32 to index
        %get3A_710 = arith.constant 0 : index
        %get3A_711 = tpu.vector_load %arg4[%get3A_709, %get3A_710] {strides = array<i32>} : memref<128x16xf32, #tpu.memory_space<vmem>>, vector<16xf32>,
        %gt3A_712 = arith.cmpf ogt, %get3A_711, %select_n3A_677 : vector<16xf32>
        %select_n3A_713 = arith.select %gt3A_712, %get3A_711, %select_n3A_677 : vector<16xi1>, vector<16xf32>
        %jit3A_714 = arith.constant 19 : i32
        %broadcast_in_dim3A_715 = vector.broadcast %jit3A_714 : i32 to vector<16xi32>
        %select_n3A_716 = arith.select %gt3A_712, %broadcast_in_dim3A_715, %select_n3A_680 : vector<16xi1>, vector<16xi32>
        %get3A_717 = arith.constant 20 : i32
        %get3A_718 = arith.index_cast %get3A_717 : i32 to index
        %get3A_719 = arith.constant 0 : index
        %get3A_720 = tpu.vector_load %arg4[%get3A_718, %get3A_719] {strides = array<i32>} : memref<128x16xf32, #tpu.memory_space<vmem>>, vector<16xf32>,
        %gt3A_721 = arith.cmpf ogt, %get3A_720, %select_n3A_686 : vector<16xf32>
        %select_n3A_722 = arith.select %gt3A_721, %get3A_720, %select_n3A_686 : vector<16xi1>, vector<16xf32>
        %jit3A_723 = arith.constant 20 : i32
        %broadcast_in_dim3A_724 = vector.broadcast %jit3A_723 : i32 to vector<16xi32>
        %select_n3A_725 = arith.select %gt3A_721, %broadcast_in_dim3A_724, %select_n3A_689 : vector<16xi1>, vector<16xi32>
        %get3A_726 = arith.constant 21 : i32
        %get3A_727 = arith.index_cast %get3A_726 : i32 to index
        %get3A_728 = arith.constant 0 : index
        %get3A_729 = tpu.vector_load %arg4[%get3A_727, %get3A_728] {strides = array<i32>} : memref<128x16xf32, #tpu.memory_space<vmem>>, vector<16xf32>,
        %gt3A_730 = arith.cmpf ogt, %get3A_729, %select_n3A_695 : vector<16xf32>
        %select_n3A_731 = arith.select %gt3A_730, %get3A_729, %select_n3A_695 : vector<16xi1>, vector<16xf32>
        %jit3A_732 = arith.constant 21 : i32
        %broadcast_in_dim3A_733 = vector.broadcast %jit3A_732 : i32 to vector<16xi32>
        %select_n3A_734 = arith.select %gt3A_730, %broadcast_in_dim3A_733, %select_n3A_698 : vector<16xi1>, vector<16xi32>
        %get3A_735 = arith.constant 22 : i32
        %get3A_736 = arith.index_cast %get3A_735 : i32 to index
        %get3A_737 = arith.constant 0 : index
        %get3A_738 = tpu.vector_load %arg4[%get3A_736, %get3A_737] {strides = array<i32>} : memref<128x16xf32, #tpu.memory_space<vmem>>, vector<16xf32>,
        %gt3A_739 = arith.cmpf ogt, %get3A_738, %select_n3A_704 : vector<16xf32>
        %select_n3A_740 = arith.select %gt3A_739, %get3A_738, %select_n3A_704 : vector<16xi1>, vector<16xf32>
        %jit3A_741 = arith.constant 22 : i32
        %broadcast_in_dim3A_742 = vector.broadcast %jit3A_741 : i32 to vector<16xi32>
        %select_n3A_743 = arith.select %gt3A_739, %broadcast_in_dim3A_742, %select_n3A_707 : vector<16xi1>, vector<16xi32>
        %get3A_744 = arith.constant 23 : i32
        %get3A_745 = arith.index_cast %get3A_744 : i32 to index
        %get3A_746 = arith.constant 0 : index
        %get3A_747 = tpu.vector_load %arg4[%get3A_745, %get3A_746] {strides = array<i32>} : memref<128x16xf32, #tpu.memory_space<vmem>>, vector<16xf32>,
        %gt3A_748 = arith.cmpf ogt, %get3A_747, %select_n3A_713 : vector<16xf32>
        %select_n3A_749 = arith.select %gt3A_748, %get3A_747, %select_n3A_713 : vector<16xi1>, vector<16xf32>
        %jit3A_750 = arith.constant 23 : i32
        %broadcast_in_dim3A_751 = vector.broadcast %jit3A_750 : i32 to vector<16xi32>
        %select_n3A_752 = arith.select %gt3A_748, %broadcast_in_dim3A_751, %select_n3A_716 : vector<16xi1>, vector<16xi32>
        %get3A_753 = arith.constant 24 : i32
        %get3A_754 = arith.index_cast %get3A_753 : i32 to index
        %get3A_755 = arith.constant 0 : index
        %get3A_756 = tpu.vector_load %arg4[%get3A_754, %get3A_755] {strides = array<i32>} : memref<128x16xf32, #tpu.memory_space<vmem>>, vector<16xf32>,
        %gt3A_757 = arith.cmpf ogt, %get3A_756, %select_n3A_722 : vector<16xf32>
        %select_n3A_758 = arith.select %gt3A_757, %get3A_756, %select_n3A_722 : vector<16xi1>, vector<16xf32>
        %jit3A_759 = arith.constant 24 : i32
        %broadcast_in_dim3A_760 = vector.broadcast %jit3A_759 : i32 to vector<16xi32>
        %select_n3A_761 = arith.select %gt3A_757, %broadcast_in_dim3A_760, %select_n3A_725 : vector<16xi1>, vector<16xi32>
        %get3A_762 = arith.constant 25 : i32
        %get3A_763 = arith.index_cast %get3A_762 : i32 to index
        %get3A_764 = arith.constant 0 : index
        %get3A_765 = tpu.vector_load %arg4[%get3A_763, %get3A_764] {strides = array<i32>} : memref<128x16xf32, #tpu.memory_space<vmem>>, vector<16xf32>,
        %gt3A_766 = arith.cmpf ogt, %get3A_765, %select_n3A_731 : vector<16xf32>
        %select_n3A_767 = arith.select %gt3A_766, %get3A_765, %select_n3A_731 : vector<16xi1>, vector<16xf32>
        %jit3A_768 = arith.constant 25 : i32
        %broadcast_in_dim3A_769 = vector.broadcast %jit3A_768 : i32 to vector<16xi32>
        %select_n3A_770 = arith.select %gt3A_766, %broadcast_in_dim3A_769, %select_n3A_734 : vector<16xi1>, vector<16xi32>
        %get3A_771 = arith.constant 26 : i32
        %get3A_772 = arith.index_cast %get3A_771 : i32 to index
        %get3A_773 = arith.constant 0 : index
        %get3A_774 = tpu.vector_load %arg4[%get3A_772, %get3A_773] {strides = array<i32>} : memref<128x16xf32, #tpu.memory_space<vmem>>, vector<16xf32>,
        %gt3A_775 = arith.cmpf ogt, %get3A_774, %select_n3A_740 : vector<16xf32>
        %select_n3A_776 = arith.select %gt3A_775, %get3A_774, %select_n3A_740 : vector<16xi1>, vector<16xf32>
        %jit3A_777 = arith.constant 26 : i32
        %broadcast_in_dim3A_778 = vector.broadcast %jit3A_777 : i32 to vector<16xi32>
        %select_n3A_779 = arith.select %gt3A_775, %broadcast_in_dim3A_778, %select_n3A_743 : vector<16xi1>, vector<16xi32>
        %get3A_780 = arith.constant 27 : i32
        %get3A_781 = arith.index_cast %get3A_780 : i32 to index
        %get3A_782 = arith.constant 0 : index
        %get3A_783 = tpu.vector_load %arg4[%get3A_781, %get3A_782] {strides = array<i32>} : memref<128x16xf32, #tpu.memory_space<vmem>>, vector<16xf32>,
        %gt3A_784 = arith.cmpf ogt, %get3A_783, %select_n3A_749 : vector<16xf32>
        %select_n3A_785 = arith.select %gt3A_784, %get3A_783, %select_n3A_749 : vector<16xi1>, vector<16xf32>
        %jit3A_786 = arith.constant 27 : i32
        %broadcast_in_dim3A_787 = vector.broadcast %jit3A_786 : i32 to vector<16xi32>
        %select_n3A_788 = arith.select %gt3A_784, %broadcast_in_dim3A_787, %select_n3A_752 : vector<16xi1>, vector<16xi32>
        %get3A_789 = arith.constant 28 : i32
        %get3A_790 = arith.index_cast %get3A_789 : i32 to index
        %get3A_791 = arith.constant 0 : index
        %get3A_792 = tpu.vector_load %arg4[%get3A_790, %get3A_791] {strides = array<i32>} : memref<128x16xf32, #tpu.memory_space<vmem>>, vector<16xf32>,
        %gt3A_793 = arith.cmpf ogt, %get3A_792, %select_n3A_758 : vector<16xf32>
        %select_n3A_794 = arith.select %gt3A_793, %get3A_792, %select_n3A_758 : vector<16xi1>, vector<16xf32>
        %jit3A_795 = arith.constant 28 : i32
        %broadcast_in_dim3A_796 = vector.broadcast %jit3A_795 : i32 to vector<16xi32>
        %select_n3A_797 = arith.select %gt3A_793, %broadcast_in_dim3A_796, %select_n3A_761 : vector<16xi1>, vector<16xi32>
        %get3A_798 = arith.constant 29 : i32
        %get3A_799 = arith.index_cast %get3A_798 : i32 to index
        %get3A_800 = arith.constant 0 : index
        %get3A_801 = tpu.vector_load %arg4[%get3A_799, %get3A_800] {strides = array<i32>} : memref<128x16xf32, #tpu.memory_space<vmem>>, vector<16xf32>,
        %gt3A_802 = arith.cmpf ogt, %get3A_801, %select_n3A_767 : vector<16xf32>
        %select_n3A_803 = arith.select %gt3A_802, %get3A_801, %select_n3A_767 : vector<16xi1>, vector<16xf32>
        %jit3A_804 = arith.constant 29 : i32
        %broadcast_in_dim3A_805 = vector.broadcast %jit3A_804 : i32 to vector<16xi32>
        %select_n3A_806 = arith.select %gt3A_802, %broadcast_in_dim3A_805, %select_n3A_770 : vector<16xi1>, vector<16xi32>
        %get3A_807 = arith.constant 30 : i32
        %get3A_808 = arith.index_cast %get3A_807 : i32 to index
        %get3A_809 = arith.constant 0 : index
        %get3A_810 = tpu.vector_load %arg4[%get3A_808, %get3A_809] {strides = array<i32>} : memref<128x16xf32, #tpu.memory_space<vmem>>, vector<16xf32>,
        %gt3A_811 = arith.cmpf ogt, %get3A_810, %select_n3A_776 : vector<16xf32>
        %select_n3A_812 = arith.select %gt3A_811, %get3A_810, %select_n3A_776 : vector<16xi1>, vector<16xf32>
        %jit3A_813 = arith.constant 30 : i32
        %broadcast_in_dim3A_814 = vector.broadcast %jit3A_813 : i32 to vector<16xi32>
        %select_n3A_815 = arith.select %gt3A_811, %broadcast_in_dim3A_814, %select_n3A_779 : vector<16xi1>, vector<16xi32>
        %get3A_816 = arith.constant 31 : i32
        %get3A_817 = arith.index_cast %get3A_816 : i32 to index
        %get3A_818 = arith.constant 0 : index
        %get3A_819 = tpu.vector_load %arg4[%get3A_817, %get3A_818] {strides = array<i32>} : memref<128x16xf32, #tpu.memory_space<vmem>>, vector<16xf32>,
        %gt3A_820 = arith.cmpf ogt, %get3A_819, %select_n3A_785 : vector<16xf32>
        %select_n3A_821 = arith.select %gt3A_820, %get3A_819, %select_n3A_785 : vector<16xi1>, vector<16xf32>
        %jit3A_822 = arith.constant 31 : i32
        %broadcast_in_dim3A_823 = vector.broadcast %jit3A_822 : i32 to vector<16xi32>
        %select_n3A_824 = arith.select %gt3A_820, %broadcast_in_dim3A_823, %select_n3A_788 : vector<16xi1>, vector<16xi32>
        %get3A_825 = arith.constant 32 : i32
        %get3A_826 = arith.index_cast %get3A_825 : i32 to index
        %get3A_827 = arith.constant 0 : index
        %get3A_828 = tpu.vector_load %arg4[%get3A_826, %get3A_827] {strides = array<i32>} : memref<128x16xf32, #tpu.memory_space<vmem>>, vector<16xf32>,
        %gt3A_829 = arith.cmpf ogt, %get3A_828, %select_n3A_794 : vector<16xf32>
        %select_n3A_830 = arith.select %gt3A_829, %get3A_828, %select_n3A_794 : vector<16xi1>, vector<16xf32>
        %jit3A_831 = arith.constant 32 : i32
        %broadcast_in_dim3A_832 = vector.broadcast %jit3A_831 : i32 to vector<16xi32>
        %select_n3A_833 = arith.select %gt3A_829, %broadcast_in_dim3A_832, %select_n3A_797 : vector<16xi1>, vector<16xi32>
        %get3A_834 = arith.constant 33 : i32
        %get3A_835 = arith.index_cast %get3A_834 : i32 to index
        %get3A_836 = arith.constant 0 : index
        %get3A_837 = tpu.vector_load %arg4[%get3A_835, %get3A_836] {strides = array<i32>} : memref<128x16xf32, #tpu.memory_space<vmem>>, vector<16xf32>,
        %gt3A_838 = arith.cmpf ogt, %get3A_837, %select_n3A_803 : vector<16xf32>
        %select_n3A_839 = arith.select %gt3A_838, %get3A_837, %select_n3A_803 : vector<16xi1>, vector<16xf32>
        %jit3A_840 = arith.constant 33 : i32
        %broadcast_in_dim3A_841 = vector.broadcast %jit3A_840 : i32 to vector<16xi32>
        %select_n3A_842 = arith.select %gt3A_838, %broadcast_in_dim3A_841, %select_n3A_806 : vector<16xi1>, vector<16xi32>
        %get3A_843 = arith.constant 34 : i32
        %get3A_844 = arith.index_cast %get3A_843 : i32 to index
        %get3A_845 = arith.constant 0 : index
        %get3A_846 = tpu.vector_load %arg4[%get3A_844, %get3A_845] {strides = array<i32>} : memref<128x16xf32, #tpu.memory_space<vmem>>, vector<16xf32>,
        %gt3A_847 = arith.cmpf ogt, %get3A_846, %select_n3A_812 : vector<16xf32>
        %select_n3A_848 = arith.select %gt3A_847, %get3A_846, %select_n3A_812 : vector<16xi1>, vector<16xf32>
        %jit3A_849 = arith.constant 34 : i32
        %broadcast_in_dim3A_850 = vector.broadcast %jit3A_849 : i32 to vector<16xi32>
        %select_n3A_851 = arith.select %gt3A_847, %broadcast_in_dim3A_850, %select_n3A_815 : vector<16xi1>, vector<16xi32>
        %get3A_852 = arith.constant 35 : i32
        %get3A_853 = arith.index_cast %get3A_852 : i32 to index
        %get3A_854 = arith.constant 0 : index
        %get3A_855 = tpu.vector_load %arg4[%get3A_853, %get3A_854] {strides = array<i32>} : memref<128x16xf32, #tpu.memory_space<vmem>>, vector<16xf32>,
        %gt3A_856 = arith.cmpf ogt, %get3A_855, %select_n3A_821 : vector<16xf32>
        %select_n3A_857 = arith.select %gt3A_856, %get3A_855, %select_n3A_821 : vector<16xi1>, vector<16xf32>
        %jit3A_858 = arith.constant 35 : i32
        %broadcast_in_dim3A_859 = vector.broadcast %jit3A_858 : i32 to vector<16xi32>
        %select_n3A_860 = arith.select %gt3A_856, %broadcast_in_dim3A_859, %select_n3A_824 : vector<16xi1>, vector<16xi32>
        %get3A_861 = arith.constant 36 : i32
        %get3A_862 = arith.index_cast %get3A_861 : i32 to index
        %get3A_863 = arith.constant 0 : index
        %get3A_864 = tpu.vector_load %arg4[%get3A_862, %get3A_863] {strides = array<i32>} : memref<128x16xf32, #tpu.memory_space<vmem>>, vector<16xf32>,
        %gt3A_865 = arith.cmpf ogt, %get3A_864, %select_n3A_830 : vector<16xf32>
        %select_n3A_866 = arith.select %gt3A_865, %get3A_864, %select_n3A_830 : vector<16xi1>, vector<16xf32>
        %jit3A_867 = arith.constant 36 : i32
        %broadcast_in_dim3A_868 = vector.broadcast %jit3A_867 : i32 to vector<16xi32>
        %select_n3A_869 = arith.select %gt3A_865, %broadcast_in_dim3A_868, %select_n3A_833 : vector<16xi1>, vector<16xi32>
        %get3A_870 = arith.constant 37 : i32
        %get3A_871 = arith.index_cast %get3A_870 : i32 to index
        %get3A_872 = arith.constant 0 : index
        %get3A_873 = tpu.vector_load %arg4[%get3A_871, %get3A_872] {strides = array<i32>} : memref<128x16xf32, #tpu.memory_space<vmem>>, vector<16xf32>,
        %gt3A_874 = arith.cmpf ogt, %get3A_873, %select_n3A_839 : vector<16xf32>
        %select_n3A_875 = arith.select %gt3A_874, %get3A_873, %select_n3A_839 : vector<16xi1>, vector<16xf32>
        %jit3A_876 = arith.constant 37 : i32
        %broadcast_in_dim3A_877 = vector.broadcast %jit3A_876 : i32 to vector<16xi32>
        %select_n3A_878 = arith.select %gt3A_874, %broadcast_in_dim3A_877, %select_n3A_842 : vector<16xi1>, vector<16xi32>
        %get3A_879 = arith.constant 38 : i32
        %get3A_880 = arith.index_cast %get3A_879 : i32 to index
        %get3A_881 = arith.constant 0 : index
        %get3A_882 = tpu.vector_load %arg4[%get3A_880, %get3A_881] {strides = array<i32>} : memref<128x16xf32, #tpu.memory_space<vmem>>, vector<16xf32>,
        %gt3A_883 = arith.cmpf ogt, %get3A_882, %select_n3A_848 : vector<16xf32>
        %select_n3A_884 = arith.select %gt3A_883, %get3A_882, %select_n3A_848 : vector<16xi1>, vector<16xf32>
        %jit3A_885 = arith.constant 38 : i32
        %broadcast_in_dim3A_886 = vector.broadcast %jit3A_885 : i32 to vector<16xi32>
        %select_n3A_887 = arith.select %gt3A_883, %broadcast_in_dim3A_886, %select_n3A_851 : vector<16xi1>, vector<16xi32>
        %get3A_888 = arith.constant 39 : i32
        %get3A_889 = arith.index_cast %get3A_888 : i32 to index
        %get3A_890 = arith.constant 0 : index
        %get3A_891 = tpu.vector_load %arg4[%get3A_889, %get3A_890] {strides = array<i32>} : memref<128x16xf32, #tpu.memory_space<vmem>>, vector<16xf32>,
        %gt3A_892 = arith.cmpf ogt, %get3A_891, %select_n3A_857 : vector<16xf32>
        %select_n3A_893 = arith.select %gt3A_892, %get3A_891, %select_n3A_857 : vector<16xi1>, vector<16xf32>
        %jit3A_894 = arith.constant 39 : i32
        %broadcast_in_dim3A_895 = vector.broadcast %jit3A_894 : i32 to vector<16xi32>
        %select_n3A_896 = arith.select %gt3A_892, %broadcast_in_dim3A_895, %select_n3A_860 : vector<16xi1>, vector<16xi32>
        %get3A_897 = arith.constant 40 : i32
        %get3A_898 = arith.index_cast %get3A_897 : i32 to index
        %get3A_899 = arith.constant 0 : index
        %get3A_900 = tpu.vector_load %arg4[%get3A_898, %get3A_899] {strides = array<i32>} : memref<128x16xf32, #tpu.memory_space<vmem>>, vector<16xf32>,
        %gt3A_901 = arith.cmpf ogt, %get3A_900, %select_n3A_866 : vector<16xf32>
        %select_n3A_902 = arith.select %gt3A_901, %get3A_900, %select_n3A_866 : vector<16xi1>, vector<16xf32>
        %jit3A_903 = arith.constant 40 : i32
        %broadcast_in_dim3A_904 = vector.broadcast %jit3A_903 : i32 to vector<16xi32>
        %select_n3A_905 = arith.select %gt3A_901, %broadcast_in_dim3A_904, %select_n3A_869 : vector<16xi1>, vector<16xi32>
        %get3A_906 = arith.constant 41 : i32
        %get3A_907 = arith.index_cast %get3A_906 : i32 to index
        %get3A_908 = arith.constant 0 : index
        %get3A_909 = tpu.vector_load %arg4[%get3A_907, %get3A_908] {strides = array<i32>} : memref<128x16xf32, #tpu.memory_space<vmem>>, vector<16xf32>,
        %gt3A_910 = arith.cmpf ogt, %get3A_909, %select_n3A_875 : vector<16xf32>
        %select_n3A_911 = arith.select %gt3A_910, %get3A_909, %select_n3A_875 : vector<16xi1>, vector<16xf32>
        %jit3A_912 = arith.constant 41 : i32
        %broadcast_in_dim3A_913 = vector.broadcast %jit3A_912 : i32 to vector<16xi32>
        %select_n3A_914 = arith.select %gt3A_910, %broadcast_in_dim3A_913, %select_n3A_878 : vector<16xi1>, vector<16xi32>
        %get3A_915 = arith.constant 42 : i32
        %get3A_916 = arith.index_cast %get3A_915 : i32 to index
        %get3A_917 = arith.constant 0 : index
        %get3A_918 = tpu.vector_load %arg4[%get3A_916, %get3A_917] {strides = array<i32>} : memref<128x16xf32, #tpu.memory_space<vmem>>, vector<16xf32>,
        %gt3A_919 = arith.cmpf ogt, %get3A_918, %select_n3A_884 : vector<16xf32>
        %select_n3A_920 = arith.select %gt3A_919, %get3A_918, %select_n3A_884 : vector<16xi1>, vector<16xf32>
        %jit3A_921 = arith.constant 42 : i32
        %broadcast_in_dim3A_922 = vector.broadcast %jit3A_921 : i32 to vector<16xi32>
        %select_n3A_923 = arith.select %gt3A_919, %broadcast_in_dim3A_922, %select_n3A_887 : vector<16xi1>, vector<16xi32>
        %get3A_924 = arith.constant 43 : i32
        %get3A_925 = arith.index_cast %get3A_924 : i32 to index
        %get3A_926 = arith.constant 0 : index
        %get3A_927 = tpu.vector_load %arg4[%get3A_925, %get3A_926] {strides = array<i32>} : memref<128x16xf32, #tpu.memory_space<vmem>>, vector<16xf32>,
        %gt3A_928 = arith.cmpf ogt, %get3A_927, %select_n3A_893 : vector<16xf32>
        %select_n3A_929 = arith.select %gt3A_928, %get3A_927, %select_n3A_893 : vector<16xi1>, vector<16xf32>
        %jit3A_930 = arith.constant 43 : i32
        %broadcast_in_dim3A_931 = vector.broadcast %jit3A_930 : i32 to vector<16xi32>
        %select_n3A_932 = arith.select %gt3A_928, %broadcast_in_dim3A_931, %select_n3A_896 : vector<16xi1>, vector<16xi32>
        %get3A_933 = arith.constant 44 : i32
        %get3A_934 = arith.index_cast %get3A_933 : i32 to index
        %get3A_935 = arith.constant 0 : index
        %get3A_936 = tpu.vector_load %arg4[%get3A_934, %get3A_935] {strides = array<i32>} : memref<128x16xf32, #tpu.memory_space<vmem>>, vector<16xf32>,
        %gt3A_937 = arith.cmpf ogt, %get3A_936, %select_n3A_902 : vector<16xf32>
        %select_n3A_938 = arith.select %gt3A_937, %get3A_936, %select_n3A_902 : vector<16xi1>, vector<16xf32>
        %jit3A_939 = arith.constant 44 : i32
        %broadcast_in_dim3A_940 = vector.broadcast %jit3A_939 : i32 to vector<16xi32>
        %select_n3A_941 = arith.select %gt3A_937, %broadcast_in_dim3A_940, %select_n3A_905 : vector<16xi1>, vector<16xi32>
        %get3A_942 = arith.constant 45 : i32
        %get3A_943 = arith.index_cast %get3A_942 : i32 to index
        %get3A_944 = arith.constant 0 : index
        %get3A_945 = tpu.vector_load %arg4[%get3A_943, %get3A_944] {strides = array<i32>} : memref<128x16xf32, #tpu.memory_space<vmem>>, vector<16xf32>,
        %gt3A_946 = arith.cmpf ogt, %get3A_945, %select_n3A_911 : vector<16xf32>
        %select_n3A_947 = arith.select %gt3A_946, %get3A_945, %select_n3A_911 : vector<16xi1>, vector<16xf32>
        %jit3A_948 = arith.constant 45 : i32
        %broadcast_in_dim3A_949 = vector.broadcast %jit3A_948 : i32 to vector<16xi32>
        %select_n3A_950 = arith.select %gt3A_946, %broadcast_in_dim3A_949, %select_n3A_914 : vector<16xi1>, vector<16xi32>
        %get3A_951 = arith.constant 46 : i32
        %get3A_952 = arith.index_cast %get3A_951 : i32 to index
        %get3A_953 = arith.constant 0 : index
        %get3A_954 = tpu.vector_load %arg4[%get3A_952, %get3A_953] {strides = array<i32>} : memref<128x16xf32, #tpu.memory_space<vmem>>, vector<16xf32>,
        %gt3A_955 = arith.cmpf ogt, %get3A_954, %select_n3A_920 : vector<16xf32>
        %select_n3A_956 = arith.select %gt3A_955, %get3A_954, %select_n3A_920 : vector<16xi1>, vector<16xf32>
        %jit3A_957 = arith.constant 46 : i32
        %broadcast_in_dim3A_958 = vector.broadcast %jit3A_957 : i32 to vector<16xi32>
        %select_n3A_959 = arith.select %gt3A_955, %broadcast_in_dim3A_958, %select_n3A_923 : vector<16xi1>, vector<16xi32>
        %get3A_960 = arith.constant 47 : i32
        %get3A_961 = arith.index_cast %get3A_960 : i32 to index
        %get3A_962 = arith.constant 0 : index
        %get3A_963 = tpu.vector_load %arg4[%get3A_961, %get3A_962] {strides = array<i32>} : memref<128x16xf32, #tpu.memory_space<vmem>>, vector<16xf32>,
        %gt3A_964 = arith.cmpf ogt, %get3A_963, %select_n3A_929 : vector<16xf32>
        %select_n3A_965 = arith.select %gt3A_964, %get3A_963, %select_n3A_929 : vector<16xi1>, vector<16xf32>
        %jit3A_966 = arith.constant 47 : i32
        %broadcast_in_dim3A_967 = vector.broadcast %jit3A_966 : i32 to vector<16xi32>
        %select_n3A_968 = arith.select %gt3A_964, %broadcast_in_dim3A_967, %select_n3A_932 : vector<16xi1>, vector<16xi32>
        %get3A_969 = arith.constant 48 : i32
        %get3A_970 = arith.index_cast %get3A_969 : i32 to index
        %get3A_971 = arith.constant 0 : index
        %get3A_972 = tpu.vector_load %arg4[%get3A_970, %get3A_971] {strides = array<i32>} : memref<128x16xf32, #tpu.memory_space<vmem>>, vector<16xf32>,
        %gt3A_973 = arith.cmpf ogt, %get3A_972, %select_n3A_938 : vector<16xf32>
        %select_n3A_974 = arith.select %gt3A_973, %get3A_972, %select_n3A_938 : vector<16xi1>, vector<16xf32>
        %jit3A_975 = arith.constant 48 : i32
        %broadcast_in_dim3A_976 = vector.broadcast %jit3A_975 : i32 to vector<16xi32>
        %select_n3A_977 = arith.select %gt3A_973, %broadcast_in_dim3A_976, %select_n3A_941 : vector<16xi1>, vector<16xi32>
        %get3A_978 = arith.constant 49 : i32
        %get3A_979 = arith.index_cast %get3A_978 : i32 to index
        %get3A_980 = arith.constant 0 : index
        %get3A_981 = tpu.vector_load %arg4[%get3A_979, %get3A_980] {strides = array<i32>} : memref<128x16xf32, #tpu.memory_space<vmem>>, vector<16xf32>,
        %gt3A_982 = arith.cmpf ogt, %get3A_981, %select_n3A_947 : vector<16xf32>
        %select_n3A_983 = arith.select %gt3A_982, %get3A_981, %select_n3A_947 : vector<16xi1>, vector<16xf32>
        %jit3A_984 = arith.constant 49 : i32
        %broadcast_in_dim3A_985 = vector.broadcast %jit3A_984 : i32 to vector<16xi32>
        %select_n3A_986 = arith.select %gt3A_982, %broadcast_in_dim3A_985, %select_n3A_950 : vector<16xi1>, vector<16xi32>
        %get3A_987 = arith.constant 50 : i32
        %get3A_988 = arith.index_cast %get3A_987 : i32 to index
        %get3A_989 = arith.constant 0 : index
        %get3A_990 = tpu.vector_load %arg4[%get3A_988, %get3A_989] {strides = array<i32>} : memref<128x16xf32, #tpu.memory_space<vmem>>, vector<16xf32>,
        %gt3A_991 = arith.cmpf ogt, %get3A_990, %select_n3A_956 : vector<16xf32>
        %select_n3A_992 = arith.select %gt3A_991, %get3A_990, %select_n3A_956 : vector<16xi1>, vector<16xf32>
        %jit3A_993 = arith.constant 50 : i32
        %broadcast_in_dim3A_994 = vector.broadcast %jit3A_993 : i32 to vector<16xi32>
        %select_n3A_995 = arith.select %gt3A_991, %broadcast_in_dim3A_994, %select_n3A_959 : vector<16xi1>, vector<16xi32>
        %get3A_996 = arith.constant 51 : i32
        %get3A_997 = arith.index_cast %get3A_996 : i32 to index
        %get3A_998 = arith.constant 0 : index
        %get3A_999 = tpu.vector_load %arg4[%get3A_997, %get3A_998] {strides = array<i32>} : memref<128x16xf32, #tpu.memory_space<vmem>>, vector<16xf32>,
        %gt3A_1000 = arith.cmpf ogt, %get3A_999, %select_n3A_965 : vector<16xf32>
        %select_n3A_1001 = arith.select %gt3A_1000, %get3A_999, %select_n3A_965 : vector<16xi1>, vector<16xf32>
        %jit3A_1002 = arith.constant 51 : i32
        %broadcast_in_dim3A_1003 = vector.broadcast %jit3A_1002 : i32 to vector<16xi32>
        %select_n3A_1004 = arith.select %gt3A_1000, %broadcast_in_dim3A_1003, %select_n3A_968 : vector<16xi1>, vector<16xi32>
        %get3A_1005 = arith.constant 52 : i32
        %get3A_1006 = arith.index_cast %get3A_1005 : i32 to index
        %get3A_1007 = arith.constant 0 : index
        %get3A_1008 = tpu.vector_load %arg4[%get3A_1006, %get3A_1007] {strides = array<i32>} : memref<128x16xf32, #tpu.memory_space<vmem>>, vector<16xf32>,
        %gt3A_1009 = arith.cmpf ogt, %get3A_1008, %select_n3A_974 : vector<16xf32>
        %select_n3A_1010 = arith.select %gt3A_1009, %get3A_1008, %select_n3A_974 : vector<16xi1>, vector<16xf32>
        %jit3A_1011 = arith.constant 52 : i32
        %broadcast_in_dim3A_1012 = vector.broadcast %jit3A_1011 : i32 to vector<16xi32>
        %select_n3A_1013 = arith.select %gt3A_1009, %broadcast_in_dim3A_1012, %select_n3A_977 : vector<16xi1>, vector<16xi32>
        %get3A_1014 = arith.constant 53 : i32
        %get3A_1015 = arith.index_cast %get3A_1014 : i32 to index
        %get3A_1016 = arith.constant 0 : index
        %get3A_1017 = tpu.vector_load %arg4[%get3A_1015, %get3A_1016] {strides = array<i32>} : memref<128x16xf32, #tpu.memory_space<vmem>>, vector<16xf32>,
        %gt3A_1018 = arith.cmpf ogt, %get3A_1017, %select_n3A_983 : vector<16xf32>
        %select_n3A_1019 = arith.select %gt3A_1018, %get3A_1017, %select_n3A_983 : vector<16xi1>, vector<16xf32>
        %jit3A_1020 = arith.constant 53 : i32
        %broadcast_in_dim3A_1021 = vector.broadcast %jit3A_1020 : i32 to vector<16xi32>
        %select_n3A_1022 = arith.select %gt3A_1018, %broadcast_in_dim3A_1021, %select_n3A_986 : vector<16xi1>, vector<16xi32>
        %get3A_1023 = arith.constant 54 : i32
        %get3A_1024 = arith.index_cast %get3A_1023 : i32 to index
        %get3A_1025 = arith.constant 0 : index
        %get3A_1026 = tpu.vector_load %arg4[%get3A_1024, %get3A_1025] {strides = array<i32>} : memref<128x16xf32, #tpu.memory_space<vmem>>, vector<16xf32>,
        %gt3A_1027 = arith.cmpf ogt, %get3A_1026, %select_n3A_992 : vector<16xf32>
        %select_n3A_1028 = arith.select %gt3A_1027, %get3A_1026, %select_n3A_992 : vector<16xi1>, vector<16xf32>
        %jit3A_1029 = arith.constant 54 : i32
        %broadcast_in_dim3A_1030 = vector.broadcast %jit3A_1029 : i32 to vector<16xi32>
        %select_n3A_1031 = arith.select %gt3A_1027, %broadcast_in_dim3A_1030, %select_n3A_995 : vector<16xi1>, vector<16xi32>
        %get3A_1032 = arith.constant 55 : i32
        %get3A_1033 = arith.index_cast %get3A_1032 : i32 to index
        %get3A_1034 = arith.constant 0 : index
        %get3A_1035 = tpu.vector_load %arg4[%get3A_1033, %get3A_1034] {strides = array<i32>} : memref<128x16xf32, #tpu.memory_space<vmem>>, vector<16xf32>,
        %gt3A_1036 = arith.cmpf ogt, %get3A_1035, %select_n3A_1001 : vector<16xf32>
        %select_n3A_1037 = arith.select %gt3A_1036, %get3A_1035, %select_n3A_1001 : vector<16xi1>, vector<16xf32>
        %jit3A_1038 = arith.constant 55 : i32
        %broadcast_in_dim3A_1039 = vector.broadcast %jit3A_1038 : i32 to vector<16xi32>
        %select_n3A_1040 = arith.select %gt3A_1036, %broadcast_in_dim3A_1039, %select_n3A_1004 : vector<16xi1>, vector<16xi32>
        %get3A_1041 = arith.constant 56 : i32
        %get3A_1042 = arith.index_cast %get3A_1041 : i32 to index
        %get3A_1043 = arith.constant 0 : index
        %get3A_1044 = tpu.vector_load %arg4[%get3A_1042, %get3A_1043] {strides = array<i32>} : memref<128x16xf32, #tpu.memory_space<vmem>>, vector<16xf32>,
        %gt3A_1045 = arith.cmpf ogt, %get3A_1044, %select_n3A_1010 : vector<16xf32>
        %select_n3A_1046 = arith.select %gt3A_1045, %get3A_1044, %select_n3A_1010 : vector<16xi1>, vector<16xf32>
        %jit3A_1047 = arith.constant 56 : i32
        %broadcast_in_dim3A_1048 = vector.broadcast %jit3A_1047 : i32 to vector<16xi32>
        %select_n3A_1049 = arith.select %gt3A_1045, %broadcast_in_dim3A_1048, %select_n3A_1013 : vector<16xi1>, vector<16xi32>
        %get3A_1050 = arith.constant 57 : i32
        %get3A_1051 = arith.index_cast %get3A_1050 : i32 to index
        %get3A_1052 = arith.constant 0 : index
        %get3A_1053 = tpu.vector_load %arg4[%get3A_1051, %get3A_1052] {strides = array<i32>} : memref<128x16xf32, #tpu.memory_space<vmem>>, vector<16xf32>,
        %gt3A_1054 = arith.cmpf ogt, %get3A_1053, %select_n3A_1019 : vector<16xf32>
        %select_n3A_1055 = arith.select %gt3A_1054, %get3A_1053, %select_n3A_1019 : vector<16xi1>, vector<16xf32>
        %jit3A_1056 = arith.constant 57 : i32
        %broadcast_in_dim3A_1057 = vector.broadcast %jit3A_1056 : i32 to vector<16xi32>
        %select_n3A_1058 = arith.select %gt3A_1054, %broadcast_in_dim3A_1057, %select_n3A_1022 : vector<16xi1>, vector<16xi32>
        %get3A_1059 = arith.constant 58 : i32
        %get3A_1060 = arith.index_cast %get3A_1059 : i32 to index
        %get3A_1061 = arith.constant 0 : index
        %get3A_1062 = tpu.vector_load %arg4[%get3A_1060, %get3A_1061] {strides = array<i32>} : memref<128x16xf32, #tpu.memory_space<vmem>>, vector<16xf32>,
        %gt3A_1063 = arith.cmpf ogt, %get3A_1062, %select_n3A_1028 : vector<16xf32>
        %select_n3A_1064 = arith.select %gt3A_1063, %get3A_1062, %select_n3A_1028 : vector<16xi1>, vector<16xf32>
        %jit3A_1065 = arith.constant 58 : i32
        %broadcast_in_dim3A_1066 = vector.broadcast %jit3A_1065 : i32 to vector<16xi32>
        %select_n3A_1067 = arith.select %gt3A_1063, %broadcast_in_dim3A_1066, %select_n3A_1031 : vector<16xi1>, vector<16xi32>
        %get3A_1068 = arith.constant 59 : i32
        %get3A_1069 = arith.index_cast %get3A_1068 : i32 to index
        %get3A_1070 = arith.constant 0 : index
        %get3A_1071 = tpu.vector_load %arg4[%get3A_1069, %get3A_1070] {strides = array<i32>} : memref<128x16xf32, #tpu.memory_space<vmem>>, vector<16xf32>,
        %gt3A_1072 = arith.cmpf ogt, %get3A_1071, %select_n3A_1037 : vector<16xf32>
        %select_n3A_1073 = arith.select %gt3A_1072, %get3A_1071, %select_n3A_1037 : vector<16xi1>, vector<16xf32>
        %jit3A_1074 = arith.constant 59 : i32
        %broadcast_in_dim3A_1075 = vector.broadcast %jit3A_1074 : i32 to vector<16xi32>
        %select_n3A_1076 = arith.select %gt3A_1072, %broadcast_in_dim3A_1075, %select_n3A_1040 : vector<16xi1>, vector<16xi32>
        %get3A_1077 = arith.constant 60 : i32
        %get3A_1078 = arith.index_cast %get3A_1077 : i32 to index
        %get3A_1079 = arith.constant 0 : index
        %get3A_1080 = tpu.vector_load %arg4[%get3A_1078, %get3A_1079] {strides = array<i32>} : memref<128x16xf32, #tpu.memory_space<vmem>>, vector<16xf32>,
        %gt3A_1081 = arith.cmpf ogt, %get3A_1080, %select_n3A_1046 : vector<16xf32>
        %select_n3A_1082 = arith.select %gt3A_1081, %get3A_1080, %select_n3A_1046 : vector<16xi1>, vector<16xf32>
        %jit3A_1083 = arith.constant 60 : i32
        %broadcast_in_dim3A_1084 = vector.broadcast %jit3A_1083 : i32 to vector<16xi32>
        %select_n3A_1085 = arith.select %gt3A_1081, %broadcast_in_dim3A_1084, %select_n3A_1049 : vector<16xi1>, vector<16xi32>
        %get3A_1086 = arith.constant 61 : i32
        %get3A_1087 = arith.index_cast %get3A_1086 : i32 to index
        %get3A_1088 = arith.constant 0 : index
        %get3A_1089 = tpu.vector_load %arg4[%get3A_1087, %get3A_1088] {strides = array<i32>} : memref<128x16xf32, #tpu.memory_space<vmem>>, vector<16xf32>,
        %gt3A_1090 = arith.cmpf ogt, %get3A_1089, %select_n3A_1055 : vector<16xf32>
        %select_n3A_1091 = arith.select %gt3A_1090, %get3A_1089, %select_n3A_1055 : vector<16xi1>, vector<16xf32>
        %jit3A_1092 = arith.constant 61 : i32
        %broadcast_in_dim3A_1093 = vector.broadcast %jit3A_1092 : i32 to vector<16xi32>
        %select_n3A_1094 = arith.select %gt3A_1090, %broadcast_in_dim3A_1093, %select_n3A_1058 : vector<16xi1>, vector<16xi32>
        %get3A_1095 = arith.constant 62 : i32
        %get3A_1096 = arith.index_cast %get3A_1095 : i32 to index
        %get3A_1097 = arith.constant 0 : index
        %get3A_1098 = tpu.vector_load %arg4[%get3A_1096, %get3A_1097] {strides = array<i32>} : memref<128x16xf32, #tpu.memory_space<vmem>>, vector<16xf32>,
        %gt3A_1099 = arith.cmpf ogt, %get3A_1098, %select_n3A_1064 : vector<16xf32>
        %select_n3A_1100 = arith.select %gt3A_1099, %get3A_1098, %select_n3A_1064 : vector<16xi1>, vector<16xf32>
        %jit3A_1101 = arith.constant 62 : i32
        %broadcast_in_dim3A_1102 = vector.broadcast %jit3A_1101 : i32 to vector<16xi32>
        %select_n3A_1103 = arith.select %gt3A_1099, %broadcast_in_dim3A_1102, %select_n3A_1067 : vector<16xi1>, vector<16xi32>
        %get3A_1104 = arith.constant 63 : i32
        %get3A_1105 = arith.index_cast %get3A_1104 : i32 to index
        %get3A_1106 = arith.constant 0 : index
        %get3A_1107 = tpu.vector_load %arg4[%get3A_1105, %get3A_1106] {strides = array<i32>} : memref<128x16xf32, #tpu.memory_space<vmem>>, vector<16xf32>,
        %gt3A_1108 = arith.cmpf ogt, %get3A_1107, %select_n3A_1073 : vector<16xf32>
        %select_n3A_1109 = arith.select %gt3A_1108, %get3A_1107, %select_n3A_1073 : vector<16xi1>, vector<16xf32>
        %jit3A_1110 = arith.constant 63 : i32
        %broadcast_in_dim3A_1111 = vector.broadcast %jit3A_1110 : i32 to vector<16xi32>
        %select_n3A_1112 = arith.select %gt3A_1108, %broadcast_in_dim3A_1111, %select_n3A_1076 : vector<16xi1>, vector<16xi32>
        %get3A_1113 = arith.constant 64 : i32
        %get3A_1114 = arith.index_cast %get3A_1113 : i32 to index
        %get3A_1115 = arith.constant 0 : index
        %get3A_1116 = tpu.vector_load %arg4[%get3A_1114, %get3A_1115] {strides = array<i32>} : memref<128x16xf32, #tpu.memory_space<vmem>>, vector<16xf32>,
        %gt3A_1117 = arith.cmpf ogt, %get3A_1116, %select_n3A_1082 : vector<16xf32>
        %select_n3A_1118 = arith.select %gt3A_1117, %get3A_1116, %select_n3A_1082 : vector<16xi1>, vector<16xf32>
        %jit3A_1119 = arith.constant 64 : i32
        %broadcast_in_dim3A_1120 = vector.broadcast %jit3A_1119 : i32 to vector<16xi32>
        %select_n3A_1121 = arith.select %gt3A_1117, %broadcast_in_dim3A_1120, %select_n3A_1085 : vector<16xi1>, vector<16xi32>
        %get3A_1122 = arith.constant 65 : i32
        %get3A_1123 = arith.index_cast %get3A_1122 : i32 to index
        %get3A_1124 = arith.constant 0 : index
        %get3A_1125 = tpu.vector_load %arg4[%get3A_1123, %get3A_1124] {strides = array<i32>} : memref<128x16xf32, #tpu.memory_space<vmem>>, vector<16xf32>,
        %gt3A_1126 = arith.cmpf ogt, %get3A_1125, %select_n3A_1091 : vector<16xf32>
        %select_n3A_1127 = arith.select %gt3A_1126, %get3A_1125, %select_n3A_1091 : vector<16xi1>, vector<16xf32>
        %jit3A_1128 = arith.constant 65 : i32
        %broadcast_in_dim3A_1129 = vector.broadcast %jit3A_1128 : i32 to vector<16xi32>
        %select_n3A_1130 = arith.select %gt3A_1126, %broadcast_in_dim3A_1129, %select_n3A_1094 : vector<16xi1>, vector<16xi32>
        %get3A_1131 = arith.constant 66 : i32
        %get3A_1132 = arith.index_cast %get3A_1131 : i32 to index
        %get3A_1133 = arith.constant 0 : index
        %get3A_1134 = tpu.vector_load %arg4[%get3A_1132, %get3A_1133] {strides = array<i32>} : memref<128x16xf32, #tpu.memory_space<vmem>>, vector<16xf32>,
        %gt3A_1135 = arith.cmpf ogt, %get3A_1134, %select_n3A_1100 : vector<16xf32>
        %select_n3A_1136 = arith.select %gt3A_1135, %get3A_1134, %select_n3A_1100 : vector<16xi1>, vector<16xf32>
        %jit3A_1137 = arith.constant 66 : i32
        %broadcast_in_dim3A_1138 = vector.broadcast %jit3A_1137 : i32 to vector<16xi32>
        %select_n3A_1139 = arith.select %gt3A_1135, %broadcast_in_dim3A_1138, %select_n3A_1103 : vector<16xi1>, vector<16xi32>
        %get3A_1140 = arith.constant 67 : i32
        %get3A_1141 = arith.index_cast %get3A_1140 : i32 to index
        %get3A_1142 = arith.constant 0 : index
        %get3A_1143 = tpu.vector_load %arg4[%get3A_1141, %get3A_1142] {strides = array<i32>} : memref<128x16xf32, #tpu.memory_space<vmem>>, vector<16xf32>,
        %gt3A_1144 = arith.cmpf ogt, %get3A_1143, %select_n3A_1109 : vector<16xf32>
        %select_n3A_1145 = arith.select %gt3A_1144, %get3A_1143, %select_n3A_1109 : vector<16xi1>, vector<16xf32>
        %jit3A_1146 = arith.constant 67 : i32
        %broadcast_in_dim3A_1147 = vector.broadcast %jit3A_1146 : i32 to vector<16xi32>
        %select_n3A_1148 = arith.select %gt3A_1144, %broadcast_in_dim3A_1147, %select_n3A_1112 : vector<16xi1>, vector<16xi32>
        %get3A_1149 = arith.constant 68 : i32
        %get3A_1150 = arith.index_cast %get3A_1149 : i32 to index
        %get3A_1151 = arith.constant 0 : index
        %get3A_1152 = tpu.vector_load %arg4[%get3A_1150, %get3A_1151] {strides = array<i32>} : memref<128x16xf32, #tpu.memory_space<vmem>>, vector<16xf32>,
        %gt3A_1153 = arith.cmpf ogt, %get3A_1152, %select_n3A_1118 : vector<16xf32>
        %select_n3A_1154 = arith.select %gt3A_1153, %get3A_1152, %select_n3A_1118 : vector<16xi1>, vector<16xf32>
        %jit3A_1155 = arith.constant 68 : i32
        %broadcast_in_dim3A_1156 = vector.broadcast %jit3A_1155 : i32 to vector<16xi32>
        %select_n3A_1157 = arith.select %gt3A_1153, %broadcast_in_dim3A_1156, %select_n3A_1121 : vector<16xi1>, vector<16xi32>
        %get3A_1158 = arith.constant 69 : i32
        %get3A_1159 = arith.index_cast %get3A_1158 : i32 to index
        %get3A_1160 = arith.constant 0 : index
        %get3A_1161 = tpu.vector_load %arg4[%get3A_1159, %get3A_1160] {strides = array<i32>} : memref<128x16xf32, #tpu.memory_space<vmem>>, vector<16xf32>,
        %gt3A_1162 = arith.cmpf ogt, %get3A_1161, %select_n3A_1127 : vector<16xf32>
        %select_n3A_1163 = arith.select %gt3A_1162, %get3A_1161, %select_n3A_1127 : vector<16xi1>, vector<16xf32>
        %jit3A_1164 = arith.constant 69 : i32
        %broadcast_in_dim3A_1165 = vector.broadcast %jit3A_1164 : i32 to vector<16xi32>
        %select_n3A_1166 = arith.select %gt3A_1162, %broadcast_in_dim3A_1165, %select_n3A_1130 : vector<16xi1>, vector<16xi32>
        %get3A_1167 = arith.constant 70 : i32
        %get3A_1168 = arith.index_cast %get3A_1167 : i32 to index
        %get3A_1169 = arith.constant 0 : index
        %get3A_1170 = tpu.vector_load %arg4[%get3A_1168, %get3A_1169] {strides = array<i32>} : memref<128x16xf32, #tpu.memory_space<vmem>>, vector<16xf32>,
        %gt3A_1171 = arith.cmpf ogt, %get3A_1170, %select_n3A_1136 : vector<16xf32>
        %select_n3A_1172 = arith.select %gt3A_1171, %get3A_1170, %select_n3A_1136 : vector<16xi1>, vector<16xf32>
        %jit3A_1173 = arith.constant 70 : i32
        %broadcast_in_dim3A_1174 = vector.broadcast %jit3A_1173 : i32 to vector<16xi32>
        %select_n3A_1175 = arith.select %gt3A_1171, %broadcast_in_dim3A_1174, %select_n3A_1139 : vector<16xi1>, vector<16xi32>
        %get3A_1176 = arith.constant 71 : i32
        %get3A_1177 = arith.index_cast %get3A_1176 : i32 to index
        %get3A_1178 = arith.constant 0 : index
        %get3A_1179 = tpu.vector_load %arg4[%get3A_1177, %get3A_1178] {strides = array<i32>} : memref<128x16xf32, #tpu.memory_space<vmem>>, vector<16xf32>,
        %gt3A_1180 = arith.cmpf ogt, %get3A_1179, %select_n3A_1145 : vector<16xf32>
        %select_n3A_1181 = arith.select %gt3A_1180, %get3A_1179, %select_n3A_1145 : vector<16xi1>, vector<16xf32>
        %jit3A_1182 = arith.constant 71 : i32
        %broadcast_in_dim3A_1183 = vector.broadcast %jit3A_1182 : i32 to vector<16xi32>
        %select_n3A_1184 = arith.select %gt3A_1180, %broadcast_in_dim3A_1183, %select_n3A_1148 : vector<16xi1>, vector<16xi32>
        %get3A_1185 = arith.constant 72 : i32
        %get3A_1186 = arith.index_cast %get3A_1185 : i32 to index
        %get3A_1187 = arith.constant 0 : index
        %get3A_1188 = tpu.vector_load %arg4[%get3A_1186, %get3A_1187] {strides = array<i32>} : memref<128x16xf32, #tpu.memory_space<vmem>>, vector<16xf32>,
        %gt3A_1189 = arith.cmpf ogt, %get3A_1188, %select_n3A_1154 : vector<16xf32>
        %select_n3A_1190 = arith.select %gt3A_1189, %get3A_1188, %select_n3A_1154 : vector<16xi1>, vector<16xf32>
        %jit3A_1191 = arith.constant 72 : i32
        %broadcast_in_dim3A_1192 = vector.broadcast %jit3A_1191 : i32 to vector<16xi32>
        %select_n3A_1193 = arith.select %gt3A_1189, %broadcast_in_dim3A_1192, %select_n3A_1157 : vector<16xi1>, vector<16xi32>
        %get3A_1194 = arith.constant 73 : i32
        %get3A_1195 = arith.index_cast %get3A_1194 : i32 to index
        %get3A_1196 = arith.constant 0 : index
        %get3A_1197 = tpu.vector_load %arg4[%get3A_1195, %get3A_1196] {strides = array<i32>} : memref<128x16xf32, #tpu.memory_space<vmem>>, vector<16xf32>,
        %gt3A_1198 = arith.cmpf ogt, %get3A_1197, %select_n3A_1163 : vector<16xf32>
        %select_n3A_1199 = arith.select %gt3A_1198, %get3A_1197, %select_n3A_1163 : vector<16xi1>, vector<16xf32>
        %jit3A_1200 = arith.constant 73 : i32
        %broadcast_in_dim3A_1201 = vector.broadcast %jit3A_1200 : i32 to vector<16xi32>
        %select_n3A_1202 = arith.select %gt3A_1198, %broadcast_in_dim3A_1201, %select_n3A_1166 : vector<16xi1>, vector<16xi32>
        %get3A_1203 = arith.constant 74 : i32
        %get3A_1204 = arith.index_cast %get3A_1203 : i32 to index
        %get3A_1205 = arith.constant 0 : index
        %get3A_1206 = tpu.vector_load %arg4[%get3A_1204, %get3A_1205] {strides = array<i32>} : memref<128x16xf32, #tpu.memory_space<vmem>>, vector<16xf32>,
        %gt3A_1207 = arith.cmpf ogt, %get3A_1206, %select_n3A_1172 : vector<16xf32>
        %select_n3A_1208 = arith.select %gt3A_1207, %get3A_1206, %select_n3A_1172 : vector<16xi1>, vector<16xf32>
        %jit3A_1209 = arith.constant 74 : i32
        %broadcast_in_dim3A_1210 = vector.broadcast %jit3A_1209 : i32 to vector<16xi32>
        %select_n3A_1211 = arith.select %gt3A_1207, %broadcast_in_dim3A_1210, %select_n3A_1175 : vector<16xi1>, vector<16xi32>
        %get3A_1212 = arith.constant 75 : i32
        %get3A_1213 = arith.index_cast %get3A_1212 : i32 to index
        %get3A_1214 = arith.constant 0 : index
        %get3A_1215 = tpu.vector_load %arg4[%get3A_1213, %get3A_1214] {strides = array<i32>} : memref<128x16xf32, #tpu.memory_space<vmem>>, vector<16xf32>,
        %gt3A_1216 = arith.cmpf ogt, %get3A_1215, %select_n3A_1181 : vector<16xf32>
        %select_n3A_1217 = arith.select %gt3A_1216, %get3A_1215, %select_n3A_1181 : vector<16xi1>, vector<16xf32>
        %jit3A_1218 = arith.constant 75 : i32
        %broadcast_in_dim3A_1219 = vector.broadcast %jit3A_1218 : i32 to vector<16xi32>
        %select_n3A_1220 = arith.select %gt3A_1216, %broadcast_in_dim3A_1219, %select_n3A_1184 : vector<16xi1>, vector<16xi32>
        %get3A_1221 = arith.constant 76 : i32
        %get3A_1222 = arith.index_cast %get3A_1221 : i32 to index
        %get3A_1223 = arith.constant 0 : index
        %get3A_1224 = tpu.vector_load %arg4[%get3A_1222, %get3A_1223] {strides = array<i32>} : memref<128x16xf32, #tpu.memory_space<vmem>>, vector<16xf32>,
        %gt3A_1225 = arith.cmpf ogt, %get3A_1224, %select_n3A_1190 : vector<16xf32>
        %select_n3A_1226 = arith.select %gt3A_1225, %get3A_1224, %select_n3A_1190 : vector<16xi1>, vector<16xf32>
        %jit3A_1227 = arith.constant 76 : i32
        %broadcast_in_dim3A_1228 = vector.broadcast %jit3A_1227 : i32 to vector<16xi32>
        %select_n3A_1229 = arith.select %gt3A_1225, %broadcast_in_dim3A_1228, %select_n3A_1193 : vector<16xi1>, vector<16xi32>
        %get3A_1230 = arith.constant 77 : i32
        %get3A_1231 = arith.index_cast %get3A_1230 : i32 to index
        %get3A_1232 = arith.constant 0 : index
        %get3A_1233 = tpu.vector_load %arg4[%get3A_1231, %get3A_1232] {strides = array<i32>} : memref<128x16xf32, #tpu.memory_space<vmem>>, vector<16xf32>,
        %gt3A_1234 = arith.cmpf ogt, %get3A_1233, %select_n3A_1199 : vector<16xf32>
        %select_n3A_1235 = arith.select %gt3A_1234, %get3A_1233, %select_n3A_1199 : vector<16xi1>, vector<16xf32>
        %jit3A_1236 = arith.constant 77 : i32
        %broadcast_in_dim3A_1237 = vector.broadcast %jit3A_1236 : i32 to vector<16xi32>
        %select_n3A_1238 = arith.select %gt3A_1234, %broadcast_in_dim3A_1237, %select_n3A_1202 : vector<16xi1>, vector<16xi32>
        %get3A_1239 = arith.constant 78 : i32
        %get3A_1240 = arith.index_cast %get3A_1239 : i32 to index
        %get3A_1241 = arith.constant 0 : index
        %get3A_1242 = tpu.vector_load %arg4[%get3A_1240, %get3A_1241] {strides = array<i32>} : memref<128x16xf32, #tpu.memory_space<vmem>>, vector<16xf32>,
        %gt3A_1243 = arith.cmpf ogt, %get3A_1242, %select_n3A_1208 : vector<16xf32>
        %select_n3A_1244 = arith.select %gt3A_1243, %get3A_1242, %select_n3A_1208 : vector<16xi1>, vector<16xf32>
        %jit3A_1245 = arith.constant 78 : i32
        %broadcast_in_dim3A_1246 = vector.broadcast %jit3A_1245 : i32 to vector<16xi32>
        %select_n3A_1247 = arith.select %gt3A_1243, %broadcast_in_dim3A_1246, %select_n3A_1211 : vector<16xi1>, vector<16xi32>
        %get3A_1248 = arith.constant 79 : i32
        %get3A_1249 = arith.index_cast %get3A_1248 : i32 to index
        %get3A_1250 = arith.constant 0 : index
        %get3A_1251 = tpu.vector_load %arg4[%get3A_1249, %get3A_1250] {strides = array<i32>} : memref<128x16xf32, #tpu.memory_space<vmem>>, vector<16xf32>,
        %gt3A_1252 = arith.cmpf ogt, %get3A_1251, %select_n3A_1217 : vector<16xf32>
        %select_n3A_1253 = arith.select %gt3A_1252, %get3A_1251, %select_n3A_1217 : vector<16xi1>, vector<16xf32>
        %jit3A_1254 = arith.constant 79 : i32
        %broadcast_in_dim3A_1255 = vector.broadcast %jit3A_1254 : i32 to vector<16xi32>
        %select_n3A_1256 = arith.select %gt3A_1252, %broadcast_in_dim3A_1255, %select_n3A_1220 : vector<16xi1>, vector<16xi32>
        %get3A_1257 = arith.constant 80 : i32
        %get3A_1258 = arith.index_cast %get3A_1257 : i32 to index
        %get3A_1259 = arith.constant 0 : index
        %get3A_1260 = tpu.vector_load %arg4[%get3A_1258, %get3A_1259] {strides = array<i32>} : memref<128x16xf32, #tpu.memory_space<vmem>>, vector<16xf32>,
        %gt3A_1261 = arith.cmpf ogt, %get3A_1260, %select_n3A_1226 : vector<16xf32>
        %select_n3A_1262 = arith.select %gt3A_1261, %get3A_1260, %select_n3A_1226 : vector<16xi1>, vector<16xf32>
        %jit3A_1263 = arith.constant 80 : i32
        %broadcast_in_dim3A_1264 = vector.broadcast %jit3A_1263 : i32 to vector<16xi32>
        %select_n3A_1265 = arith.select %gt3A_1261, %broadcast_in_dim3A_1264, %select_n3A_1229 : vector<16xi1>, vector<16xi32>
        %get3A_1266 = arith.constant 81 : i32
        %get3A_1267 = arith.index_cast %get3A_1266 : i32 to index
        %get3A_1268 = arith.constant 0 : index
        %get3A_1269 = tpu.vector_load %arg4[%get3A_1267, %get3A_1268] {strides = array<i32>} : memref<128x16xf32, #tpu.memory_space<vmem>>, vector<16xf32>,
        %gt3A_1270 = arith.cmpf ogt, %get3A_1269, %select_n3A_1235 : vector<16xf32>
        %select_n3A_1271 = arith.select %gt3A_1270, %get3A_1269, %select_n3A_1235 : vector<16xi1>, vector<16xf32>
        %jit3A_1272 = arith.constant 81 : i32
        %broadcast_in_dim3A_1273 = vector.broadcast %jit3A_1272 : i32 to vector<16xi32>
        %select_n3A_1274 = arith.select %gt3A_1270, %broadcast_in_dim3A_1273, %select_n3A_1238 : vector<16xi1>, vector<16xi32>
        %get3A_1275 = arith.constant 82 : i32
        %get3A_1276 = arith.index_cast %get3A_1275 : i32 to index
        %get3A_1277 = arith.constant 0 : index
        %get3A_1278 = tpu.vector_load %arg4[%get3A_1276, %get3A_1277] {strides = array<i32>} : memref<128x16xf32, #tpu.memory_space<vmem>>, vector<16xf32>,
        %gt3A_1279 = arith.cmpf ogt, %get3A_1278, %select_n3A_1244 : vector<16xf32>
        %select_n3A_1280 = arith.select %gt3A_1279, %get3A_1278, %select_n3A_1244 : vector<16xi1>, vector<16xf32>
        %jit3A_1281 = arith.constant 82 : i32
        %broadcast_in_dim3A_1282 = vector.broadcast %jit3A_1281 : i32 to vector<16xi32>
        %select_n3A_1283 = arith.select %gt3A_1279, %broadcast_in_dim3A_1282, %select_n3A_1247 : vector<16xi1>, vector<16xi32>
        %get3A_1284 = arith.constant 83 : i32
        %get3A_1285 = arith.index_cast %get3A_1284 : i32 to index
        %get3A_1286 = arith.constant 0 : index
        %get3A_1287 = tpu.vector_load %arg4[%get3A_1285, %get3A_1286] {strides = array<i32>} : memref<128x16xf32, #tpu.memory_space<vmem>>, vector<16xf32>,
        %gt3A_1288 = arith.cmpf ogt, %get3A_1287, %select_n3A_1253 : vector<16xf32>
        %select_n3A_1289 = arith.select %gt3A_1288, %get3A_1287, %select_n3A_1253 : vector<16xi1>, vector<16xf32>
        %jit3A_1290 = arith.constant 83 : i32
        %broadcast_in_dim3A_1291 = vector.broadcast %jit3A_1290 : i32 to vector<16xi32>
        %select_n3A_1292 = arith.select %gt3A_1288, %broadcast_in_dim3A_1291, %select_n3A_1256 : vector<16xi1>, vector<16xi32>
        %get3A_1293 = arith.constant 84 : i32
        %get3A_1294 = arith.index_cast %get3A_1293 : i32 to index
        %get3A_1295 = arith.constant 0 : index
        %get3A_1296 = tpu.vector_load %arg4[%get3A_1294, %get3A_1295] {strides = array<i32>} : memref<128x16xf32, #tpu.memory_space<vmem>>, vector<16xf32>,
        %gt3A_1297 = arith.cmpf ogt, %get3A_1296, %select_n3A_1262 : vector<16xf32>
        %select_n3A_1298 = arith.select %gt3A_1297, %get3A_1296, %select_n3A_1262 : vector<16xi1>, vector<16xf32>
        %jit3A_1299 = arith.constant 84 : i32
        %broadcast_in_dim3A_1300 = vector.broadcast %jit3A_1299 : i32 to vector<16xi32>
        %select_n3A_1301 = arith.select %gt3A_1297, %broadcast_in_dim3A_1300, %select_n3A_1265 : vector<16xi1>, vector<16xi32>
        %get3A_1302 = arith.constant 85 : i32
        %get3A_1303 = arith.index_cast %get3A_1302 : i32 to index
        %get3A_1304 = arith.constant 0 : index
        %get3A_1305 = tpu.vector_load %arg4[%get3A_1303, %get3A_1304] {strides = array<i32>} : memref<128x16xf32, #tpu.memory_space<vmem>>, vector<16xf32>,
        %gt3A_1306 = arith.cmpf ogt, %get3A_1305, %select_n3A_1271 : vector<16xf32>
        %select_n3A_1307 = arith.select %gt3A_1306, %get3A_1305, %select_n3A_1271 : vector<16xi1>, vector<16xf32>
        %jit3A_1308 = arith.constant 85 : i32
        %broadcast_in_dim3A_1309 = vector.broadcast %jit3A_1308 : i32 to vector<16xi32>
        %select_n3A_1310 = arith.select %gt3A_1306, %broadcast_in_dim3A_1309, %select_n3A_1274 : vector<16xi1>, vector<16xi32>
        %get3A_1311 = arith.constant 86 : i32
        %get3A_1312 = arith.index_cast %get3A_1311 : i32 to index
        %get3A_1313 = arith.constant 0 : index
        %get3A_1314 = tpu.vector_load %arg4[%get3A_1312, %get3A_1313] {strides = array<i32>} : memref<128x16xf32, #tpu.memory_space<vmem>>, vector<16xf32>,
        %gt3A_1315 = arith.cmpf ogt, %get3A_1314, %select_n3A_1280 : vector<16xf32>
        %select_n3A_1316 = arith.select %gt3A_1315, %get3A_1314, %select_n3A_1280 : vector<16xi1>, vector<16xf32>
        %jit3A_1317 = arith.constant 86 : i32
        %broadcast_in_dim3A_1318 = vector.broadcast %jit3A_1317 : i32 to vector<16xi32>
        %select_n3A_1319 = arith.select %gt3A_1315, %broadcast_in_dim3A_1318, %select_n3A_1283 : vector<16xi1>, vector<16xi32>
        %get3A_1320 = arith.constant 87 : i32
        %get3A_1321 = arith.index_cast %get3A_1320 : i32 to index
        %get3A_1322 = arith.constant 0 : index
        %get3A_1323 = tpu.vector_load %arg4[%get3A_1321, %get3A_1322] {strides = array<i32>} : memref<128x16xf32, #tpu.memory_space<vmem>>, vector<16xf32>,
        %gt3A_1324 = arith.cmpf ogt, %get3A_1323, %select_n3A_1289 : vector<16xf32>
        %select_n3A_1325 = arith.select %gt3A_1324, %get3A_1323, %select_n3A_1289 : vector<16xi1>, vector<16xf32>
        %jit3A_1326 = arith.constant 87 : i32
        %broadcast_in_dim3A_1327 = vector.broadcast %jit3A_1326 : i32 to vector<16xi32>
        %select_n3A_1328 = arith.select %gt3A_1324, %broadcast_in_dim3A_1327, %select_n3A_1292 : vector<16xi1>, vector<16xi32>
        %get3A_1329 = arith.constant 88 : i32
        %get3A_1330 = arith.index_cast %get3A_1329 : i32 to index
        %get3A_1331 = arith.constant 0 : index
        %get3A_1332 = tpu.vector_load %arg4[%get3A_1330, %get3A_1331] {strides = array<i32>} : memref<128x16xf32, #tpu.memory_space<vmem>>, vector<16xf32>,
        %gt3A_1333 = arith.cmpf ogt, %get3A_1332, %select_n3A_1298 : vector<16xf32>
        %select_n3A_1334 = arith.select %gt3A_1333, %get3A_1332, %select_n3A_1298 : vector<16xi1>, vector<16xf32>
        %jit3A_1335 = arith.constant 88 : i32
        %broadcast_in_dim3A_1336 = vector.broadcast %jit3A_1335 : i32 to vector<16xi32>
        %select_n3A_1337 = arith.select %gt3A_1333, %broadcast_in_dim3A_1336, %select_n3A_1301 : vector<16xi1>, vector<16xi32>
        %get3A_1338 = arith.constant 89 : i32
        %get3A_1339 = arith.index_cast %get3A_1338 : i32 to index
        %get3A_1340 = arith.constant 0 : index
        %get3A_1341 = tpu.vector_load %arg4[%get3A_1339, %get3A_1340] {strides = array<i32>} : memref<128x16xf32, #tpu.memory_space<vmem>>, vector<16xf32>,
        %gt3A_1342 = arith.cmpf ogt, %get3A_1341, %select_n3A_1307 : vector<16xf32>
        %select_n3A_1343 = arith.select %gt3A_1342, %get3A_1341, %select_n3A_1307 : vector<16xi1>, vector<16xf32>
        %jit3A_1344 = arith.constant 89 : i32
        %broadcast_in_dim3A_1345 = vector.broadcast %jit3A_1344 : i32 to vector<16xi32>
        %select_n3A_1346 = arith.select %gt3A_1342, %broadcast_in_dim3A_1345, %select_n3A_1310 : vector<16xi1>, vector<16xi32>
        %get3A_1347 = arith.constant 90 : i32
        %get3A_1348 = arith.index_cast %get3A_1347 : i32 to index
        %get3A_1349 = arith.constant 0 : index
        %get3A_1350 = tpu.vector_load %arg4[%get3A_1348, %get3A_1349] {strides = array<i32>} : memref<128x16xf32, #tpu.memory_space<vmem>>, vector<16xf32>,
        %gt3A_1351 = arith.cmpf ogt, %get3A_1350, %select_n3A_1316 : vector<16xf32>
        %select_n3A_1352 = arith.select %gt3A_1351, %get3A_1350, %select_n3A_1316 : vector<16xi1>, vector<16xf32>
        %jit3A_1353 = arith.constant 90 : i32
        %broadcast_in_dim3A_1354 = vector.broadcast %jit3A_1353 : i32 to vector<16xi32>
        %select_n3A_1355 = arith.select %gt3A_1351, %broadcast_in_dim3A_1354, %select_n3A_1319 : vector<16xi1>, vector<16xi32>
        %get3A_1356 = arith.constant 91 : i32
        %get3A_1357 = arith.index_cast %get3A_1356 : i32 to index
        %get3A_1358 = arith.constant 0 : index
        %get3A_1359 = tpu.vector_load %arg4[%get3A_1357, %get3A_1358] {strides = array<i32>} : memref<128x16xf32, #tpu.memory_space<vmem>>, vector<16xf32>,
        %gt3A_1360 = arith.cmpf ogt, %get3A_1359, %select_n3A_1325 : vector<16xf32>
        %select_n3A_1361 = arith.select %gt3A_1360, %get3A_1359, %select_n3A_1325 : vector<16xi1>, vector<16xf32>
        %jit3A_1362 = arith.constant 91 : i32
        %broadcast_in_dim3A_1363 = vector.broadcast %jit3A_1362 : i32 to vector<16xi32>
        %select_n3A_1364 = arith.select %gt3A_1360, %broadcast_in_dim3A_1363, %select_n3A_1328 : vector<16xi1>, vector<16xi32>
        %get3A_1365 = arith.constant 92 : i32
        %get3A_1366 = arith.index_cast %get3A_1365 : i32 to index
        %get3A_1367 = arith.constant 0 : index
        %get3A_1368 = tpu.vector_load %arg4[%get3A_1366, %get3A_1367] {strides = array<i32>} : memref<128x16xf32, #tpu.memory_space<vmem>>, vector<16xf32>,
        %gt3A_1369 = arith.cmpf ogt, %get3A_1368, %select_n3A_1334 : vector<16xf32>
        %select_n3A_1370 = arith.select %gt3A_1369, %get3A_1368, %select_n3A_1334 : vector<16xi1>, vector<16xf32>
        %jit3A_1371 = arith.constant 92 : i32
        %broadcast_in_dim3A_1372 = vector.broadcast %jit3A_1371 : i32 to vector<16xi32>
        %select_n3A_1373 = arith.select %gt3A_1369, %broadcast_in_dim3A_1372, %select_n3A_1337 : vector<16xi1>, vector<16xi32>
        %get3A_1374 = arith.constant 93 : i32
        %get3A_1375 = arith.index_cast %get3A_1374 : i32 to index
        %get3A_1376 = arith.constant 0 : index
        %get3A_1377 = tpu.vector_load %arg4[%get3A_1375, %get3A_1376] {strides = array<i32>} : memref<128x16xf32, #tpu.memory_space<vmem>>, vector<16xf32>,
        %gt3A_1378 = arith.cmpf ogt, %get3A_1377, %select_n3A_1343 : vector<16xf32>
        %select_n3A_1379 = arith.select %gt3A_1378, %get3A_1377, %select_n3A_1343 : vector<16xi1>, vector<16xf32>
        %jit3A_1380 = arith.constant 93 : i32
        %broadcast_in_dim3A_1381 = vector.broadcast %jit3A_1380 : i32 to vector<16xi32>
        %select_n3A_1382 = arith.select %gt3A_1378, %broadcast_in_dim3A_1381, %select_n3A_1346 : vector<16xi1>, vector<16xi32>
        %get3A_1383 = arith.constant 94 : i32
        %get3A_1384 = arith.index_cast %get3A_1383 : i32 to index
        %get3A_1385 = arith.constant 0 : index
        %get3A_1386 = tpu.vector_load %arg4[%get3A_1384, %get3A_1385] {strides = array<i32>} : memref<128x16xf32, #tpu.memory_space<vmem>>, vector<16xf32>,
        %gt3A_1387 = arith.cmpf ogt, %get3A_1386, %select_n3A_1352 : vector<16xf32>
        %select_n3A_1388 = arith.select %gt3A_1387, %get3A_1386, %select_n3A_1352 : vector<16xi1>, vector<16xf32>
        %jit3A_1389 = arith.constant 94 : i32
        %broadcast_in_dim3A_1390 = vector.broadcast %jit3A_1389 : i32 to vector<16xi32>
        %select_n3A_1391 = arith.select %gt3A_1387, %broadcast_in_dim3A_1390, %select_n3A_1355 : vector<16xi1>, vector<16xi32>
        %get3A_1392 = arith.constant 95 : i32
        %get3A_1393 = arith.index_cast %get3A_1392 : i32 to index
        %get3A_1394 = arith.constant 0 : index
        %get3A_1395 = tpu.vector_load %arg4[%get3A_1393, %get3A_1394] {strides = array<i32>} : memref<128x16xf32, #tpu.memory_space<vmem>>, vector<16xf32>,
        %gt3A_1396 = arith.cmpf ogt, %get3A_1395, %select_n3A_1361 : vector<16xf32>
        %select_n3A_1397 = arith.select %gt3A_1396, %get3A_1395, %select_n3A_1361 : vector<16xi1>, vector<16xf32>
        %jit3A_1398 = arith.constant 95 : i32
        %broadcast_in_dim3A_1399 = vector.broadcast %jit3A_1398 : i32 to vector<16xi32>
        %select_n3A_1400 = arith.select %gt3A_1396, %broadcast_in_dim3A_1399, %select_n3A_1364 : vector<16xi1>, vector<16xi32>
        %get3A_1401 = arith.constant 96 : i32
        %get3A_1402 = arith.index_cast %get3A_1401 : i32 to index
        %get3A_1403 = arith.constant 0 : index
        %get3A_1404 = tpu.vector_load %arg4[%get3A_1402, %get3A_1403] {strides = array<i32>} : memref<128x16xf32, #tpu.memory_space<vmem>>, vector<16xf32>,
        %gt3A_1405 = arith.cmpf ogt, %get3A_1404, %select_n3A_1370 : vector<16xf32>
        %select_n3A_1406 = arith.select %gt3A_1405, %get3A_1404, %select_n3A_1370 : vector<16xi1>, vector<16xf32>
        %jit3A_1407 = arith.constant 96 : i32
        %broadcast_in_dim3A_1408 = vector.broadcast %jit3A_1407 : i32 to vector<16xi32>
        %select_n3A_1409 = arith.select %gt3A_1405, %broadcast_in_dim3A_1408, %select_n3A_1373 : vector<16xi1>, vector<16xi32>
        %get3A_1410 = arith.constant 97 : i32
        %get3A_1411 = arith.index_cast %get3A_1410 : i32 to index
        %get3A_1412 = arith.constant 0 : index
        %get3A_1413 = tpu.vector_load %arg4[%get3A_1411, %get3A_1412] {strides = array<i32>} : memref<128x16xf32, #tpu.memory_space<vmem>>, vector<16xf32>,
        %gt3A_1414 = arith.cmpf ogt, %get3A_1413, %select_n3A_1379 : vector<16xf32>
        %select_n3A_1415 = arith.select %gt3A_1414, %get3A_1413, %select_n3A_1379 : vector<16xi1>, vector<16xf32>
        %jit3A_1416 = arith.constant 97 : i32
        %broadcast_in_dim3A_1417 = vector.broadcast %jit3A_1416 : i32 to vector<16xi32>
        %select_n3A_1418 = arith.select %gt3A_1414, %broadcast_in_dim3A_1417, %select_n3A_1382 : vector<16xi1>, vector<16xi32>
        %get3A_1419 = arith.constant 98 : i32
        %get3A_1420 = arith.index_cast %get3A_1419 : i32 to index
        %get3A_1421 = arith.constant 0 : index
        %get3A_1422 = tpu.vector_load %arg4[%get3A_1420, %get3A_1421] {strides = array<i32>} : memref<128x16xf32, #tpu.memory_space<vmem>>, vector<16xf32>,
        %gt3A_1423 = arith.cmpf ogt, %get3A_1422, %select_n3A_1388 : vector<16xf32>
        %select_n3A_1424 = arith.select %gt3A_1423, %get3A_1422, %select_n3A_1388 : vector<16xi1>, vector<16xf32>
        %jit3A_1425 = arith.constant 98 : i32
        %broadcast_in_dim3A_1426 = vector.broadcast %jit3A_1425 : i32 to vector<16xi32>
        %select_n3A_1427 = arith.select %gt3A_1423, %broadcast_in_dim3A_1426, %select_n3A_1391 : vector<16xi1>, vector<16xi32>
        %get3A_1428 = arith.constant 99 : i32
        %get3A_1429 = arith.index_cast %get3A_1428 : i32 to index
        %get3A_1430 = arith.constant 0 : index
        %get3A_1431 = tpu.vector_load %arg4[%get3A_1429, %get3A_1430] {strides = array<i32>} : memref<128x16xf32, #tpu.memory_space<vmem>>, vector<16xf32>,
        %gt3A_1432 = arith.cmpf ogt, %get3A_1431, %select_n3A_1397 : vector<16xf32>
        %select_n3A_1433 = arith.select %gt3A_1432, %get3A_1431, %select_n3A_1397 : vector<16xi1>, vector<16xf32>
        %jit3A_1434 = arith.constant 99 : i32
        %broadcast_in_dim3A_1435 = vector.broadcast %jit3A_1434 : i32 to vector<16xi32>
        %select_n3A_1436 = arith.select %gt3A_1432, %broadcast_in_dim3A_1435, %select_n3A_1400 : vector<16xi1>, vector<16xi32>
        %get3A_1437 = arith.constant 100 : i32
        %get3A_1438 = arith.index_cast %get3A_1437 : i32 to index
        %get3A_1439 = arith.constant 0 : index
        %get3A_1440 = tpu.vector_load %arg4[%get3A_1438, %get3A_1439] {strides = array<i32>} : memref<128x16xf32, #tpu.memory_space<vmem>>, vector<16xf32>,
        %gt3A_1441 = arith.cmpf ogt, %get3A_1440, %select_n3A_1406 : vector<16xf32>
        %select_n3A_1442 = arith.select %gt3A_1441, %get3A_1440, %select_n3A_1406 : vector<16xi1>, vector<16xf32>
        %jit3A_1443 = arith.constant 100 : i32
        %broadcast_in_dim3A_1444 = vector.broadcast %jit3A_1443 : i32 to vector<16xi32>
        %select_n3A_1445 = arith.select %gt3A_1441, %broadcast_in_dim3A_1444, %select_n3A_1409 : vector<16xi1>, vector<16xi32>
        %get3A_1446 = arith.constant 101 : i32
        %get3A_1447 = arith.index_cast %get3A_1446 : i32 to index
        %get3A_1448 = arith.constant 0 : index
        %get3A_1449 = tpu.vector_load %arg4[%get3A_1447, %get3A_1448] {strides = array<i32>} : memref<128x16xf32, #tpu.memory_space<vmem>>, vector<16xf32>,
        %gt3A_1450 = arith.cmpf ogt, %get3A_1449, %select_n3A_1415 : vector<16xf32>
        %select_n3A_1451 = arith.select %gt3A_1450, %get3A_1449, %select_n3A_1415 : vector<16xi1>, vector<16xf32>
        %jit3A_1452 = arith.constant 101 : i32
        %broadcast_in_dim3A_1453 = vector.broadcast %jit3A_1452 : i32 to vector<16xi32>
        %select_n3A_1454 = arith.select %gt3A_1450, %broadcast_in_dim3A_1453, %select_n3A_1418 : vector<16xi1>, vector<16xi32>
        %get3A_1455 = arith.constant 102 : i32
        %get3A_1456 = arith.index_cast %get3A_1455 : i32 to index
        %get3A_1457 = arith.constant 0 : index
        %get3A_1458 = tpu.vector_load %arg4[%get3A_1456, %get3A_1457] {strides = array<i32>} : memref<128x16xf32, #tpu.memory_space<vmem>>, vector<16xf32>,
        %gt3A_1459 = arith.cmpf ogt, %get3A_1458, %select_n3A_1424 : vector<16xf32>
        %select_n3A_1460 = arith.select %gt3A_1459, %get3A_1458, %select_n3A_1424 : vector<16xi1>, vector<16xf32>
        %jit3A_1461 = arith.constant 102 : i32
        %broadcast_in_dim3A_1462 = vector.broadcast %jit3A_1461 : i32 to vector<16xi32>
        %select_n3A_1463 = arith.select %gt3A_1459, %broadcast_in_dim3A_1462, %select_n3A_1427 : vector<16xi1>, vector<16xi32>
        %get3A_1464 = arith.constant 103 : i32
        %get3A_1465 = arith.index_cast %get3A_1464 : i32 to index
        %get3A_1466 = arith.constant 0 : index
        %get3A_1467 = tpu.vector_load %arg4[%get3A_1465, %get3A_1466] {strides = array<i32>} : memref<128x16xf32, #tpu.memory_space<vmem>>, vector<16xf32>,
        %gt3A_1468 = arith.cmpf ogt, %get3A_1467, %select_n3A_1433 : vector<16xf32>
        %select_n3A_1469 = arith.select %gt3A_1468, %get3A_1467, %select_n3A_1433 : vector<16xi1>, vector<16xf32>
        %jit3A_1470 = arith.constant 103 : i32
        %broadcast_in_dim3A_1471 = vector.broadcast %jit3A_1470 : i32 to vector<16xi32>
        %select_n3A_1472 = arith.select %gt3A_1468, %broadcast_in_dim3A_1471, %select_n3A_1436 : vector<16xi1>, vector<16xi32>
        %get3A_1473 = arith.constant 104 : i32
        %get3A_1474 = arith.index_cast %get3A_1473 : i32 to index
        %get3A_1475 = arith.constant 0 : index
        %get3A_1476 = tpu.vector_load %arg4[%get3A_1474, %get3A_1475] {strides = array<i32>} : memref<128x16xf32, #tpu.memory_space<vmem>>, vector<16xf32>,
        %gt3A_1477 = arith.cmpf ogt, %get3A_1476, %select_n3A_1442 : vector<16xf32>
        %select_n3A_1478 = arith.select %gt3A_1477, %get3A_1476, %select_n3A_1442 : vector<16xi1>, vector<16xf32>
        %jit3A_1479 = arith.constant 104 : i32
        %broadcast_in_dim3A_1480 = vector.broadcast %jit3A_1479 : i32 to vector<16xi32>
        %select_n3A_1481 = arith.select %gt3A_1477, %broadcast_in_dim3A_1480, %select_n3A_1445 : vector<16xi1>, vector<16xi32>
        %get3A_1482 = arith.constant 105 : i32
        %get3A_1483 = arith.index_cast %get3A_1482 : i32 to index
        %get3A_1484 = arith.constant 0 : index
        %get3A_1485 = tpu.vector_load %arg4[%get3A_1483, %get3A_1484] {strides = array<i32>} : memref<128x16xf32, #tpu.memory_space<vmem>>, vector<16xf32>,
        %gt3A_1486 = arith.cmpf ogt, %get3A_1485, %select_n3A_1451 : vector<16xf32>
        %select_n3A_1487 = arith.select %gt3A_1486, %get3A_1485, %select_n3A_1451 : vector<16xi1>, vector<16xf32>
        %jit3A_1488 = arith.constant 105 : i32
        %broadcast_in_dim3A_1489 = vector.broadcast %jit3A_1488 : i32 to vector<16xi32>
        %select_n3A_1490 = arith.select %gt3A_1486, %broadcast_in_dim3A_1489, %select_n3A_1454 : vector<16xi1>, vector<16xi32>
        %get3A_1491 = arith.constant 106 : i32
        %get3A_1492 = arith.index_cast %get3A_1491 : i32 to index
        %get3A_1493 = arith.constant 0 : index
        %get3A_1494 = tpu.vector_load %arg4[%get3A_1492, %get3A_1493] {strides = array<i32>} : memref<128x16xf32, #tpu.memory_space<vmem>>, vector<16xf32>,
        %gt3A_1495 = arith.cmpf ogt, %get3A_1494, %select_n3A_1460 : vector<16xf32>
        %select_n3A_1496 = arith.select %gt3A_1495, %get3A_1494, %select_n3A_1460 : vector<16xi1>, vector<16xf32>
        %jit3A_1497 = arith.constant 106 : i32
        %broadcast_in_dim3A_1498 = vector.broadcast %jit3A_1497 : i32 to vector<16xi32>
        %select_n3A_1499 = arith.select %gt3A_1495, %broadcast_in_dim3A_1498, %select_n3A_1463 : vector<16xi1>, vector<16xi32>
        %get3A_1500 = arith.constant 107 : i32
        %get3A_1501 = arith.index_cast %get3A_1500 : i32 to index
        %get3A_1502 = arith.constant 0 : index
        %get3A_1503 = tpu.vector_load %arg4[%get3A_1501, %get3A_1502] {strides = array<i32>} : memref<128x16xf32, #tpu.memory_space<vmem>>, vector<16xf32>,
        %gt3A_1504 = arith.cmpf ogt, %get3A_1503, %select_n3A_1469 : vector<16xf32>
        %select_n3A_1505 = arith.select %gt3A_1504, %get3A_1503, %select_n3A_1469 : vector<16xi1>, vector<16xf32>
        %jit3A_1506 = arith.constant 107 : i32
        %broadcast_in_dim3A_1507 = vector.broadcast %jit3A_1506 : i32 to vector<16xi32>
        %select_n3A_1508 = arith.select %gt3A_1504, %broadcast_in_dim3A_1507, %select_n3A_1472 : vector<16xi1>, vector<16xi32>
        %get3A_1509 = arith.constant 108 : i32
        %get3A_1510 = arith.index_cast %get3A_1509 : i32 to index
        %get3A_1511 = arith.constant 0 : index
        %get3A_1512 = tpu.vector_load %arg4[%get3A_1510, %get3A_1511] {strides = array<i32>} : memref<128x16xf32, #tpu.memory_space<vmem>>, vector<16xf32>,
        %gt3A_1513 = arith.cmpf ogt, %get3A_1512, %select_n3A_1478 : vector<16xf32>
        %select_n3A_1514 = arith.select %gt3A_1513, %get3A_1512, %select_n3A_1478 : vector<16xi1>, vector<16xf32>
        %jit3A_1515 = arith.constant 108 : i32
        %broadcast_in_dim3A_1516 = vector.broadcast %jit3A_1515 : i32 to vector<16xi32>
        %select_n3A_1517 = arith.select %gt3A_1513, %broadcast_in_dim3A_1516, %select_n3A_1481 : vector<16xi1>, vector<16xi32>
        %get3A_1518 = arith.constant 109 : i32
        %get3A_1519 = arith.index_cast %get3A_1518 : i32 to index
        %get3A_1520 = arith.constant 0 : index
        %get3A_1521 = tpu.vector_load %arg4[%get3A_1519, %get3A_1520] {strides = array<i32>} : memref<128x16xf32, #tpu.memory_space<vmem>>, vector<16xf32>,
        %gt3A_1522 = arith.cmpf ogt, %get3A_1521, %select_n3A_1487 : vector<16xf32>
        %select_n3A_1523 = arith.select %gt3A_1522, %get3A_1521, %select_n3A_1487 : vector<16xi1>, vector<16xf32>
        %jit3A_1524 = arith.constant 109 : i32
        %broadcast_in_dim3A_1525 = vector.broadcast %jit3A_1524 : i32 to vector<16xi32>
        %select_n3A_1526 = arith.select %gt3A_1522, %broadcast_in_dim3A_1525, %select_n3A_1490 : vector<16xi1>, vector<16xi32>
        %get3A_1527 = arith.constant 110 : i32
        %get3A_1528 = arith.index_cast %get3A_1527 : i32 to index
        %get3A_1529 = arith.constant 0 : index
        %get3A_1530 = tpu.vector_load %arg4[%get3A_1528, %get3A_1529] {strides = array<i32>} : memref<128x16xf32, #tpu.memory_space<vmem>>, vector<16xf32>,
        %gt3A_1531 = arith.cmpf ogt, %get3A_1530, %select_n3A_1496 : vector<16xf32>
        %select_n3A_1532 = arith.select %gt3A_1531, %get3A_1530, %select_n3A_1496 : vector<16xi1>, vector<16xf32>
        %jit3A_1533 = arith.constant 110 : i32
        %broadcast_in_dim3A_1534 = vector.broadcast %jit3A_1533 : i32 to vector<16xi32>
        %select_n3A_1535 = arith.select %gt3A_1531, %broadcast_in_dim3A_1534, %select_n3A_1499 : vector<16xi1>, vector<16xi32>
        %get3A_1536 = arith.constant 111 : i32
        %get3A_1537 = arith.index_cast %get3A_1536 : i32 to index
        %get3A_1538 = arith.constant 0 : index
        %get3A_1539 = tpu.vector_load %arg4[%get3A_1537, %get3A_1538] {strides = array<i32>} : memref<128x16xf32, #tpu.memory_space<vmem>>, vector<16xf32>,
        %gt3A_1540 = arith.cmpf ogt, %get3A_1539, %select_n3A_1505 : vector<16xf32>
        %select_n3A_1541 = arith.select %gt3A_1540, %get3A_1539, %select_n3A_1505 : vector<16xi1>, vector<16xf32>
        %jit3A_1542 = arith.constant 111 : i32
        %broadcast_in_dim3A_1543 = vector.broadcast %jit3A_1542 : i32 to vector<16xi32>
        %select_n3A_1544 = arith.select %gt3A_1540, %broadcast_in_dim3A_1543, %select_n3A_1508 : vector<16xi1>, vector<16xi32>
        %get3A_1545 = arith.constant 112 : i32
        %get3A_1546 = arith.index_cast %get3A_1545 : i32 to index
        %get3A_1547 = arith.constant 0 : index
        %get3A_1548 = tpu.vector_load %arg4[%get3A_1546, %get3A_1547] {strides = array<i32>} : memref<128x16xf32, #tpu.memory_space<vmem>>, vector<16xf32>,
        %gt3A_1549 = arith.cmpf ogt, %get3A_1548, %select_n3A_1514 : vector<16xf32>
        %select_n3A_1550 = arith.select %gt3A_1549, %get3A_1548, %select_n3A_1514 : vector<16xi1>, vector<16xf32>
        %jit3A_1551 = arith.constant 112 : i32
        %broadcast_in_dim3A_1552 = vector.broadcast %jit3A_1551 : i32 to vector<16xi32>
        %select_n3A_1553 = arith.select %gt3A_1549, %broadcast_in_dim3A_1552, %select_n3A_1517 : vector<16xi1>, vector<16xi32>
        %get3A_1554 = arith.constant 113 : i32
        %get3A_1555 = arith.index_cast %get3A_1554 : i32 to index
        %get3A_1556 = arith.constant 0 : index
        %get3A_1557 = tpu.vector_load %arg4[%get3A_1555, %get3A_1556] {strides = array<i32>} : memref<128x16xf32, #tpu.memory_space<vmem>>, vector<16xf32>,
        %gt3A_1558 = arith.cmpf ogt, %get3A_1557, %select_n3A_1523 : vector<16xf32>
        %select_n3A_1559 = arith.select %gt3A_1558, %get3A_1557, %select_n3A_1523 : vector<16xi1>, vector<16xf32>
        %jit3A_1560 = arith.constant 113 : i32
        %broadcast_in_dim3A_1561 = vector.broadcast %jit3A_1560 : i32 to vector<16xi32>
        %select_n3A_1562 = arith.select %gt3A_1558, %broadcast_in_dim3A_1561, %select_n3A_1526 : vector<16xi1>, vector<16xi32>
        %get3A_1563 = arith.constant 114 : i32
        %get3A_1564 = arith.index_cast %get3A_1563 : i32 to index
        %get3A_1565 = arith.constant 0 : index
        %get3A_1566 = tpu.vector_load %arg4[%get3A_1564, %get3A_1565] {strides = array<i32>} : memref<128x16xf32, #tpu.memory_space<vmem>>, vector<16xf32>,
        %gt3A_1567 = arith.cmpf ogt, %get3A_1566, %select_n3A_1532 : vector<16xf32>
        %select_n3A_1568 = arith.select %gt3A_1567, %get3A_1566, %select_n3A_1532 : vector<16xi1>, vector<16xf32>
        %jit3A_1569 = arith.constant 114 : i32
        %broadcast_in_dim3A_1570 = vector.broadcast %jit3A_1569 : i32 to vector<16xi32>
        %select_n3A_1571 = arith.select %gt3A_1567, %broadcast_in_dim3A_1570, %select_n3A_1535 : vector<16xi1>, vector<16xi32>
        %get3A_1572 = arith.constant 115 : i32
        %get3A_1573 = arith.index_cast %get3A_1572 : i32 to index
        %get3A_1574 = arith.constant 0 : index
        %get3A_1575 = tpu.vector_load %arg4[%get3A_1573, %get3A_1574] {strides = array<i32>} : memref<128x16xf32, #tpu.memory_space<vmem>>, vector<16xf32>,
        %gt3A_1576 = arith.cmpf ogt, %get3A_1575, %select_n3A_1541 : vector<16xf32>
        %select_n3A_1577 = arith.select %gt3A_1576, %get3A_1575, %select_n3A_1541 : vector<16xi1>, vector<16xf32>
        %jit3A_1578 = arith.constant 115 : i32
        %broadcast_in_dim3A_1579 = vector.broadcast %jit3A_1578 : i32 to vector<16xi32>
        %select_n3A_1580 = arith.select %gt3A_1576, %broadcast_in_dim3A_1579, %select_n3A_1544 : vector<16xi1>, vector<16xi32>
        %get3A_1581 = arith.constant 116 : i32
        %get3A_1582 = arith.index_cast %get3A_1581 : i32 to index
        %get3A_1583 = arith.constant 0 : index
        %get3A_1584 = tpu.vector_load %arg4[%get3A_1582, %get3A_1583] {strides = array<i32>} : memref<128x16xf32, #tpu.memory_space<vmem>>, vector<16xf32>,
        %gt3A_1585 = arith.cmpf ogt, %get3A_1584, %select_n3A_1550 : vector<16xf32>
        %select_n3A_1586 = arith.select %gt3A_1585, %get3A_1584, %select_n3A_1550 : vector<16xi1>, vector<16xf32>
        %jit3A_1587 = arith.constant 116 : i32
        %broadcast_in_dim3A_1588 = vector.broadcast %jit3A_1587 : i32 to vector<16xi32>
        %select_n3A_1589 = arith.select %gt3A_1585, %broadcast_in_dim3A_1588, %select_n3A_1553 : vector<16xi1>, vector<16xi32>
        %get3A_1590 = arith.constant 117 : i32
        %get3A_1591 = arith.index_cast %get3A_1590 : i32 to index
        %get3A_1592 = arith.constant 0 : index
        %get3A_1593 = tpu.vector_load %arg4[%get3A_1591, %get3A_1592] {strides = array<i32>} : memref<128x16xf32, #tpu.memory_space<vmem>>, vector<16xf32>,
        %gt3A_1594 = arith.cmpf ogt, %get3A_1593, %select_n3A_1559 : vector<16xf32>
        %select_n3A_1595 = arith.select %gt3A_1594, %get3A_1593, %select_n3A_1559 : vector<16xi1>, vector<16xf32>
        %jit3A_1596 = arith.constant 117 : i32
        %broadcast_in_dim3A_1597 = vector.broadcast %jit3A_1596 : i32 to vector<16xi32>
        %select_n3A_1598 = arith.select %gt3A_1594, %broadcast_in_dim3A_1597, %select_n3A_1562 : vector<16xi1>, vector<16xi32>
        %get3A_1599 = arith.constant 118 : i32
        %get3A_1600 = arith.index_cast %get3A_1599 : i32 to index
        %get3A_1601 = arith.constant 0 : index
        %get3A_1602 = tpu.vector_load %arg4[%get3A_1600, %get3A_1601] {strides = array<i32>} : memref<128x16xf32, #tpu.memory_space<vmem>>, vector<16xf32>,
        %gt3A_1603 = arith.cmpf ogt, %get3A_1602, %select_n3A_1568 : vector<16xf32>
        %select_n3A_1604 = arith.select %gt3A_1603, %get3A_1602, %select_n3A_1568 : vector<16xi1>, vector<16xf32>
        %jit3A_1605 = arith.constant 118 : i32
        %broadcast_in_dim3A_1606 = vector.broadcast %jit3A_1605 : i32 to vector<16xi32>
        %select_n3A_1607 = arith.select %gt3A_1603, %broadcast_in_dim3A_1606, %select_n3A_1571 : vector<16xi1>, vector<16xi32>
        %get3A_1608 = arith.constant 119 : i32
        %get3A_1609 = arith.index_cast %get3A_1608 : i32 to index
        %get3A_1610 = arith.constant 0 : index
        %get3A_1611 = tpu.vector_load %arg4[%get3A_1609, %get3A_1610] {strides = array<i32>} : memref<128x16xf32, #tpu.memory_space<vmem>>, vector<16xf32>,
        %gt3A_1612 = arith.cmpf ogt, %get3A_1611, %select_n3A_1577 : vector<16xf32>
        %select_n3A_1613 = arith.select %gt3A_1612, %get3A_1611, %select_n3A_1577 : vector<16xi1>, vector<16xf32>
        %jit3A_1614 = arith.constant 119 : i32
        %broadcast_in_dim3A_1615 = vector.broadcast %jit3A_1614 : i32 to vector<16xi32>
        %select_n3A_1616 = arith.select %gt3A_1612, %broadcast_in_dim3A_1615, %select_n3A_1580 : vector<16xi1>, vector<16xi32>
        %get3A_1617 = arith.constant 120 : i32
        %get3A_1618 = arith.index_cast %get3A_1617 : i32 to index
        %get3A_1619 = arith.constant 0 : index
        %get3A_1620 = tpu.vector_load %arg4[%get3A_1618, %get3A_1619] {strides = array<i32>} : memref<128x16xf32, #tpu.memory_space<vmem>>, vector<16xf32>,
        %gt3A_1621 = arith.cmpf ogt, %get3A_1620, %select_n3A_1586 : vector<16xf32>
        %select_n3A_1622 = arith.select %gt3A_1621, %get3A_1620, %select_n3A_1586 : vector<16xi1>, vector<16xf32>
        %jit3A_1623 = arith.constant 120 : i32
        %broadcast_in_dim3A_1624 = vector.broadcast %jit3A_1623 : i32 to vector<16xi32>
        %select_n3A_1625 = arith.select %gt3A_1621, %broadcast_in_dim3A_1624, %select_n3A_1589 : vector<16xi1>, vector<16xi32>
        %get3A_1626 = arith.constant 121 : i32
        %get3A_1627 = arith.index_cast %get3A_1626 : i32 to index
        %get3A_1628 = arith.constant 0 : index
        %get3A_1629 = tpu.vector_load %arg4[%get3A_1627, %get3A_1628] {strides = array<i32>} : memref<128x16xf32, #tpu.memory_space<vmem>>, vector<16xf32>,
        %gt3A_1630 = arith.cmpf ogt, %get3A_1629, %select_n3A_1595 : vector<16xf32>
        %select_n3A_1631 = arith.select %gt3A_1630, %get3A_1629, %select_n3A_1595 : vector<16xi1>, vector<16xf32>
        %jit3A_1632 = arith.constant 121 : i32
        %broadcast_in_dim3A_1633 = vector.broadcast %jit3A_1632 : i32 to vector<16xi32>
        %select_n3A_1634 = arith.select %gt3A_1630, %broadcast_in_dim3A_1633, %select_n3A_1598 : vector<16xi1>, vector<16xi32>
        %get3A_1635 = arith.constant 122 : i32
        %get3A_1636 = arith.index_cast %get3A_1635 : i32 to index
        %get3A_1637 = arith.constant 0 : index
        %get3A_1638 = tpu.vector_load %arg4[%get3A_1636, %get3A_1637] {strides = array<i32>} : memref<128x16xf32, #tpu.memory_space<vmem>>, vector<16xf32>,
        %gt3A_1639 = arith.cmpf ogt, %get3A_1638, %select_n3A_1604 : vector<16xf32>
        %select_n3A_1640 = arith.select %gt3A_1639, %get3A_1638, %select_n3A_1604 : vector<16xi1>, vector<16xf32>
        %jit3A_1641 = arith.constant 122 : i32
        %broadcast_in_dim3A_1642 = vector.broadcast %jit3A_1641 : i32 to vector<16xi32>
        %select_n3A_1643 = arith.select %gt3A_1639, %broadcast_in_dim3A_1642, %select_n3A_1607 : vector<16xi1>, vector<16xi32>
        %get3A_1644 = arith.constant 123 : i32
        %get3A_1645 = arith.index_cast %get3A_1644 : i32 to index
        %get3A_1646 = arith.constant 0 : index
        %get3A_1647 = tpu.vector_load %arg4[%get3A_1645, %get3A_1646] {strides = array<i32>} : memref<128x16xf32, #tpu.memory_space<vmem>>, vector<16xf32>,
        %gt3A_1648 = arith.cmpf ogt, %get3A_1647, %select_n3A_1613 : vector<16xf32>
        %select_n3A_1649 = arith.select %gt3A_1648, %get3A_1647, %select_n3A_1613 : vector<16xi1>, vector<16xf32>
        %jit3A_1650 = arith.constant 123 : i32
        %broadcast_in_dim3A_1651 = vector.broadcast %jit3A_1650 : i32 to vector<16xi32>
        %select_n3A_1652 = arith.select %gt3A_1648, %broadcast_in_dim3A_1651, %select_n3A_1616 : vector<16xi1>, vector<16xi32>
        %get3A_1653 = arith.constant 124 : i32
        %get3A_1654 = arith.index_cast %get3A_1653 : i32 to index
        %get3A_1655 = arith.constant 0 : index
        %get3A_1656 = tpu.vector_load %arg4[%get3A_1654, %get3A_1655] {strides = array<i32>} : memref<128x16xf32, #tpu.memory_space<vmem>>, vector<16xf32>,
        %gt3A_1657 = arith.cmpf ogt, %get3A_1656, %select_n3A_1622 : vector<16xf32>
        %select_n3A_1658 = arith.select %gt3A_1657, %get3A_1656, %select_n3A_1622 : vector<16xi1>, vector<16xf32>
        %jit3A_1659 = arith.constant 124 : i32
        %broadcast_in_dim3A_1660 = vector.broadcast %jit3A_1659 : i32 to vector<16xi32>
        %select_n3A_1661 = arith.select %gt3A_1657, %broadcast_in_dim3A_1660, %select_n3A_1625 : vector<16xi1>, vector<16xi32>
        %get3A_1662 = arith.constant 125 : i32
        %get3A_1663 = arith.index_cast %get3A_1662 : i32 to index
        %get3A_1664 = arith.constant 0 : index
        %get3A_1665 = tpu.vector_load %arg4[%get3A_1663, %get3A_1664] {strides = array<i32>} : memref<128x16xf32, #tpu.memory_space<vmem>>, vector<16xf32>,
        %gt3A_1666 = arith.cmpf ogt, %get3A_1665, %select_n3A_1631 : vector<16xf32>
        %select_n3A_1667 = arith.select %gt3A_1666, %get3A_1665, %select_n3A_1631 : vector<16xi1>, vector<16xf32>
        %jit3A_1668 = arith.constant 125 : i32
        %broadcast_in_dim3A_1669 = vector.broadcast %jit3A_1668 : i32 to vector<16xi32>
        %select_n3A_1670 = arith.select %gt3A_1666, %broadcast_in_dim3A_1669, %select_n3A_1634 : vector<16xi1>, vector<16xi32>
        %get3A_1671 = arith.constant 126 : i32
        %get3A_1672 = arith.index_cast %get3A_1671 : i32 to index
        %get3A_1673 = arith.constant 0 : index
        %get3A_1674 = tpu.vector_load %arg4[%get3A_1672, %get3A_1673] {strides = array<i32>} : memref<128x16xf32, #tpu.memory_space<vmem>>, vector<16xf32>,
        %gt3A_1675 = arith.cmpf ogt, %get3A_1674, %select_n3A_1640 : vector<16xf32>
        %select_n3A_1676 = arith.select %gt3A_1675, %get3A_1674, %select_n3A_1640 : vector<16xi1>, vector<16xf32>
        %jit3A_1677 = arith.constant 126 : i32
        %broadcast_in_dim3A_1678 = vector.broadcast %jit3A_1677 : i32 to vector<16xi32>
        %select_n3A_1679 = arith.select %gt3A_1675, %broadcast_in_dim3A_1678, %select_n3A_1643 : vector<16xi1>, vector<16xi32>
        %get3A_1680 = arith.constant 127 : i32
        %get3A_1681 = arith.index_cast %get3A_1680 : i32 to index
        %get3A_1682 = arith.constant 0 : index
        %get3A_1683 = tpu.vector_load %arg4[%get3A_1681, %get3A_1682] {strides = array<i32>} : memref<128x16xf32, #tpu.memory_space<vmem>>, vector<16xf32>,
        %gt3A_1684 = arith.cmpf ogt, %get3A_1683, %select_n3A_1649 : vector<16xf32>
        %select_n3A_1685 = arith.select %gt3A_1684, %get3A_1683, %select_n3A_1649 : vector<16xi1>, vector<16xf32>
        %jit3A_1686 = arith.constant 127 : i32
        %broadcast_in_dim3A_1687 = vector.broadcast %jit3A_1686 : i32 to vector<16xi32>
        %select_n3A_1688 = arith.select %gt3A_1684, %broadcast_in_dim3A_1687, %select_n3A_1652 : vector<16xi1>, vector<16xi32>
        %gt3A_1689 = arith.cmpf ogt, %select_n3A_1667, %select_n3A_1658 : vector<16xf32>
        %eq3A = arith.cmpf oeq, %select_n3A_1667, %select_n3A_1658 : vector<16xf32>
        %lt3A_1690 = arith.cmpi slt, %select_n3A_1670, %select_n3A_1661 : vector<16xi32>
        %and3A = arith.andi %eq3A, %lt3A_1690 : vector<16xi1>
        %or3A = arith.ori %gt3A_1689, %and3A : vector<16xi1>
        %select_n3A_1691 = arith.select %or3A, %select_n3A_1667, %select_n3A_1658 : vector<16xi1>, vector<16xf32>
        %select_n3A_1692 = arith.select %or3A, %select_n3A_1670, %select_n3A_1661 : vector<16xi1>, vector<16xi32>
        %gt3A_1693 = arith.cmpf ogt, %select_n3A_1676, %select_n3A_1691 : vector<16xf32>
        %eq3A_1694 = arith.cmpf oeq, %select_n3A_1676, %select_n3A_1691 : vector<16xf32>
        %lt3A_1695 = arith.cmpi slt, %select_n3A_1679, %select_n3A_1692 : vector<16xi32>
        %and3A_1696 = arith.andi %eq3A_1694, %lt3A_1695 : vector<16xi1>
        %or3A_1697 = arith.ori %gt3A_1693, %and3A_1696 : vector<16xi1>
        %select_n3A_1698 = arith.select %or3A_1697, %select_n3A_1676, %select_n3A_1691 : vector<16xi1>, vector<16xf32>
        %select_n3A_1699 = arith.select %or3A_1697, %select_n3A_1679, %select_n3A_1692 : vector<16xi1>, vector<16xi32>
        %gt3A_1700 = arith.cmpf ogt, %select_n3A_1685, %select_n3A_1698 : vector<16xf32>
        %eq3A_1701 = arith.cmpf oeq, %select_n3A_1685, %select_n3A_1698 : vector<16xf32>
        %lt3A_1702 = arith.cmpi slt, %select_n3A_1688, %select_n3A_1699 : vector<16xi32>
        %and3A_1703 = arith.andi %eq3A_1701, %lt3A_1702 : vector<16xi1>
        %or3A_1704 = arith.ori %gt3A_1700, %and3A_1703 : vector<16xi1>
        %select_n3A_1705 = arith.select %or3A_1704, %select_n3A_1685, %select_n3A_1698 : vector<16xi1>, vector<16xf32>
        %select_n3A_1706 = arith.select %or3A_1704, %select_n3A_1688, %select_n3A_1699 : vector<16xi1>, vector<16xi32>
        %broadcast_in_dim3A_1707 = arith.constant -3.000000e+00 : f32
        %broadcast_in_dim3A_1708 = vector.broadcast %broadcast_in_dim3A_1707 : f32 to vector<16xf32>
        tpu.vector_store_idx %arg4[%select_n3A_1706, %iota3A], %broadcast_in_dim3A_1708 : memref<128x16xf32, #tpu.memory_space<vmem>>[vector<16xi32>, vector<16xi32>], vector<16xf32>,
        %broadcast_in_dim3A_1709 = arith.constant 1.000000e+00 : f32
        %broadcast_in_dim3A_1710 = vector.broadcast %broadcast_in_dim3A_1709 : f32 to vector<16xf32>
        tpu.vector_store_idx %arg5[%iota3A, %select_n3A_1706], %broadcast_in_dim3A_1710 : memref<16x128xf32, #tpu.memory_space<vmem>>[vector<16xi32>, vector<16xi32>], vector<16xf32>,
        %scan3A_1711 = arith.constant 0 : i32
        scf.yield %scan3A_1711 : i32
      }
      %scan3A_522 = arith.constant 15 : i32
      "tpu.region"() ({
        %run_scoped3A = tpu.sem_alloc : memref<!tpu.dma_semaphore, #tpu.memory_space<semaphore_mem>>
        %dma_start3A = arith.constant 0 : i32
        %dma_start3A_523 = tpu.memref_slice %arg3[%mul3A_4, %dma_start3A] : memref<128x128xf32, #tpu.memory_space<hbm>> -> memref<16x128xf32, #tpu.memory_space<hbm>>
        %dma_start3A_524 = arith.constant 0 : i32
        %dma_start3A_525 = tpu.memref_slice %arg3[%mul3A_4, %dma_start3A_524] : memref<128x128xf32, #tpu.memory_space<hbm>> -> memref<16x128xf32, #tpu.memory_space<hbm>>
        tpu.enqueue_dma source(%arg5 : memref<16x128xf32, #tpu.memory_space<vmem>>) target(%dma_start3A_525 : memref<16x128xf32, #tpu.memory_space<hbm>>) target_semaphore(%run_scoped3A : memref<!tpu.dma_semaphore, #tpu.memory_space<semaphore_mem>>)
        %dma_wait3A = arith.constant 0 : i32
        %dma_wait3A_526 = tpu.memref_slice %arg3[%mul3A_4, %dma_wait3A] : memref<128x128xf32, #tpu.memory_space<hbm>> -> memref<16x128xf32, #tpu.memory_space<hbm>>
        %dma_wait3A_527 = arith.constant 0 : i32
        %dma_wait3A_528 = tpu.memref_slice %arg3[%mul3A_4, %dma_wait3A_527] : memref<128x128xf32, #tpu.memory_space<hbm>> -> memref<16x128xf32, #tpu.memory_space<hbm>>
        tpu.wait_dma2 semaphore(%run_scoped3A : memref<!tpu.dma_semaphore, #tpu.memory_space<semaphore_mem>>) src(%arg5 : memref<16x128xf32, #tpu.memory_space<vmem>>) dst(%dma_wait3A_528 : memref<16x128xf32, #tpu.memory_space<hbm>>)
        tpu.yield
      }) : () -> ()
    } else {
    }
    return
  }
}

module attributes {stable_mosaic.version = 14 : i64} {
  func.func @_prep_kernel(%arg0: memref<128x100xf32, #tpu.memory_space<vmem>>, %arg1: memref<100x128xf32, #tpu.memory_space<vmem>>, %arg2: memref<1x100xf32, #tpu.memory_space<vmem>>, %arg3: memref<1x100xf32, #tpu.memory_space<vmem>>, %arg4: memref<128x128xf32, #tpu.memory_space<vmem>>, %arg5: memref<128x1xf32, #tpu.memory_space<vmem>>, %arg6: memref<1x128xf32, #tpu.memory_space<vmem>>) attributes {dimension_semantics = [], scalar_prefetch = 0 : i64, scratch_operands = 0 : i64, tpu.core_type = #tpu.core_type<tc>} {
    %get3A = arith.constant 0 : index
    %get3A_0 = arith.constant 0 : index
    %get3A_1 = vector.load %arg0[%get3A, %get3A_0] : memref<128x100xf32, #tpu.memory_space<vmem>>, vector<128x100xf32>
    %get3A_2 = arith.constant 0 : index
    %get3A_3 = arith.constant 0 : index
    %get3A_4 = vector.load %arg1[%get3A_2, %get3A_3] : memref<100x128xf32, #tpu.memory_space<vmem>>, vector<100x128xf32>
    %mul3A = arith.mulf %get3A_1, %get3A_1 : vector<128x100xf32>
    %reduce_sum3A = arith.constant dense<0.000000e+00> : vector<128xf32>
    %reduce_sum3A_5 = vector.multi_reduction <add>, %mul3A, %reduce_sum3A [1] : vector<128x100xf32> to vector<128xf32>
    %broadcast_in_dim3A = vector.shape_cast %reduce_sum3A_5 : vector<128xf32> to vector<128x1xf32>
    %sqrt3A = math.sqrt %broadcast_in_dim3A : vector<128x1xf32>
    %mul3A_6 = arith.mulf %get3A_4, %get3A_4 : vector<100x128xf32>
    %reduce_sum3A_7 = arith.constant dense<0.000000e+00> : vector<128xf32>
    %reduce_sum3A_8 = vector.multi_reduction <add>, %mul3A_6, %reduce_sum3A_7 [0] : vector<100x128xf32> to vector<128xf32>
    %broadcast_in_dim3A_9 = vector.shape_cast %reduce_sum3A_8 : vector<128xf32> to vector<1x128xf32>
    %sqrt3A_10 = math.sqrt %broadcast_in_dim3A_9 : vector<1x128xf32>
    %dot_general3A = arith.constant dense<0.000000e+00> : vector<128x128xf32>
    %dot_general3A_11 = tpu.matmul %get3A_1, %get3A_4, %dot_general3A {dimension_numbers = #tpu.dot_dimension_numbers<[1], [0], [0], [1], [0, 0, 1, 1], [], []>, transpose_lhs_hint = false} : vector<128x100xf32>, vector<100x128xf32>, vector<128x128xf32> -> vector<128x128xf32>
    %mul3A_12 = vector.broadcast %sqrt3A : vector<128x1xf32> to vector<128x128xf32>
    %mul3A_13 = vector.broadcast %sqrt3A_10 : vector<1x128xf32> to vector<128x128xf32>
    %mul3A_14 = arith.mulf %mul3A_12, %mul3A_13 : vector<128x128xf32>
    %div3A = arith.divf %dot_general3A_11, %mul3A_14 : vector<128x128xf32>
    %swap3A = arith.constant 0 : index
    %swap3A_15 = arith.constant 0 : index
    %swap3A_16 = vector.load %arg4[%swap3A, %swap3A_15] : memref<128x128xf32, #tpu.memory_space<vmem>>, vector<128x128xf32>
    tpu.vector_store %arg4[%swap3A, %swap3A_15], %div3A {strides = array<i32>} : memref<128x128xf32, #tpu.memory_space<vmem>>, vector<128x128xf32>,
    %get3A_17 = arith.constant 0 : index
    %get3A_18 = arith.constant 0 : index
    %get3A_19 = vector.load %arg2[%get3A_17, %get3A_18] : memref<1x100xf32, #tpu.memory_space<vmem>>, vector<1x100xf32>
    %mul3A_20 = vector.broadcast %get3A_19 : vector<1x100xf32> to vector<128x100xf32>
    %mul3A_21 = arith.mulf %get3A_1, %mul3A_20 : vector<128x100xf32>
    %reduce_sum3A_22 = arith.constant dense<0.000000e+00> : vector<128xf32>
    %reduce_sum3A_23 = vector.multi_reduction <add>, %mul3A_21, %reduce_sum3A_22 [1] : vector<128x100xf32> to vector<128xf32>
    %broadcast_in_dim3A_24 = vector.shape_cast %reduce_sum3A_23 : vector<128xf32> to vector<128x1xf32>
    %swap3A_25 = arith.constant 0 : index
    %swap3A_26 = arith.constant 0 : index
    %swap3A_27 = vector.load %arg5[%swap3A_25, %swap3A_26] : memref<128x1xf32, #tpu.memory_space<vmem>>, vector<128x1xf32>
    tpu.vector_store %arg5[%swap3A_25, %swap3A_26], %broadcast_in_dim3A_24 {strides = array<i32>} : memref<128x1xf32, #tpu.memory_space<vmem>>, vector<128x1xf32>,
    %get3A_28 = arith.constant 0 : index
    %get3A_29 = arith.constant 0 : index
    %get3A_30 = vector.load %arg3[%get3A_28, %get3A_29] : memref<1x100xf32, #tpu.memory_space<vmem>>, vector<1x100xf32>
    %dot_general3A_31 = arith.constant dense<0.000000e+00> : vector<1x128xf32>
    %dot_general3A_32 = tpu.matmul %get3A_30, %get3A_4, %dot_general3A_31 {dimension_numbers = #tpu.dot_dimension_numbers<[1], [0], [0], [1], [0, 0, 1, 1], [], []>, transpose_lhs_hint = false} : vector<1x100xf32>, vector<100x128xf32>, vector<1x128xf32> -> vector<1x128xf32>
    %swap3A_33 = arith.constant 0 : index
    %swap3A_34 = arith.constant 0 : index
    %swap3A_35 = vector.load %arg6[%swap3A_33, %swap3A_34] : memref<1x128xf32, #tpu.memory_space<vmem>>, vector<1x128xf32>
    tpu.vector_store %arg6[%swap3A_33, %swap3A_34], %dot_general3A_32 {strides = array<i32>} : memref<1x128xf32, #tpu.memory_space<vmem>>, vector<1x128xf32>,
    return
  }
}

module attributes {stable_mosaic.version = 14 : i64} {
  func.func @_fused_kernel(%arg0: i32, %arg1: memref<1x128x100xf32, #tpu.memory_space<vmem>>, %arg2: memref<1x100x128xf32, #tpu.memory_space<vmem>>, %arg3: memref<100x100xf32, #tpu.memory_space<vmem>>, %arg4: memref<100x100xf32, #tpu.memory_space<vmem>>, %arg5: memref<1x100xf32, #tpu.memory_space<vmem>>, %arg6: memref<1x100xf32, #tpu.memory_space<vmem>>, %arg7: memref<128x128xf32, #tpu.memory_space<vmem>>, %arg8: memref<128x1xf32, #tpu.memory_space<vmem>>, %arg9: memref<1x128xf32, #tpu.memory_space<vmem>>, %arg10: memref<1x100xf32, #tpu.memory_space<vmem>>, %arg11: memref<1x100xf32, #tpu.memory_space<vmem>>, %arg12: memref<1x100xf32, #tpu.memory_space<vmem>>, %arg13: memref<128x256xf32, #tpu.memory_space<vmem>>, %arg14: memref<128x256xf32, #tpu.memory_space<vmem>>, %arg15: memref<1x256xf32, #tpu.memory_space<vmem>>, %arg16: memref<1x256xf32, #tpu.memory_space<vmem>>, %arg17: memref<256x1xf32, #tpu.memory_space<vmem>>, %arg18: memref<128x128xf32, #tpu.memory_space<vmem>>, %arg19: memref<128x128xf32, #tpu.memory_space<vmem>>, %arg20: memref<1x128xf32, #tpu.memory_space<vmem>>, %arg21: memref<128x256xf32, #tpu.memory_space<vmem>>, %arg22: memref<1x256xf32, #tpu.memory_space<vmem>>, %arg23: memref<256x128xf32, #tpu.memory_space<vmem>>, %arg24: memref<1x128xf32, #tpu.memory_space<vmem>>, %arg25: memref<128x256xf32, #tpu.memory_space<vmem>>, %arg26: memref<1x256xf32, #tpu.memory_space<vmem>>, %arg27: memref<256x128xf32, #tpu.memory_space<vmem>>, %arg28: memref<1x128xf32, #tpu.memory_space<vmem>>, %arg29: memref<6x32xf32, #tpu.memory_space<smem>>, %arg30: memref<1x1x128xf32, #tpu.memory_space<vmem>>, %arg31: memref<1x100x128xf32, #tpu.memory_space<vmem>>) attributes {dimension_semantics = [#tpu.dimension_semantics<arbitrary>], iteration_bounds = array<i64: 16>, scalar_prefetch = 0 : i64, scratch_operands = 0 : i64, tpu.core_type = #tpu.core_type<tc>, window_params = [{transform_indices = @transform_0, window_bounds = array<i64: 1, 128, 100>}, {transform_indices = @transform_1, window_bounds = array<i64: 1, 100, 128>}, {pipeline_mode = #tpu.pipeline_mode<synchronous>, transform_indices = @transform_2, window_bounds = array<i64: 100, 100>}, {pipeline_mode = #tpu.pipeline_mode<synchronous>, transform_indices = @transform_3, window_bounds = array<i64: 100, 100>}, {pipeline_mode = #tpu.pipeline_mode<synchronous>, transform_indices = @transform_4, window_bounds = array<i64: 1, 100>}, {pipeline_mode = #tpu.pipeline_mode<synchronous>, transform_indices = @transform_5, window_bounds = array<i64: 1, 100>}, {pipeline_mode = #tpu.pipeline_mode<synchronous>, transform_indices = @transform_6, window_bounds = array<i64: 128, 128>}, {pipeline_mode = #tpu.pipeline_mode<synchronous>, transform_indices = @transform_7, window_bounds = array<i64: 128, 1>}, {pipeline_mode = #tpu.pipeline_mode<synchronous>, transform_indices = @transform_8, window_bounds = array<i64: 1, 128>}, {pipeline_mode = #tpu.pipeline_mode<synchronous>, transform_indices = @transform_9, window_bounds = array<i64: 1, 100>}, {pipeline_mode = #tpu.pipeline_mode<synchronous>, transform_indices = @transform_10, window_bounds = array<i64: 1, 100>}, {pipeline_mode = #tpu.pipeline_mode<synchronous>, transform_indices = @transform_11, window_bounds = array<i64: 1, 100>}, {pipeline_mode = #tpu.pipeline_mode<synchronous>, transform_indices = @transform_12, window_bounds = array<i64: 128, 256>}, {pipeline_mode = #tpu.pipeline_mode<synchronous>, transform_indices = @transform_13, window_bounds = array<i64: 128, 256>}, {pipeline_mode = #tpu.pipeline_mode<synchronous>, transform_indices = @transform_14, window_bounds = array<i64: 1, 256>}, {pipeline_mode = #tpu.pipeline_mode<synchronous>, transform_indices = @transform_15, window_bounds = array<i64: 1, 256>}, {pipeline_mode = #tpu.pipeline_mode<synchronous>, transform_indices = @transform_16, window_bounds = array<i64: 256, 1>}, {pipeline_mode = #tpu.pipeline_mode<synchronous>, transform_indices = @transform_17, window_bounds = array<i64: 128, 128>}, {pipeline_mode = #tpu.pipeline_mode<synchronous>, transform_indices = @transform_18, window_bounds = array<i64: 128, 128>}, {pipeline_mode = #tpu.pipeline_mode<synchronous>, transform_indices = @transform_19, window_bounds = array<i64: 1, 128>}, {pipeline_mode = #tpu.pipeline_mode<synchronous>, transform_indices = @transform_20, window_bounds = array<i64: 128, 256>}, {pipeline_mode = #tpu.pipeline_mode<synchronous>, transform_indices = @transform_21, window_bounds = array<i64: 1, 256>}, {pipeline_mode = #tpu.pipeline_mode<synchronous>, transform_indices = @transform_22, window_bounds = array<i64: 256, 128>}, {pipeline_mode = #tpu.pipeline_mode<synchronous>, transform_indices = @transform_23, window_bounds = array<i64: 1, 128>}, {pipeline_mode = #tpu.pipeline_mode<synchronous>, transform_indices = @transform_24, window_bounds = array<i64: 128, 256>}, {pipeline_mode = #tpu.pipeline_mode<synchronous>, transform_indices = @transform_25, window_bounds = array<i64: 1, 256>}, {pipeline_mode = #tpu.pipeline_mode<synchronous>, transform_indices = @transform_26, window_bounds = array<i64: 256, 128>}, {pipeline_mode = #tpu.pipeline_mode<synchronous>, transform_indices = @transform_27, window_bounds = array<i64: 1, 128>}, {transform_indices = @transform_28, window_bounds = array<i64: 6, 32>}, {transform_indices = @transform_29, window_bounds = array<i64: 1, 1, 128>}, {transform_indices = @transform_30, window_bounds = array<i64: 1, 100, 128>}]} {
    %get3A = arith.constant 0 : index
    %get3A_0 = arith.constant 0 : index
    %get3A_1 = arith.constant 0 : index
    %get3A_2 = vector.load %arg1[%get3A, %get3A_0, %get3A_1] : memref<1x128x100xf32, #tpu.memory_space<vmem>>, vector<1x128x100xf32>
    %get3A_3 = vector.shape_cast %get3A_2 : vector<1x128x100xf32> to vector<128x100xf32>
    %get3A_4 = arith.constant 0 : index
    %get3A_5 = arith.constant 0 : index
    %get3A_6 = arith.constant 0 : index
    %get3A_7 = vector.load %arg2[%get3A_4, %get3A_5, %get3A_6] : memref<1x100x128xf32, #tpu.memory_space<vmem>>, vector<1x100x128xf32>
    %get3A_8 = vector.shape_cast %get3A_7 : vector<1x100x128xf32> to vector<100x128xf32>
    %get3A_9 = arith.constant 0 : index
    %get3A_10 = arith.constant 0 : index
    %get3A_11 = vector.load %arg3[%get3A_9, %get3A_10] : memref<100x100xf32, #tpu.memory_space<vmem>>, vector<100x100xf32>
    %dot_general3A = arith.constant dense<0.000000e+00> : vector<128x100xf32>
    %dot_general3A_12 = tpu.matmul %get3A_3, %get3A_11, %dot_general3A {dimension_numbers = #tpu.dot_dimension_numbers<[1], [0], [0], [1], [0, 0, 1, 1], [], []>, transpose_lhs_hint = false} : vector<128x100xf32>, vector<100x100xf32>, vector<128x100xf32> -> vector<128x100xf32>
    %get3A_13 = arith.constant 0 : index
    %get3A_14 = arith.constant 0 : index
    %get3A_15 = vector.load %arg4[%get3A_13, %get3A_14] : memref<100x100xf32, #tpu.memory_space<vmem>>, vector<100x100xf32>
    %dot_general3A_16 = arith.constant dense<0.000000e+00> : vector<100x128xf32>
    %dot_general3A_17 = tpu.matmul %get3A_15, %get3A_8, %dot_general3A_16 {dimension_numbers = #tpu.dot_dimension_numbers<[1], [0], [0], [1], [0, 0, 1, 1], [], []>, transpose_lhs_hint = false} : vector<100x100xf32>, vector<100x128xf32>, vector<100x128xf32> -> vector<100x128xf32>
    %get3A_18 = arith.constant 0 : index
    %get3A_19 = arith.constant 0 : index
    %get3A_20 = vector.load %arg5[%get3A_18, %get3A_19] : memref<1x100xf32, #tpu.memory_space<vmem>>, vector<1x100xf32>
    %mul3A = vector.broadcast %get3A_20 : vector<1x100xf32> to vector<128x100xf32>
    %mul3A_21 = arith.mulf %dot_general3A_12, %mul3A : vector<128x100xf32>
    %reduce_sum3A = arith.constant dense<0.000000e+00> : vector<128xf32>
    %reduce_sum3A_22 = vector.multi_reduction <add>, %mul3A_21, %reduce_sum3A [1] : vector<128x100xf32> to vector<128xf32>
    %broadcast_in_dim3A = vector.shape_cast %reduce_sum3A_22 : vector<128xf32> to vector<128x1xf32>
    %get3A_23 = arith.constant 0 : index
    %get3A_24 = arith.constant 0 : index
    %get3A_25 = vector.load %arg8[%get3A_23, %get3A_24] : memref<128x1xf32, #tpu.memory_space<vmem>>, vector<128x1xf32>
    %add3A = arith.addf %broadcast_in_dim3A, %get3A_25 : vector<128x1xf32>
    %get3A_26 = arith.constant 0 : index
    %get3A_27 = arith.constant 0 : index
    %get3A_28 = vector.load %arg6[%get3A_26, %get3A_27] : memref<1x100xf32, #tpu.memory_space<vmem>>, vector<1x100xf32>
    %dot_general3A_29 = arith.constant dense<0.000000e+00> : vector<1x128xf32>
    %dot_general3A_30 = tpu.matmul %get3A_28, %dot_general3A_17, %dot_general3A_29 {dimension_numbers = #tpu.dot_dimension_numbers<[1], [0], [0], [1], [0, 0, 1, 1], [], []>, transpose_lhs_hint = false} : vector<1x100xf32>, vector<100x128xf32>, vector<1x128xf32> -> vector<1x128xf32>
    %get3A_31 = arith.constant 0 : index
    %get3A_32 = arith.constant 0 : index
    %get3A_33 = vector.load %arg9[%get3A_31, %get3A_32] : memref<1x128xf32, #tpu.memory_space<vmem>>, vector<1x128xf32>
    %add3A_34 = arith.addf %dot_general3A_30, %get3A_33 : vector<1x128xf32>
    %add3A_35 = vector.broadcast %add3A : vector<128x1xf32> to vector<128x128xf32>
    %add3A_36 = vector.broadcast %add3A_34 : vector<1x128xf32> to vector<128x128xf32>
    %add3A_37 = arith.addf %add3A_35, %add3A_36 : vector<128x128xf32>
    %ge3A = arith.constant 0.000000e+00 : f32
    %ge3A_38 = vector.broadcast %ge3A : f32 to vector<128x128xf32>
    %ge3A_39 = arith.cmpf oge, %add3A_37, %ge3A_38 : vector<128x128xf32>
    %mul3A_40 = arith.constant 2.000000e-01 : f32
    %mul3A_41 = vector.broadcast %mul3A_40 : f32 to vector<128x128xf32>
    %mul3A_42 = arith.mulf %mul3A_41, %add3A_37 : vector<128x128xf32>
    %select_n3A = arith.select %ge3A_39, %add3A_37, %mul3A_42 : vector<128x128xi1>, vector<128x128xf32>
    %get3A_43 = arith.constant 0 : index
    %get3A_44 = arith.constant 0 : index
    %get3A_45 = vector.load %arg7[%get3A_43, %get3A_44] : memref<128x128xf32, #tpu.memory_space<vmem>>, vector<128x128xf32>
    %gt3A = arith.constant 5.000000e-01 : f32
    %gt3A_46 = vector.broadcast %gt3A : f32 to vector<128x128xf32>
    %gt3A_47 = arith.cmpf ogt, %get3A_45, %gt3A_46 : vector<128x128xf32>
    %jit3A = arith.constant -1.000000e+30 : f32
    %broadcast_in_dim3A_48 = vector.broadcast %jit3A : f32 to vector<128x128xf32>
    %select_n3A_49 = arith.select %gt3A_47, %select_n3A, %broadcast_in_dim3A_48 : vector<128x128xi1>, vector<128x128xf32>
    %reduce_max3A = arith.constant dense<0xFF800000> : vector<128xf32>
    %reduce_max3A_50 = vector.multi_reduction <maximumf>, %select_n3A_49, %reduce_max3A [1] : vector<128x128xf32> to vector<128xf32>
    %broadcast_in_dim3A_51 = vector.shape_cast %reduce_max3A_50 : vector<128xf32> to vector<128x1xf32>
    %sub3A = vector.broadcast %broadcast_in_dim3A_51 : vector<128x1xf32> to vector<128x128xf32>
    %sub3A_52 = arith.subf %select_n3A, %sub3A : vector<128x128xf32>
    %exp3A = math.exp %sub3A_52 : vector<128x128xf32>
    %jit3A_53 = arith.constant 0.000000e+00 : f32
    %broadcast_in_dim3A_54 = vector.broadcast %jit3A_53 : f32 to vector<128x128xf32>
    %select_n3A_55 = arith.select %gt3A_47, %exp3A, %broadcast_in_dim3A_54 : vector<128x128xi1>, vector<128x128xf32>
    %reduce_sum3A_56 = arith.constant dense<0.000000e+00> : vector<128xf32>
    %reduce_sum3A_57 = vector.multi_reduction <add>, %select_n3A_55, %reduce_sum3A_56 [1] : vector<128x128xf32> to vector<128xf32>
    %broadcast_in_dim3A_58 = vector.shape_cast %reduce_sum3A_57 : vector<128xf32> to vector<128x1xf32>
    %add3A_59 = arith.constant 1.000000e-16 : f32
    %add3A_60 = vector.broadcast %add3A_59 : f32 to vector<128x1xf32>
    %add3A_61 = arith.addf %broadcast_in_dim3A_58, %add3A_60 : vector<128x1xf32>
    %div3A = vector.broadcast %add3A_61 : vector<128x1xf32> to vector<128x128xf32>
    %div3A_62 = arith.divf %select_n3A_55, %div3A : vector<128x128xf32>
    %dot_general3A_63 = arith.constant dense<0.000000e+00> : vector<128x100xf32>
    %dot_general3A_64 = tpu.matmul %div3A_62, %dot_general3A_12, %dot_general3A_63 {dimension_numbers = #tpu.dot_dimension_numbers<[1], [0], [0], [1], [0, 0, 1, 1], [], []>, transpose_lhs_hint = false} : vector<128x128xf32>, vector<128x100xf32>, vector<128x100xf32> -> vector<128x100xf32>
    %get3A_65 = arith.constant 0 : index
    %get3A_66 = arith.constant 0 : index
    %get3A_67 = vector.load %arg10[%get3A_65, %get3A_66] : memref<1x100xf32, #tpu.memory_space<vmem>>, vector<1x100xf32>
    %add3A_68 = vector.broadcast %get3A_67 : vector<1x100xf32> to vector<128x100xf32>
    %add3A_69 = arith.addf %dot_general3A_64, %add3A_68 : vector<128x100xf32>
    %get3A_70 = arith.constant 0 : index
    %get3A_71 = arith.constant 0 : index
    %get3A_72 = vector.load %arg11[%get3A_70, %get3A_71] : memref<1x100xf32, #tpu.memory_space<vmem>>, vector<1x100xf32>
    %mul3A_73 = vector.broadcast %get3A_72 : vector<1x100xf32> to vector<128x100xf32>
    %mul3A_74 = arith.mulf %mul3A_73, %add3A_69 : vector<128x100xf32>
    %get3A_75 = arith.constant 0 : index
    %get3A_76 = arith.constant 0 : index
    %get3A_77 = vector.load %arg12[%get3A_75, %get3A_76] : memref<1x100xf32, #tpu.memory_space<vmem>>, vector<1x100xf32>
    %add3A_78 = vector.broadcast %get3A_77 : vector<1x100xf32> to vector<128x100xf32>
    %add3A_79 = arith.addf %mul3A_74, %add3A_78 : vector<128x100xf32>
    %max3A = arith.constant 0.000000e+00 : f32
    %max3A_80 = vector.broadcast %max3A : f32 to vector<128x100xf32>
    %max3A_81 = arith.maximumf %add3A_79, %max3A_80 : vector<128x100xf32>
    %get3A_82 = arith.constant 0 : index
    %get3A_83 = arith.constant 0 : index
    %get3A_84 = vector.load %arg13[%get3A_82, %get3A_83] : memref<128x256xf32, #tpu.memory_space<vmem>>, vector<128x256xf32>
    %dot_general3A_85 = arith.constant dense<0.000000e+00> : vector<100x256xf32>
    %dot_general3A_86 = tpu.matmul %get3A_8, %get3A_84, %dot_general3A_85 {dimension_numbers = #tpu.dot_dimension_numbers<[1], [0], [0], [1], [0, 0, 1, 1], [], []>, transpose_lhs_hint = false} : vector<100x128xf32>, vector<128x256xf32>, vector<100x256xf32> -> vector<100x256xf32>
    %get3A_87 = arith.constant 0 : index
    %get3A_88 = arith.constant 0 : index
    %get3A_89 = vector.load %arg15[%get3A_87, %get3A_88] : memref<1x256xf32, #tpu.memory_space<vmem>>, vector<1x256xf32>
    %add3A_90 = vector.broadcast %get3A_89 : vector<1x256xf32> to vector<100x256xf32>
    %add3A_91 = arith.addf %dot_general3A_86, %add3A_90 : vector<100x256xf32>
    %get3A_92 = arith.constant 0 : index
    %get3A_93 = arith.constant 0 : index
    %get3A_94 = vector.load %arg14[%get3A_92, %get3A_93] : memref<128x256xf32, #tpu.memory_space<vmem>>, vector<128x256xf32>
    %dot_general3A_95 = arith.constant dense<0.000000e+00> : vector<100x256xf32>
    %dot_general3A_96 = tpu.matmul %get3A_8, %get3A_94, %dot_general3A_95 {dimension_numbers = #tpu.dot_dimension_numbers<[1], [0], [0], [1], [0, 0, 1, 1], [], []>, transpose_lhs_hint = false} : vector<100x128xf32>, vector<128x256xf32>, vector<100x256xf32> -> vector<100x256xf32>
    %get3A_97 = arith.constant 0 : index
    %get3A_98 = arith.constant 0 : index
    %get3A_99 = vector.load %arg16[%get3A_97, %get3A_98] : memref<1x256xf32, #tpu.memory_space<vmem>>, vector<1x256xf32>
    %ge3A_100 = arith.constant 0.000000e+00 : f32
    %ge3A_101 = vector.broadcast %ge3A_100 : f32 to vector<1x256xf32>
    %ge3A_102 = arith.cmpf oge, %get3A_99, %ge3A_101 : vector<1x256xf32>
    %jit3A_103 = arith.constant 1.000000e+00 : f32
    %jit3A_104 = arith.constant -1.000000e+00 : f32
    %broadcast_in_dim3A_105 = vector.broadcast %jit3A_103 : f32 to vector<1x256xf32>
    %broadcast_in_dim3A_106 = vector.broadcast %jit3A_104 : f32 to vector<1x256xf32>
    %select_n3A_107 = arith.select %ge3A_102, %broadcast_in_dim3A_105, %broadcast_in_dim3A_106 : vector<1x256xi1>, vector<1x256xf32>
    %broadcast_in_dim3A_108 = vector.shape_cast %select_n3A_107 : vector<1x256xf32> to vector<1x1x256xf32>
    %abs3A = math.absf %get3A_99 : vector<1x256xf32>
    %mul3A_109 = arith.constant 4.000000e-01 : f32
    %mul3A_110 = vector.broadcast %mul3A_109 : f32 to vector<1x256xf32>
    %mul3A_111 = arith.mulf %mul3A_110, %abs3A : vector<1x256xf32>
    %mul3A_112 = vector.broadcast %mul3A_111 : vector<1x256xf32> to vector<100x256xf32>
    %mul3A_113 = arith.mulf %add3A_91, %mul3A_112 : vector<100x256xf32>
    %mul3A_114 = vector.broadcast %mul3A_111 : vector<1x256xf32> to vector<100x256xf32>
    %mul3A_115 = arith.mulf %dot_general3A_96, %mul3A_114 : vector<100x256xf32>
    %get3A_116 = arith.constant 0 : index
    %get3A_117 = arith.constant 0 : index
    %get3A_118 = vector.load %arg17[%get3A_116, %get3A_117] : memref<256x1xf32, #tpu.memory_space<vmem>>, vector<256x1xf32>
    %mul3A_119 = arith.constant 6.000000e-01 : f32
    %mul3A_120 = vector.broadcast %mul3A_119 : f32 to vector<256x1xf32>
    %mul3A_121 = arith.mulf %mul3A_120, %get3A_118 : vector<256x1xf32>
    %dot_general3A_122 = arith.constant dense<0.000000e+00> : vector<100x1xf32>
    %dot_general3A_123 = tpu.matmul %dot_general3A_96, %mul3A_121, %dot_general3A_122 {dimension_numbers = #tpu.dot_dimension_numbers<[1], [0], [0], [1], [0, 0, 1, 1], [], []>, transpose_lhs_hint = false} : vector<100x256xf32>, vector<256x1xf32>, vector<100x1xf32> -> vector<100x1xf32>
    %slice3A = vector.extract_strided_slice %mul3A_115 {offsets = [0, 0], sizes = [8, 256], strides = [1, 1]} : vector<100x256xf32> to vector<8x256xf32>
    %broadcast_in_dim3A_124 = vector.shape_cast %slice3A : vector<8x256xf32> to vector<8x1x256xf32>
    %broadcast_in_dim3A_125 = vector.shape_cast %mul3A_113 : vector<100x256xf32> to vector<1x100x256xf32>
    %add3A_126 = vector.broadcast %broadcast_in_dim3A_124 : vector<8x1x256xf32> to vector<8x100x256xf32>
    %add3A_127 = vector.broadcast %broadcast_in_dim3A_125 : vector<1x100x256xf32> to vector<8x100x256xf32>
    %add3A_128 = arith.addf %add3A_126, %add3A_127 : vector<8x100x256xf32>
    %abs3A_129 = math.absf %add3A_128 : vector<8x100x256xf32>
    %mul3A_130 = vector.broadcast %broadcast_in_dim3A_108 : vector<1x1x256xf32> to vector<8x100x256xf32>
    %mul3A_131 = arith.mulf %abs3A_129, %mul3A_130 : vector<8x100x256xf32>
    %reduce_sum3A_132 = arith.constant dense<0.000000e+00> : vector<8x100xf32>
    %reduce_sum3A_133 = vector.multi_reduction <add>, %mul3A_131, %reduce_sum3A_132 [2] : vector<8x100x256xf32> to vector<8x100xf32>
    %slice3A_134 = vector.extract_strided_slice %mul3A_115 {offsets = [8, 0], sizes = [8, 256], strides = [1, 1]} : vector<100x256xf32> to vector<8x256xf32>
    %broadcast_in_dim3A_135 = vector.shape_cast %slice3A_134 : vector<8x256xf32> to vector<8x1x256xf32>
    %broadcast_in_dim3A_136 = vector.shape_cast %mul3A_113 : vector<100x256xf32> to vector<1x100x256xf32>
    %add3A_137 = vector.broadcast %broadcast_in_dim3A_135 : vector<8x1x256xf32> to vector<8x100x256xf32>
    %add3A_138 = vector.broadcast %broadcast_in_dim3A_136 : vector<1x100x256xf32> to vector<8x100x256xf32>
    %add3A_139 = arith.addf %add3A_137, %add3A_138 : vector<8x100x256xf32>
    %abs3A_140 = math.absf %add3A_139 : vector<8x100x256xf32>
    %mul3A_141 = vector.broadcast %broadcast_in_dim3A_108 : vector<1x1x256xf32> to vector<8x100x256xf32>
    %mul3A_142 = arith.mulf %abs3A_140, %mul3A_141 : vector<8x100x256xf32>
    %reduce_sum3A_143 = arith.constant dense<0.000000e+00> : vector<8x100xf32>
    %reduce_sum3A_144 = vector.multi_reduction <add>, %mul3A_142, %reduce_sum3A_143 [2] : vector<8x100x256xf32> to vector<8x100xf32>
    %slice3A_145 = vector.extract_strided_slice %mul3A_115 {offsets = [16, 0], sizes = [8, 256], strides = [1, 1]} : vector<100x256xf32> to vector<8x256xf32>
    %broadcast_in_dim3A_146 = vector.shape_cast %slice3A_145 : vector<8x256xf32> to vector<8x1x256xf32>
    %broadcast_in_dim3A_147 = vector.shape_cast %mul3A_113 : vector<100x256xf32> to vector<1x100x256xf32>
    %add3A_148 = vector.broadcast %broadcast_in_dim3A_146 : vector<8x1x256xf32> to vector<8x100x256xf32>
    %add3A_149 = vector.broadcast %broadcast_in_dim3A_147 : vector<1x100x256xf32> to vector<8x100x256xf32>
    %add3A_150 = arith.addf %add3A_148, %add3A_149 : vector<8x100x256xf32>
    %abs3A_151 = math.absf %add3A_150 : vector<8x100x256xf32>
    %mul3A_152 = vector.broadcast %broadcast_in_dim3A_108 : vector<1x1x256xf32> to vector<8x100x256xf32>
    %mul3A_153 = arith.mulf %abs3A_151, %mul3A_152 : vector<8x100x256xf32>
    %reduce_sum3A_154 = arith.constant dense<0.000000e+00> : vector<8x100xf32>
    %reduce_sum3A_155 = vector.multi_reduction <add>, %mul3A_153, %reduce_sum3A_154 [2] : vector<8x100x256xf32> to vector<8x100xf32>
    %slice3A_156 = vector.extract_strided_slice %mul3A_115 {offsets = [24, 0], sizes = [8, 256], strides = [1, 1]} : vector<100x256xf32> to vector<8x256xf32>
    %broadcast_in_dim3A_157 = vector.shape_cast %slice3A_156 : vector<8x256xf32> to vector<8x1x256xf32>
    %broadcast_in_dim3A_158 = vector.shape_cast %mul3A_113 : vector<100x256xf32> to vector<1x100x256xf32>
    %add3A_159 = vector.broadcast %broadcast_in_dim3A_157 : vector<8x1x256xf32> to vector<8x100x256xf32>
    %add3A_160 = vector.broadcast %broadcast_in_dim3A_158 : vector<1x100x256xf32> to vector<8x100x256xf32>
    %add3A_161 = arith.addf %add3A_159, %add3A_160 : vector<8x100x256xf32>
    %abs3A_162 = math.absf %add3A_161 : vector<8x100x256xf32>
    %mul3A_163 = vector.broadcast %broadcast_in_dim3A_108 : vector<1x1x256xf32> to vector<8x100x256xf32>
    %mul3A_164 = arith.mulf %abs3A_162, %mul3A_163 : vector<8x100x256xf32>
    %reduce_sum3A_165 = arith.constant dense<0.000000e+00> : vector<8x100xf32>
    %reduce_sum3A_166 = vector.multi_reduction <add>, %mul3A_164, %reduce_sum3A_165 [2] : vector<8x100x256xf32> to vector<8x100xf32>
    %slice3A_167 = vector.extract_strided_slice %mul3A_115 {offsets = [32, 0], sizes = [8, 256], strides = [1, 1]} : vector<100x256xf32> to vector<8x256xf32>
    %broadcast_in_dim3A_168 = vector.shape_cast %slice3A_167 : vector<8x256xf32> to vector<8x1x256xf32>
    %broadcast_in_dim3A_169 = vector.shape_cast %mul3A_113 : vector<100x256xf32> to vector<1x100x256xf32>
    %add3A_170 = vector.broadcast %broadcast_in_dim3A_168 : vector<8x1x256xf32> to vector<8x100x256xf32>
    %add3A_171 = vector.broadcast %broadcast_in_dim3A_169 : vector<1x100x256xf32> to vector<8x100x256xf32>
    %add3A_172 = arith.addf %add3A_170, %add3A_171 : vector<8x100x256xf32>
    %abs3A_173 = math.absf %add3A_172 : vector<8x100x256xf32>
    %mul3A_174 = vector.broadcast %broadcast_in_dim3A_108 : vector<1x1x256xf32> to vector<8x100x256xf32>
    %mul3A_175 = arith.mulf %abs3A_173, %mul3A_174 : vector<8x100x256xf32>
    %reduce_sum3A_176 = arith.constant dense<0.000000e+00> : vector<8x100xf32>
    %reduce_sum3A_177 = vector.multi_reduction <add>, %mul3A_175, %reduce_sum3A_176 [2] : vector<8x100x256xf32> to vector<8x100xf32>
    %slice3A_178 = vector.extract_strided_slice %mul3A_115 {offsets = [40, 0], sizes = [8, 256], strides = [1, 1]} : vector<100x256xf32> to vector<8x256xf32>
    %broadcast_in_dim3A_179 = vector.shape_cast %slice3A_178 : vector<8x256xf32> to vector<8x1x256xf32>
    %broadcast_in_dim3A_180 = vector.shape_cast %mul3A_113 : vector<100x256xf32> to vector<1x100x256xf32>
    %add3A_181 = vector.broadcast %broadcast_in_dim3A_179 : vector<8x1x256xf32> to vector<8x100x256xf32>
    %add3A_182 = vector.broadcast %broadcast_in_dim3A_180 : vector<1x100x256xf32> to vector<8x100x256xf32>
    %add3A_183 = arith.addf %add3A_181, %add3A_182 : vector<8x100x256xf32>
    %abs3A_184 = math.absf %add3A_183 : vector<8x100x256xf32>
    %mul3A_185 = vector.broadcast %broadcast_in_dim3A_108 : vector<1x1x256xf32> to vector<8x100x256xf32>
    %mul3A_186 = arith.mulf %abs3A_184, %mul3A_185 : vector<8x100x256xf32>
    %reduce_sum3A_187 = arith.constant dense<0.000000e+00> : vector<8x100xf32>
    %reduce_sum3A_188 = vector.multi_reduction <add>, %mul3A_186, %reduce_sum3A_187 [2] : vector<8x100x256xf32> to vector<8x100xf32>
    %slice3A_189 = vector.extract_strided_slice %mul3A_115 {offsets = [48, 0], sizes = [8, 256], strides = [1, 1]} : vector<100x256xf32> to vector<8x256xf32>
    %broadcast_in_dim3A_190 = vector.shape_cast %slice3A_189 : vector<8x256xf32> to vector<8x1x256xf32>
    %broadcast_in_dim3A_191 = vector.shape_cast %mul3A_113 : vector<100x256xf32> to vector<1x100x256xf32>
    %add3A_192 = vector.broadcast %broadcast_in_dim3A_190 : vector<8x1x256xf32> to vector<8x100x256xf32>
    %add3A_193 = vector.broadcast %broadcast_in_dim3A_191 : vector<1x100x256xf32> to vector<8x100x256xf32>
    %add3A_194 = arith.addf %add3A_192, %add3A_193 : vector<8x100x256xf32>
    %abs3A_195 = math.absf %add3A_194 : vector<8x100x256xf32>
    %mul3A_196 = vector.broadcast %broadcast_in_dim3A_108 : vector<1x1x256xf32> to vector<8x100x256xf32>
    %mul3A_197 = arith.mulf %abs3A_195, %mul3A_196 : vector<8x100x256xf32>
    %reduce_sum3A_198 = arith.constant dense<0.000000e+00> : vector<8x100xf32>
    %reduce_sum3A_199 = vector.multi_reduction <add>, %mul3A_197, %reduce_sum3A_198 [2] : vector<8x100x256xf32> to vector<8x100xf32>
    %slice3A_200 = vector.extract_strided_slice %mul3A_115 {offsets = [56, 0], sizes = [8, 256], strides = [1, 1]} : vector<100x256xf32> to vector<8x256xf32>
    %broadcast_in_dim3A_201 = vector.shape_cast %slice3A_200 : vector<8x256xf32> to vector<8x1x256xf32>
    %broadcast_in_dim3A_202 = vector.shape_cast %mul3A_113 : vector<100x256xf32> to vector<1x100x256xf32>
    %add3A_203 = vector.broadcast %broadcast_in_dim3A_201 : vector<8x1x256xf32> to vector<8x100x256xf32>
    %add3A_204 = vector.broadcast %broadcast_in_dim3A_202 : vector<1x100x256xf32> to vector<8x100x256xf32>
    %add3A_205 = arith.addf %add3A_203, %add3A_204 : vector<8x100x256xf32>
    %abs3A_206 = math.absf %add3A_205 : vector<8x100x256xf32>
    %mul3A_207 = vector.broadcast %broadcast_in_dim3A_108 : vector<1x1x256xf32> to vector<8x100x256xf32>
    %mul3A_208 = arith.mulf %abs3A_206, %mul3A_207 : vector<8x100x256xf32>
    %reduce_sum3A_209 = arith.constant dense<0.000000e+00> : vector<8x100xf32>
    %reduce_sum3A_210 = vector.multi_reduction <add>, %mul3A_208, %reduce_sum3A_209 [2] : vector<8x100x256xf32> to vector<8x100xf32>
    %slice3A_211 = vector.extract_strided_slice %mul3A_115 {offsets = [64, 0], sizes = [8, 256], strides = [1, 1]} : vector<100x256xf32> to vector<8x256xf32>
    %broadcast_in_dim3A_212 = vector.shape_cast %slice3A_211 : vector<8x256xf32> to vector<8x1x256xf32>
    %broadcast_in_dim3A_213 = vector.shape_cast %mul3A_113 : vector<100x256xf32> to vector<1x100x256xf32>
    %add3A_214 = vector.broadcast %broadcast_in_dim3A_212 : vector<8x1x256xf32> to vector<8x100x256xf32>
    %add3A_215 = vector.broadcast %broadcast_in_dim3A_213 : vector<1x100x256xf32> to vector<8x100x256xf32>
    %add3A_216 = arith.addf %add3A_214, %add3A_215 : vector<8x100x256xf32>
    %abs3A_217 = math.absf %add3A_216 : vector<8x100x256xf32>
    %mul3A_218 = vector.broadcast %broadcast_in_dim3A_108 : vector<1x1x256xf32> to vector<8x100x256xf32>
    %mul3A_219 = arith.mulf %abs3A_217, %mul3A_218 : vector<8x100x256xf32>
    %reduce_sum3A_220 = arith.constant dense<0.000000e+00> : vector<8x100xf32>
    %reduce_sum3A_221 = vector.multi_reduction <add>, %mul3A_219, %reduce_sum3A_220 [2] : vector<8x100x256xf32> to vector<8x100xf32>
    %slice3A_222 = vector.extract_strided_slice %mul3A_115 {offsets = [72, 0], sizes = [8, 256], strides = [1, 1]} : vector<100x256xf32> to vector<8x256xf32>
    %broadcast_in_dim3A_223 = vector.shape_cast %slice3A_222 : vector<8x256xf32> to vector<8x1x256xf32>
    %broadcast_in_dim3A_224 = vector.shape_cast %mul3A_113 : vector<100x256xf32> to vector<1x100x256xf32>
    %add3A_225 = vector.broadcast %broadcast_in_dim3A_223 : vector<8x1x256xf32> to vector<8x100x256xf32>
    %add3A_226 = vector.broadcast %broadcast_in_dim3A_224 : vector<1x100x256xf32> to vector<8x100x256xf32>
    %add3A_227 = arith.addf %add3A_225, %add3A_226 : vector<8x100x256xf32>
    %abs3A_228 = math.absf %add3A_227 : vector<8x100x256xf32>
    %mul3A_229 = vector.broadcast %broadcast_in_dim3A_108 : vector<1x1x256xf32> to vector<8x100x256xf32>
    %mul3A_230 = arith.mulf %abs3A_228, %mul3A_229 : vector<8x100x256xf32>
    %reduce_sum3A_231 = arith.constant dense<0.000000e+00> : vector<8x100xf32>
    %reduce_sum3A_232 = vector.multi_reduction <add>, %mul3A_230, %reduce_sum3A_231 [2] : vector<8x100x256xf32> to vector<8x100xf32>
    %slice3A_233 = vector.extract_strided_slice %mul3A_115 {offsets = [80, 0], sizes = [8, 256], strides = [1, 1]} : vector<100x256xf32> to vector<8x256xf32>
    %broadcast_in_dim3A_234 = vector.shape_cast %slice3A_233 : vector<8x256xf32> to vector<8x1x256xf32>
    %broadcast_in_dim3A_235 = vector.shape_cast %mul3A_113 : vector<100x256xf32> to vector<1x100x256xf32>
    %add3A_236 = vector.broadcast %broadcast_in_dim3A_234 : vector<8x1x256xf32> to vector<8x100x256xf32>
    %add3A_237 = vector.broadcast %broadcast_in_dim3A_235 : vector<1x100x256xf32> to vector<8x100x256xf32>
    %add3A_238 = arith.addf %add3A_236, %add3A_237 : vector<8x100x256xf32>
    %abs3A_239 = math.absf %add3A_238 : vector<8x100x256xf32>
    %mul3A_240 = vector.broadcast %broadcast_in_dim3A_108 : vector<1x1x256xf32> to vector<8x100x256xf32>
    %mul3A_241 = arith.mulf %abs3A_239, %mul3A_240 : vector<8x100x256xf32>
    %reduce_sum3A_242 = arith.constant dense<0.000000e+00> : vector<8x100xf32>
    %reduce_sum3A_243 = vector.multi_reduction <add>, %mul3A_241, %reduce_sum3A_242 [2] : vector<8x100x256xf32> to vector<8x100xf32>
    %slice3A_244 = vector.extract_strided_slice %mul3A_115 {offsets = [88, 0], sizes = [8, 256], strides = [1, 1]} : vector<100x256xf32> to vector<8x256xf32>
    %broadcast_in_dim3A_245 = vector.shape_cast %slice3A_244 : vector<8x256xf32> to vector<8x1x256xf32>
    %broadcast_in_dim3A_246 = vector.shape_cast %mul3A_113 : vector<100x256xf32> to vector<1x100x256xf32>
    %add3A_247 = vector.broadcast %broadcast_in_dim3A_245 : vector<8x1x256xf32> to vector<8x100x256xf32>
    %add3A_248 = vector.broadcast %broadcast_in_dim3A_246 : vector<1x100x256xf32> to vector<8x100x256xf32>
    %add3A_249 = arith.addf %add3A_247, %add3A_248 : vector<8x100x256xf32>
    %abs3A_250 = math.absf %add3A_249 : vector<8x100x256xf32>
    %mul3A_251 = vector.broadcast %broadcast_in_dim3A_108 : vector<1x1x256xf32> to vector<8x100x256xf32>
    %mul3A_252 = arith.mulf %abs3A_250, %mul3A_251 : vector<8x100x256xf32>
    %reduce_sum3A_253 = arith.constant dense<0.000000e+00> : vector<8x100xf32>
    %reduce_sum3A_254 = vector.multi_reduction <add>, %mul3A_252, %reduce_sum3A_253 [2] : vector<8x100x256xf32> to vector<8x100xf32>
    %slice3A_255 = vector.extract_strided_slice %mul3A_115 {offsets = [92, 0], sizes = [8, 256], strides = [1, 1]} : vector<100x256xf32> to vector<8x256xf32>
    %broadcast_in_dim3A_256 = vector.shape_cast %slice3A_255 : vector<8x256xf32> to vector<8x1x256xf32>
    %broadcast_in_dim3A_257 = vector.shape_cast %mul3A_113 : vector<100x256xf32> to vector<1x100x256xf32>
    %add3A_258 = vector.broadcast %broadcast_in_dim3A_256 : vector<8x1x256xf32> to vector<8x100x256xf32>
    %add3A_259 = vector.broadcast %broadcast_in_dim3A_257 : vector<1x100x256xf32> to vector<8x100x256xf32>
    %add3A_260 = arith.addf %add3A_258, %add3A_259 : vector<8x100x256xf32>
    %abs3A_261 = math.absf %add3A_260 : vector<8x100x256xf32>
    %mul3A_262 = vector.broadcast %broadcast_in_dim3A_108 : vector<1x1x256xf32> to vector<8x100x256xf32>
    %mul3A_263 = arith.mulf %abs3A_261, %mul3A_262 : vector<8x100x256xf32>
    %reduce_sum3A_264 = arith.constant dense<0.000000e+00> : vector<8x100xf32>
    %reduce_sum3A_265 = vector.multi_reduction <add>, %mul3A_263, %reduce_sum3A_264 [2] : vector<8x100x256xf32> to vector<8x100xf32>
    %slice3A_266 = vector.extract_strided_slice %reduce_sum3A_265 {offsets = [4, 0], sizes = [4, 100], strides = [1, 1]} : vector<8x100xf32> to vector<4x100xf32>
    %concatenate3A = tpu.concatenate %reduce_sum3A_133, %reduce_sum3A_144, %reduce_sum3A_155, %reduce_sum3A_166, %reduce_sum3A_177, %reduce_sum3A_188, %reduce_sum3A_199, %reduce_sum3A_210, %reduce_sum3A_221, %reduce_sum3A_232, %reduce_sum3A_243, %reduce_sum3A_254, %slice3A_266 in 0 : vector<8x100xf32>, vector<8x100xf32>, vector<8x100xf32>, vector<8x100xf32>, vector<8x100xf32>, vector<8x100xf32>, vector<8x100xf32>, vector<8x100xf32>, vector<8x100xf32>, vector<8x100xf32>, vector<8x100xf32>, vector<8x100xf32>, vector<4x100xf32> -> vector<100x100xf32>
    %add3A_267 = vector.broadcast %dot_general3A_123 : vector<100x1xf32> to vector<100x100xf32>
    %add3A_268 = arith.addf %concatenate3A, %add3A_267 : vector<100x100xf32>
    %reduce_max3A_269 = arith.constant dense<0xFF800000> : vector<100xf32>
    %reduce_max3A_270 = vector.multi_reduction <maximumf>, %add3A_268, %reduce_max3A_269 [0] : vector<100x100xf32> to vector<100xf32>
    %broadcast_in_dim3A_271 = vector.shape_cast %reduce_max3A_270 : vector<100xf32> to vector<1x100xf32>
    %sub3A_272 = vector.broadcast %broadcast_in_dim3A_271 : vector<1x100xf32> to vector<100x100xf32>
    %sub3A_273 = arith.subf %add3A_268, %sub3A_272 : vector<100x100xf32>
    %exp3A_274 = math.exp %sub3A_273 : vector<100x100xf32>
    %reduce_sum3A_275 = arith.constant dense<0.000000e+00> : vector<100xf32>
    %reduce_sum3A_276 = vector.multi_reduction <add>, %exp3A_274, %reduce_sum3A_275 [0] : vector<100x100xf32> to vector<100xf32>
    %broadcast_in_dim3A_277 = vector.shape_cast %reduce_sum3A_276 : vector<100xf32> to vector<1x100xf32>
    %div3A_278 = vector.broadcast %broadcast_in_dim3A_277 : vector<1x100xf32> to vector<100x100xf32>
    %div3A_279 = arith.divf %exp3A_274, %div3A_278 : vector<100x100xf32>
    %dot_general3A_280 = arith.constant dense<0.000000e+00> : vector<100x128xf32>
    %dot_general3A_281 = tpu.matmul %div3A_279, %get3A_8, %dot_general3A_280 {dimension_numbers = #tpu.dot_dimension_numbers<[0], [0], [1], [1], [0, 1, 1, 1], [], []>, transpose_lhs_hint = false} : vector<100x100xf32>, vector<100x128xf32>, vector<100x128xf32> -> vector<100x128xf32>
    %logistic3A = arith.negf %dot_general3A_281 : vector<100x128xf32>
    %logistic3A_282 = math.exp %logistic3A : vector<100x128xf32>
    %logistic3A_283 = arith.constant 1.000000e+00 : f32
    %logistic3A_284 = vector.broadcast %logistic3A_283 : f32 to vector<100x128xf32>
    %logistic3A_285 = arith.addf %logistic3A_284, %logistic3A_282 : vector<100x128xf32>
    %logistic3A_286 = arith.divf %logistic3A_284, %logistic3A_285 : vector<100x128xf32>
    %get3A_287 = arith.constant 0 : index
    %get3A_288 = arith.constant 0 : index
    %get3A_289 = vector.load %arg18[%get3A_287, %get3A_288] : memref<128x128xf32, #tpu.memory_space<vmem>>, vector<128x128xf32>
    %dot_general3A_290 = arith.constant dense<0.000000e+00> : vector<100x128xf32>
    %dot_general3A_291 = tpu.matmul %max3A_81, %get3A_289, %dot_general3A_290 {dimension_numbers = #tpu.dot_dimension_numbers<[0], [0], [1], [1], [0, 1, 1, 1], [], []>, transpose_lhs_hint = false} : vector<128x100xf32>, vector<128x128xf32>, vector<100x128xf32> -> vector<100x128xf32>
    %get3A_292 = arith.constant 0 : index
    %get3A_293 = arith.constant 0 : index
    %get3A_294 = vector.load %arg19[%get3A_292, %get3A_293] : memref<128x128xf32, #tpu.memory_space<vmem>>, vector<128x128xf32>
    %dot_general3A_295 = arith.constant dense<0.000000e+00> : vector<100x128xf32>
    %dot_general3A_296 = tpu.matmul %logistic3A_286, %get3A_294, %dot_general3A_295 {dimension_numbers = #tpu.dot_dimension_numbers<[1], [0], [0], [1], [0, 0, 1, 1], [], []>, transpose_lhs_hint = false} : vector<100x128xf32>, vector<128x128xf32>, vector<100x128xf32> -> vector<100x128xf32>
    %add3A_297 = arith.addf %dot_general3A_291, %dot_general3A_296 : vector<100x128xf32>
    %get3A_298 = arith.constant 0 : index
    %get3A_299 = arith.constant 0 : index
    %get3A_300 = vector.load %arg20[%get3A_298, %get3A_299] : memref<1x128xf32, #tpu.memory_space<vmem>>, vector<1x128xf32>
    %add3A_301 = vector.broadcast %get3A_300 : vector<1x128xf32> to vector<100x128xf32>
    %add3A_302 = arith.addf %add3A_297, %add3A_301 : vector<100x128xf32>
    %get3A_303 = arith.constant 0 : index
    %get3A_304 = arith.constant 0 : index
    %get3A_305 = vector.load %arg21[%get3A_303, %get3A_304] : memref<128x256xf32, #tpu.memory_space<vmem>>, vector<128x256xf32>
    %dot_general3A_306 = arith.constant dense<0.000000e+00> : vector<100x256xf32>
    %dot_general3A_307 = tpu.matmul %add3A_302, %get3A_305, %dot_general3A_306 {dimension_numbers = #tpu.dot_dimension_numbers<[1], [0], [0], [1], [0, 0, 1, 1], [], []>, transpose_lhs_hint = false} : vector<100x128xf32>, vector<128x256xf32>, vector<100x256xf32> -> vector<100x256xf32>
    %get3A_308 = arith.constant 0 : index
    %get3A_309 = arith.constant 0 : index
    %get3A_310 = vector.load %arg22[%get3A_308, %get3A_309] : memref<1x256xf32, #tpu.memory_space<vmem>>, vector<1x256xf32>
    %add3A_311 = vector.broadcast %get3A_310 : vector<1x256xf32> to vector<100x256xf32>
    %add3A_312 = arith.addf %dot_general3A_307, %add3A_311 : vector<100x256xf32>
    %tanh3A = math.tanh %add3A_312 : vector<100x256xf32>
    %get3A_313 = arith.constant 0 : index
    %get3A_314 = arith.constant 0 : index
    %get3A_315 = vector.load %arg23[%get3A_313, %get3A_314] : memref<256x128xf32, #tpu.memory_space<vmem>>, vector<256x128xf32>
    %dot_general3A_316 = arith.constant dense<0.000000e+00> : vector<100x128xf32>
    %dot_general3A_317 = tpu.matmul %tanh3A, %get3A_315, %dot_general3A_316 {dimension_numbers = #tpu.dot_dimension_numbers<[1], [0], [0], [1], [0, 0, 1, 1], [], []>, transpose_lhs_hint = false} : vector<100x256xf32>, vector<256x128xf32>, vector<100x128xf32> -> vector<100x128xf32>
    %get3A_318 = arith.constant 0 : index
    %get3A_319 = arith.constant 0 : index
    %get3A_320 = vector.load %arg24[%get3A_318, %get3A_319] : memref<1x128xf32, #tpu.memory_space<vmem>>, vector<1x128xf32>
    %add3A_321 = vector.broadcast %get3A_320 : vector<1x128xf32> to vector<100x128xf32>
    %add3A_322 = arith.addf %dot_general3A_317, %add3A_321 : vector<100x128xf32>
    %get3A_323 = arith.constant 0 : index
    %get3A_324 = arith.constant 0 : index
    %get3A_325 = vector.load %arg25[%get3A_323, %get3A_324] : memref<128x256xf32, #tpu.memory_space<vmem>>, vector<128x256xf32>
    %dot_general3A_326 = arith.constant dense<0.000000e+00> : vector<100x256xf32>
    %dot_general3A_327 = tpu.matmul %add3A_322, %get3A_325, %dot_general3A_326 {dimension_numbers = #tpu.dot_dimension_numbers<[1], [0], [0], [1], [0, 0, 1, 1], [], []>, transpose_lhs_hint = false} : vector<100x128xf32>, vector<128x256xf32>, vector<100x256xf32> -> vector<100x256xf32>
    %get3A_328 = arith.constant 0 : index
    %get3A_329 = arith.constant 0 : index
    %get3A_330 = vector.load %arg26[%get3A_328, %get3A_329] : memref<1x256xf32, #tpu.memory_space<vmem>>, vector<1x256xf32>
    %add3A_331 = vector.broadcast %get3A_330 : vector<1x256xf32> to vector<100x256xf32>
    %add3A_332 = arith.addf %dot_general3A_327, %add3A_331 : vector<100x256xf32>
    %tanh3A_333 = math.tanh %add3A_332 : vector<100x256xf32>
    %get3A_334 = arith.constant 0 : index
    %get3A_335 = arith.constant 0 : index
    %get3A_336 = vector.load %arg27[%get3A_334, %get3A_335] : memref<256x128xf32, #tpu.memory_space<vmem>>, vector<256x128xf32>
    %dot_general3A_337 = arith.constant dense<0.000000e+00> : vector<100x128xf32>
    %dot_general3A_338 = tpu.matmul %tanh3A_333, %get3A_336, %dot_general3A_337 {dimension_numbers = #tpu.dot_dimension_numbers<[1], [0], [0], [1], [0, 0, 1, 1], [], []>, transpose_lhs_hint = false} : vector<100x256xf32>, vector<256x128xf32>, vector<100x128xf32> -> vector<100x128xf32>
    %get3A_339 = arith.constant 0 : index
    %get3A_340 = arith.constant 0 : index
    %get3A_341 = vector.load %arg28[%get3A_339, %get3A_340] : memref<1x128xf32, #tpu.memory_space<vmem>>, vector<1x128xf32>
    %add3A_342 = vector.broadcast %get3A_341 : vector<1x128xf32> to vector<100x128xf32>
    %add3A_343 = arith.addf %dot_general3A_338, %add3A_342 : vector<100x128xf32>
    %sub3A_344 = arith.subf %get3A_8, %add3A_343 : vector<100x128xf32>
    %integer_pow3A = arith.mulf %sub3A_344, %sub3A_344 : vector<100x128xf32>
    %mul3A_345 = arith.constant -5.000000e-01 : f32
    %mul3A_346 = vector.broadcast %mul3A_345 : f32 to vector<100x128xf32>
    %mul3A_347 = arith.mulf %mul3A_346, %integer_pow3A : vector<100x128xf32>
    %sub3A_348 = arith.constant 0.918938517 : f32
    %sub3A_349 = vector.broadcast %sub3A_348 : f32 to vector<100x128xf32>
    %sub3A_350 = arith.subf %mul3A_347, %sub3A_349 : vector<100x128xf32>
    %swap3A = arith.constant 0 : index
    %swap3A_351 = arith.constant 0 : index
    %swap3A_352 = arith.constant 0 : index
    %swap3A_353 = vector.load %arg31[%swap3A, %swap3A_351, %swap3A_352] : memref<1x100x128xf32, #tpu.memory_space<vmem>>, vector<1x100x128xf32>
    %swap3A_354 = vector.shape_cast %swap3A_353 : vector<1x100x128xf32> to vector<100x128xf32>
    %swap3A_355 = vector.shape_cast %sub3A_350 : vector<100x128xf32> to vector<1x100x128xf32>
    tpu.vector_store %arg31[%swap3A, %swap3A_351, %swap3A_352], %swap3A_355 {strides = array<i32>} : memref<1x100x128xf32, #tpu.memory_space<vmem>>, vector<1x100x128xf32>,
    %iota3A = tpu.iota {dimensions = array<i32: 0>} : vector<128x128xi32>
    %iota3A_356 = tpu.iota {dimensions = array<i32: 1>} : vector<128x128xi32>
    %lt3A = arith.constant 64 : i32
    %lt3A_357 = vector.broadcast %lt3A : i32 to vector<128x128xi32>
    %lt3A_358 = arith.cmpi slt, %iota3A_356, %lt3A_357 : vector<128x128xi32>
    %mul3A_359 = arith.constant 2 : i32
    %mul3A_360 = vector.broadcast %mul3A_359 : i32 to vector<128x128xi32>
    %mul3A_361 = arith.muli %mul3A_360, %iota3A_356 : vector<128x128xi32>
    %eq3A = arith.cmpi eq, %iota3A, %mul3A_361 : vector<128x128xi32>
    %and3A = arith.andi %lt3A_358, %eq3A : vector<128x128xi1>
    %jit3A_362 = arith.constant 1.000000e+00 : f32
    %jit3A_363 = arith.constant 0.000000e+00 : f32
    %broadcast_in_dim3A_364 = vector.broadcast %jit3A_362 : f32 to vector<128x128xf32>
    %broadcast_in_dim3A_365 = vector.broadcast %jit3A_363 : f32 to vector<128x128xf32>
    %select_n3A_366 = arith.select %and3A, %broadcast_in_dim3A_364, %broadcast_in_dim3A_365 : vector<128x128xi1>, vector<128x128xf32>
    %not3A = arith.constant dense<true> : vector<128x128xi1>
    %not3A_367 = arith.xori %lt3A_358, %not3A : vector<128x128xi1>
    %mul3A_368 = arith.constant 2 : i32
    %mul3A_369 = vector.broadcast %mul3A_368 : i32 to vector<128x128xi32>
    %mul3A_370 = arith.muli %mul3A_369, %iota3A_356 : vector<128x128xi32>
    %sub3A_371 = arith.constant 128 : i32
    %sub3A_372 = vector.broadcast %sub3A_371 : i32 to vector<128x128xi32>
    %sub3A_373 = arith.subi %mul3A_370, %sub3A_372 : vector<128x128xi32>
    %eq3A_374 = arith.cmpi eq, %iota3A, %sub3A_373 : vector<128x128xi32>
    %and3A_375 = arith.andi %not3A_367, %eq3A_374 : vector<128x128xi1>
    %jit3A_376 = arith.constant 1.000000e+00 : f32
    %jit3A_377 = arith.constant 0.000000e+00 : f32
    %broadcast_in_dim3A_378 = vector.broadcast %jit3A_376 : f32 to vector<128x128xf32>
    %broadcast_in_dim3A_379 = vector.broadcast %jit3A_377 : f32 to vector<128x128xf32>
    %select_n3A_380 = arith.select %and3A_375, %broadcast_in_dim3A_378, %broadcast_in_dim3A_379 : vector<128x128xi1>, vector<128x128xf32>
    %mul3A_381 = arith.constant 2 : i32
    %mul3A_382 = vector.broadcast %mul3A_381 : i32 to vector<128x128xi32>
    %mul3A_383 = arith.muli %mul3A_382, %iota3A_356 : vector<128x128xi32>
    %add3A_384 = arith.constant 1 : i32
    %add3A_385 = vector.broadcast %add3A_384 : i32 to vector<128x128xi32>
    %add3A_386 = arith.addi %mul3A_383, %add3A_385 : vector<128x128xi32>
    %eq3A_387 = arith.cmpi eq, %iota3A, %add3A_386 : vector<128x128xi32>
    %and3A_388 = arith.andi %lt3A_358, %eq3A_387 : vector<128x128xi1>
    %jit3A_389 = arith.constant 1.000000e+00 : f32
    %jit3A_390 = arith.constant 0.000000e+00 : f32
    %broadcast_in_dim3A_391 = vector.broadcast %jit3A_389 : f32 to vector<128x128xf32>
    %broadcast_in_dim3A_392 = vector.broadcast %jit3A_390 : f32 to vector<128x128xf32>
    %select_n3A_393 = arith.select %and3A_388, %broadcast_in_dim3A_391, %broadcast_in_dim3A_392 : vector<128x128xi1>, vector<128x128xf32>
    %not3A_394 = arith.constant dense<true> : vector<128x128xi1>
    %not3A_395 = arith.xori %lt3A_358, %not3A_394 : vector<128x128xi1>
    %mul3A_396 = arith.constant 2 : i32
    %mul3A_397 = vector.broadcast %mul3A_396 : i32 to vector<128x128xi32>
    %mul3A_398 = arith.muli %mul3A_397, %iota3A_356 : vector<128x128xi32>
    %sub3A_399 = arith.constant 127 : i32
    %sub3A_400 = vector.broadcast %sub3A_399 : i32 to vector<128x128xi32>
    %sub3A_401 = arith.subi %mul3A_398, %sub3A_400 : vector<128x128xi32>
    %eq3A_402 = arith.cmpi eq, %iota3A, %sub3A_401 : vector<128x128xi32>
    %and3A_403 = arith.andi %not3A_395, %eq3A_402 : vector<128x128xi1>
    %jit3A_404 = arith.constant 1.000000e+00 : f32
    %jit3A_405 = arith.constant 0.000000e+00 : f32
    %broadcast_in_dim3A_406 = vector.broadcast %jit3A_404 : f32 to vector<128x128xf32>
    %broadcast_in_dim3A_407 = vector.broadcast %jit3A_405 : f32 to vector<128x128xf32>
    %select_n3A_408 = arith.select %and3A_403, %broadcast_in_dim3A_406, %broadcast_in_dim3A_407 : vector<128x128xi1>, vector<128x128xf32>
    %dot_general3A_409 = arith.constant dense<0.000000e+00> : vector<100x128xf32>
    %dot_general3A_410 = tpu.matmul %max3A_81, %select_n3A_366, %dot_general3A_409 {dimension_numbers = #tpu.dot_dimension_numbers<[0], [0], [1], [1], [0, 1, 1, 1], [], []>, transpose_lhs_hint = false} : vector<128x100xf32>, vector<128x128xf32>, vector<100x128xf32> -> vector<100x128xf32>
    %dot_general3A_411 = arith.constant dense<0.000000e+00> : vector<100x128xf32>
    %dot_general3A_412 = tpu.matmul %logistic3A_286, %select_n3A_380, %dot_general3A_411 {dimension_numbers = #tpu.dot_dimension_numbers<[1], [0], [0], [1], [0, 0, 1, 1], [], []>, transpose_lhs_hint = false} : vector<100x128xf32>, vector<128x128xf32>, vector<100x128xf32> -> vector<100x128xf32>
    %add3A_413 = arith.addf %dot_general3A_410, %dot_general3A_412 : vector<100x128xf32>
    %dot_general3A_414 = arith.constant dense<0.000000e+00> : vector<100x128xf32>
    %dot_general3A_415 = tpu.matmul %max3A_81, %select_n3A_393, %dot_general3A_414 {dimension_numbers = #tpu.dot_dimension_numbers<[0], [0], [1], [1], [0, 1, 1, 1], [], []>, transpose_lhs_hint = false} : vector<128x100xf32>, vector<128x128xf32>, vector<100x128xf32> -> vector<100x128xf32>
    %dot_general3A_416 = arith.constant dense<0.000000e+00> : vector<100x128xf32>
    %dot_general3A_417 = tpu.matmul %logistic3A_286, %select_n3A_408, %dot_general3A_416 {dimension_numbers = #tpu.dot_dimension_numbers<[1], [0], [0], [1], [0, 0, 1, 1], [], []>, transpose_lhs_hint = false} : vector<100x128xf32>, vector<128x128xf32>, vector<100x128xf32> -> vector<100x128xf32>
    %add3A_418 = arith.addf %dot_general3A_415, %dot_general3A_417 : vector<100x128xf32>
    %broadcast_in_dim3A_419 = arith.constant 0.000000e+00 : f32
    %broadcast_in_dim3A_420 = vector.broadcast %broadcast_in_dim3A_419 : f32 to vector<100x128xf32>
    %broadcast_in_dim3A_421 = arith.constant 0.000000e+00 : f32
    %broadcast_in_dim3A_422 = vector.broadcast %broadcast_in_dim3A_421 : f32 to vector<100x128xf32>
    %get3A_423 = arith.constant 0 : index
    %get3A_424 = arith.constant 0 : index
    %get3A_425 = memref.load %arg29[%get3A_423, %get3A_424] : memref<6x32xf32, #tpu.memory_space<smem>>
    %mul3A_426 = vector.broadcast %get3A_425 : f32 to vector<100x128xf32>
    %mul3A_427 = arith.mulf %mul3A_426, %add3A_413 : vector<100x128xf32>
    %get3A_428 = arith.constant 1 : index
    %get3A_429 = arith.constant 0 : index
    %get3A_430 = memref.load %arg29[%get3A_428, %get3A_429] : memref<6x32xf32, #tpu.memory_space<smem>>
    %mul3A_431 = vector.broadcast %get3A_430 : f32 to vector<100x128xf32>
    %mul3A_432 = arith.mulf %mul3A_431, %add3A_418 : vector<100x128xf32>
    %add3A_433 = arith.addf %mul3A_427, %mul3A_432 : vector<100x128xf32>
    %get3A_434 = arith.constant 2 : index
    %get3A_435 = arith.constant 0 : index
    %get3A_436 = memref.load %arg29[%get3A_434, %get3A_435] : memref<6x32xf32, #tpu.memory_space<smem>>
    %add3A_437 = vector.broadcast %get3A_436 : f32 to vector<100x128xf32>
    %add3A_438 = arith.addf %add3A_433, %add3A_437 : vector<100x128xf32>
    %tanh3A_439 = math.tanh %add3A_438 : vector<100x128xf32>
    %get3A_440 = arith.constant 3 : index
    %get3A_441 = arith.constant 0 : index
    %get3A_442 = memref.load %arg29[%get3A_440, %get3A_441] : memref<6x32xf32, #tpu.memory_space<smem>>
    %mul3A_443 = vector.broadcast %get3A_442 : f32 to vector<100x128xf32>
    %mul3A_444 = arith.mulf %mul3A_443, %tanh3A_439 : vector<100x128xf32>
    %add3A_445 = arith.addf %broadcast_in_dim3A_420, %mul3A_444 : vector<100x128xf32>
    %get3A_446 = arith.constant 4 : index
    %get3A_447 = arith.constant 0 : index
    %get3A_448 = memref.load %arg29[%get3A_446, %get3A_447] : memref<6x32xf32, #tpu.memory_space<smem>>
    %mul3A_449 = vector.broadcast %get3A_448 : f32 to vector<100x128xf32>
    %mul3A_450 = arith.mulf %mul3A_449, %tanh3A_439 : vector<100x128xf32>
    %add3A_451 = arith.addf %broadcast_in_dim3A_422, %mul3A_450 : vector<100x128xf32>
    %get3A_452 = arith.constant 0 : index
    %get3A_453 = arith.constant 1 : index
    %get3A_454 = memref.load %arg29[%get3A_452, %get3A_453] : memref<6x32xf32, #tpu.memory_space<smem>>
    %mul3A_455 = vector.broadcast %get3A_454 : f32 to vector<100x128xf32>
    %mul3A_456 = arith.mulf %mul3A_455, %add3A_413 : vector<100x128xf32>
    %get3A_457 = arith.constant 1 : index
    %get3A_458 = arith.constant 1 : index
    %get3A_459 = memref.load %arg29[%get3A_457, %get3A_458] : memref<6x32xf32, #tpu.memory_space<smem>>
    %mul3A_460 = vector.broadcast %get3A_459 : f32 to vector<100x128xf32>
    %mul3A_461 = arith.mulf %mul3A_460, %add3A_418 : vector<100x128xf32>
    %add3A_462 = arith.addf %mul3A_456, %mul3A_461 : vector<100x128xf32>
    %get3A_463 = arith.constant 2 : index
    %get3A_464 = arith.constant 1 : index
    %get3A_465 = memref.load %arg29[%get3A_463, %get3A_464] : memref<6x32xf32, #tpu.memory_space<smem>>
    %add3A_466 = vector.broadcast %get3A_465 : f32 to vector<100x128xf32>
    %add3A_467 = arith.addf %add3A_462, %add3A_466 : vector<100x128xf32>
    %tanh3A_468 = math.tanh %add3A_467 : vector<100x128xf32>
    %get3A_469 = arith.constant 3 : index
    %get3A_470 = arith.constant 1 : index
    %get3A_471 = memref.load %arg29[%get3A_469, %get3A_470] : memref<6x32xf32, #tpu.memory_space<smem>>
    %mul3A_472 = vector.broadcast %get3A_471 : f32 to vector<100x128xf32>
    %mul3A_473 = arith.mulf %mul3A_472, %tanh3A_468 : vector<100x128xf32>
    %add3A_474 = arith.addf %add3A_445, %mul3A_473 : vector<100x128xf32>
    %get3A_475 = arith.constant 4 : index
    %get3A_476 = arith.constant 1 : index
    %get3A_477 = memref.load %arg29[%get3A_475, %get3A_476] : memref<6x32xf32, #tpu.memory_space<smem>>
    %mul3A_478 = vector.broadcast %get3A_477 : f32 to vector<100x128xf32>
    %mul3A_479 = arith.mulf %mul3A_478, %tanh3A_468 : vector<100x128xf32>
    %add3A_480 = arith.addf %add3A_451, %mul3A_479 : vector<100x128xf32>
    %get3A_481 = arith.constant 0 : index
    %get3A_482 = arith.constant 2 : index
    %get3A_483 = memref.load %arg29[%get3A_481, %get3A_482] : memref<6x32xf32, #tpu.memory_space<smem>>
    %mul3A_484 = vector.broadcast %get3A_483 : f32 to vector<100x128xf32>
    %mul3A_485 = arith.mulf %mul3A_484, %add3A_413 : vector<100x128xf32>
    %get3A_486 = arith.constant 1 : index
    %get3A_487 = arith.constant 2 : index
    %get3A_488 = memref.load %arg29[%get3A_486, %get3A_487] : memref<6x32xf32, #tpu.memory_space<smem>>
    %mul3A_489 = vector.broadcast %get3A_488 : f32 to vector<100x128xf32>
    %mul3A_490 = arith.mulf %mul3A_489, %add3A_418 : vector<100x128xf32>
    %add3A_491 = arith.addf %mul3A_485, %mul3A_490 : vector<100x128xf32>
    %get3A_492 = arith.constant 2 : index
    %get3A_493 = arith.constant 2 : index
    %get3A_494 = memref.load %arg29[%get3A_492, %get3A_493] : memref<6x32xf32, #tpu.memory_space<smem>>
    %add3A_495 = vector.broadcast %get3A_494 : f32 to vector<100x128xf32>
    %add3A_496 = arith.addf %add3A_491, %add3A_495 : vector<100x128xf32>
    %tanh3A_497 = math.tanh %add3A_496 : vector<100x128xf32>
    %get3A_498 = arith.constant 3 : index
    %get3A_499 = arith.constant 2 : index
    %get3A_500 = memref.load %arg29[%get3A_498, %get3A_499] : memref<6x32xf32, #tpu.memory_space<smem>>
    %mul3A_501 = vector.broadcast %get3A_500 : f32 to vector<100x128xf32>
    %mul3A_502 = arith.mulf %mul3A_501, %tanh3A_497 : vector<100x128xf32>
    %add3A_503 = arith.addf %add3A_474, %mul3A_502 : vector<100x128xf32>
    %get3A_504 = arith.constant 4 : index
    %get3A_505 = arith.constant 2 : index
    %get3A_506 = memref.load %arg29[%get3A_504, %get3A_505] : memref<6x32xf32, #tpu.memory_space<smem>>
    %mul3A_507 = vector.broadcast %get3A_506 : f32 to vector<100x128xf32>
    %mul3A_508 = arith.mulf %mul3A_507, %tanh3A_497 : vector<100x128xf32>
    %add3A_509 = arith.addf %add3A_480, %mul3A_508 : vector<100x128xf32>
    %get3A_510 = arith.constant 0 : index
    %get3A_511 = arith.constant 3 : index
    %get3A_512 = memref.load %arg29[%get3A_510, %get3A_511] : memref<6x32xf32, #tpu.memory_space<smem>>
    %mul3A_513 = vector.broadcast %get3A_512 : f32 to vector<100x128xf32>
    %mul3A_514 = arith.mulf %mul3A_513, %add3A_413 : vector<100x128xf32>
    %get3A_515 = arith.constant 1 : index
    %get3A_516 = arith.constant 3 : index
    %get3A_517 = memref.load %arg29[%get3A_515, %get3A_516] : memref<6x32xf32, #tpu.memory_space<smem>>
    %mul3A_518 = vector.broadcast %get3A_517 : f32 to vector<100x128xf32>
    %mul3A_519 = arith.mulf %mul3A_518, %add3A_418 : vector<100x128xf32>
    %add3A_520 = arith.addf %mul3A_514, %mul3A_519 : vector<100x128xf32>
    %get3A_521 = arith.constant 2 : index
    %get3A_522 = arith.constant 3 : index
    %get3A_523 = memref.load %arg29[%get3A_521, %get3A_522] : memref<6x32xf32, #tpu.memory_space<smem>>
    %add3A_524 = vector.broadcast %get3A_523 : f32 to vector<100x128xf32>
    %add3A_525 = arith.addf %add3A_520, %add3A_524 : vector<100x128xf32>
    %tanh3A_526 = math.tanh %add3A_525 : vector<100x128xf32>
    %get3A_527 = arith.constant 3 : index
    %get3A_528 = arith.constant 3 : index
    %get3A_529 = memref.load %arg29[%get3A_527, %get3A_528] : memref<6x32xf32, #tpu.memory_space<smem>>
    %mul3A_530 = vector.broadcast %get3A_529 : f32 to vector<100x128xf32>
    %mul3A_531 = arith.mulf %mul3A_530, %tanh3A_526 : vector<100x128xf32>
    %add3A_532 = arith.addf %add3A_503, %mul3A_531 : vector<100x128xf32>
    %get3A_533 = arith.constant 4 : index
    %get3A_534 = arith.constant 3 : index
    %get3A_535 = memref.load %arg29[%get3A_533, %get3A_534] : memref<6x32xf32, #tpu.memory_space<smem>>
    %mul3A_536 = vector.broadcast %get3A_535 : f32 to vector<100x128xf32>
    %mul3A_537 = arith.mulf %mul3A_536, %tanh3A_526 : vector<100x128xf32>
    %add3A_538 = arith.addf %add3A_509, %mul3A_537 : vector<100x128xf32>
    %get3A_539 = arith.constant 0 : index
    %get3A_540 = arith.constant 4 : index
    %get3A_541 = memref.load %arg29[%get3A_539, %get3A_540] : memref<6x32xf32, #tpu.memory_space<smem>>
    %mul3A_542 = vector.broadcast %get3A_541 : f32 to vector<100x128xf32>
    %mul3A_543 = arith.mulf %mul3A_542, %add3A_413 : vector<100x128xf32>
    %get3A_544 = arith.constant 1 : index
    %get3A_545 = arith.constant 4 : index
    %get3A_546 = memref.load %arg29[%get3A_544, %get3A_545] : memref<6x32xf32, #tpu.memory_space<smem>>
    %mul3A_547 = vector.broadcast %get3A_546 : f32 to vector<100x128xf32>
    %mul3A_548 = arith.mulf %mul3A_547, %add3A_418 : vector<100x128xf32>
    %add3A_549 = arith.addf %mul3A_543, %mul3A_548 : vector<100x128xf32>
    %get3A_550 = arith.constant 2 : index
    %get3A_551 = arith.constant 4 : index
    %get3A_552 = memref.load %arg29[%get3A_550, %get3A_551] : memref<6x32xf32, #tpu.memory_space<smem>>
    %add3A_553 = vector.broadcast %get3A_552 : f32 to vector<100x128xf32>
    %add3A_554 = arith.addf %add3A_549, %add3A_553 : vector<100x128xf32>
    %tanh3A_555 = math.tanh %add3A_554 : vector<100x128xf32>
    %get3A_556 = arith.constant 3 : index
    %get3A_557 = arith.constant 4 : index
    %get3A_558 = memref.load %arg29[%get3A_556, %get3A_557] : memref<6x32xf32, #tpu.memory_space<smem>>
    %mul3A_559 = vector.broadcast %get3A_558 : f32 to vector<100x128xf32>
    %mul3A_560 = arith.mulf %mul3A_559, %tanh3A_555 : vector<100x128xf32>
    %add3A_561 = arith.addf %add3A_532, %mul3A_560 : vector<100x128xf32>
    %get3A_562 = arith.constant 4 : index
    %get3A_563 = arith.constant 4 : index
    %get3A_564 = memref.load %arg29[%get3A_562, %get3A_563] : memref<6x32xf32, #tpu.memory_space<smem>>
    %mul3A_565 = vector.broadcast %get3A_564 : f32 to vector<100x128xf32>
    %mul3A_566 = arith.mulf %mul3A_565, %tanh3A_555 : vector<100x128xf32>
    %add3A_567 = arith.addf %add3A_538, %mul3A_566 : vector<100x128xf32>
    %get3A_568 = arith.constant 0 : index
    %get3A_569 = arith.constant 5 : index
    %get3A_570 = memref.load %arg29[%get3A_568, %get3A_569] : memref<6x32xf32, #tpu.memory_space<smem>>
    %mul3A_571 = vector.broadcast %get3A_570 : f32 to vector<100x128xf32>
    %mul3A_572 = arith.mulf %mul3A_571, %add3A_413 : vector<100x128xf32>
    %get3A_573 = arith.constant 1 : index
    %get3A_574 = arith.constant 5 : index
    %get3A_575 = memref.load %arg29[%get3A_573, %get3A_574] : memref<6x32xf32, #tpu.memory_space<smem>>
    %mul3A_576 = vector.broadcast %get3A_575 : f32 to vector<100x128xf32>
    %mul3A_577 = arith.mulf %mul3A_576, %add3A_418 : vector<100x128xf32>
    %add3A_578 = arith.addf %mul3A_572, %mul3A_577 : vector<100x128xf32>
    %get3A_579 = arith.constant 2 : index
    %get3A_580 = arith.constant 5 : index
    %get3A_581 = memref.load %arg29[%get3A_579, %get3A_580] : memref<6x32xf32, #tpu.memory_space<smem>>
    %add3A_582 = vector.broadcast %get3A_581 : f32 to vector<100x128xf32>
    %add3A_583 = arith.addf %add3A_578, %add3A_582 : vector<100x128xf32>
    %tanh3A_584 = math.tanh %add3A_583 : vector<100x128xf32>
    %get3A_585 = arith.constant 3 : index
    %get3A_586 = arith.constant 5 : index
    %get3A_587 = memref.load %arg29[%get3A_585, %get3A_586] : memref<6x32xf32, #tpu.memory_space<smem>>
    %mul3A_588 = vector.broadcast %get3A_587 : f32 to vector<100x128xf32>
    %mul3A_589 = arith.mulf %mul3A_588, %tanh3A_584 : vector<100x128xf32>
    %add3A_590 = arith.addf %add3A_561, %mul3A_589 : vector<100x128xf32>
    %get3A_591 = arith.constant 4 : index
    %get3A_592 = arith.constant 5 : index
    %get3A_593 = memref.load %arg29[%get3A_591, %get3A_592] : memref<6x32xf32, #tpu.memory_space<smem>>
    %mul3A_594 = vector.broadcast %get3A_593 : f32 to vector<100x128xf32>
    %mul3A_595 = arith.mulf %mul3A_594, %tanh3A_584 : vector<100x128xf32>
    %add3A_596 = arith.addf %add3A_567, %mul3A_595 : vector<100x128xf32>
    %get3A_597 = arith.constant 0 : index
    %get3A_598 = arith.constant 6 : index
    %get3A_599 = memref.load %arg29[%get3A_597, %get3A_598] : memref<6x32xf32, #tpu.memory_space<smem>>
    %mul3A_600 = vector.broadcast %get3A_599 : f32 to vector<100x128xf32>
    %mul3A_601 = arith.mulf %mul3A_600, %add3A_413 : vector<100x128xf32>
    %get3A_602 = arith.constant 1 : index
    %get3A_603 = arith.constant 6 : index
    %get3A_604 = memref.load %arg29[%get3A_602, %get3A_603] : memref<6x32xf32, #tpu.memory_space<smem>>
    %mul3A_605 = vector.broadcast %get3A_604 : f32 to vector<100x128xf32>
    %mul3A_606 = arith.mulf %mul3A_605, %add3A_418 : vector<100x128xf32>
    %add3A_607 = arith.addf %mul3A_601, %mul3A_606 : vector<100x128xf32>
    %get3A_608 = arith.constant 2 : index
    %get3A_609 = arith.constant 6 : index
    %get3A_610 = memref.load %arg29[%get3A_608, %get3A_609] : memref<6x32xf32, #tpu.memory_space<smem>>
    %add3A_611 = vector.broadcast %get3A_610 : f32 to vector<100x128xf32>
    %add3A_612 = arith.addf %add3A_607, %add3A_611 : vector<100x128xf32>
    %tanh3A_613 = math.tanh %add3A_612 : vector<100x128xf32>
    %get3A_614 = arith.constant 3 : index
    %get3A_615 = arith.constant 6 : index
    %get3A_616 = memref.load %arg29[%get3A_614, %get3A_615] : memref<6x32xf32, #tpu.memory_space<smem>>
    %mul3A_617 = vector.broadcast %get3A_616 : f32 to vector<100x128xf32>
    %mul3A_618 = arith.mulf %mul3A_617, %tanh3A_613 : vector<100x128xf32>
    %add3A_619 = arith.addf %add3A_590, %mul3A_618 : vector<100x128xf32>
    %get3A_620 = arith.constant 4 : index
    %get3A_621 = arith.constant 6 : index
    %get3A_622 = memref.load %arg29[%get3A_620, %get3A_621] : memref<6x32xf32, #tpu.memory_space<smem>>
    %mul3A_623 = vector.broadcast %get3A_622 : f32 to vector<100x128xf32>
    %mul3A_624 = arith.mulf %mul3A_623, %tanh3A_613 : vector<100x128xf32>
    %add3A_625 = arith.addf %add3A_596, %mul3A_624 : vector<100x128xf32>
    %get3A_626 = arith.constant 0 : index
    %get3A_627 = arith.constant 7 : index
    %get3A_628 = memref.load %arg29[%get3A_626, %get3A_627] : memref<6x32xf32, #tpu.memory_space<smem>>
    %mul3A_629 = vector.broadcast %get3A_628 : f32 to vector<100x128xf32>
    %mul3A_630 = arith.mulf %mul3A_629, %add3A_413 : vector<100x128xf32>
    %get3A_631 = arith.constant 1 : index
    %get3A_632 = arith.constant 7 : index
    %get3A_633 = memref.load %arg29[%get3A_631, %get3A_632] : memref<6x32xf32, #tpu.memory_space<smem>>
    %mul3A_634 = vector.broadcast %get3A_633 : f32 to vector<100x128xf32>
    %mul3A_635 = arith.mulf %mul3A_634, %add3A_418 : vector<100x128xf32>
    %add3A_636 = arith.addf %mul3A_630, %mul3A_635 : vector<100x128xf32>
    %get3A_637 = arith.constant 2 : index
    %get3A_638 = arith.constant 7 : index
    %get3A_639 = memref.load %arg29[%get3A_637, %get3A_638] : memref<6x32xf32, #tpu.memory_space<smem>>
    %add3A_640 = vector.broadcast %get3A_639 : f32 to vector<100x128xf32>
    %add3A_641 = arith.addf %add3A_636, %add3A_640 : vector<100x128xf32>
    %tanh3A_642 = math.tanh %add3A_641 : vector<100x128xf32>
    %get3A_643 = arith.constant 3 : index
    %get3A_644 = arith.constant 7 : index
    %get3A_645 = memref.load %arg29[%get3A_643, %get3A_644] : memref<6x32xf32, #tpu.memory_space<smem>>
    %mul3A_646 = vector.broadcast %get3A_645 : f32 to vector<100x128xf32>
    %mul3A_647 = arith.mulf %mul3A_646, %tanh3A_642 : vector<100x128xf32>
    %add3A_648 = arith.addf %add3A_619, %mul3A_647 : vector<100x128xf32>
    %get3A_649 = arith.constant 4 : index
    %get3A_650 = arith.constant 7 : index
    %get3A_651 = memref.load %arg29[%get3A_649, %get3A_650] : memref<6x32xf32, #tpu.memory_space<smem>>
    %mul3A_652 = vector.broadcast %get3A_651 : f32 to vector<100x128xf32>
    %mul3A_653 = arith.mulf %mul3A_652, %tanh3A_642 : vector<100x128xf32>
    %add3A_654 = arith.addf %add3A_625, %mul3A_653 : vector<100x128xf32>
    %get3A_655 = arith.constant 0 : index
    %get3A_656 = arith.constant 8 : index
    %get3A_657 = memref.load %arg29[%get3A_655, %get3A_656] : memref<6x32xf32, #tpu.memory_space<smem>>
    %mul3A_658 = vector.broadcast %get3A_657 : f32 to vector<100x128xf32>
    %mul3A_659 = arith.mulf %mul3A_658, %add3A_413 : vector<100x128xf32>
    %get3A_660 = arith.constant 1 : index
    %get3A_661 = arith.constant 8 : index
    %get3A_662 = memref.load %arg29[%get3A_660, %get3A_661] : memref<6x32xf32, #tpu.memory_space<smem>>
    %mul3A_663 = vector.broadcast %get3A_662 : f32 to vector<100x128xf32>
    %mul3A_664 = arith.mulf %mul3A_663, %add3A_418 : vector<100x128xf32>
    %add3A_665 = arith.addf %mul3A_659, %mul3A_664 : vector<100x128xf32>
    %get3A_666 = arith.constant 2 : index
    %get3A_667 = arith.constant 8 : index
    %get3A_668 = memref.load %arg29[%get3A_666, %get3A_667] : memref<6x32xf32, #tpu.memory_space<smem>>
    %add3A_669 = vector.broadcast %get3A_668 : f32 to vector<100x128xf32>
    %add3A_670 = arith.addf %add3A_665, %add3A_669 : vector<100x128xf32>
    %tanh3A_671 = math.tanh %add3A_670 : vector<100x128xf32>
    %get3A_672 = arith.constant 3 : index
    %get3A_673 = arith.constant 8 : index
    %get3A_674 = memref.load %arg29[%get3A_672, %get3A_673] : memref<6x32xf32, #tpu.memory_space<smem>>
    %mul3A_675 = vector.broadcast %get3A_674 : f32 to vector<100x128xf32>
    %mul3A_676 = arith.mulf %mul3A_675, %tanh3A_671 : vector<100x128xf32>
    %add3A_677 = arith.addf %add3A_648, %mul3A_676 : vector<100x128xf32>
    %get3A_678 = arith.constant 4 : index
    %get3A_679 = arith.constant 8 : index
    %get3A_680 = memref.load %arg29[%get3A_678, %get3A_679] : memref<6x32xf32, #tpu.memory_space<smem>>
    %mul3A_681 = vector.broadcast %get3A_680 : f32 to vector<100x128xf32>
    %mul3A_682 = arith.mulf %mul3A_681, %tanh3A_671 : vector<100x128xf32>
    %add3A_683 = arith.addf %add3A_654, %mul3A_682 : vector<100x128xf32>
    %get3A_684 = arith.constant 0 : index
    %get3A_685 = arith.constant 9 : index
    %get3A_686 = memref.load %arg29[%get3A_684, %get3A_685] : memref<6x32xf32, #tpu.memory_space<smem>>
    %mul3A_687 = vector.broadcast %get3A_686 : f32 to vector<100x128xf32>
    %mul3A_688 = arith.mulf %mul3A_687, %add3A_413 : vector<100x128xf32>
    %get3A_689 = arith.constant 1 : index
    %get3A_690 = arith.constant 9 : index
    %get3A_691 = memref.load %arg29[%get3A_689, %get3A_690] : memref<6x32xf32, #tpu.memory_space<smem>>
    %mul3A_692 = vector.broadcast %get3A_691 : f32 to vector<100x128xf32>
    %mul3A_693 = arith.mulf %mul3A_692, %add3A_418 : vector<100x128xf32>
    %add3A_694 = arith.addf %mul3A_688, %mul3A_693 : vector<100x128xf32>
    %get3A_695 = arith.constant 2 : index
    %get3A_696 = arith.constant 9 : index
    %get3A_697 = memref.load %arg29[%get3A_695, %get3A_696] : memref<6x32xf32, #tpu.memory_space<smem>>
    %add3A_698 = vector.broadcast %get3A_697 : f32 to vector<100x128xf32>
    %add3A_699 = arith.addf %add3A_694, %add3A_698 : vector<100x128xf32>
    %tanh3A_700 = math.tanh %add3A_699 : vector<100x128xf32>
    %get3A_701 = arith.constant 3 : index
    %get3A_702 = arith.constant 9 : index
    %get3A_703 = memref.load %arg29[%get3A_701, %get3A_702] : memref<6x32xf32, #tpu.memory_space<smem>>
    %mul3A_704 = vector.broadcast %get3A_703 : f32 to vector<100x128xf32>
    %mul3A_705 = arith.mulf %mul3A_704, %tanh3A_700 : vector<100x128xf32>
    %add3A_706 = arith.addf %add3A_677, %mul3A_705 : vector<100x128xf32>
    %get3A_707 = arith.constant 4 : index
    %get3A_708 = arith.constant 9 : index
    %get3A_709 = memref.load %arg29[%get3A_707, %get3A_708] : memref<6x32xf32, #tpu.memory_space<smem>>
    %mul3A_710 = vector.broadcast %get3A_709 : f32 to vector<100x128xf32>
    %mul3A_711 = arith.mulf %mul3A_710, %tanh3A_700 : vector<100x128xf32>
    %add3A_712 = arith.addf %add3A_683, %mul3A_711 : vector<100x128xf32>
    %get3A_713 = arith.constant 0 : index
    %get3A_714 = arith.constant 10 : index
    %get3A_715 = memref.load %arg29[%get3A_713, %get3A_714] : memref<6x32xf32, #tpu.memory_space<smem>>
    %mul3A_716 = vector.broadcast %get3A_715 : f32 to vector<100x128xf32>
    %mul3A_717 = arith.mulf %mul3A_716, %add3A_413 : vector<100x128xf32>
    %get3A_718 = arith.constant 1 : index
    %get3A_719 = arith.constant 10 : index
    %get3A_720 = memref.load %arg29[%get3A_718, %get3A_719] : memref<6x32xf32, #tpu.memory_space<smem>>
    %mul3A_721 = vector.broadcast %get3A_720 : f32 to vector<100x128xf32>
    %mul3A_722 = arith.mulf %mul3A_721, %add3A_418 : vector<100x128xf32>
    %add3A_723 = arith.addf %mul3A_717, %mul3A_722 : vector<100x128xf32>
    %get3A_724 = arith.constant 2 : index
    %get3A_725 = arith.constant 10 : index
    %get3A_726 = memref.load %arg29[%get3A_724, %get3A_725] : memref<6x32xf32, #tpu.memory_space<smem>>
    %add3A_727 = vector.broadcast %get3A_726 : f32 to vector<100x128xf32>
    %add3A_728 = arith.addf %add3A_723, %add3A_727 : vector<100x128xf32>
    %tanh3A_729 = math.tanh %add3A_728 : vector<100x128xf32>
    %get3A_730 = arith.constant 3 : index
    %get3A_731 = arith.constant 10 : index
    %get3A_732 = memref.load %arg29[%get3A_730, %get3A_731] : memref<6x32xf32, #tpu.memory_space<smem>>
    %mul3A_733 = vector.broadcast %get3A_732 : f32 to vector<100x128xf32>
    %mul3A_734 = arith.mulf %mul3A_733, %tanh3A_729 : vector<100x128xf32>
    %add3A_735 = arith.addf %add3A_706, %mul3A_734 : vector<100x128xf32>
    %get3A_736 = arith.constant 4 : index
    %get3A_737 = arith.constant 10 : index
    %get3A_738 = memref.load %arg29[%get3A_736, %get3A_737] : memref<6x32xf32, #tpu.memory_space<smem>>
    %mul3A_739 = vector.broadcast %get3A_738 : f32 to vector<100x128xf32>
    %mul3A_740 = arith.mulf %mul3A_739, %tanh3A_729 : vector<100x128xf32>
    %add3A_741 = arith.addf %add3A_712, %mul3A_740 : vector<100x128xf32>
    %get3A_742 = arith.constant 0 : index
    %get3A_743 = arith.constant 11 : index
    %get3A_744 = memref.load %arg29[%get3A_742, %get3A_743] : memref<6x32xf32, #tpu.memory_space<smem>>
    %mul3A_745 = vector.broadcast %get3A_744 : f32 to vector<100x128xf32>
    %mul3A_746 = arith.mulf %mul3A_745, %add3A_413 : vector<100x128xf32>
    %get3A_747 = arith.constant 1 : index
    %get3A_748 = arith.constant 11 : index
    %get3A_749 = memref.load %arg29[%get3A_747, %get3A_748] : memref<6x32xf32, #tpu.memory_space<smem>>
    %mul3A_750 = vector.broadcast %get3A_749 : f32 to vector<100x128xf32>
    %mul3A_751 = arith.mulf %mul3A_750, %add3A_418 : vector<100x128xf32>
    %add3A_752 = arith.addf %mul3A_746, %mul3A_751 : vector<100x128xf32>
    %get3A_753 = arith.constant 2 : index
    %get3A_754 = arith.constant 11 : index
    %get3A_755 = memref.load %arg29[%get3A_753, %get3A_754] : memref<6x32xf32, #tpu.memory_space<smem>>
    %add3A_756 = vector.broadcast %get3A_755 : f32 to vector<100x128xf32>
    %add3A_757 = arith.addf %add3A_752, %add3A_756 : vector<100x128xf32>
    %tanh3A_758 = math.tanh %add3A_757 : vector<100x128xf32>
    %get3A_759 = arith.constant 3 : index
    %get3A_760 = arith.constant 11 : index
    %get3A_761 = memref.load %arg29[%get3A_759, %get3A_760] : memref<6x32xf32, #tpu.memory_space<smem>>
    %mul3A_762 = vector.broadcast %get3A_761 : f32 to vector<100x128xf32>
    %mul3A_763 = arith.mulf %mul3A_762, %tanh3A_758 : vector<100x128xf32>
    %add3A_764 = arith.addf %add3A_735, %mul3A_763 : vector<100x128xf32>
    %get3A_765 = arith.constant 4 : index
    %get3A_766 = arith.constant 11 : index
    %get3A_767 = memref.load %arg29[%get3A_765, %get3A_766] : memref<6x32xf32, #tpu.memory_space<smem>>
    %mul3A_768 = vector.broadcast %get3A_767 : f32 to vector<100x128xf32>
    %mul3A_769 = arith.mulf %mul3A_768, %tanh3A_758 : vector<100x128xf32>
    %add3A_770 = arith.addf %add3A_741, %mul3A_769 : vector<100x128xf32>
    %get3A_771 = arith.constant 0 : index
    %get3A_772 = arith.constant 12 : index
    %get3A_773 = memref.load %arg29[%get3A_771, %get3A_772] : memref<6x32xf32, #tpu.memory_space<smem>>
    %mul3A_774 = vector.broadcast %get3A_773 : f32 to vector<100x128xf32>
    %mul3A_775 = arith.mulf %mul3A_774, %add3A_413 : vector<100x128xf32>
    %get3A_776 = arith.constant 1 : index
    %get3A_777 = arith.constant 12 : index
    %get3A_778 = memref.load %arg29[%get3A_776, %get3A_777] : memref<6x32xf32, #tpu.memory_space<smem>>
    %mul3A_779 = vector.broadcast %get3A_778 : f32 to vector<100x128xf32>
    %mul3A_780 = arith.mulf %mul3A_779, %add3A_418 : vector<100x128xf32>
    %add3A_781 = arith.addf %mul3A_775, %mul3A_780 : vector<100x128xf32>
    %get3A_782 = arith.constant 2 : index
    %get3A_783 = arith.constant 12 : index
    %get3A_784 = memref.load %arg29[%get3A_782, %get3A_783] : memref<6x32xf32, #tpu.memory_space<smem>>
    %add3A_785 = vector.broadcast %get3A_784 : f32 to vector<100x128xf32>
    %add3A_786 = arith.addf %add3A_781, %add3A_785 : vector<100x128xf32>
    %tanh3A_787 = math.tanh %add3A_786 : vector<100x128xf32>
    %get3A_788 = arith.constant 3 : index
    %get3A_789 = arith.constant 12 : index
    %get3A_790 = memref.load %arg29[%get3A_788, %get3A_789] : memref<6x32xf32, #tpu.memory_space<smem>>
    %mul3A_791 = vector.broadcast %get3A_790 : f32 to vector<100x128xf32>
    %mul3A_792 = arith.mulf %mul3A_791, %tanh3A_787 : vector<100x128xf32>
    %add3A_793 = arith.addf %add3A_764, %mul3A_792 : vector<100x128xf32>
    %get3A_794 = arith.constant 4 : index
    %get3A_795 = arith.constant 12 : index
    %get3A_796 = memref.load %arg29[%get3A_794, %get3A_795] : memref<6x32xf32, #tpu.memory_space<smem>>
    %mul3A_797 = vector.broadcast %get3A_796 : f32 to vector<100x128xf32>
    %mul3A_798 = arith.mulf %mul3A_797, %tanh3A_787 : vector<100x128xf32>
    %add3A_799 = arith.addf %add3A_770, %mul3A_798 : vector<100x128xf32>
    %get3A_800 = arith.constant 0 : index
    %get3A_801 = arith.constant 13 : index
    %get3A_802 = memref.load %arg29[%get3A_800, %get3A_801] : memref<6x32xf32, #tpu.memory_space<smem>>
    %mul3A_803 = vector.broadcast %get3A_802 : f32 to vector<100x128xf32>
    %mul3A_804 = arith.mulf %mul3A_803, %add3A_413 : vector<100x128xf32>
    %get3A_805 = arith.constant 1 : index
    %get3A_806 = arith.constant 13 : index
    %get3A_807 = memref.load %arg29[%get3A_805, %get3A_806] : memref<6x32xf32, #tpu.memory_space<smem>>
    %mul3A_808 = vector.broadcast %get3A_807 : f32 to vector<100x128xf32>
    %mul3A_809 = arith.mulf %mul3A_808, %add3A_418 : vector<100x128xf32>
    %add3A_810 = arith.addf %mul3A_804, %mul3A_809 : vector<100x128xf32>
    %get3A_811 = arith.constant 2 : index
    %get3A_812 = arith.constant 13 : index
    %get3A_813 = memref.load %arg29[%get3A_811, %get3A_812] : memref<6x32xf32, #tpu.memory_space<smem>>
    %add3A_814 = vector.broadcast %get3A_813 : f32 to vector<100x128xf32>
    %add3A_815 = arith.addf %add3A_810, %add3A_814 : vector<100x128xf32>
    %tanh3A_816 = math.tanh %add3A_815 : vector<100x128xf32>
    %get3A_817 = arith.constant 3 : index
    %get3A_818 = arith.constant 13 : index
    %get3A_819 = memref.load %arg29[%get3A_817, %get3A_818] : memref<6x32xf32, #tpu.memory_space<smem>>
    %mul3A_820 = vector.broadcast %get3A_819 : f32 to vector<100x128xf32>
    %mul3A_821 = arith.mulf %mul3A_820, %tanh3A_816 : vector<100x128xf32>
    %add3A_822 = arith.addf %add3A_793, %mul3A_821 : vector<100x128xf32>
    %get3A_823 = arith.constant 4 : index
    %get3A_824 = arith.constant 13 : index
    %get3A_825 = memref.load %arg29[%get3A_823, %get3A_824] : memref<6x32xf32, #tpu.memory_space<smem>>
    %mul3A_826 = vector.broadcast %get3A_825 : f32 to vector<100x128xf32>
    %mul3A_827 = arith.mulf %mul3A_826, %tanh3A_816 : vector<100x128xf32>
    %add3A_828 = arith.addf %add3A_799, %mul3A_827 : vector<100x128xf32>
    %get3A_829 = arith.constant 0 : index
    %get3A_830 = arith.constant 14 : index
    %get3A_831 = memref.load %arg29[%get3A_829, %get3A_830] : memref<6x32xf32, #tpu.memory_space<smem>>
    %mul3A_832 = vector.broadcast %get3A_831 : f32 to vector<100x128xf32>
    %mul3A_833 = arith.mulf %mul3A_832, %add3A_413 : vector<100x128xf32>
    %get3A_834 = arith.constant 1 : index
    %get3A_835 = arith.constant 14 : index
    %get3A_836 = memref.load %arg29[%get3A_834, %get3A_835] : memref<6x32xf32, #tpu.memory_space<smem>>
    %mul3A_837 = vector.broadcast %get3A_836 : f32 to vector<100x128xf32>
    %mul3A_838 = arith.mulf %mul3A_837, %add3A_418 : vector<100x128xf32>
    %add3A_839 = arith.addf %mul3A_833, %mul3A_838 : vector<100x128xf32>
    %get3A_840 = arith.constant 2 : index
    %get3A_841 = arith.constant 14 : index
    %get3A_842 = memref.load %arg29[%get3A_840, %get3A_841] : memref<6x32xf32, #tpu.memory_space<smem>>
    %add3A_843 = vector.broadcast %get3A_842 : f32 to vector<100x128xf32>
    %add3A_844 = arith.addf %add3A_839, %add3A_843 : vector<100x128xf32>
    %tanh3A_845 = math.tanh %add3A_844 : vector<100x128xf32>
    %get3A_846 = arith.constant 3 : index
    %get3A_847 = arith.constant 14 : index
    %get3A_848 = memref.load %arg29[%get3A_846, %get3A_847] : memref<6x32xf32, #tpu.memory_space<smem>>
    %mul3A_849 = vector.broadcast %get3A_848 : f32 to vector<100x128xf32>
    %mul3A_850 = arith.mulf %mul3A_849, %tanh3A_845 : vector<100x128xf32>
    %add3A_851 = arith.addf %add3A_822, %mul3A_850 : vector<100x128xf32>
    %get3A_852 = arith.constant 4 : index
    %get3A_853 = arith.constant 14 : index
    %get3A_854 = memref.load %arg29[%get3A_852, %get3A_853] : memref<6x32xf32, #tpu.memory_space<smem>>
    %mul3A_855 = vector.broadcast %get3A_854 : f32 to vector<100x128xf32>
    %mul3A_856 = arith.mulf %mul3A_855, %tanh3A_845 : vector<100x128xf32>
    %add3A_857 = arith.addf %add3A_828, %mul3A_856 : vector<100x128xf32>
    %get3A_858 = arith.constant 0 : index
    %get3A_859 = arith.constant 15 : index
    %get3A_860 = memref.load %arg29[%get3A_858, %get3A_859] : memref<6x32xf32, #tpu.memory_space<smem>>
    %mul3A_861 = vector.broadcast %get3A_860 : f32 to vector<100x128xf32>
    %mul3A_862 = arith.mulf %mul3A_861, %add3A_413 : vector<100x128xf32>
    %get3A_863 = arith.constant 1 : index
    %get3A_864 = arith.constant 15 : index
    %get3A_865 = memref.load %arg29[%get3A_863, %get3A_864] : memref<6x32xf32, #tpu.memory_space<smem>>
    %mul3A_866 = vector.broadcast %get3A_865 : f32 to vector<100x128xf32>
    %mul3A_867 = arith.mulf %mul3A_866, %add3A_418 : vector<100x128xf32>
    %add3A_868 = arith.addf %mul3A_862, %mul3A_867 : vector<100x128xf32>
    %get3A_869 = arith.constant 2 : index
    %get3A_870 = arith.constant 15 : index
    %get3A_871 = memref.load %arg29[%get3A_869, %get3A_870] : memref<6x32xf32, #tpu.memory_space<smem>>
    %add3A_872 = vector.broadcast %get3A_871 : f32 to vector<100x128xf32>
    %add3A_873 = arith.addf %add3A_868, %add3A_872 : vector<100x128xf32>
    %tanh3A_874 = math.tanh %add3A_873 : vector<100x128xf32>
    %get3A_875 = arith.constant 3 : index
    %get3A_876 = arith.constant 15 : index
    %get3A_877 = memref.load %arg29[%get3A_875, %get3A_876] : memref<6x32xf32, #tpu.memory_space<smem>>
    %mul3A_878 = vector.broadcast %get3A_877 : f32 to vector<100x128xf32>
    %mul3A_879 = arith.mulf %mul3A_878, %tanh3A_874 : vector<100x128xf32>
    %add3A_880 = arith.addf %add3A_851, %mul3A_879 : vector<100x128xf32>
    %get3A_881 = arith.constant 4 : index
    %get3A_882 = arith.constant 15 : index
    %get3A_883 = memref.load %arg29[%get3A_881, %get3A_882] : memref<6x32xf32, #tpu.memory_space<smem>>
    %mul3A_884 = vector.broadcast %get3A_883 : f32 to vector<100x128xf32>
    %mul3A_885 = arith.mulf %mul3A_884, %tanh3A_874 : vector<100x128xf32>
    %add3A_886 = arith.addf %add3A_857, %mul3A_885 : vector<100x128xf32>
    %get3A_887 = arith.constant 0 : index
    %get3A_888 = arith.constant 16 : index
    %get3A_889 = memref.load %arg29[%get3A_887, %get3A_888] : memref<6x32xf32, #tpu.memory_space<smem>>
    %mul3A_890 = vector.broadcast %get3A_889 : f32 to vector<100x128xf32>
    %mul3A_891 = arith.mulf %mul3A_890, %add3A_413 : vector<100x128xf32>
    %get3A_892 = arith.constant 1 : index
    %get3A_893 = arith.constant 16 : index
    %get3A_894 = memref.load %arg29[%get3A_892, %get3A_893] : memref<6x32xf32, #tpu.memory_space<smem>>
    %mul3A_895 = vector.broadcast %get3A_894 : f32 to vector<100x128xf32>
    %mul3A_896 = arith.mulf %mul3A_895, %add3A_418 : vector<100x128xf32>
    %add3A_897 = arith.addf %mul3A_891, %mul3A_896 : vector<100x128xf32>
    %get3A_898 = arith.constant 2 : index
    %get3A_899 = arith.constant 16 : index
    %get3A_900 = memref.load %arg29[%get3A_898, %get3A_899] : memref<6x32xf32, #tpu.memory_space<smem>>
    %add3A_901 = vector.broadcast %get3A_900 : f32 to vector<100x128xf32>
    %add3A_902 = arith.addf %add3A_897, %add3A_901 : vector<100x128xf32>
    %tanh3A_903 = math.tanh %add3A_902 : vector<100x128xf32>
    %get3A_904 = arith.constant 3 : index
    %get3A_905 = arith.constant 16 : index
    %get3A_906 = memref.load %arg29[%get3A_904, %get3A_905] : memref<6x32xf32, #tpu.memory_space<smem>>
    %mul3A_907 = vector.broadcast %get3A_906 : f32 to vector<100x128xf32>
    %mul3A_908 = arith.mulf %mul3A_907, %tanh3A_903 : vector<100x128xf32>
    %add3A_909 = arith.addf %add3A_880, %mul3A_908 : vector<100x128xf32>
    %get3A_910 = arith.constant 4 : index
    %get3A_911 = arith.constant 16 : index
    %get3A_912 = memref.load %arg29[%get3A_910, %get3A_911] : memref<6x32xf32, #tpu.memory_space<smem>>
    %mul3A_913 = vector.broadcast %get3A_912 : f32 to vector<100x128xf32>
    %mul3A_914 = arith.mulf %mul3A_913, %tanh3A_903 : vector<100x128xf32>
    %add3A_915 = arith.addf %add3A_886, %mul3A_914 : vector<100x128xf32>
    %get3A_916 = arith.constant 0 : index
    %get3A_917 = arith.constant 17 : index
    %get3A_918 = memref.load %arg29[%get3A_916, %get3A_917] : memref<6x32xf32, #tpu.memory_space<smem>>
    %mul3A_919 = vector.broadcast %get3A_918 : f32 to vector<100x128xf32>
    %mul3A_920 = arith.mulf %mul3A_919, %add3A_413 : vector<100x128xf32>
    %get3A_921 = arith.constant 1 : index
    %get3A_922 = arith.constant 17 : index
    %get3A_923 = memref.load %arg29[%get3A_921, %get3A_922] : memref<6x32xf32, #tpu.memory_space<smem>>
    %mul3A_924 = vector.broadcast %get3A_923 : f32 to vector<100x128xf32>
    %mul3A_925 = arith.mulf %mul3A_924, %add3A_418 : vector<100x128xf32>
    %add3A_926 = arith.addf %mul3A_920, %mul3A_925 : vector<100x128xf32>
    %get3A_927 = arith.constant 2 : index
    %get3A_928 = arith.constant 17 : index
    %get3A_929 = memref.load %arg29[%get3A_927, %get3A_928] : memref<6x32xf32, #tpu.memory_space<smem>>
    %add3A_930 = vector.broadcast %get3A_929 : f32 to vector<100x128xf32>
    %add3A_931 = arith.addf %add3A_926, %add3A_930 : vector<100x128xf32>
    %tanh3A_932 = math.tanh %add3A_931 : vector<100x128xf32>
    %get3A_933 = arith.constant 3 : index
    %get3A_934 = arith.constant 17 : index
    %get3A_935 = memref.load %arg29[%get3A_933, %get3A_934] : memref<6x32xf32, #tpu.memory_space<smem>>
    %mul3A_936 = vector.broadcast %get3A_935 : f32 to vector<100x128xf32>
    %mul3A_937 = arith.mulf %mul3A_936, %tanh3A_932 : vector<100x128xf32>
    %add3A_938 = arith.addf %add3A_909, %mul3A_937 : vector<100x128xf32>
    %get3A_939 = arith.constant 4 : index
    %get3A_940 = arith.constant 17 : index
    %get3A_941 = memref.load %arg29[%get3A_939, %get3A_940] : memref<6x32xf32, #tpu.memory_space<smem>>
    %mul3A_942 = vector.broadcast %get3A_941 : f32 to vector<100x128xf32>
    %mul3A_943 = arith.mulf %mul3A_942, %tanh3A_932 : vector<100x128xf32>
    %add3A_944 = arith.addf %add3A_915, %mul3A_943 : vector<100x128xf32>
    %get3A_945 = arith.constant 0 : index
    %get3A_946 = arith.constant 18 : index
    %get3A_947 = memref.load %arg29[%get3A_945, %get3A_946] : memref<6x32xf32, #tpu.memory_space<smem>>
    %mul3A_948 = vector.broadcast %get3A_947 : f32 to vector<100x128xf32>
    %mul3A_949 = arith.mulf %mul3A_948, %add3A_413 : vector<100x128xf32>
    %get3A_950 = arith.constant 1 : index
    %get3A_951 = arith.constant 18 : index
    %get3A_952 = memref.load %arg29[%get3A_950, %get3A_951] : memref<6x32xf32, #tpu.memory_space<smem>>
    %mul3A_953 = vector.broadcast %get3A_952 : f32 to vector<100x128xf32>
    %mul3A_954 = arith.mulf %mul3A_953, %add3A_418 : vector<100x128xf32>
    %add3A_955 = arith.addf %mul3A_949, %mul3A_954 : vector<100x128xf32>
    %get3A_956 = arith.constant 2 : index
    %get3A_957 = arith.constant 18 : index
    %get3A_958 = memref.load %arg29[%get3A_956, %get3A_957] : memref<6x32xf32, #tpu.memory_space<smem>>
    %add3A_959 = vector.broadcast %get3A_958 : f32 to vector<100x128xf32>
    %add3A_960 = arith.addf %add3A_955, %add3A_959 : vector<100x128xf32>
    %tanh3A_961 = math.tanh %add3A_960 : vector<100x128xf32>
    %get3A_962 = arith.constant 3 : index
    %get3A_963 = arith.constant 18 : index
    %get3A_964 = memref.load %arg29[%get3A_962, %get3A_963] : memref<6x32xf32, #tpu.memory_space<smem>>
    %mul3A_965 = vector.broadcast %get3A_964 : f32 to vector<100x128xf32>
    %mul3A_966 = arith.mulf %mul3A_965, %tanh3A_961 : vector<100x128xf32>
    %add3A_967 = arith.addf %add3A_938, %mul3A_966 : vector<100x128xf32>
    %get3A_968 = arith.constant 4 : index
    %get3A_969 = arith.constant 18 : index
    %get3A_970 = memref.load %arg29[%get3A_968, %get3A_969] : memref<6x32xf32, #tpu.memory_space<smem>>
    %mul3A_971 = vector.broadcast %get3A_970 : f32 to vector<100x128xf32>
    %mul3A_972 = arith.mulf %mul3A_971, %tanh3A_961 : vector<100x128xf32>
    %add3A_973 = arith.addf %add3A_944, %mul3A_972 : vector<100x128xf32>
    %get3A_974 = arith.constant 0 : index
    %get3A_975 = arith.constant 19 : index
    %get3A_976 = memref.load %arg29[%get3A_974, %get3A_975] : memref<6x32xf32, #tpu.memory_space<smem>>
    %mul3A_977 = vector.broadcast %get3A_976 : f32 to vector<100x128xf32>
    %mul3A_978 = arith.mulf %mul3A_977, %add3A_413 : vector<100x128xf32>
    %get3A_979 = arith.constant 1 : index
    %get3A_980 = arith.constant 19 : index
    %get3A_981 = memref.load %arg29[%get3A_979, %get3A_980] : memref<6x32xf32, #tpu.memory_space<smem>>
    %mul3A_982 = vector.broadcast %get3A_981 : f32 to vector<100x128xf32>
    %mul3A_983 = arith.mulf %mul3A_982, %add3A_418 : vector<100x128xf32>
    %add3A_984 = arith.addf %mul3A_978, %mul3A_983 : vector<100x128xf32>
    %get3A_985 = arith.constant 2 : index
    %get3A_986 = arith.constant 19 : index
    %get3A_987 = memref.load %arg29[%get3A_985, %get3A_986] : memref<6x32xf32, #tpu.memory_space<smem>>
    %add3A_988 = vector.broadcast %get3A_987 : f32 to vector<100x128xf32>
    %add3A_989 = arith.addf %add3A_984, %add3A_988 : vector<100x128xf32>
    %tanh3A_990 = math.tanh %add3A_989 : vector<100x128xf32>
    %get3A_991 = arith.constant 3 : index
    %get3A_992 = arith.constant 19 : index
    %get3A_993 = memref.load %arg29[%get3A_991, %get3A_992] : memref<6x32xf32, #tpu.memory_space<smem>>
    %mul3A_994 = vector.broadcast %get3A_993 : f32 to vector<100x128xf32>
    %mul3A_995 = arith.mulf %mul3A_994, %tanh3A_990 : vector<100x128xf32>
    %add3A_996 = arith.addf %add3A_967, %mul3A_995 : vector<100x128xf32>
    %get3A_997 = arith.constant 4 : index
    %get3A_998 = arith.constant 19 : index
    %get3A_999 = memref.load %arg29[%get3A_997, %get3A_998] : memref<6x32xf32, #tpu.memory_space<smem>>
    %mul3A_1000 = vector.broadcast %get3A_999 : f32 to vector<100x128xf32>
    %mul3A_1001 = arith.mulf %mul3A_1000, %tanh3A_990 : vector<100x128xf32>
    %add3A_1002 = arith.addf %add3A_973, %mul3A_1001 : vector<100x128xf32>
    %get3A_1003 = arith.constant 0 : index
    %get3A_1004 = arith.constant 20 : index
    %get3A_1005 = memref.load %arg29[%get3A_1003, %get3A_1004] : memref<6x32xf32, #tpu.memory_space<smem>>
    %mul3A_1006 = vector.broadcast %get3A_1005 : f32 to vector<100x128xf32>
    %mul3A_1007 = arith.mulf %mul3A_1006, %add3A_413 : vector<100x128xf32>
    %get3A_1008 = arith.constant 1 : index
    %get3A_1009 = arith.constant 20 : index
    %get3A_1010 = memref.load %arg29[%get3A_1008, %get3A_1009] : memref<6x32xf32, #tpu.memory_space<smem>>
    %mul3A_1011 = vector.broadcast %get3A_1010 : f32 to vector<100x128xf32>
    %mul3A_1012 = arith.mulf %mul3A_1011, %add3A_418 : vector<100x128xf32>
    %add3A_1013 = arith.addf %mul3A_1007, %mul3A_1012 : vector<100x128xf32>
    %get3A_1014 = arith.constant 2 : index
    %get3A_1015 = arith.constant 20 : index
    %get3A_1016 = memref.load %arg29[%get3A_1014, %get3A_1015] : memref<6x32xf32, #tpu.memory_space<smem>>
    %add3A_1017 = vector.broadcast %get3A_1016 : f32 to vector<100x128xf32>
    %add3A_1018 = arith.addf %add3A_1013, %add3A_1017 : vector<100x128xf32>
    %tanh3A_1019 = math.tanh %add3A_1018 : vector<100x128xf32>
    %get3A_1020 = arith.constant 3 : index
    %get3A_1021 = arith.constant 20 : index
    %get3A_1022 = memref.load %arg29[%get3A_1020, %get3A_1021] : memref<6x32xf32, #tpu.memory_space<smem>>
    %mul3A_1023 = vector.broadcast %get3A_1022 : f32 to vector<100x128xf32>
    %mul3A_1024 = arith.mulf %mul3A_1023, %tanh3A_1019 : vector<100x128xf32>
    %add3A_1025 = arith.addf %add3A_996, %mul3A_1024 : vector<100x128xf32>
    %get3A_1026 = arith.constant 4 : index
    %get3A_1027 = arith.constant 20 : index
    %get3A_1028 = memref.load %arg29[%get3A_1026, %get3A_1027] : memref<6x32xf32, #tpu.memory_space<smem>>
    %mul3A_1029 = vector.broadcast %get3A_1028 : f32 to vector<100x128xf32>
    %mul3A_1030 = arith.mulf %mul3A_1029, %tanh3A_1019 : vector<100x128xf32>
    %add3A_1031 = arith.addf %add3A_1002, %mul3A_1030 : vector<100x128xf32>
    %get3A_1032 = arith.constant 0 : index
    %get3A_1033 = arith.constant 21 : index
    %get3A_1034 = memref.load %arg29[%get3A_1032, %get3A_1033] : memref<6x32xf32, #tpu.memory_space<smem>>
    %mul3A_1035 = vector.broadcast %get3A_1034 : f32 to vector<100x128xf32>
    %mul3A_1036 = arith.mulf %mul3A_1035, %add3A_413 : vector<100x128xf32>
    %get3A_1037 = arith.constant 1 : index
    %get3A_1038 = arith.constant 21 : index
    %get3A_1039 = memref.load %arg29[%get3A_1037, %get3A_1038] : memref<6x32xf32, #tpu.memory_space<smem>>
    %mul3A_1040 = vector.broadcast %get3A_1039 : f32 to vector<100x128xf32>
    %mul3A_1041 = arith.mulf %mul3A_1040, %add3A_418 : vector<100x128xf32>
    %add3A_1042 = arith.addf %mul3A_1036, %mul3A_1041 : vector<100x128xf32>
    %get3A_1043 = arith.constant 2 : index
    %get3A_1044 = arith.constant 21 : index
    %get3A_1045 = memref.load %arg29[%get3A_1043, %get3A_1044] : memref<6x32xf32, #tpu.memory_space<smem>>
    %add3A_1046 = vector.broadcast %get3A_1045 : f32 to vector<100x128xf32>
    %add3A_1047 = arith.addf %add3A_1042, %add3A_1046 : vector<100x128xf32>
    %tanh3A_1048 = math.tanh %add3A_1047 : vector<100x128xf32>
    %get3A_1049 = arith.constant 3 : index
    %get3A_1050 = arith.constant 21 : index
    %get3A_1051 = memref.load %arg29[%get3A_1049, %get3A_1050] : memref<6x32xf32, #tpu.memory_space<smem>>
    %mul3A_1052 = vector.broadcast %get3A_1051 : f32 to vector<100x128xf32>
    %mul3A_1053 = arith.mulf %mul3A_1052, %tanh3A_1048 : vector<100x128xf32>
    %add3A_1054 = arith.addf %add3A_1025, %mul3A_1053 : vector<100x128xf32>
    %get3A_1055 = arith.constant 4 : index
    %get3A_1056 = arith.constant 21 : index
    %get3A_1057 = memref.load %arg29[%get3A_1055, %get3A_1056] : memref<6x32xf32, #tpu.memory_space<smem>>
    %mul3A_1058 = vector.broadcast %get3A_1057 : f32 to vector<100x128xf32>
    %mul3A_1059 = arith.mulf %mul3A_1058, %tanh3A_1048 : vector<100x128xf32>
    %add3A_1060 = arith.addf %add3A_1031, %mul3A_1059 : vector<100x128xf32>
    %get3A_1061 = arith.constant 0 : index
    %get3A_1062 = arith.constant 22 : index
    %get3A_1063 = memref.load %arg29[%get3A_1061, %get3A_1062] : memref<6x32xf32, #tpu.memory_space<smem>>
    %mul3A_1064 = vector.broadcast %get3A_1063 : f32 to vector<100x128xf32>
    %mul3A_1065 = arith.mulf %mul3A_1064, %add3A_413 : vector<100x128xf32>
    %get3A_1066 = arith.constant 1 : index
    %get3A_1067 = arith.constant 22 : index
    %get3A_1068 = memref.load %arg29[%get3A_1066, %get3A_1067] : memref<6x32xf32, #tpu.memory_space<smem>>
    %mul3A_1069 = vector.broadcast %get3A_1068 : f32 to vector<100x128xf32>
    %mul3A_1070 = arith.mulf %mul3A_1069, %add3A_418 : vector<100x128xf32>
    %add3A_1071 = arith.addf %mul3A_1065, %mul3A_1070 : vector<100x128xf32>
    %get3A_1072 = arith.constant 2 : index
    %get3A_1073 = arith.constant 22 : index
    %get3A_1074 = memref.load %arg29[%get3A_1072, %get3A_1073] : memref<6x32xf32, #tpu.memory_space<smem>>
    %add3A_1075 = vector.broadcast %get3A_1074 : f32 to vector<100x128xf32>
    %add3A_1076 = arith.addf %add3A_1071, %add3A_1075 : vector<100x128xf32>
    %tanh3A_1077 = math.tanh %add3A_1076 : vector<100x128xf32>
    %get3A_1078 = arith.constant 3 : index
    %get3A_1079 = arith.constant 22 : index
    %get3A_1080 = memref.load %arg29[%get3A_1078, %get3A_1079] : memref<6x32xf32, #tpu.memory_space<smem>>
    %mul3A_1081 = vector.broadcast %get3A_1080 : f32 to vector<100x128xf32>
    %mul3A_1082 = arith.mulf %mul3A_1081, %tanh3A_1077 : vector<100x128xf32>
    %add3A_1083 = arith.addf %add3A_1054, %mul3A_1082 : vector<100x128xf32>
    %get3A_1084 = arith.constant 4 : index
    %get3A_1085 = arith.constant 22 : index
    %get3A_1086 = memref.load %arg29[%get3A_1084, %get3A_1085] : memref<6x32xf32, #tpu.memory_space<smem>>
    %mul3A_1087 = vector.broadcast %get3A_1086 : f32 to vector<100x128xf32>
    %mul3A_1088 = arith.mulf %mul3A_1087, %tanh3A_1077 : vector<100x128xf32>
    %add3A_1089 = arith.addf %add3A_1060, %mul3A_1088 : vector<100x128xf32>
    %get3A_1090 = arith.constant 0 : index
    %get3A_1091 = arith.constant 23 : index
    %get3A_1092 = memref.load %arg29[%get3A_1090, %get3A_1091] : memref<6x32xf32, #tpu.memory_space<smem>>
    %mul3A_1093 = vector.broadcast %get3A_1092 : f32 to vector<100x128xf32>
    %mul3A_1094 = arith.mulf %mul3A_1093, %add3A_413 : vector<100x128xf32>
    %get3A_1095 = arith.constant 1 : index
    %get3A_1096 = arith.constant 23 : index
    %get3A_1097 = memref.load %arg29[%get3A_1095, %get3A_1096] : memref<6x32xf32, #tpu.memory_space<smem>>
    %mul3A_1098 = vector.broadcast %get3A_1097 : f32 to vector<100x128xf32>
    %mul3A_1099 = arith.mulf %mul3A_1098, %add3A_418 : vector<100x128xf32>
    %add3A_1100 = arith.addf %mul3A_1094, %mul3A_1099 : vector<100x128xf32>
    %get3A_1101 = arith.constant 2 : index
    %get3A_1102 = arith.constant 23 : index
    %get3A_1103 = memref.load %arg29[%get3A_1101, %get3A_1102] : memref<6x32xf32, #tpu.memory_space<smem>>
    %add3A_1104 = vector.broadcast %get3A_1103 : f32 to vector<100x128xf32>
    %add3A_1105 = arith.addf %add3A_1100, %add3A_1104 : vector<100x128xf32>
    %tanh3A_1106 = math.tanh %add3A_1105 : vector<100x128xf32>
    %get3A_1107 = arith.constant 3 : index
    %get3A_1108 = arith.constant 23 : index
    %get3A_1109 = memref.load %arg29[%get3A_1107, %get3A_1108] : memref<6x32xf32, #tpu.memory_space<smem>>
    %mul3A_1110 = vector.broadcast %get3A_1109 : f32 to vector<100x128xf32>
    %mul3A_1111 = arith.mulf %mul3A_1110, %tanh3A_1106 : vector<100x128xf32>
    %add3A_1112 = arith.addf %add3A_1083, %mul3A_1111 : vector<100x128xf32>
    %get3A_1113 = arith.constant 4 : index
    %get3A_1114 = arith.constant 23 : index
    %get3A_1115 = memref.load %arg29[%get3A_1113, %get3A_1114] : memref<6x32xf32, #tpu.memory_space<smem>>
    %mul3A_1116 = vector.broadcast %get3A_1115 : f32 to vector<100x128xf32>
    %mul3A_1117 = arith.mulf %mul3A_1116, %tanh3A_1106 : vector<100x128xf32>
    %add3A_1118 = arith.addf %add3A_1089, %mul3A_1117 : vector<100x128xf32>
    %get3A_1119 = arith.constant 0 : index
    %get3A_1120 = arith.constant 24 : index
    %get3A_1121 = memref.load %arg29[%get3A_1119, %get3A_1120] : memref<6x32xf32, #tpu.memory_space<smem>>
    %mul3A_1122 = vector.broadcast %get3A_1121 : f32 to vector<100x128xf32>
    %mul3A_1123 = arith.mulf %mul3A_1122, %add3A_413 : vector<100x128xf32>
    %get3A_1124 = arith.constant 1 : index
    %get3A_1125 = arith.constant 24 : index
    %get3A_1126 = memref.load %arg29[%get3A_1124, %get3A_1125] : memref<6x32xf32, #tpu.memory_space<smem>>
    %mul3A_1127 = vector.broadcast %get3A_1126 : f32 to vector<100x128xf32>
    %mul3A_1128 = arith.mulf %mul3A_1127, %add3A_418 : vector<100x128xf32>
    %add3A_1129 = arith.addf %mul3A_1123, %mul3A_1128 : vector<100x128xf32>
    %get3A_1130 = arith.constant 2 : index
    %get3A_1131 = arith.constant 24 : index
    %get3A_1132 = memref.load %arg29[%get3A_1130, %get3A_1131] : memref<6x32xf32, #tpu.memory_space<smem>>
    %add3A_1133 = vector.broadcast %get3A_1132 : f32 to vector<100x128xf32>
    %add3A_1134 = arith.addf %add3A_1129, %add3A_1133 : vector<100x128xf32>
    %tanh3A_1135 = math.tanh %add3A_1134 : vector<100x128xf32>
    %get3A_1136 = arith.constant 3 : index
    %get3A_1137 = arith.constant 24 : index
    %get3A_1138 = memref.load %arg29[%get3A_1136, %get3A_1137] : memref<6x32xf32, #tpu.memory_space<smem>>
    %mul3A_1139 = vector.broadcast %get3A_1138 : f32 to vector<100x128xf32>
    %mul3A_1140 = arith.mulf %mul3A_1139, %tanh3A_1135 : vector<100x128xf32>
    %add3A_1141 = arith.addf %add3A_1112, %mul3A_1140 : vector<100x128xf32>
    %get3A_1142 = arith.constant 4 : index
    %get3A_1143 = arith.constant 24 : index
    %get3A_1144 = memref.load %arg29[%get3A_1142, %get3A_1143] : memref<6x32xf32, #tpu.memory_space<smem>>
    %mul3A_1145 = vector.broadcast %get3A_1144 : f32 to vector<100x128xf32>
    %mul3A_1146 = arith.mulf %mul3A_1145, %tanh3A_1135 : vector<100x128xf32>
    %add3A_1147 = arith.addf %add3A_1118, %mul3A_1146 : vector<100x128xf32>
    %get3A_1148 = arith.constant 0 : index
    %get3A_1149 = arith.constant 25 : index
    %get3A_1150 = memref.load %arg29[%get3A_1148, %get3A_1149] : memref<6x32xf32, #tpu.memory_space<smem>>
    %mul3A_1151 = vector.broadcast %get3A_1150 : f32 to vector<100x128xf32>
    %mul3A_1152 = arith.mulf %mul3A_1151, %add3A_413 : vector<100x128xf32>
    %get3A_1153 = arith.constant 1 : index
    %get3A_1154 = arith.constant 25 : index
    %get3A_1155 = memref.load %arg29[%get3A_1153, %get3A_1154] : memref<6x32xf32, #tpu.memory_space<smem>>
    %mul3A_1156 = vector.broadcast %get3A_1155 : f32 to vector<100x128xf32>
    %mul3A_1157 = arith.mulf %mul3A_1156, %add3A_418 : vector<100x128xf32>
    %add3A_1158 = arith.addf %mul3A_1152, %mul3A_1157 : vector<100x128xf32>
    %get3A_1159 = arith.constant 2 : index
    %get3A_1160 = arith.constant 25 : index
    %get3A_1161 = memref.load %arg29[%get3A_1159, %get3A_1160] : memref<6x32xf32, #tpu.memory_space<smem>>
    %add3A_1162 = vector.broadcast %get3A_1161 : f32 to vector<100x128xf32>
    %add3A_1163 = arith.addf %add3A_1158, %add3A_1162 : vector<100x128xf32>
    %tanh3A_1164 = math.tanh %add3A_1163 : vector<100x128xf32>
    %get3A_1165 = arith.constant 3 : index
    %get3A_1166 = arith.constant 25 : index
    %get3A_1167 = memref.load %arg29[%get3A_1165, %get3A_1166] : memref<6x32xf32, #tpu.memory_space<smem>>
    %mul3A_1168 = vector.broadcast %get3A_1167 : f32 to vector<100x128xf32>
    %mul3A_1169 = arith.mulf %mul3A_1168, %tanh3A_1164 : vector<100x128xf32>
    %add3A_1170 = arith.addf %add3A_1141, %mul3A_1169 : vector<100x128xf32>
    %get3A_1171 = arith.constant 4 : index
    %get3A_1172 = arith.constant 25 : index
    %get3A_1173 = memref.load %arg29[%get3A_1171, %get3A_1172] : memref<6x32xf32, #tpu.memory_space<smem>>
    %mul3A_1174 = vector.broadcast %get3A_1173 : f32 to vector<100x128xf32>
    %mul3A_1175 = arith.mulf %mul3A_1174, %tanh3A_1164 : vector<100x128xf32>
    %add3A_1176 = arith.addf %add3A_1147, %mul3A_1175 : vector<100x128xf32>
    %get3A_1177 = arith.constant 0 : index
    %get3A_1178 = arith.constant 26 : index
    %get3A_1179 = memref.load %arg29[%get3A_1177, %get3A_1178] : memref<6x32xf32, #tpu.memory_space<smem>>
    %mul3A_1180 = vector.broadcast %get3A_1179 : f32 to vector<100x128xf32>
    %mul3A_1181 = arith.mulf %mul3A_1180, %add3A_413 : vector<100x128xf32>
    %get3A_1182 = arith.constant 1 : index
    %get3A_1183 = arith.constant 26 : index
    %get3A_1184 = memref.load %arg29[%get3A_1182, %get3A_1183] : memref<6x32xf32, #tpu.memory_space<smem>>
    %mul3A_1185 = vector.broadcast %get3A_1184 : f32 to vector<100x128xf32>
    %mul3A_1186 = arith.mulf %mul3A_1185, %add3A_418 : vector<100x128xf32>
    %add3A_1187 = arith.addf %mul3A_1181, %mul3A_1186 : vector<100x128xf32>
    %get3A_1188 = arith.constant 2 : index
    %get3A_1189 = arith.constant 26 : index
    %get3A_1190 = memref.load %arg29[%get3A_1188, %get3A_1189] : memref<6x32xf32, #tpu.memory_space<smem>>
    %add3A_1191 = vector.broadcast %get3A_1190 : f32 to vector<100x128xf32>
    %add3A_1192 = arith.addf %add3A_1187, %add3A_1191 : vector<100x128xf32>
    %tanh3A_1193 = math.tanh %add3A_1192 : vector<100x128xf32>
    %get3A_1194 = arith.constant 3 : index
    %get3A_1195 = arith.constant 26 : index
    %get3A_1196 = memref.load %arg29[%get3A_1194, %get3A_1195] : memref<6x32xf32, #tpu.memory_space<smem>>
    %mul3A_1197 = vector.broadcast %get3A_1196 : f32 to vector<100x128xf32>
    %mul3A_1198 = arith.mulf %mul3A_1197, %tanh3A_1193 : vector<100x128xf32>
    %add3A_1199 = arith.addf %add3A_1170, %mul3A_1198 : vector<100x128xf32>
    %get3A_1200 = arith.constant 4 : index
    %get3A_1201 = arith.constant 26 : index
    %get3A_1202 = memref.load %arg29[%get3A_1200, %get3A_1201] : memref<6x32xf32, #tpu.memory_space<smem>>
    %mul3A_1203 = vector.broadcast %get3A_1202 : f32 to vector<100x128xf32>
    %mul3A_1204 = arith.mulf %mul3A_1203, %tanh3A_1193 : vector<100x128xf32>
    %add3A_1205 = arith.addf %add3A_1176, %mul3A_1204 : vector<100x128xf32>
    %get3A_1206 = arith.constant 0 : index
    %get3A_1207 = arith.constant 27 : index
    %get3A_1208 = memref.load %arg29[%get3A_1206, %get3A_1207] : memref<6x32xf32, #tpu.memory_space<smem>>
    %mul3A_1209 = vector.broadcast %get3A_1208 : f32 to vector<100x128xf32>
    %mul3A_1210 = arith.mulf %mul3A_1209, %add3A_413 : vector<100x128xf32>
    %get3A_1211 = arith.constant 1 : index
    %get3A_1212 = arith.constant 27 : index
    %get3A_1213 = memref.load %arg29[%get3A_1211, %get3A_1212] : memref<6x32xf32, #tpu.memory_space<smem>>
    %mul3A_1214 = vector.broadcast %get3A_1213 : f32 to vector<100x128xf32>
    %mul3A_1215 = arith.mulf %mul3A_1214, %add3A_418 : vector<100x128xf32>
    %add3A_1216 = arith.addf %mul3A_1210, %mul3A_1215 : vector<100x128xf32>
    %get3A_1217 = arith.constant 2 : index
    %get3A_1218 = arith.constant 27 : index
    %get3A_1219 = memref.load %arg29[%get3A_1217, %get3A_1218] : memref<6x32xf32, #tpu.memory_space<smem>>
    %add3A_1220 = vector.broadcast %get3A_1219 : f32 to vector<100x128xf32>
    %add3A_1221 = arith.addf %add3A_1216, %add3A_1220 : vector<100x128xf32>
    %tanh3A_1222 = math.tanh %add3A_1221 : vector<100x128xf32>
    %get3A_1223 = arith.constant 3 : index
    %get3A_1224 = arith.constant 27 : index
    %get3A_1225 = memref.load %arg29[%get3A_1223, %get3A_1224] : memref<6x32xf32, #tpu.memory_space<smem>>
    %mul3A_1226 = vector.broadcast %get3A_1225 : f32 to vector<100x128xf32>
    %mul3A_1227 = arith.mulf %mul3A_1226, %tanh3A_1222 : vector<100x128xf32>
    %add3A_1228 = arith.addf %add3A_1199, %mul3A_1227 : vector<100x128xf32>
    %get3A_1229 = arith.constant 4 : index
    %get3A_1230 = arith.constant 27 : index
    %get3A_1231 = memref.load %arg29[%get3A_1229, %get3A_1230] : memref<6x32xf32, #tpu.memory_space<smem>>
    %mul3A_1232 = vector.broadcast %get3A_1231 : f32 to vector<100x128xf32>
    %mul3A_1233 = arith.mulf %mul3A_1232, %tanh3A_1222 : vector<100x128xf32>
    %add3A_1234 = arith.addf %add3A_1205, %mul3A_1233 : vector<100x128xf32>
    %get3A_1235 = arith.constant 0 : index
    %get3A_1236 = arith.constant 28 : index
    %get3A_1237 = memref.load %arg29[%get3A_1235, %get3A_1236] : memref<6x32xf32, #tpu.memory_space<smem>>
    %mul3A_1238 = vector.broadcast %get3A_1237 : f32 to vector<100x128xf32>
    %mul3A_1239 = arith.mulf %mul3A_1238, %add3A_413 : vector<100x128xf32>
    %get3A_1240 = arith.constant 1 : index
    %get3A_1241 = arith.constant 28 : index
    %get3A_1242 = memref.load %arg29[%get3A_1240, %get3A_1241] : memref<6x32xf32, #tpu.memory_space<smem>>
    %mul3A_1243 = vector.broadcast %get3A_1242 : f32 to vector<100x128xf32>
    %mul3A_1244 = arith.mulf %mul3A_1243, %add3A_418 : vector<100x128xf32>
    %add3A_1245 = arith.addf %mul3A_1239, %mul3A_1244 : vector<100x128xf32>
    %get3A_1246 = arith.constant 2 : index
    %get3A_1247 = arith.constant 28 : index
    %get3A_1248 = memref.load %arg29[%get3A_1246, %get3A_1247] : memref<6x32xf32, #tpu.memory_space<smem>>
    %add3A_1249 = vector.broadcast %get3A_1248 : f32 to vector<100x128xf32>
    %add3A_1250 = arith.addf %add3A_1245, %add3A_1249 : vector<100x128xf32>
    %tanh3A_1251 = math.tanh %add3A_1250 : vector<100x128xf32>
    %get3A_1252 = arith.constant 3 : index
    %get3A_1253 = arith.constant 28 : index
    %get3A_1254 = memref.load %arg29[%get3A_1252, %get3A_1253] : memref<6x32xf32, #tpu.memory_space<smem>>
    %mul3A_1255 = vector.broadcast %get3A_1254 : f32 to vector<100x128xf32>
    %mul3A_1256 = arith.mulf %mul3A_1255, %tanh3A_1251 : vector<100x128xf32>
    %add3A_1257 = arith.addf %add3A_1228, %mul3A_1256 : vector<100x128xf32>
    %get3A_1258 = arith.constant 4 : index
    %get3A_1259 = arith.constant 28 : index
    %get3A_1260 = memref.load %arg29[%get3A_1258, %get3A_1259] : memref<6x32xf32, #tpu.memory_space<smem>>
    %mul3A_1261 = vector.broadcast %get3A_1260 : f32 to vector<100x128xf32>
    %mul3A_1262 = arith.mulf %mul3A_1261, %tanh3A_1251 : vector<100x128xf32>
    %add3A_1263 = arith.addf %add3A_1234, %mul3A_1262 : vector<100x128xf32>
    %get3A_1264 = arith.constant 0 : index
    %get3A_1265 = arith.constant 29 : index
    %get3A_1266 = memref.load %arg29[%get3A_1264, %get3A_1265] : memref<6x32xf32, #tpu.memory_space<smem>>
    %mul3A_1267 = vector.broadcast %get3A_1266 : f32 to vector<100x128xf32>
    %mul3A_1268 = arith.mulf %mul3A_1267, %add3A_413 : vector<100x128xf32>
    %get3A_1269 = arith.constant 1 : index
    %get3A_1270 = arith.constant 29 : index
    %get3A_1271 = memref.load %arg29[%get3A_1269, %get3A_1270] : memref<6x32xf32, #tpu.memory_space<smem>>
    %mul3A_1272 = vector.broadcast %get3A_1271 : f32 to vector<100x128xf32>
    %mul3A_1273 = arith.mulf %mul3A_1272, %add3A_418 : vector<100x128xf32>
    %add3A_1274 = arith.addf %mul3A_1268, %mul3A_1273 : vector<100x128xf32>
    %get3A_1275 = arith.constant 2 : index
    %get3A_1276 = arith.constant 29 : index
    %get3A_1277 = memref.load %arg29[%get3A_1275, %get3A_1276] : memref<6x32xf32, #tpu.memory_space<smem>>
    %add3A_1278 = vector.broadcast %get3A_1277 : f32 to vector<100x128xf32>
    %add3A_1279 = arith.addf %add3A_1274, %add3A_1278 : vector<100x128xf32>
    %tanh3A_1280 = math.tanh %add3A_1279 : vector<100x128xf32>
    %get3A_1281 = arith.constant 3 : index
    %get3A_1282 = arith.constant 29 : index
    %get3A_1283 = memref.load %arg29[%get3A_1281, %get3A_1282] : memref<6x32xf32, #tpu.memory_space<smem>>
    %mul3A_1284 = vector.broadcast %get3A_1283 : f32 to vector<100x128xf32>
    %mul3A_1285 = arith.mulf %mul3A_1284, %tanh3A_1280 : vector<100x128xf32>
    %add3A_1286 = arith.addf %add3A_1257, %mul3A_1285 : vector<100x128xf32>
    %get3A_1287 = arith.constant 4 : index
    %get3A_1288 = arith.constant 29 : index
    %get3A_1289 = memref.load %arg29[%get3A_1287, %get3A_1288] : memref<6x32xf32, #tpu.memory_space<smem>>
    %mul3A_1290 = vector.broadcast %get3A_1289 : f32 to vector<100x128xf32>
    %mul3A_1291 = arith.mulf %mul3A_1290, %tanh3A_1280 : vector<100x128xf32>
    %add3A_1292 = arith.addf %add3A_1263, %mul3A_1291 : vector<100x128xf32>
    %get3A_1293 = arith.constant 0 : index
    %get3A_1294 = arith.constant 30 : index
    %get3A_1295 = memref.load %arg29[%get3A_1293, %get3A_1294] : memref<6x32xf32, #tpu.memory_space<smem>>
    %mul3A_1296 = vector.broadcast %get3A_1295 : f32 to vector<100x128xf32>
    %mul3A_1297 = arith.mulf %mul3A_1296, %add3A_413 : vector<100x128xf32>
    %get3A_1298 = arith.constant 1 : index
    %get3A_1299 = arith.constant 30 : index
    %get3A_1300 = memref.load %arg29[%get3A_1298, %get3A_1299] : memref<6x32xf32, #tpu.memory_space<smem>>
    %mul3A_1301 = vector.broadcast %get3A_1300 : f32 to vector<100x128xf32>
    %mul3A_1302 = arith.mulf %mul3A_1301, %add3A_418 : vector<100x128xf32>
    %add3A_1303 = arith.addf %mul3A_1297, %mul3A_1302 : vector<100x128xf32>
    %get3A_1304 = arith.constant 2 : index
    %get3A_1305 = arith.constant 30 : index
    %get3A_1306 = memref.load %arg29[%get3A_1304, %get3A_1305] : memref<6x32xf32, #tpu.memory_space<smem>>
    %add3A_1307 = vector.broadcast %get3A_1306 : f32 to vector<100x128xf32>
    %add3A_1308 = arith.addf %add3A_1303, %add3A_1307 : vector<100x128xf32>
    %tanh3A_1309 = math.tanh %add3A_1308 : vector<100x128xf32>
    %get3A_1310 = arith.constant 3 : index
    %get3A_1311 = arith.constant 30 : index
    %get3A_1312 = memref.load %arg29[%get3A_1310, %get3A_1311] : memref<6x32xf32, #tpu.memory_space<smem>>
    %mul3A_1313 = vector.broadcast %get3A_1312 : f32 to vector<100x128xf32>
    %mul3A_1314 = arith.mulf %mul3A_1313, %tanh3A_1309 : vector<100x128xf32>
    %add3A_1315 = arith.addf %add3A_1286, %mul3A_1314 : vector<100x128xf32>
    %get3A_1316 = arith.constant 4 : index
    %get3A_1317 = arith.constant 30 : index
    %get3A_1318 = memref.load %arg29[%get3A_1316, %get3A_1317] : memref<6x32xf32, #tpu.memory_space<smem>>
    %mul3A_1319 = vector.broadcast %get3A_1318 : f32 to vector<100x128xf32>
    %mul3A_1320 = arith.mulf %mul3A_1319, %tanh3A_1309 : vector<100x128xf32>
    %add3A_1321 = arith.addf %add3A_1292, %mul3A_1320 : vector<100x128xf32>
    %get3A_1322 = arith.constant 0 : index
    %get3A_1323 = arith.constant 31 : index
    %get3A_1324 = memref.load %arg29[%get3A_1322, %get3A_1323] : memref<6x32xf32, #tpu.memory_space<smem>>
    %mul3A_1325 = vector.broadcast %get3A_1324 : f32 to vector<100x128xf32>
    %mul3A_1326 = arith.mulf %mul3A_1325, %add3A_413 : vector<100x128xf32>
    %get3A_1327 = arith.constant 1 : index
    %get3A_1328 = arith.constant 31 : index
    %get3A_1329 = memref.load %arg29[%get3A_1327, %get3A_1328] : memref<6x32xf32, #tpu.memory_space<smem>>
    %mul3A_1330 = vector.broadcast %get3A_1329 : f32 to vector<100x128xf32>
    %mul3A_1331 = arith.mulf %mul3A_1330, %add3A_418 : vector<100x128xf32>
    %add3A_1332 = arith.addf %mul3A_1326, %mul3A_1331 : vector<100x128xf32>
    %get3A_1333 = arith.constant 2 : index
    %get3A_1334 = arith.constant 31 : index
    %get3A_1335 = memref.load %arg29[%get3A_1333, %get3A_1334] : memref<6x32xf32, #tpu.memory_space<smem>>
    %add3A_1336 = vector.broadcast %get3A_1335 : f32 to vector<100x128xf32>
    %add3A_1337 = arith.addf %add3A_1332, %add3A_1336 : vector<100x128xf32>
    %tanh3A_1338 = math.tanh %add3A_1337 : vector<100x128xf32>
    %get3A_1339 = arith.constant 3 : index
    %get3A_1340 = arith.constant 31 : index
    %get3A_1341 = memref.load %arg29[%get3A_1339, %get3A_1340] : memref<6x32xf32, #tpu.memory_space<smem>>
    %mul3A_1342 = vector.broadcast %get3A_1341 : f32 to vector<100x128xf32>
    %mul3A_1343 = arith.mulf %mul3A_1342, %tanh3A_1338 : vector<100x128xf32>
    %add3A_1344 = arith.addf %add3A_1315, %mul3A_1343 : vector<100x128xf32>
    %get3A_1345 = arith.constant 4 : index
    %get3A_1346 = arith.constant 31 : index
    %get3A_1347 = memref.load %arg29[%get3A_1345, %get3A_1346] : memref<6x32xf32, #tpu.memory_space<smem>>
    %mul3A_1348 = vector.broadcast %get3A_1347 : f32 to vector<100x128xf32>
    %mul3A_1349 = arith.mulf %mul3A_1348, %tanh3A_1338 : vector<100x128xf32>
    %add3A_1350 = arith.addf %add3A_1321, %mul3A_1349 : vector<100x128xf32>
    %get3A_1351 = arith.constant 5 : index
    %get3A_1352 = arith.constant 0 : index
    %get3A_1353 = memref.load %arg29[%get3A_1351, %get3A_1352] : memref<6x32xf32, #tpu.memory_space<smem>>
    %add3A_1354 = vector.broadcast %get3A_1353 : f32 to vector<100x128xf32>
    %add3A_1355 = arith.addf %add3A_1344, %add3A_1354 : vector<100x128xf32>
    %get3A_1356 = arith.constant 5 : index
    %get3A_1357 = arith.constant 1 : index
    %get3A_1358 = memref.load %arg29[%get3A_1356, %get3A_1357] : memref<6x32xf32, #tpu.memory_space<smem>>
    %add3A_1359 = vector.broadcast %get3A_1358 : f32 to vector<100x128xf32>
    %add3A_1360 = arith.addf %add3A_1350, %add3A_1359 : vector<100x128xf32>
    %get3A_1361 = arith.constant 5 : index
    %get3A_1362 = arith.constant 4 : index
    %get3A_1363 = memref.load %arg29[%get3A_1361, %get3A_1362] : memref<6x32xf32, #tpu.memory_space<smem>>
    %get3A_1364 = arith.constant 5 : index
    %get3A_1365 = arith.constant 3 : index
    %get3A_1366 = memref.load %arg29[%get3A_1364, %get3A_1365] : memref<6x32xf32, #tpu.memory_space<smem>>
    %get3A_1367 = arith.constant 5 : index
    %get3A_1368 = arith.constant 5 : index
    %get3A_1369 = memref.load %arg29[%get3A_1367, %get3A_1368] : memref<6x32xf32, #tpu.memory_space<smem>>
    %sub3A_1370 = arith.subf %get3A_8, %add3A_1355 : vector<100x128xf32>
    %neg3A = arith.constant 0.000000e+00 : f32
    %neg3A_1371 = vector.broadcast %neg3A : f32 to vector<100x128xf32>
    %neg3A_1372 = arith.subf %neg3A_1371, %add3A_1360 : vector<100x128xf32>
    %exp3A_1373 = math.exp %neg3A_1372 : vector<100x128xf32>
    %mul3A_1374 = arith.mulf %sub3A_1370, %exp3A_1373 : vector<100x128xf32>
    %mul3A_1375 = vector.broadcast %get3A_1363 : f32 to vector<100x128xf32>
    %mul3A_1376 = arith.mulf %mul3A_1375, %mul3A_1374 : vector<100x128xf32>
    %add3A_1377 = vector.broadcast %get3A_1366 : f32 to vector<100x128xf32>
    %add3A_1378 = arith.addf %mul3A_1376, %add3A_1377 : vector<100x128xf32>
    %mul3A_1379 = arith.constant -5.000000e-01 : f32
    %mul3A_1380 = vector.broadcast %mul3A_1379 : f32 to vector<100x128xf32>
    %mul3A_1381 = arith.mulf %mul3A_1380, %add3A_1378 : vector<100x128xf32>
    %mul3A_1382 = arith.mulf %mul3A_1381, %add3A_1378 : vector<100x128xf32>
    %sub3A_1383 = arith.subf %mul3A_1382, %add3A_1360 : vector<100x128xf32>
    %add3A_1384 = vector.broadcast %get3A_1369 : f32 to vector<100x128xf32>
    %add3A_1385 = arith.addf %sub3A_1383, %add3A_1384 : vector<100x128xf32>
    %reduce_sum3A_1386 = arith.constant dense<0.000000e+00> : vector<128xf32>
    %reduce_sum3A_1387 = vector.multi_reduction <add>, %add3A_1385, %reduce_sum3A_1386 [0] : vector<100x128xf32> to vector<128xf32>
    %broadcast_in_dim3A_1388 = vector.shape_cast %reduce_sum3A_1387 : vector<128xf32> to vector<1x128xf32>
    %div3A_1389 = arith.constant 1.000000e+02 : f32
    %div3A_1390 = vector.broadcast %div3A_1389 : f32 to vector<1x128xf32>
    %div3A_1391 = arith.divf %broadcast_in_dim3A_1388, %div3A_1390 : vector<1x128xf32>
    %swap3A_1392 = arith.constant 0 : index
    %swap3A_1393 = arith.constant 0 : index
    %swap3A_1394 = arith.constant 0 : index
    %swap3A_1395 = vector.load %arg30[%swap3A_1392, %swap3A_1393, %swap3A_1394] : memref<1x1x128xf32, #tpu.memory_space<vmem>>, vector<1x1x128xf32>
    %swap3A_1396 = vector.shape_cast %swap3A_1395 : vector<1x1x128xf32> to vector<1x128xf32>
    %swap3A_1397 = vector.shape_cast %div3A_1391 : vector<1x128xf32> to vector<1x1x128xf32>
    tpu.vector_store %arg30[%swap3A_1392, %swap3A_1393, %swap3A_1394], %swap3A_1397 {strides = array<i32>} : memref<1x1x128xf32, #tpu.memory_space<vmem>>, vector<1x1x128xf32>,
    return
  }
  func.func @transform_0(%arg0: i32) -> (i32, i32, i32) {
    %c0_i32 = arith.constant 0 : i32
    %c0_i32_0 = arith.constant 0 : i32
    %c0_i32_1 = arith.constant 0 : i32
    return %arg0, %c0_i32, %c0_i32_0 : i32, i32, i32
  }
  func.func @transform_1(%arg0: i32) -> (i32, i32, i32) {
    %c0_i32 = arith.constant 0 : i32
    %c0_i32_0 = arith.constant 0 : i32
    %c0_i32_1 = arith.constant 0 : i32
    return %arg0, %c0_i32, %c0_i32_0 : i32, i32, i32
  }
  func.func @transform_2(%arg0: i32) -> (i32, i32) {
    %c0_i32 = arith.constant 0 : i32
    %c0_i32_0 = arith.constant 0 : i32
    %c0_i32_1 = arith.constant 0 : i32
    return %c0_i32, %c0_i32_0 : i32, i32
  }
  func.func @transform_3(%arg0: i32) -> (i32, i32) {
    %c0_i32 = arith.constant 0 : i32
    %c0_i32_0 = arith.constant 0 : i32
    %c0_i32_1 = arith.constant 0 : i32
    return %c0_i32, %c0_i32_0 : i32, i32
  }
  func.func @transform_4(%arg0: i32) -> (i32, i32) {
    %c0_i32 = arith.constant 0 : i32
    %c0_i32_0 = arith.constant 0 : i32
    %c0_i32_1 = arith.constant 0 : i32
    return %c0_i32, %c0_i32_0 : i32, i32
  }
  func.func @transform_5(%arg0: i32) -> (i32, i32) {
    %c0_i32 = arith.constant 0 : i32
    %c0_i32_0 = arith.constant 0 : i32
    %c0_i32_1 = arith.constant 0 : i32
    return %c0_i32, %c0_i32_0 : i32, i32
  }
  func.func @transform_6(%arg0: i32) -> (i32, i32) {
    %c0_i32 = arith.constant 0 : i32
    %c0_i32_0 = arith.constant 0 : i32
    %c0_i32_1 = arith.constant 0 : i32
    return %c0_i32, %c0_i32_0 : i32, i32
  }
  func.func @transform_7(%arg0: i32) -> (i32, i32) {
    %c0_i32 = arith.constant 0 : i32
    %c0_i32_0 = arith.constant 0 : i32
    %c0_i32_1 = arith.constant 0 : i32
    return %c0_i32, %c0_i32_0 : i32, i32
  }
  func.func @transform_8(%arg0: i32) -> (i32, i32) {
    %c0_i32 = arith.constant 0 : i32
    %c0_i32_0 = arith.constant 0 : i32
    %c0_i32_1 = arith.constant 0 : i32
    return %c0_i32, %c0_i32_0 : i32, i32
  }
  func.func @transform_9(%arg0: i32) -> (i32, i32) {
    %c0_i32 = arith.constant 0 : i32
    %c0_i32_0 = arith.constant 0 : i32
    %c0_i32_1 = arith.constant 0 : i32
    return %c0_i32, %c0_i32_0 : i32, i32
  }
  func.func @transform_10(%arg0: i32) -> (i32, i32) {
    %c0_i32 = arith.constant 0 : i32
    %c0_i32_0 = arith.constant 0 : i32
    %c0_i32_1 = arith.constant 0 : i32
    return %c0_i32, %c0_i32_0 : i32, i32
  }
  func.func @transform_11(%arg0: i32) -> (i32, i32) {
    %c0_i32 = arith.constant 0 : i32
    %c0_i32_0 = arith.constant 0 : i32
    %c0_i32_1 = arith.constant 0 : i32
    return %c0_i32, %c0_i32_0 : i32, i32
  }
  func.func @transform_12(%arg0: i32) -> (i32, i32) {
    %c0_i32 = arith.constant 0 : i32
    %c0_i32_0 = arith.constant 0 : i32
    %c0_i32_1 = arith.constant 0 : i32
    return %c0_i32, %c0_i32_0 : i32, i32
  }
  func.func @transform_13(%arg0: i32) -> (i32, i32) {
    %c0_i32 = arith.constant 0 : i32
    %c0_i32_0 = arith.constant 0 : i32
    %c0_i32_1 = arith.constant 0 : i32
    return %c0_i32, %c0_i32_0 : i32, i32
  }
  func.func @transform_14(%arg0: i32) -> (i32, i32) {
    %c0_i32 = arith.constant 0 : i32
    %c0_i32_0 = arith.constant 0 : i32
    %c0_i32_1 = arith.constant 0 : i32
    return %c0_i32, %c0_i32_0 : i32, i32
  }
  func.func @transform_15(%arg0: i32) -> (i32, i32) {
    %c0_i32 = arith.constant 0 : i32
    %c0_i32_0 = arith.constant 0 : i32
    %c0_i32_1 = arith.constant 0 : i32
    return %c0_i32, %c0_i32_0 : i32, i32
  }
  func.func @transform_16(%arg0: i32) -> (i32, i32) {
    %c0_i32 = arith.constant 0 : i32
    %c0_i32_0 = arith.constant 0 : i32
    %c0_i32_1 = arith.constant 0 : i32
    return %c0_i32, %c0_i32_0 : i32, i32
  }
  func.func @transform_17(%arg0: i32) -> (i32, i32) {
    %c0_i32 = arith.constant 0 : i32
    %c0_i32_0 = arith.constant 0 : i32
    %c0_i32_1 = arith.constant 0 : i32
    return %c0_i32, %c0_i32_0 : i32, i32
  }
  func.func @transform_18(%arg0: i32) -> (i32, i32) {
    %c0_i32 = arith.constant 0 : i32
    %c0_i32_0 = arith.constant 0 : i32
    %c0_i32_1 = arith.constant 0 : i32
    return %c0_i32, %c0_i32_0 : i32, i32
  }
  func.func @transform_19(%arg0: i32) -> (i32, i32) {
    %c0_i32 = arith.constant 0 : i32
    %c0_i32_0 = arith.constant 0 : i32
    %c0_i32_1 = arith.constant 0 : i32
    return %c0_i32, %c0_i32_0 : i32, i32
  }
  func.func @transform_20(%arg0: i32) -> (i32, i32) {
    %c0_i32 = arith.constant 0 : i32
    %c0_i32_0 = arith.constant 0 : i32
    %c0_i32_1 = arith.constant 0 : i32
    return %c0_i32, %c0_i32_0 : i32, i32
  }
  func.func @transform_21(%arg0: i32) -> (i32, i32) {
    %c0_i32 = arith.constant 0 : i32
    %c0_i32_0 = arith.constant 0 : i32
    %c0_i32_1 = arith.constant 0 : i32
    return %c0_i32, %c0_i32_0 : i32, i32
  }
  func.func @transform_22(%arg0: i32) -> (i32, i32) {
    %c0_i32 = arith.constant 0 : i32
    %c0_i32_0 = arith.constant 0 : i32
    %c0_i32_1 = arith.constant 0 : i32
    return %c0_i32, %c0_i32_0 : i32, i32
  }
  func.func @transform_23(%arg0: i32) -> (i32, i32) {
    %c0_i32 = arith.constant 0 : i32
    %c0_i32_0 = arith.constant 0 : i32
    %c0_i32_1 = arith.constant 0 : i32
    return %c0_i32, %c0_i32_0 : i32, i32
  }
  func.func @transform_24(%arg0: i32) -> (i32, i32) {
    %c0_i32 = arith.constant 0 : i32
    %c0_i32_0 = arith.constant 0 : i32
    %c0_i32_1 = arith.constant 0 : i32
    return %c0_i32, %c0_i32_0 : i32, i32
  }
  func.func @transform_25(%arg0: i32) -> (i32, i32) {
    %c0_i32 = arith.constant 0 : i32
    %c0_i32_0 = arith.constant 0 : i32
    %c0_i32_1 = arith.constant 0 : i32
    return %c0_i32, %c0_i32_0 : i32, i32
  }
  func.func @transform_26(%arg0: i32) -> (i32, i32) {
    %c0_i32 = arith.constant 0 : i32
    %c0_i32_0 = arith.constant 0 : i32
    %c0_i32_1 = arith.constant 0 : i32
    return %c0_i32, %c0_i32_0 : i32, i32
  }
  func.func @transform_27(%arg0: i32) -> (i32, i32) {
    %c0_i32 = arith.constant 0 : i32
    %c0_i32_0 = arith.constant 0 : i32
    %c0_i32_1 = arith.constant 0 : i32
    return %c0_i32, %c0_i32_0 : i32, i32
  }
  func.func @transform_28(%arg0: i32) -> (i32, i32) {
    %c0_i32 = arith.constant 0 : i32
    %c0_i32_0 = arith.constant 0 : i32
    %c0_i32_1 = arith.constant 0 : i32
    return %c0_i32, %c0_i32_0 : i32, i32
  }
  func.func @transform_29(%arg0: i32) -> (i32, i32, i32) {
    %c0_i32 = arith.constant 0 : i32
    %c0_i32_0 = arith.constant 0 : i32
    %c0_i32_1 = arith.constant 0 : i32
    return %arg0, %c0_i32, %c0_i32_0 : i32, i32, i32
  }
  func.func @transform_30(%arg0: i32) -> (i32, i32, i32) {
    %c0_i32 = arith.constant 0 : i32
    %c0_i32_0 = arith.constant 0 : i32
    %c0_i32_1 = arith.constant 0 : i32
    return %arg0, %c0_i32, %c0_i32_0 : i32, i32, i32
  }
}

</mosaic_0001>

<sc_bundles>
// kernel: kernel.5.cloned.1.call-start
scs
__scs_entry_jumppad:
0x0: {  	(pc) =	sbr.rel $0x88, $3  }
0x1: {  	(tag) =	ssettag $0x0;
	lr =	simm.s32 $0x1  }
0x2: {  	[smem:$0x3F86] =	sst lr;
	_ =	strace $0xD0000000  }
0x3: {  	_ = 	snop  }
0x4: {  	_ = 	snop  }
0x5: {  	_ = 	snop  }
0x6: {  	_ = 	snop  }
0x7: {  	_ = 	snop  }
__scs_overlays_trampoline_lowered:
0x8: {  	[smem:$0x3F95] =	sst s0  }
0x9: {  	[smem:$0x3F96] =	sst s1  }
0xa: {  	[smem:$0x3F97] =	sst s2  }
0xb: {  	[smem:$0x3F98] =	sst s3  }
0xc: {  	[smem:$0x3F99] =	sst s4  }
0xd: {  	[smem:$0x3F9A] =	sst s5  }
0xe: {  	[smem:$0x3F9B] =	sst s6  }
0xf: {  	[smem:$0x3F9C] =	sst s7  }
0x10: {  	[smem:$0x3F9D] =	sst s8  }
0x11: {  	[smem:$0x3F9E] =	sst s9;
	s0 =	simm.s32 @!p0 $0x0  }
0x12: {  	s1 =	sld [smem:$0x3F84];
	s0 =	simm.s32 @p0 $0x1  }
0x13: {  	[smem:$0x3F9F] =	sst s0;
	s0 =	simm.s32 @!p1 $0x0  }
0x14: {  	s2 =	sld [smem:$0x3F83];
	s0 =	simm.s32 @p1 $0x1  }
0x15: {  	[smem:$0x3FA0] =	sst s0;
	s0 =	simm.s32 @!p2 $0x0  }
0x16: {  	s3 =	sld [smem:$0x3FDB];
	s0 =	simm.s32 @p2 $0x1  }
0x17: {  	s4 =	simm.s32 $0x1BF5;
	[smem:$0x3FA2] =	sst s0  }
0x18: {  	s0 =	sld [smem:$0x3F85];
	_ =	swait.ge [sflag:s4], $0x0  }
0x19: {  	s7 =	sld [smem:$0x3F86]  }
0x1a: {  	s8 =	sadd.s32 $0xFFFFE003, lr  }
0x1b: {  	s9 =	sadd.s32 $0xFFFFFEF7, lr;
	s5 =	simm.s32 $0xFFFFFFFF;
	p2 =	slt.u32 s8, $0xFFFFF086  }
0x1c: {  	p1 =	slt.u32 s9, $0xF7A;
	s5 =	simm.s32 @!p2 $0x0  }
0x1d: {  	s5 =	simm.s32 @p1 $0x1;
	p0 =	seq.s32 s7, s2  }
0x1e: {  	s7 =	smul.u32 @!p0 $0xF7A, s2;
	p2 =	seq.s32 @!p0 s5, $0x0  }
0x1f: {  	s9 =	smul.u32 $0xF7A, s1;
	s8 =	simm.s32 @!p0 $0x1BF5;
	p2 =	por !p2, p0  }
0x20: {  	[sflag:s8] =	ssyncset.s32 @!p0 $0xFFFFF086;
	s6 =	sadd.s32 @!p0 s3, s7;
	s7 =	simm.s32 @!p0 $0x108  }
0x21: {  	s3 =	sadd.s32 s3, s9;
	s6 =	sadd.s32 @!p0 $0x88, s6;
	s7 =	simm.s32 @p2 $0x1082  }
0x22: {  	[simem:s7], [sflag:s8] =	dma.local @!p0 [hbm:s6], $0xF7A  }
0x23: {  	s9 =	sor.u32 $0xD0000000, s2;
	s6 =	simm.s32 $0x108;
	_ =	swait.ge @!p0 [sflag:s8], $0x0  }
0x24: {  	s3 =	sadd.s32 $0x88, s3;
	s6 =	simm.s32 @!p1 $0x1082;
	[sflag:s4] =	ssyncset.s32 $0xFFFFF086  }
0x25: {  	[simem:s6], [sflag:s4] =	dma.local [hbm:s3], $0xF7A  }
0x26: {  	[smem:$0x3F86] =	sst s1;
	(tag) =	ssettag s2;
	_ =	strace s9  }
0x27: {  	s1 =	sld [smem:$0x3F96]  }
0x28: {  	s2 =	sld [smem:$0x3F97]  }
0x29: {  	s4 =	sld [smem:$0x3F99]  }
0x2a: {  	p0 =	seq.s32 s5, $0x0;
	s5 =	sld [smem:$0x3F9A]  }
0x2b: {  	s6 =	sld [smem:$0x3F9B]  }
0x2c: {  	s7 =	sld [smem:$0x3F9C]  }
0x2d: {  	s3 =	simm.s32 $0x108;
	s8 =	sld [smem:$0x3F9D]  }
0x2e: {  	s3 =	simm.s32 @!p0 $0x1082;
	s9 =	sld [smem:$0x3F9E]  }
0x2f: {  	lr =	sadd.s32 s0, s3;
	s0 =	sld [smem:$0x3F95]  }
0x30: {  	s3 =	sld [smem:$0x3F98]  }
0x31: {  	[smem:$0x3FA1] =	sst s10  }
0x32: {  	s10 =	sld [smem:$0x3F9F];
	_ =	sdelay $0x3  }
0x33: {  	p0 =	seq.s32 s10, $0x1;
	s10 =	sld [smem:$0x3FA1];
	_ =	sdelay $0x3  }
0x34: {  	[smem:$0x3FA1] =	sst s10  }
0x35: {  	s10 =	sld [smem:$0x3FA0];
	_ =	sdelay $0x3  }
0x36: {  	p1 =	seq.s32 s10, $0x1;
	s10 =	sld [smem:$0x3FA1];
	_ =	sdelay $0x3  }
0x37: {  	[smem:$0x3FA1] =	sst s10  }
0x38: {  	s10 =	sld [smem:$0x3FA2]  }
0x39: {  	_ = 	snop;
	(pc) =	sbr.ind lr, $3  }
0x3a: {  	_ = 	snop  }
0x3b: {  	_ = 	snop  }
0x3c: {  	p2 =	seq.s32 s10, $0x1;
	s10 =	sld [smem:$0x3FA1]  }
0x3d: {  	_ =	shalt  }
0x3e: {  	_ =	shalt  }
0x3f: {  	_ =	shalt  }
0x40: {  	_ =	shalt  }
0x41: {  	_ =	shalt  }
0x42: {  	_ =	shalt  }
0x43: {  	_ =	shalt  }
0x44: {  	_ =	shalt  }
0x45: {  	_ =	shalt  }
0x46: {  	_ =	shalt  }
0x47: {  	_ =	shalt  }
0x48: {  	_ =	shalt  }
0x49: {  	_ =	shalt  }
0x4a: {  	_ =	shalt  }
0x4b: {  	_ =	shalt  }
0x4c: {  	_ =	shalt  }
0x4d: {  	_ =	shalt  }
0x4e: {  	_ =	shalt  }
0x4f: {  	_ =	shalt  }
0x50: {  	_ =	shalt  }
0x51: {  	_ =	shalt  }
0x52: {  	_ =	shalt  }
0x53: {  	_ =	shalt  }
0x54: {  	_ =	shalt  }
0x55: {  	_ =	shalt  }
0x56: {  	_ =	shalt  }
0x57: {  	_ =	shalt  }
0x58: {  	_ =	shalt  }
0x59: {  	_ =	shalt  }
0x5a: {  	_ =	shalt  }
0x5b: {  	_ =	shalt  }
0x5c: {  	_ =	shalt  }
0x5d: {  	_ =	shalt  }
0x5e: {  	_ =	shalt  }
0x5f: {  	_ =	shalt  }
0x60: {  	_ =	shalt  }
0x61: {  	_ =	shalt  }
0x62: {  	_ =	shalt  }
0x63: {  	_ =	shalt  }
0x64: {  	_ =	shalt  }
0x65: {  	_ =	shalt  }
0x66: {  	_ =	shalt  }
0x67: {  	_ =	shalt  }
0x68: {  	_ =	shalt  }
0x69: {  	_ =	shalt  }
0x6a: {  	_ =	shalt  }
0x6b: {  	_ =	shalt  }
0x6c: {  	_ =	shalt  }
0x6d: {  	_ =	shalt  }
0x6e: {  	_ =	shalt  }
0x6f: {  	_ =	shalt  }
0x70: {  	_ =	shalt  }
0x71: {  	_ =	shalt  }
0x72: {  	_ =	shalt  }
0x73: {  	_ =	shalt  }
0x74: {  	_ =	shalt  }
0x75: {  	_ =	shalt  }
0x76: {  	_ =	shalt  }
0x77: {  	_ =	shalt  }
0x78: {  	_ =	shalt  }
0x79: {  	_ =	shalt  }
0x7a: {  	_ =	shalt  }
0x7b: {  	_ =	shalt  }
0x7c: {  	_ =	shalt  }
0x7d: {  	_ =	shalt  }
0x7e: {  	_ =	shalt  }
0x7f: {  	_ =	shalt  }
0x80: {  	_ =	shalt  }
0x81: {  	_ =	shalt  }
0x82: {  	_ =	shalt  }
0x83: {  	_ =	shalt  }
0x84: {  	_ =	shalt  }
0x85: {  	_ =	shalt  }
0x86: {  	_ =	shalt  }
0x87: {  	_ =	shalt  }
.Lfunc_end0:
.L_simem_size_0:
called_computation_lowered:
.L_overlay_start_0:
0x88: {  	s2 =	sld [smem:$0x3FD9]  }
0x89: {  	s3 =	sld [smem:$0x3FFE];
	_ =	sdelay $0x1  }
0x8a: {  	s1 =	srdreg.scid  }
0x8b: {  	s0 =	sand.u32 $0x1, s1  }
0x8c: {  	s14 =	sshll.u32 s0, $0xA;
	s2 =	sadd.s32 s3, s2  }
0x8d: {  	s2 =	sadd.s32 s2, s14  }
0x8e: {  	[smem:$0x3FAD] =	sst s2  }
0x8f: {  	_ = 	snop  }
0x90: {  	s2 =	sld [smem:$0x3FD0];
	_ =	sdelay $0x2  }
0x91: {  	s15 =	simm.s32 $0xA;
	s4 =	simm.s32 $0x10  }
0x92: {  	[smem:s4], [sflag:s15] =	dma.local [hbm:s2], $0x1  }
0x93: {  	_ =	swait.eq [sflag:s15], $0x1  }
0x94: {  	[sflag:s15] =	ssyncset.done $0x0  }
0x95: {  	[sflag:s15] =	ssyncadd.s32 $0xFFFFFFFF  }
0x96: {  	s16 =	sld [smem:$0x11];
	(tm) =	ssettm $0x1  }
0x97: {  	s17 =	sld [smem:$0x3FFB];
	_ =	sdelay $0x3  }
0x98: {  	_ =	strace s17  }
0x99: {  	s3 =	sld [smem:$0x3FFC];
	_ =	sdelay $0x3  }
0x9a: {  	_ =	strace s3  }
0x9b: {  	s3 =	sld [smem:$0x3FFD];
	_ =	sdelay $0x3  }
0x9c: {  	_ =	strace s3  }
0x9d: {  	_ =	strace $0x8FFFFFFF  }
0x9e: {  	s18 =	sld [smem:$0x3FDB];
	_ =	sdelay $0x1  }
0x9f: {  	s19 =	simm.s32 $_scs_section_size  }
0xa0: {  	s5 =	simm.s32 $_size__tile_overlayer_lowered;
	s6 =	simm.s32 $_tile_overlayer_lowered  }
0xa1: {  	s22 =	simm.s32 $0x1BFF;
	s21 =	sshll.u32 s6, $0x1;
	s3 =	sadd.s32 s19, s18  }
0xa2: {  	s7 =	simm.s32 $0x0;
	s20 =	sshll.u32 s5, $0x1;
	s5 =	sadd.s32 s21, s3  }
0xa3: {  	[timem:s7], [sflag:s22] =	dma.local [hbm:s5], s20  }
0xa4: {  	_ =	swait.ge [sflag:s22], s20  }
0xa5: {  	s4 =	ssub.s32 $0x0, s20;
	[sflag:s22] =	ssyncset.done $0x0  }
0xa6: {  	[sflag:s22] =	ssyncadd.s32 s4;
	_ =	sdelay $0x1  }
0xa7: {  	s23 =	simm.s32 $0x1B8B  }
0xa8: {  	_ =	swait.ge [sflag:s23], $0x1  }
0xa9: {  	[sflag:s23] =	ssyncset.done $0x0  }
0xaa: {  	s25 =	simm.s32 $0x1B8E;
	s24 =	sld [smem:$0x3FFE];
	[sflag:s23] =	ssyncadd.s32 $0xFFFFFFFF  }
0xab: {  	s26 =	simm.s32 $execute0_lowered;
	[smem:$0x3FD2] =	sst s25  }
0xac: {  	s5 =	sshll.u32 s26, $0x1;
	_ =	strace $0x80000046;
	[dreg:$0x1] =	wrdreg $0xFFFFFFFF  }
0xad: {  	s28 =	simm.s32 $_size_execute0_lowered;
	s3 =	sadd.s32 s3, s5;
	[dreg:$0x0] =	wrdreg $0x0  }
0xae: {  	s5 =	sshll.u32 s28, $0x1;
	[dreg:$0x2] =	wrdreg s3  }
0xaf: {  	[dreg:$0x3] =	wrdreg s5  }
0xb0: {  	[dreg:$0x4] =	wrdreg $0xC0  }
0xb1: {  	_ =	task [dreg:s7], $0x5FFFF  }
0xb2: {  	[dreg:$0x1] =	wrdreg $0xFFFFFFFF  }
0xb3: {  	[dreg:$0x0] =	wrdreg $0x60  }
0xb4: {  	[dreg:$0x2] =	wrdreg s16  }
0xb5: {  	[dreg:$0x3] =	wrdreg s24  }
0xb6: {  	[dreg:$0x4] =	wrdreg $0x9  }
0xb7: {  	_ =	task.clear_ibuf [dreg:s7], $0x5FFFF;
	_ =	strace $0x90000046  }
0xb8: {  	s29 =	simm.s32 $0x9;
	_ =	strace $0x80000048  }
0xb9: {  	_ =	swait.ge [sflag:s29], $0x1  }
0xba: {  	[sflag:s29] =	ssyncadd.s32 $0xFFFFFFFF  }
0xbb: {  	_ =	strace $0x90000048  }
0xbc: {  	_ =	sfence  }
0xbd: {  	s30 =	sld [smem:$0x0];
	_ =	sdelay $0x2  }
0xbe: {  	s31 =	sshll.u32 s1, $0xD;
	s1 =	sshrl.u32 s1, $0x2  }
0xbf: {  	s3 =	sand.u32 $0x4000, s31;
	s1 =	sadd.s32 s1, s30  }
0xc0: {  	s0 =	sor.u32 s3, s0;
	s1 =	sshll.u32 s1, $0x11  }
0xc1: {  	s0 =	sor.u32 s1, s0  }
0xc2: {  	s0 =	sadd.s32 $0x8F2B, s0  }
0xc3: {  	[sflag:s0] =	ssyncadd.remote.s32 $0x1  }
0xc4: {  	_ =	sfence.sel $0xFFFF  }
0xc5: {  	[dreg:$0x0] =	wrdreg $0xFFFFFFFF;
	(pc) =	sbr.abs _section_cstart, $3  }
0xc6: {  	[dreg:$0x1] =	wrdreg $0xFFFFFFFF  }
0xc7: {  	_ =	task.clear_ibuf [dreg:s7], $0x2FFFF;
	_ =	strace $0x9FFFFFFF  }
0xc8: {  	(tm) =	ssettm $0x7FFFFFFF  }
0xc9: {  	_ =	shalt  }
tec
execute0_lowered:
.L_overlay_start_1:
0x0: {  	(tag) =	ssettag $0x1  }
0x1: {  	s1 =	stileid.u32  }
0x2: {  	p0 =	sgt.u32 s1, $0x3  }
.Ltmp0:
0x3: {  	_ = 	snop;
	(pc) =	sbr.rel @p0 .LBB2_5-.Ltmp0, $4  }
0x4: {  	s4 =	rddreg [dreg:$0x0]  }
0x5: {  	s3 =	rddreg [dreg:$0x1];
	s2 =	simm.s32 $0x0  }
0x6: {  	[smem:$0x7FF] =	sst s2  }
0x7: {  	s0 =	rddreg [dreg:$0x2];
	_ =	strace $0x80000047  }
0x8: {  	s5 =	srdreg.scid  }
0x9: {  	s6 =	sshll.u32 s1, $0x1;
	s5 =	sand.u32 $0x1, s5  }
0xa: {  	s8 =	simm.s32 $0x1;
	s9 =	simm.s32 $0x800;
	s6 =	sor.u32 s5, s6  }
0xb: {  	s10 =	simm.s32 $0x0;
	s5 =	ssub.s32 $0x2, s5;
	s7 =	sshll.u32 s6, $0x8  }
0xc: {  	s31 =	sshrl.u32 s5, $0x1;
	s6 =	sshll.u32 s6, $0x1;
	s3 =	sadd.s32 s7, s3  }
0xd: {  	v0 =	vimm.f32 $0.0e+00;
	v1 =	vimm.f32 $-3.000000000e+00;
	v2 =	vlaneseq.u32;
	s5 =	ssub.s32 s5, s31;
	s4 =	sadd.s32 s4, s6;
	s6 =	simm.s32 $0x10  }
0xe: {  	v3 =	vimm.s32 $0x0;
	v5 =	vimm.f32 $1.000000000e+00;
	v4 =	vmul.u32 $0x80, v2;
	s7 =	simm.s32 $0x80;
	s3 =	sadd.s32 $0x4600, s3;
	s5 =	smax.u32 s5, $0x1  }
.LBB2_2:
0xf: {  	[tilespmem:s2], [sflag:$0x1] =	stream.strided.gather [hbm4b:s4+s6], $0x800, s7, s6, $0x38;
	[tilespmem:$0x1000] =	vst v63  }
0x10: {  	_ =	swait.ge [sflag:s8], $0x800  }
0x11: {  	[sflag:s8] =	ssyncset.done $0x0  }
0x12: {  	[sflag:s8] =	ssyncadd.s32 $0xFFFFF800  }
0x13: {  	[tilespmem:$0x800] =	vst v0  }
0x14: {  	[tilespmem:$0x810] =	vst v0  }
0x15: {  	[tilespmem:$0x820] =	vst v0  }
0x16: {  	[tilespmem:$0x830] =	vst v0  }
0x17: {  	[tilespmem:$0x840] =	vst v0  }
0x18: {  	[tilespmem:$0x850] =	vst v0  }
0x19: {  	[tilespmem:$0x860] =	vst v0  }
0x1a: {  	[tilespmem:$0x870] =	vst v0  }
0x1b: {  	[tilespmem:$0x880] =	vst v0  }
0x1c: {  	[tilespmem:$0x890] =	vst v0  }
0x1d: {  	[tilespmem:$0x8A0] =	vst v0  }
0x1e: {  	[tilespmem:$0x8B0] =	vst v0  }
0x1f: {  	[tilespmem:$0x8C0] =	vst v0  }
0x20: {  	[tilespmem:$0x8D0] =	vst v0  }
0x21: {  	[tilespmem:$0x8E0] =	vst v0  }
0x22: {  	[tilespmem:$0x8F0] =	vst v0  }
0x23: {  	[tilespmem:$0x900] =	vst v0  }
0x24: {  	[tilespmem:$0x910] =	vst v0  }
0x25: {  	[tilespmem:$0x920] =	vst v0  }
0x26: {  	[tilespmem:$0x930] =	vst v0  }
0x27: {  	[tilespmem:$0x940] =	vst v0  }
0x28: {  	[tilespmem:$0x950] =	vst v0  }
0x29: {  	[tilespmem:$0x960] =	vst v0  }
0x2a: {  	[tilespmem:$0x970] =	vst v0  }
0x2b: {  	[tilespmem:$0x980] =	vst v0  }
0x2c: {  	[tilespmem:$0x990] =	vst v0  }
0x2d: {  	[tilespmem:$0x9A0] =	vst v0  }
0x2e: {  	[tilespmem:$0x9B0] =	vst v0  }
0x2f: {  	[tilespmem:$0x9C0] =	vst v0  }
0x30: {  	[tilespmem:$0x9D0] =	vst v0  }
0x31: {  	[tilespmem:$0x9E0] =	vst v0  }
0x32: {  	[tilespmem:$0x9F0] =	vst v0  }
0x33: {  	[tilespmem:$0xA00] =	vst v0  }
0x34: {  	[tilespmem:$0xA10] =	vst v0  }
0x35: {  	[tilespmem:$0xA20] =	vst v0  }
0x36: {  	[tilespmem:$0xA30] =	vst v0  }
0x37: {  	[tilespmem:$0xA40] =	vst v0  }
0x38: {  	[tilespmem:$0xA50] =	vst v0  }
0x39: {  	[tilespmem:$0xA60] =	vst v0  }
0x3a: {  	[tilespmem:$0xA70] =	vst v0  }
0x3b: {  	[tilespmem:$0xA80] =	vst v0  }
0x3c: {  	[tilespmem:$0xA90] =	vst v0  }
0x3d: {  	[tilespmem:$0xAA0] =	vst v0  }
0x3e: {  	[tilespmem:$0xAB0] =	vst v0  }
0x3f: {  	[tilespmem:$0xAC0] =	vst v0  }
0x40: {  	[tilespmem:$0xAD0] =	vst v0  }
0x41: {  	[tilespmem:$0xAE0] =	vst v0  }
0x42: {  	[tilespmem:$0xAF0] =	vst v0  }
0x43: {  	[tilespmem:$0xB00] =	vst v0  }
0x44: {  	[tilespmem:$0xB10] =	vst v0  }
0x45: {  	[tilespmem:$0xB20] =	vst v0  }
0x46: {  	[tilespmem:$0xB30] =	vst v0  }
0x47: {  	[tilespmem:$0xB40] =	vst v0  }
0x48: {  	[tilespmem:$0xB50] =	vst v0  }
0x49: {  	[tilespmem:$0xB60] =	vst v0  }
0x4a: {  	[tilespmem:$0xB70] =	vst v0  }
0x4b: {  	[tilespmem:$0xB80] =	vst v0  }
0x4c: {  	[tilespmem:$0xB90] =	vst v0  }
0x4d: {  	[tilespmem:$0xBA0] =	vst v0  }
0x4e: {  	[tilespmem:$0xBB0] =	vst v0  }
0x4f: {  	[tilespmem:$0xBC0] =	vst v0  }
0x50: {  	[tilespmem:$0xBD0] =	vst v0  }
0x51: {  	[tilespmem:$0xBE0] =	vst v0  }
0x52: {  	[tilespmem:$0xBF0] =	vst v0  }
0x53: {  	[tilespmem:$0xC00] =	vst v0  }
0x54: {  	[tilespmem:$0xC10] =	vst v0  }
0x55: {  	[tilespmem:$0xC20] =	vst v0  }
0x56: {  	[tilespmem:$0xC30] =	vst v0  }
0x57: {  	[tilespmem:$0xC40] =	vst v0  }
0x58: {  	[tilespmem:$0xC50] =	vst v0  }
0x59: {  	[tilespmem:$0xC60] =	vst v0  }
0x5a: {  	[tilespmem:$0xC70] =	vst v0  }
0x5b: {  	[tilespmem:$0xC80] =	vst v0  }
0x5c: {  	[tilespmem:$0xC90] =	vst v0  }
0x5d: {  	[tilespmem:$0xCA0] =	vst v0  }
0x5e: {  	[tilespmem:$0xCB0] =	vst v0  }
0x5f: {  	[tilespmem:$0xCC0] =	vst v0  }
0x60: {  	[tilespmem:$0xCD0] =	vst v0  }
0x61: {  	[tilespmem:$0xCE0] =	vst v0  }
0x62: {  	[tilespmem:$0xCF0] =	vst v0  }
0x63: {  	[tilespmem:$0xD00] =	vst v0  }
0x64: {  	[tilespmem:$0xD10] =	vst v0  }
0x65: {  	[tilespmem:$0xD20] =	vst v0  }
0x66: {  	[tilespmem:$0xD30] =	vst v0  }
0x67: {  	[tilespmem:$0xD40] =	vst v0  }
0x68: {  	[tilespmem:$0xD50] =	vst v0  }
0x69: {  	[tilespmem:$0xD60] =	vst v0  }
0x6a: {  	[tilespmem:$0xD70] =	vst v0  }
0x6b: {  	[tilespmem:$0xD80] =	vst v0  }
0x6c: {  	[tilespmem:$0xD90] =	vst v0  }
0x6d: {  	[tilespmem:$0xDA0] =	vst v0  }
0x6e: {  	[tilespmem:$0xDB0] =	vst v0  }
0x6f: {  	[tilespmem:$0xDC0] =	vst v0  }
0x70: {  	[tilespmem:$0xDD0] =	vst v0  }
0x71: {  	[tilespmem:$0xDE0] =	vst v0  }
0x72: {  	[tilespmem:$0xDF0] =	vst v0  }
0x73: {  	[tilespmem:$0xE00] =	vst v0  }
0x74: {  	[tilespmem:$0xE10] =	vst v0  }
0x75: {  	[tilespmem:$0xE20] =	vst v0  }
0x76: {  	[tilespmem:$0xE30] =	vst v0  }
0x77: {  	[tilespmem:$0xE40] =	vst v0  }
0x78: {  	[tilespmem:$0xE50] =	vst v0  }
0x79: {  	[tilespmem:$0xE60] =	vst v0  }
0x7a: {  	[tilespmem:$0xE70] =	vst v0  }
0x7b: {  	[tilespmem:$0xE80] =	vst v0  }
0x7c: {  	[tilespmem:$0xE90] =	vst v0  }
0x7d: {  	[tilespmem:$0xEA0] =	vst v0  }
0x7e: {  	[tilespmem:$0xEB0] =	vst v0  }
0x7f: {  	[tilespmem:$0xEC0] =	vst v0  }
0x80: {  	[tilespmem:$0xED0] =	vst v0  }
0x81: {  	[tilespmem:$0xEE0] =	vst v0  }
0x82: {  	[tilespmem:$0xEF0] =	vst v0  }
0x83: {  	[tilespmem:$0xF00] =	vst v0  }
0x84: {  	[tilespmem:$0xF10] =	vst v0  }
0x85: {  	[tilespmem:$0xF20] =	vst v0  }
0x86: {  	[tilespmem:$0xF30] =	vst v0  }
0x87: {  	[tilespmem:$0xF40] =	vst v0  }
0x88: {  	[tilespmem:$0xF50] =	vst v0  }
0x89: {  	[tilespmem:$0xF60] =	vst v0  }
0x8a: {  	[tilespmem:$0xF70] =	vst v0  }
0x8b: {  	[tilespmem:$0xF80] =	vst v0  }
0x8c: {  	[tilespmem:$0xF90] =	vst v0  }
0x8d: {  	[tilespmem:$0xFA0] =	vst v0  }
0x8e: {  	[tilespmem:$0xFB0] =	vst v0  }
0x8f: {  	[tilespmem:$0xFC0] =	vst v0  }
0x90: {  	[tilespmem:$0xFD0] =	vst v0  }
0x91: {  	[tilespmem:$0xFE0] =	vst v0  }
0x92: {  	s11 =	simm.s32 $0xF;
	[tilespmem:$0xFF0] =	vst v0  }
.LBB2_3:
0x93: {  	v6 =	vld [tilespmem:$0x0]  }
0x94: {  	v7 =	vld [tilespmem:$0x10]  }
0x95: {  	v8 =	vld [tilespmem:$0x20]  }
0x96: {  	v9 =	vld [tilespmem:$0x30]  }
0x97: {  	v10 =	vld [tilespmem:$0x40]  }
0x98: {  	v11 =	vld [tilespmem:$0x50]  }
0x99: {  	v12 =	vld [tilespmem:$0x60]  }
0x9a: {  	v13 =	vld [tilespmem:$0x70];
	vm0 =	vgt.f32 v6, $-3.000000000e+00  }
0x9b: {  	v14 =	vld [tilespmem:$0x80];
	vm1 =	vgt.f32 v7, $-3.000000000e+00;
	vm10 =	vgt.f32 v8, $-3.000000000e+00;
	vm11 =	vgt.f32 v9, $-3.000000000e+00  }
0x9c: {  	v16 =	vld [tilespmem:$0x90];
	v6 =	vnsel vm0, $0xC0400000, v6;
	v7 =	vnsel vm1, $0xC0400000, v7;
	v15 =	vsel vm1, $0x1, v3  }
0x9d: {  	v18 =	vld [tilespmem:$0xA0];
	v8 =	vnsel vm10, $0xC0400000, v8;
	v17 =	vsel vm10, $0x2, v3;
	v9 =	vnsel vm11, $0xC0400000, v9  }
0x9e: {  	v20 =	vld [tilespmem:$0xB0];
	v19 =	vsel vm11, $0x3, v3;
	vm12 =	vgt.f32 v10, v6;
	vm13 =	vgt.f32 v11, v7  }
0x9f: {  	v63 =	vld [tilespmem:$0xC0];
	vm2 =	vgt.f32 v12, v8;
	vm14 =	vgt.f32 v13, v9;
	v6 =	vsel vm12, v10, v6  }
0xa0: {  	v24 =	vld [tilespmem:$0xD0];
	v7 =	vsel vm13, v11, v7;
	v23 =	vsel vm12, $0x4, v3;
	v8 =	vsel vm2, v12, v8  }
0xa1: {  	v25 =	vld [tilespmem:$0xE0];
	v15 =	vsel vm13, $0x5, v15;
	v9 =	vsel vm14, v13, v9;
	v17 =	vsel vm2, $0x6, v17  }
0xa2: {  	v26 =	vld [tilespmem:$0xF0];
	v19 =	vsel vm14, $0x7, v19;
	vm15 =	vgt.f32 v14, v6;
	vm4 =	vgt.f32 v16, v7  }
0xa3: {  	v27 =	vld [tilespmem:$0x100];
	vm5 =	vgt.f32 v18, v8;
	vm6 =	vgt.f32 v20, v9;
	v6 =	vsel vm15, v14, v6  }
0xa4: {  	v28 =	vld [tilespmem:$0x110];
	v7 =	vsel vm4, v16, v7;
	v11 =	vsel vm15, $0x8, v23;
	v8 =	vsel vm5, v18, v8  }
0xa5: {  	v29 =	vld [tilespmem:$0x120];
	v15 =	vsel vm4, $0x9, v15;
	v9 =	vsel vm6, v20, v9;
	v17 =	vsel vm5, $0xA, v17  }
0xa6: {  	v30 =	vld [tilespmem:$0x130];
	v19 =	vsel vm6, $0xB, v19;
	vm7 =	vgt.f32 v63, v6;
	vm8 =	vgt.f32 v24, v7  }
0xa7: {  	v31 =	vld [tilespmem:$0x140];
	vm9 =	vgt.f32 v25, v8;
	vm10 =	vgt.f32 v26, v9;
	v6 =	vsel vm7, v63, v6  }
0xa8: {  	v32 =	vld [tilespmem:$0x150];
	v7 =	vsel vm8, v24, v7;
	v11 =	vsel vm7, $0xC, v11;
	v8 =	vsel vm9, v25, v8  }
0xa9: {  	v33 =	vld [tilespmem:$0x160];
	v15 =	vsel vm8, $0xD, v15;
	v9 =	vsel vm10, v26, v9;
	v17 =	vsel vm9, $0xE, v17  }
0xaa: {  	v34 =	vld [tilespmem:$0x170];
	v19 =	vsel vm10, $0xF, v19;
	vm11 =	vgt.f32 v27, v6;
	vm12 =	vgt.f32 v28, v7  }
0xab: {  	v35 =	vld [tilespmem:$0x180];
	vm13 =	vgt.f32 v29, v8;
	vm14 =	vgt.f32 v30, v9;
	v6 =	vsel vm11, v27, v6  }
0xac: {  	v36 =	vld [tilespmem:$0x190];
	v7 =	vsel vm12, v28, v7;
	v11 =	vsel vm11, $0x10, v11;
	v8 =	vsel vm13, v29, v8  }
0xad: {  	v37 =	vld [tilespmem:$0x1A0];
	v15 =	vsel vm12, $0x11, v15;
	v9 =	vsel vm14, v30, v9;
	v17 =	vsel vm13, $0x12, v17  }
0xae: {  	v38 =	vld [tilespmem:$0x1B0];
	v19 =	vsel vm14, $0x13, v19;
	vm15 =	vgt.f32 v31, v6;
	vm4 =	vgt.f32 v32, v7  }
0xaf: {  	v39 =	vld [tilespmem:$0x1C0];
	vm5 =	vgt.f32 v33, v8;
	vm6 =	vgt.f32 v34, v9;
	v6 =	vsel vm15, v31, v6  }
0xb0: {  	v40 =	vld [tilespmem:$0x1D0];
	v7 =	vsel vm4, v32, v7;
	v11 =	vsel vm15, $0x14, v11;
	v8 =	vsel vm5, v33, v8  }
0xb1: {  	v41 =	vld [tilespmem:$0x1E0];
	v15 =	vsel vm4, $0x15, v15;
	v9 =	vsel vm6, v34, v9;
	v17 =	vsel vm5, $0x16, v17  }
0xb2: {  	v42 =	vld [tilespmem:$0x1F0];
	v19 =	vsel vm6, $0x17, v19;
	vm7 =	vgt.f32 v35, v6;
	vm8 =	vgt.f32 v36, v7  }
0xb3: {  	v43 =	vld [tilespmem:$0x200];
	vm9 =	vgt.f32 v37, v8;
	vm10 =	vgt.f32 v38, v9;
	v6 =	vsel vm7, v35, v6  }
0xb4: {  	v44 =	vld [tilespmem:$0x210];
	v7 =	vsel vm8, v36, v7;
	v11 =	vsel vm7, $0x18, v11;
	v8 =	vsel vm9, v37, v8  }
0xb5: {  	v45 =	vld [tilespmem:$0x220];
	v15 =	vsel vm8, $0x19, v15;
	v9 =	vsel vm10, v38, v9;
	v17 =	vsel vm9, $0x1A, v17  }
0xb6: {  	v46 =	vld [tilespmem:$0x230];
	v19 =	vsel vm10, $0x1B, v19;
	vm11 =	vgt.f32 v39, v6;
	vm12 =	vgt.f32 v40, v7  }
0xb7: {  	v47 =	vld [tilespmem:$0x240];
	vm13 =	vgt.f32 v41, v8;
	vm14 =	vgt.f32 v42, v9;
	v6 =	vsel vm11, v39, v6  }
0xb8: {  	v48 =	vld [tilespmem:$0x250];
	v7 =	vsel vm12, v40, v7;
	v11 =	vsel vm11, $0x1C, v11;
	v8 =	vsel vm13, v41, v8  }
0xb9: {  	v49 =	vld [tilespmem:$0x260];
	v15 =	vsel vm12, $0x1D, v15;
	v9 =	vsel vm14, v42, v9;
	v17 =	vsel vm13, $0x1E, v17  }
0xba: {  	v50 =	vld [tilespmem:$0x270];
	v19 =	vsel vm14, $0x1F, v19;
	vm15 =	vgt.f32 v43, v6;
	vm4 =	vgt.f32 v44, v7  }
0xbb: {  	v51 =	vld [tilespmem:$0x280];
	vm5 =	vgt.f32 v45, v8;
	vm6 =	vgt.f32 v46, v9;
	v6 =	vsel vm15, v43, v6  }
0xbc: {  	v52 =	vld [tilespmem:$0x290];
	v7 =	vsel vm4, v44, v7;
	v11 =	vsel vm15, $0x20, v11;
	v8 =	vsel vm5, v45, v8  }
0xbd: {  	v53 =	vld [tilespmem:$0x2A0];
	v15 =	vsel vm4, $0x21, v15;
	v9 =	vsel vm6, v46, v9;
	v17 =	vsel vm5, $0x22, v17  }
0xbe: {  	v54 =	vld [tilespmem:$0x2B0];
	v19 =	vsel vm6, $0x23, v19;
	vm7 =	vgt.f32 v47, v6;
	vm8 =	vgt.f32 v48, v7  }
0xbf: {  	v55 =	vld [tilespmem:$0x2C0];
	vm9 =	vgt.f32 v49, v8;
	vm10 =	vgt.f32 v50, v9;
	v6 =	vsel vm7, v47, v6  }
0xc0: {  	v56 =	vld [tilespmem:$0x2D0];
	v7 =	vsel vm8, v48, v7;
	v11 =	vsel vm7, $0x24, v11;
	v8 =	vsel vm9, v49, v8  }
0xc1: {  	v57 =	vld [tilespmem:$0x2E0];
	v15 =	vsel vm8, $0x25, v15;
	v9 =	vsel vm10, v50, v9;
	v17 =	vsel vm9, $0x26, v17  }
0xc2: {  	v58 =	vld [tilespmem:$0x2F0];
	v19 =	vsel vm10, $0x27, v19;
	vm11 =	vgt.f32 v51, v6;
	vm12 =	vgt.f32 v52, v7  }
0xc3: {  	v59 =	vld [tilespmem:$0x300];
	vm13 =	vgt.f32 v53, v8;
	vm14 =	vgt.f32 v54, v9;
	v6 =	vsel vm11, v51, v6  }
0xc4: {  	v60 =	vld [tilespmem:$0x310];
	v7 =	vsel vm12, v52, v7;
	v11 =	vsel vm11, $0x28, v11;
	v8 =	vsel vm13, v53, v8  }
0xc5: {  	v61 =	vld [tilespmem:$0x320];
	v15 =	vsel vm12, $0x29, v15;
	v9 =	vsel vm14, v54, v9;
	v17 =	vsel vm13, $0x2A, v17  }
0xc6: {  	v62 =	vld [tilespmem:$0x330];
	v19 =	vsel vm14, $0x2B, v19;
	vm15 =	vgt.f32 v55, v6;
	vm4 =	vgt.f32 v56, v7  }
0xc7: {  	v63 =	vld [tilespmem:$0x340];
	vm5 =	vgt.f32 v57, v8;
	vm6 =	vgt.f32 v58, v9;
	v6 =	vsel vm15, v55, v6  }
0xc8: {  	v24 =	vld [tilespmem:$0x350];
	v7 =	vsel vm4, v56, v7;
	v11 =	vsel vm15, $0x2C, v11;
	v8 =	vsel vm5, v57, v8  }
0xc9: {  	v25 =	vld [tilespmem:$0x360];
	v15 =	vsel vm4, $0x2D, v15;
	v9 =	vsel vm6, v58, v9;
	v17 =	vsel vm5, $0x2E, v17  }
0xca: {  	v26 =	vld [tilespmem:$0x370];
	v19 =	vsel vm6, $0x2F, v19;
	vm7 =	vgt.f32 v59, v6;
	vm8 =	vgt.f32 v60, v7  }
0xcb: {  	v27 =	vld [tilespmem:$0x380];
	vm9 =	vgt.f32 v61, v8;
	vm10 =	vgt.f32 v62, v9;
	v6 =	vsel vm7, v59, v6  }
0xcc: {  	v28 =	vld [tilespmem:$0x390];
	v7 =	vsel vm8, v60, v7;
	v11 =	vsel vm7, $0x30, v11;
	v8 =	vsel vm9, v61, v8  }
0xcd: {  	v29 =	vld [tilespmem:$0x3A0];
	v15 =	vsel vm8, $0x31, v15;
	v9 =	vsel vm10, v62, v9;
	v17 =	vsel vm9, $0x32, v17  }
0xce: {  	v30 =	vld [tilespmem:$0x3B0];
	v19 =	vsel vm10, $0x33, v19;
	vm11 =	vgt.f32 v63, v6;
	vm12 =	vgt.f32 v24, v7  }
0xcf: {  	v31 =	vld [tilespmem:$0x3C0];
	vm13 =	vgt.f32 v25, v8;
	vm14 =	vgt.f32 v26, v9;
	v6 =	vsel vm11, v63, v6  }
0xd0: {  	v32 =	vld [tilespmem:$0x3D0];
	v7 =	vsel vm12, v24, v7;
	v11 =	vsel vm11, $0x34, v11;
	v8 =	vsel vm13, v25, v8  }
0xd1: {  	v33 =	vld [tilespmem:$0x3E0];
	v15 =	vsel vm12, $0x35, v15;
	v9 =	vsel vm14, v26, v9;
	v17 =	vsel vm13, $0x36, v17  }
0xd2: {  	v34 =	vld [tilespmem:$0x3F0];
	v19 =	vsel vm14, $0x37, v19;
	vm15 =	vgt.f32 v27, v6;
	vm4 =	vgt.f32 v28, v7  }
0xd3: {  	v35 =	vld [tilespmem:$0x400];
	vm5 =	vgt.f32 v29, v8;
	vm6 =	vgt.f32 v30, v9;
	v6 =	vsel vm15, v27, v6  }
0xd4: {  	v36 =	vld [tilespmem:$0x410];
	v7 =	vsel vm4, v28, v7;
	v11 =	vsel vm15, $0x38, v11;
	v8 =	vsel vm5, v29, v8  }
0xd5: {  	v37 =	vld [tilespmem:$0x420];
	v15 =	vsel vm4, $0x39, v15;
	v9 =	vsel vm6, v30, v9;
	v17 =	vsel vm5, $0x3A, v17  }
0xd6: {  	v38 =	vld [tilespmem:$0x430];
	v19 =	vsel vm6, $0x3B, v19;
	vm7 =	vgt.f32 v31, v6;
	vm8 =	vgt.f32 v32, v7  }
0xd7: {  	v39 =	vld [tilespmem:$0x440];
	vm9 =	vgt.f32 v33, v8;
	vm10 =	vgt.f32 v34, v9;
	v6 =	vsel vm7, v31, v6  }
0xd8: {  	v40 =	vld [tilespmem:$0x450];
	v7 =	vsel vm8, v32, v7;
	v11 =	vsel vm7, $0x3C, v11;
	v8 =	vsel vm9, v33, v8  }
0xd9: {  	v41 =	vld [tilespmem:$0x460];
	v15 =	vsel vm8, $0x3D, v15;
	v9 =	vsel vm10, v34, v9;
	v17 =	vsel vm9, $0x3E, v17  }
0xda: {  	v42 =	vld [tilespmem:$0x470];
	v19 =	vsel vm10, $0x3F, v19;
	vm11 =	vgt.f32 v35, v6;
	vm12 =	vgt.f32 v36, v7  }
0xdb: {  	v43 =	vld [tilespmem:$0x480];
	vm13 =	vgt.f32 v37, v8;
	vm14 =	vgt.f32 v38, v9;
	v6 =	vsel vm11, v35, v6  }
0xdc: {  	v44 =	vld [tilespmem:$0x490];
	v7 =	vsel vm12, v36, v7;
	v11 =	vsel vm11, $0x40, v11;
	v8 =	vsel vm13, v37, v8  }
0xdd: {  	v45 =	vld [tilespmem:$0x4A0];
	v15 =	vsel vm12, $0x41, v15;
	v9 =	vsel vm14, v38, v9;
	v17 =	vsel vm13, $0x42, v17  }
0xde: {  	v46 =	vld [tilespmem:$0x4B0];
	v19 =	vsel vm14, $0x43, v19;
	vm15 =	vgt.f32 v39, v6;
	vm4 =	vgt.f32 v40, v7  }
0xdf: {  	v47 =	vld [tilespmem:$0x4C0];
	vm5 =	vgt.f32 v41, v8;
	vm6 =	vgt.f32 v42, v9;
	v6 =	vsel vm15, v39, v6  }
0xe0: {  	v48 =	vld [tilespmem:$0x4D0];
	v7 =	vsel vm4, v40, v7;
	v11 =	vsel vm15, $0x44, v11;
	v8 =	vsel vm5, v41, v8  }
0xe1: {  	v49 =	vld [tilespmem:$0x4E0];
	v15 =	vsel vm4, $0x45, v15;
	v9 =	vsel vm6, v42, v9;
	v17 =	vsel vm5, $0x46, v17  }
0xe2: {  	v50 =	vld [tilespmem:$0x4F0];
	v19 =	vsel vm6, $0x47, v19;
	vm7 =	vgt.f32 v43, v6;
	vm8 =	vgt.f32 v44, v7  }
0xe3: {  	v51 =	vld [tilespmem:$0x500];
	vm9 =	vgt.f32 v45, v8;
	vm10 =	vgt.f32 v46, v9;
	v6 =	vsel vm7, v43, v6  }
0xe4: {  	v52 =	vld [tilespmem:$0x510];
	v7 =	vsel vm8, v44, v7;
	v11 =	vsel vm7, $0x48, v11;
	v8 =	vsel vm9, v45, v8  }
0xe5: {  	v53 =	vld [tilespmem:$0x520];
	v15 =	vsel vm8, $0x49, v15;
	v9 =	vsel vm10, v46, v9;
	v17 =	vsel vm9, $0x4A, v17  }
0xe6: {  	v54 =	vld [tilespmem:$0x530];
	v19 =	vsel vm10, $0x4B, v19;
	vm11 =	vgt.f32 v47, v6;
	vm12 =	vgt.f32 v48, v7  }
0xe7: {  	v55 =	vld [tilespmem:$0x540];
	vm13 =	vgt.f32 v49, v8;
	vm14 =	vgt.f32 v50, v9;
	v6 =	vsel vm11, v47, v6  }
0xe8: {  	v56 =	vld [tilespmem:$0x550];
	v7 =	vsel vm12, v48, v7;
	v11 =	vsel vm11, $0x4C, v11;
	v8 =	vsel vm13, v49, v8  }
0xe9: {  	v57 =	vld [tilespmem:$0x560];
	v15 =	vsel vm12, $0x4D, v15;
	v9 =	vsel vm14, v50, v9;
	v17 =	vsel vm13, $0x4E, v17  }
0xea: {  	v58 =	vld [tilespmem:$0x570];
	v19 =	vsel vm14, $0x4F, v19;
	vm15 =	vgt.f32 v51, v6;
	vm4 =	vgt.f32 v52, v7  }
0xeb: {  	v59 =	vld [tilespmem:$0x580];
	vm5 =	vgt.f32 v53, v8;
	vm6 =	vgt.f32 v54, v9;
	v6 =	vsel vm15, v51, v6  }
0xec: {  	v60 =	vld [tilespmem:$0x590];
	v7 =	vsel vm4, v52, v7;
	v11 =	vsel vm15, $0x50, v11;
	v8 =	vsel vm5, v53, v8  }
0xed: {  	v61 =	vld [tilespmem:$0x5A0];
	v15 =	vsel vm4, $0x51, v15;
	v9 =	vsel vm6, v54, v9;
	v17 =	vsel vm5, $0x52, v17  }
0xee: {  	v62 =	vld [tilespmem:$0x5B0];
	v19 =	vsel vm6, $0x53, v19;
	vm7 =	vgt.f32 v55, v6;
	vm8 =	vgt.f32 v56, v7  }
0xef: {  	v63 =	vld [tilespmem:$0x5C0];
	vm9 =	vgt.f32 v57, v8;
	vm10 =	vgt.f32 v58, v9;
	v6 =	vsel vm7, v55, v6  }
0xf0: {  	v24 =	vld [tilespmem:$0x5D0];
	v7 =	vsel vm8, v56, v7;
	v11 =	vsel vm7, $0x54, v11;
	v8 =	vsel vm9, v57, v8  }
0xf1: {  	v25 =	vld [tilespmem:$0x5E0];
	v15 =	vsel vm8, $0x55, v15;
	v9 =	vsel vm10, v58, v9;
	v17 =	vsel vm9, $0x56, v17  }
0xf2: {  	v26 =	vld [tilespmem:$0x5F0];
	v19 =	vsel vm10, $0x57, v19;
	vm11 =	vgt.f32 v59, v6;
	vm12 =	vgt.f32 v60, v7  }
0xf3: {  	v27 =	vld [tilespmem:$0x600];
	vm13 =	vgt.f32 v61, v8;
	vm14 =	vgt.f32 v62, v9;
	v6 =	vsel vm11, v59, v6  }
0xf4: {  	v28 =	vld [tilespmem:$0x610];
	v7 =	vsel vm12, v60, v7;
	v11 =	vsel vm11, $0x58, v11;
	v8 =	vsel vm13, v61, v8  }
0xf5: {  	v29 =	vld [tilespmem:$0x620];
	v15 =	vsel vm12, $0x59, v15;
	v9 =	vsel vm14, v62, v9;
	v17 =	vsel vm13, $0x5A, v17  }
0xf6: {  	v30 =	vld [tilespmem:$0x630];
	v19 =	vsel vm14, $0x5B, v19;
	vm15 =	vgt.f32 v63, v6;
	vm4 =	vgt.f32 v24, v7  }
0xf7: {  	v31 =	vld [tilespmem:$0x640];
	vm5 =	vgt.f32 v25, v8;
	vm6 =	vgt.f32 v26, v9;
	v6 =	vsel vm15, v63, v6  }
0xf8: {  	v32 =	vld [tilespmem:$0x650];
	v7 =	vsel vm4, v24, v7;
	v11 =	vsel vm15, $0x5C, v11;
	v8 =	vsel vm5, v25, v8  }
0xf9: {  	v33 =	vld [tilespmem:$0x660];
	v15 =	vsel vm4, $0x5D, v15;
	v9 =	vsel vm6, v26, v9;
	v17 =	vsel vm5, $0x5E, v17  }
0xfa: {  	v34 =	vld [tilespmem:$0x670];
	v19 =	vsel vm6, $0x5F, v19;
	vm7 =	vgt.f32 v27, v6;
	vm8 =	vgt.f32 v28, v7  }
0xfb: {  	v35 =	vld [tilespmem:$0x680];
	vm9 =	vgt.f32 v29, v8;
	vm10 =	vgt.f32 v30, v9;
	v6 =	vsel vm7, v27, v6  }
0xfc: {  	v36 =	vld [tilespmem:$0x690];
	v7 =	vsel vm8, v28, v7;
	v11 =	vsel vm7, $0x60, v11;
	v8 =	vsel vm9, v29, v8  }
0xfd: {  	v37 =	vld [tilespmem:$0x6A0];
	v15 =	vsel vm8, $0x61, v15;
	v9 =	vsel vm10, v30, v9;
	v17 =	vsel vm9, $0x62, v17  }
0xfe: {  	v38 =	vld [tilespmem:$0x6B0];
	v19 =	vsel vm10, $0x63, v19;
	vm11 =	vgt.f32 v31, v6;
	vm12 =	vgt.f32 v32, v7  }
0xff: {  	v39 =	vld [tilespmem:$0x6C0];
	vm13 =	vgt.f32 v33, v8;
	vm14 =	vgt.f32 v34, v9;
	v6 =	vsel vm11, v31, v6  }
0x100: {  	v40 =	vld [tilespmem:$0x6D0];
	v7 =	vsel vm12, v32, v7;
	v11 =	vsel vm11, $0x64, v11;
	v8 =	vsel vm13, v33, v8  }
0x101: {  	v41 =	vld [tilespmem:$0x6E0];
	v15 =	vsel vm12, $0x65, v15;
	v9 =	vsel vm14, v34, v9;
	v17 =	vsel vm13, $0x66, v17  }
0x102: {  	v42 =	vld [tilespmem:$0x6F0];
	v19 =	vsel vm14, $0x67, v19;
	vm15 =	vgt.f32 v35, v6;
	vm4 =	vgt.f32 v36, v7  }
0x103: {  	v43 =	vld [tilespmem:$0x700];
	vm5 =	vgt.f32 v37, v8;
	vm6 =	vgt.f32 v38, v9;
	v6 =	vsel vm15, v35, v6  }
0x104: {  	v44 =	vld [tilespmem:$0x710];
	v7 =	vsel vm4, v36, v7;
	v11 =	vsel vm15, $0x68, v11;
	v8 =	vsel vm5, v37, v8  }
0x105: {  	v45 =	vld [tilespmem:$0x720];
	v15 =	vsel vm4, $0x69, v15;
	v9 =	vsel vm6, v38, v9;
	v17 =	vsel vm5, $0x6A, v17  }
0x106: {  	v46 =	vld [tilespmem:$0x730];
	v19 =	vsel vm6, $0x6B, v19;
	vm7 =	vgt.f32 v39, v6;
	vm8 =	vgt.f32 v40, v7  }
0x107: {  	v47 =	vld [tilespmem:$0x740];
	vm9 =	vgt.f32 v41, v8;
	vm10 =	vgt.f32 v42, v9;
	v6 =	vsel vm7, v39, v6  }
0x108: {  	v48 =	vld [tilespmem:$0x750];
	v7 =	vsel vm8, v40, v7;
	v11 =	vsel vm7, $0x6C, v11;
	v8 =	vsel vm9, v41, v8  }
0x109: {  	v49 =	vld [tilespmem:$0x760];
	v15 =	vsel vm8, $0x6D, v15;
	v9 =	vsel vm10, v42, v9;
	v17 =	vsel vm9, $0x6E, v17  }
0x10a: {  	v53 =	vld [tilespmem:$0x770];
	v19 =	vsel vm10, $0x6F, v19;
	vm11 =	vgt.f32 v43, v6;
	vm12 =	vgt.f32 v44, v7  }
0x10b: {  	v50 =	vld [tilespmem:$0x780];
	vm13 =	vgt.f32 v45, v8;
	vm14 =	vgt.f32 v46, v9;
	v6 =	vsel vm11, v43, v6  }
0x10c: {  	v51 =	vld [tilespmem:$0x790];
	v7 =	vsel vm12, v44, v7;
	v11 =	vsel vm11, $0x70, v11;
	v8 =	vsel vm13, v45, v8  }
0x10d: {  	v54 =	vld [tilespmem:$0x7A0];
	v15 =	vsel vm12, $0x71, v15;
	v9 =	vsel vm14, v46, v9;
	v17 =	vsel vm13, $0x72, v17  }
0x10e: {  	v60 =	vld [tilespmem:$0x7B0];
	v56 =	vsel vm14, $0x73, v19;
	vm15 =	vgt.f32 v47, v6;
	vm8 =	vgt.f32 v48, v7  }
0x10f: {  	v52 =	vld [tilespmem:$0x7C0];
	vm3 =	vgt.f32 v49, v8;
	vm11 =	vgt.f32 v53, v9;
	v6 =	vsel vm15, v47, v6  }
0x110: {  	v55 =	vld [tilespmem:$0x7D0];
	v7 =	vsel vm8, v48, v7;
	v8 =	vsel vm3, v49, v8;
	v11 =	vsel vm15, $0x74, v11  }
0x111: {  	v57 =	vsel vm8, $0x75, v15;
	v59 =	vsel vm3, $0x76, v17;
	v9 =	vsel vm11, v53, v9  }
0x112: {  	vm4 =	vgt.f32 v50, v6;
	vm9 =	vgt.f32 v51, v7;
	vm12 =	vgt.f32 v54, v8  }
0x113: {  	v58 =	vld [tilespmem:$0x7E0];
	vm7 =	vgt.f32 v60, v9;
	v6 =	vsel vm4, v50, v6;
	v7 =	vsel vm9, v51, v7  }
0x114: {  	v11 =	vsel vm4, $0x78, v11;
	v13 =	vsel vm9, $0x79, v57;
	vm10 =	vgt.f32 v52, v6  }
0x115: {  	v8 =	vsel vm12, v54, v8;
	vm13 =	vgt.f32 v55, v7;
	v6 =	vsel vm10, v52, v6  }
0x116: {  	v61 =	vld [tilespmem:$0x7F0];
	v7 =	vsel vm13, v55, v7;
	v11 =	vsel vm10, $0x7C, v11;
	v13 =	vsel vm13, $0x7D, v13  }
0x117: {  	v62 =	vsel vm12, $0x7A, v59;
	vm14 =	veq.f32 v7, v6;
	vm3 =	vlt.u32 v13, v11  }
0x118: {  	vm15 =	vgt.f32 v58, v8;
	vm6 =	vgt.f32 v7, v6;
	vm1 =	vmand vm14, vm3  }
0x119: {  	v9 =	vsel vm7, v60, v9;
	v8 =	vsel vm15, v58, v8;
	vm1 =	vmor vm6, vm1  }
0x11a: {  	v12 =	vsel vm15, $0x7E, v62;
	v6 =	vsel vm1, v7, v6;
	v11 =	vsel vm1, v13, v11  }
0x11b: {  	vm10 =	vgt.f32 v61, v9;
	vm8 =	veq.f32 v8, v6;
	vm9 =	vlt.u32 v12, v11  }
0x11c: {  	v7 =	vsel vm11, $0x77, v56;
	vm11 =	vgt.f32 v8, v6;
	vm1 =	vmand vm8, vm9  }
0x11d: {  	v9 =	vsel vm10, v61, v9;
	v7 =	vsel vm7, $0x7B, v7;
	vm12 =	vmor vm11, vm1  }
0x11e: {  	v7 =	vsel vm10, $0x7F, v7;
	v6 =	vsel vm12, v8, v6;
	v63 =	vsel vm12, v12, v11  }
0x11f: {  	vm13 =	veq.f32 v9, v6;
	vm14 =	vlt.u32 v7, v63  }
0x120: {  	vm15 =	vgt.f32 v9, v6;
	vm0 =	vmand vm13, vm14  }
0x121: {  	vm0 =	vmor vm15, vm0  }
0x122: {  	v6 =	vsel vm0, v7, v63  }
0x123: {  	v7 =	vshll.u32 v6, $0x4  }
0x124: {  	v7 =	vor.u32 v2, v7  }
0x125: {  	p0 =	sne.s32 s11, $0x1;
	v6 =	vadd.s32 v4, v6  }
.Ltmp1:
0x126: {  	_ = 	snop;
	(pc) =	sbr.rel @p0 .LBB2_3-.Ltmp1, $3  }
0x127: {  	_ =	sdelay $0x1  }
0x128: {  	[tilespmem:v7+s2+$0x0] =	vst.idx.msk $0xffff, v1  }
0x129: {  	s11 =	sadd.s32 $0xFFFFFFFF, s11;
	[tilespmem:v6+s9+$0x0] =	vst.idx.msk $0xffff, v5  }
0x12a: {  	s10 =	sadd.s32 $0x1, s10  }
0x12b: {  	p0 =	sne.s32 s10, s5  }
.Ltmp2:
0x12c: {  	_ = 	snop;
	(pc) =	sbr.rel @p0 .LBB2_2-.Ltmp2, $4  }
0x12d: {  	[hbm4b:s3+s2] =	stream.linear.scatter [tilespmem:s9], [sflag:$0x1], $0x800, $0x38;
	[tilespmem:$0x1000] =	vst v63  }
0x12e: {  	_ =	swait.ge [sflag:s8], $0x800  }
0x12f: {  	[sflag:s8] =	ssyncset.done $0x0  }
0x130: {  	[sflag:s8] =	ssyncadd.s32 $0xFFFFF800  }
.LBB2_5:
0x131: {  	_ =	sfence.sel $0x180000  }
0x132: {  	[bflag:$0x0] =	sbarrier.arrive $0xFFFF  }
0x133: {  	p0 =	sne.s32 s1, $0x0;
	_ =	strace $0x90000047  }
0x134: {  	s0 =	sadd.s32 @!p0 $0x100000, s0;
	[bflag:$0x2] =	sbarrier.arrive $0xFFFF  }
0x135: {  	[sflag:s0] =	ssyncadd.tile.s32 @!p0 $0x1;
	_ =	shalt  }
.Lfunc_end2:
_tile_overlayer_lowered:
.L_overlay_start_2:
0x136: {  	(tag) =	ssettag $0x2  }
0x137: {  	s0 =	rddreg [dreg:$0x0];
	s2 =	stileid.u32  }
0x138: {  	s1 =	rddreg [dreg:$0x1];
	p0 =	sne.s32 s2, $0x0  }
0x139: {  	s3 =	rddreg [dreg:$0x2];
	[bflag:$0x3] =	sbarrier.arrive $0xFFFF;
	s2 =	simm.s32 @!p0 $0x1C01  }
0x13a: {  	[timem:s3], [sflag:s2] =	dma.local @!p0 [hbm:s0], s1  }
0x13b: {  	s0 =	simm.s32 @!p0 $0x1  }
0x13c: {  	_ =	swait.ge @!p0 [sflag:s0], s1  }
0x13d: {  	s1 =	ssub.s32 @!p0 $0x0, s1;
	[sflag:s0] =	ssyncset.done @!p0 $0x0  }
0x13e: {  	[sflag:s0] =	ssyncadd.s32 @!p0 s1  }
0x13f: {  	[bflag:$0x3] =	sbarrier.arrive $0xFFFF  }
0x140: {  	_ =	shalt  }

</sc_bundles>
